<compile_context>
chip_gen: v7x
topology: tpu7x:2x2x1
jax: 0.10.2.dev20260603
libtpu: 0.0.44.dev20260713+nightly
codegen_flags: <defaults>
</compile_context>

<pallas_src>
import jax
import jax.numpy as jnp
from jax import lax
from jax.experimental import pallas as pl
from jax.experimental.pallas import tpu as pltpu
from jax.experimental.pallas import tpu_sc as plsc

CE = 128
NW = 32
BN = 2000


def _leaky(v):
    return jnp.where(v >= 0, v, 0.2 * v)


def _pre_body(x_ref, w_ref, br_ref, rad_ref, y_ref, ybf_ref):
    xp = jnp.dot(x_ref[...], w_ref[...], preferred_element_type=jnp.float32)
    half = br_ref.shape[-1]
    rad_ref[...] = _leaky(xp[:, :half] + br_ref[...])
    y_ref[...] = xp[:, half:]
    ybf_ref[...] = xp[:, half:].astype(jnp.bfloat16)


def _pre_call(x, w_cat, b_r, half):
    n, c = x.shape
    grid = (n // BN,)
    return pl.pallas_call(
        _pre_body,
        grid=grid,
        in_specs=[
            pl.BlockSpec((BN, c), lambda i: (i, 0)),
            pl.BlockSpec((c, 2 * half), lambda i: (0, 0)),
            pl.BlockSpec((1, half), lambda i: (0, 0)),
        ],
        out_specs=[
            pl.BlockSpec((BN, half), lambda i: (i, 0)),
            pl.BlockSpec((BN, half), lambda i: (i, 0)),
            pl.BlockSpec((BN, half), lambda i: (i, 0)),
        ],
        out_shape=[
            jax.ShapeDtypeStruct((n, half), jnp.float32),
            jax.ShapeDtypeStruct((n, half), jnp.float32),
            jax.ShapeDtypeStruct((n, half), jnp.bfloat16),
        ],
    )(x, w_cat, b_r.reshape(1, half))


def _sc_sum_call(y, src1d, dst1d, zsum, npad, cpw0, cpw1):
    half = y.shape[1]
    rpt = npad // 16
    cmax = max(cpw0, cpw1)

    mesh = plsc.VectorSubcoreMesh(core_axis_name="c", subcore_axis_name="s")

    def body(y_hbm, src_hbm, dst_hbm, zsum_hbm, out_sum,
             srcb, dstb, rows0, rows1, acc_s, y_spm, gsem):
        c = lax.axis_index("c")
        s = lax.axis_index("s")
        pltpu.sync_copy(zsum_hbm.at[pl.ds(s * rpt, rpt)],
                        acc_s.at[pl.ds(s * rpt, rpt)])
        pltpu.sync_copy(y_hbm.at[pl.ds(s * rpt, rpt)],
                        y_spm.at[pl.ds(s * rpt, rpt)])

        rows = (rows0, rows1)

        def run(base, cpw):
            pltpu.sync_copy(src_hbm.at[pl.ds(base, cpw)],
                            srcb.at[pl.ds(0, cpw)])
            pltpu.sync_copy(dst_hbm.at[pl.ds(base, cpw)],
                            dstb.at[pl.ds(0, cpw)])
            plsc.subcore_barrier()
            pltpu.async_copy(y_spm.at[srcb.at[0]], rows0, gsem)
            pltpu.async_copy(y_spm.at[srcb.at[1]], rows1, gsem)

            def step(i, carry):
                for b in range(2):
                    j = 2 * i + b
                    pltpu.make_async_copy(y_spm.at[srcb.at[j]], rows[b],
                                          gsem).wait()
                    pltpu.sync_copy(rows[b], acc_s.at[dstb.at[j]], add=True)

                    @pl.when(j + 2 < cpw)
                    def _():
                        pltpu.async_copy(y_spm.at[srcb.at[j + 2]], rows[b],
                                         gsem)

                return carry

            lax.fori_loop(0, cpw // 2, step, 0)

        @pl.when(c == 0)
        def _():
            run(s * cpw0, cpw0)

        @pl.when(c == 1)
        def _():
            run(16 * cpw0 + s * cpw1, cpw1)

        plsc.subcore_barrier()
        pltpu.sync_copy(acc_s.at[pl.ds(s * rpt, rpt)],
                        out_sum.at[pl.ds(c * npad + s * rpt, rpt)])

    fn = pl.kernel(
        body,
        out_type=jax.ShapeDtypeStruct((2 * npad, half), jnp.bfloat16),
        mesh=mesh,
        compiler_params=pltpu.CompilerParams(use_tc_tiling_on_sc=False),
        scratch_types=[
            pltpu.VMEM((cmax, CE), jnp.int32),
            pltpu.VMEM((cmax, CE), jnp.int32),
            pltpu.VMEM((CE, half), jnp.bfloat16),
            pltpu.VMEM((CE, half), jnp.bfloat16),
            pltpu.VMEM_SHARED((npad, half), jnp.bfloat16),
            pltpu.VMEM_SHARED((npad, half), jnp.bfloat16),
            pltpu.SemaphoreType.DMA,
        ],
    )
    return fn(y, src1d, dst1d, zsum)


def _sc_cnt_call(dst1d, zcnt1d, npad, epw):
    nps = npad // 16

    mesh = plsc.VectorSubcoreMesh(core_axis_name="c", subcore_axis_name="s")

    def body(dst_hbm, zcnt_hbm, out_cnt, dstl, cntl, res, stage):
        c = lax.axis_index("c")
        s = lax.axis_index("s")
        wid = s * 2 + c
        pltpu.sync_copy(zcnt_hbm, cntl)
        pltpu.sync_copy(dst_hbm.at[pl.ds(wid * epw, epw)], dstl)
        ones = jnp.ones((16,), jnp.float32)

        def step(i, carry):
            for b in range(8):
                dv = dstl[pl.ds((8 * i + b) * 16, 16)]
                plsc.addupdate_scatter(cntl, [dv], ones)
            return carry

        lax.fori_loop(0, epw // 16 // 8, step, 0)
        pltpu.sync_copy(cntl, stage.at[s])
        plsc.subcore_barrier()
        for t in range(16):
            pltpu.sync_copy(stage.at[t, pl.ds(s * nps, nps)],
                            cntl.at[pl.ds(t * nps, nps)])
        for k in range(nps // 16):
            acc = cntl[pl.ds(k * 16, 16)]
            for t in range(1, 16):
                acc = acc + cntl[pl.ds(t * nps + k * 16, 16)]
            res[pl.ds(k * 16, 16)] = acc
        pltpu.sync_copy(res, out_cnt.at[pl.ds(c * npad + s * nps, nps)])

    fn = pl.kernel(
        body,
        out_type=jax.ShapeDtypeStruct((2 * npad,), jnp.float32),
        mesh=mesh,
        compiler_params=pltpu.CompilerParams(needs_layout_passes=False),
        scratch_types=[
            pltpu.VMEM((epw,), jnp.int32),
            pltpu.VMEM((npad,), jnp.float32),
            pltpu.VMEM((npad // 16,), jnp.float32),
            pltpu.VMEM_SHARED((16, npad), jnp.float32),
        ],
    )
    return fn(dst1d, zcnt1d)


def _post_body(rad_ref, y_ref, s0_ref, s1_ref, cnt_ref,
               wf_ref, bc_ref, bf_ref, g_ref, b_ref, out_ref):
    half = y_ref.shape[-1]
    cnt = cnt_ref[...] + 1.0
    agg = (s0_ref[0].astype(jnp.float32) + s1_ref[0].astype(jnp.float32)
           + y_ref[...]) / cnt
    con = _leaky(agg + bc_ref[...])
    h = jnp.dot(rad_ref[...], wf_ref[:half, :],
                preferred_element_type=jnp.float32)
    h = h + jnp.dot(con, wf_ref[half:, :], preferred_element_type=jnp.float32)
    h = h + bf_ref[...]
    mean = jnp.mean(h, axis=-1, keepdims=True)
    zc = h - mean
    var = jnp.mean(zc * zc, axis=-1, keepdims=True)
    hn = zc * lax.rsqrt(var + 1e-5) * g_ref[...] + b_ref[...]
    out_ref[...] = _leaky(hn)


def _post_call(radial, y, sums, cnt_col, W_f, b_c, b_f, gamma, beta):
    n, half = y.shape
    out_ch = W_f.shape[1]
    grid = (n // BN,)
    return pl.pallas_call(
        _post_body,
        grid=grid,
        in_specs=[
            pl.BlockSpec((BN, half), lambda i: (i, 0)),
            pl.BlockSpec((BN, half), lambda i: (i, 0)),
            pl.BlockSpec((1, BN, half), lambda i: (0, i, 0)),
            pl.BlockSpec((1, BN, half), lambda i: (1, i, 0)),
            pl.BlockSpec((BN, 1), lambda i: (i, 0)),
            pl.BlockSpec((2 * half, out_ch), lambda i: (0, 0)),
            pl.BlockSpec((1, half), lambda i: (0, 0)),
            pl.BlockSpec((1, out_ch), lambda i: (0, 0)),
            pl.BlockSpec((1, out_ch), lambda i: (0, 0)),
            pl.BlockSpec((1, out_ch), lambda i: (0, 0)),
        ],
        out_specs=pl.BlockSpec((BN, out_ch), lambda i: (i, 0)),
        out_shape=jax.ShapeDtypeStruct((n, out_ch), jnp.float32),
    )(radial, y, sums, sums, cnt_col, W_f,
      b_c.reshape(1, half), b_f.reshape(1, out_ch),
      gamma.reshape(1, out_ch), beta.reshape(1, out_ch))


def kernel(x, edge_index, W_r, b_r, W_c, b_c, W_f, b_f, gamma, beta):
    n, in_ch = x.shape
    half = W_r.shape[1]
    e = edge_index.shape[1]

    epad = ((e + NW * CE - 1) // (NW * CE)) * (NW * CE)
    npad = ((n + 16 * CE - 1) // (16 * CE)) * (16 * CE)
    cpw = epad // NW // CE
    epw = epad // NW
    cpw1 = cpw
    cpw0 = 2 * cpw - cpw1

    src = edge_index[0].astype(jnp.int32)
    dst = edge_index[1].astype(jnp.int32)
    src1d = jnp.concatenate([src, jnp.zeros((epad - e,), jnp.int32)])
    pad_dst = n + jnp.arange(epad - e, dtype=jnp.int32) % (npad - n)
    dst1d = jnp.concatenate([dst, pad_dst])

    w_cat = jnp.concatenate([W_r, W_c], axis=1)
    radial, y, ybf = _pre_call(x, w_cat, b_r, half)

    zsum = jnp.zeros((npad, half), jnp.bfloat16)
    zcnt1d = jnp.zeros((npad,), jnp.float32)
    src2d = src1d.reshape(epad // CE, CE)
    dst2d = dst1d.reshape(epad // CE, CE)
    ypad = jnp.concatenate(
        [ybf, jnp.zeros((npad - n, half), jnp.bfloat16)])
    sums_flat = _sc_sum_call(ypad, src2d, dst2d, zsum, npad, cpw0, cpw1)
    cnts_flat = _sc_cnt_call(dst1d, zcnt1d, npad, epw)

    sums = sums_flat.reshape(2, npad, half)
    cnt_col = (cnts_flat[:npad] + cnts_flat[npad:])[:n][:, None]

    return _post_call(radial, y, sums, cnt_col, W_f, b_c, b_f, gamma, beta)

# --- scband reference (transcript-rebuilt; emitter-appended) ---
"""Pipeline reference for scband-conical-radial-sampling-module-19164144075048 (READ-ONLY COPY).

The authoritative reference and input builder live on the scoring server;
editing this copy changes nothing except your own understanding.
"""

import jax, jax.numpy as jnp
import numpy as np

N_NODES = 10000
N_EDGES = 160000
IN_CH = 256
OUT_CH = 256


def setup_inputs(seed: int = 0) -> dict:
    key = jax.random.key(seed)
    k = jax.random.split(key, 10)
    x = jax.random.normal(k[0], (N_NODES, IN_CH), dtype=jnp.float32)
    edge_index = jax.random.randint(k[1], (2, N_EDGES), 0, N_NODES, dtype=jnp.int64 if jax.config.read('jax_enable_x64') else jnp.int32)
    half = OUT_CH // 2
    W_r = jax.random.normal(k[2], (IN_CH, half), dtype=jnp.float32) * 0.02
    b_r = jnp.zeros((half,), dtype=jnp.float32)
    W_c = jax.random.normal(k[3], (IN_CH, half), dtype=jnp.float32) * 0.02
    b_c = jnp.zeros((half,), dtype=jnp.float32)
    W_f = jax.random.normal(k[4], (OUT_CH, OUT_CH), dtype=jnp.float32) * 0.02
    b_f = jnp.zeros((OUT_CH,), dtype=jnp.float32)
    gamma = jnp.ones((OUT_CH,), dtype=jnp.float32)
    beta = jnp.zeros((OUT_CH,), dtype=jnp.float32)
    return {"x": x, "edge_index": edge_index, "W_r": W_r, "b_r": b_r, "W_c": W_c, "b_c": b_c, "W_f": W_f, "b_f": b_f, "gamma": gamma, "beta": beta}


def _leaky(v):
    return jnp.where(v >= 0, v, 0.2 * v)


def reference(x, edge_index, W_r, b_r, W_c, b_c, W_f, b_f, gamma, beta):
    N = x.shape[0]
    # add_self_loops
    loops = jnp.arange(N, dtype=edge_index.dtype)
    src = jnp.concatenate([edge_index[0], loops])
    dst = jnp.concatenate([edge_index[1], loops])
    # radial branch
    radial = _leaky(x @ W_r + b_r)
    # conical branch: mean aggregation of source features at destination nodes
    msgs = jnp.take(x, src, axis=0)
    summed = jax.ops.segment_sum(msgs, dst, num_segments=N)
    counts = jax.ops.segment_sum(jnp.ones((dst.shape[0],), dtype=x.dtype), dst, num_segments=N)
    agg = summed / jnp.clip(counts, 1.0, None)[:, None]
    conical = _leaky(agg @ W_c + b_c)
    # combine + final MLP with LayerNorm
    comb = jnp.concatenate([radial, conical], axis=1)
    h = comb @ W_f + b_f
    mean = jnp.mean(h, axis=-1, keepdims=True)
    var = jnp.mean(jnp.square(h - mean), axis=-1, keepdims=True)
    hn = (h - mean) / jnp.sqrt(var + 1e-5) * gamma + beta
    return _leaky(hn)

if __name__ == "__main__":
    import jax
    _d = setup_inputs()
    print(jax.jit(kernel)(*tuple(_d.values())))

</pallas_src>

<mosaic_0001>
#map = affine_map<(d0, d1) -> (0)>
module attributes {stable_mosaic.version = 14 : i64} {
  func.func @body(%arg0: i32, %arg1: i32, %arg2: memref<163840xi32, #tpu.memory_space<hbm>>, %arg3: memref<10240xf32, #tpu.memory_space<hbm>>, %arg4: memref<20480xf32, #tpu.memory_space<hbm>>, %arg5: memref<5120xi32, #tpu.memory_space<vmem>>, %arg6: memref<10240xf32, #tpu.memory_space<vmem>>, %arg7: memref<640xf32, #tpu.memory_space<vmem>>, %arg8: memref<16x10240xf32, #tpu.memory_space<vmem_shared>>) attributes {dimension_semantics = [#tpu.dimension_semantics<core_parallel>, #tpu.dimension_semantics<subcore_parallel>], iteration_bounds = array<i64: 2, 16>, scalar_prefetch = 0 : i64, scratch_operands = 4 : i64, tpu.core_type = #tpu.core_type<sc_vector_subcore>, window_params = [{transform_indices = #map}, {transform_indices = #map}, {transform_indices = #map}]} {
    %mul3A = arith.constant 2 : i32
    %mul3A_0 = arith.muli %arg1, %mul3A : i32
    %add3A = arith.addi %mul3A_0, %arg0 : i32
    "tpu.region"() ({
      %run_scoped3A_2019 = tpu.sem_alloc : memref<!tpu.dma_semaphore, #tpu.memory_space<semaphore_mem>>
      tpu.enqueue_dma source(%arg3 : memref<10240xf32, #tpu.memory_space<hbm>>) target(%arg6 : memref<10240xf32, #tpu.memory_space<vmem>>) target_semaphore(%run_scoped3A_2019 : memref<!tpu.dma_semaphore, #tpu.memory_space<semaphore_mem>>)
      tpu.wait_dma2 semaphore(%run_scoped3A_2019 : memref<!tpu.dma_semaphore, #tpu.memory_space<semaphore_mem>>) src(%arg3 : memref<10240xf32, #tpu.memory_space<hbm>>) dst(%arg6 : memref<10240xf32, #tpu.memory_space<vmem>>)
      tpu.yield
    }) : () -> ()
    %mul3A_1 = arith.constant 5120 : i32
    %mul3A_2 = arith.muli %add3A, %mul3A_1 : i32
    "tpu.region"() ({
      %run_scoped3A_2019 = tpu.sem_alloc : memref<!tpu.dma_semaphore, #tpu.memory_space<semaphore_mem>>
      %dma_start3A = tpu.memref_slice %arg2[%mul3A_2] : memref<163840xi32, #tpu.memory_space<hbm>> -> memref<5120xi32, #tpu.memory_space<hbm>>
      %dma_start3A_2020 = tpu.memref_slice %arg2[%mul3A_2] : memref<163840xi32, #tpu.memory_space<hbm>> -> memref<5120xi32, #tpu.memory_space<hbm>>
      tpu.enqueue_dma source(%dma_start3A_2020 : memref<5120xi32, #tpu.memory_space<hbm>>) target(%arg5 : memref<5120xi32, #tpu.memory_space<vmem>>) target_semaphore(%run_scoped3A_2019 : memref<!tpu.dma_semaphore, #tpu.memory_space<semaphore_mem>>)
      %dma_wait3A = tpu.memref_slice %arg2[%mul3A_2] : memref<163840xi32, #tpu.memory_space<hbm>> -> memref<5120xi32, #tpu.memory_space<hbm>>
      %dma_wait3A_2021 = tpu.memref_slice %arg2[%mul3A_2] : memref<163840xi32, #tpu.memory_space<hbm>> -> memref<5120xi32, #tpu.memory_space<hbm>>
      tpu.wait_dma2 semaphore(%run_scoped3A_2019 : memref<!tpu.dma_semaphore, #tpu.memory_space<semaphore_mem>>) src(%dma_wait3A_2021 : memref<5120xi32, #tpu.memory_space<hbm>>) dst(%arg5 : memref<5120xi32, #tpu.memory_space<vmem>>)
      tpu.yield
    }) : () -> ()
    %broadcast_in_dim3A = arith.constant 1.000000e+00 : f32
    %broadcast_in_dim3A_3 = vector.broadcast %broadcast_in_dim3A : f32 to vector<16xf32>
    %scan3A = arith.constant 0 : i32
    %scan3A_4 = arith.constant 0 : i32
    %scan3A_5 = arith.constant 40 : i32
    %scan3A_6 = arith.addi %scan3A_4, %scan3A_5 : i32
    %scan3A_7 = arith.constant 1 : i32
    scf.for %scan3A_2019 = %scan3A_4 to %scan3A_6 step %scan3A_7  : i32 {
      %mul3A_2020 = arith.constant 8 : i32
      %mul3A_2021 = arith.muli %mul3A_2020, %scan3A_2019 : i32
      %add3A_2022 = arith.constant 0 : i32
      %add3A_2023 = arith.addi %mul3A_2021, %add3A_2022 : i32
      %mul3A_2024 = arith.constant 16 : i32
      %mul3A_2025 = arith.muli %add3A_2023, %mul3A_2024 : i32
      %get3A_2026 = arith.index_cast %mul3A_2025 : i32 to index
      %get3A_2027 = tpu.vector_load %arg5[%get3A_2026] {strides = array<i32>} : memref<5120xi32, #tpu.memory_space<vmem>>, vector<16xi32>,
      tpu.vector_store_idx %arg6[%get3A_2027], %broadcast_in_dim3A_3 {add = true} : memref<10240xf32, #tpu.memory_space<vmem>>[vector<16xi32>], vector<16xf32>,
      %mul3A_2028 = arith.constant 8 : i32
      %mul3A_2029 = arith.muli %mul3A_2028, %scan3A_2019 : i32
      %add3A_2030 = arith.constant 1 : i32
      %add3A_2031 = arith.addi %mul3A_2029, %add3A_2030 : i32
      %mul3A_2032 = arith.constant 16 : i32
      %mul3A_2033 = arith.muli %add3A_2031, %mul3A_2032 : i32
      %get3A_2034 = arith.index_cast %mul3A_2033 : i32 to index
      %get3A_2035 = tpu.vector_load %arg5[%get3A_2034] {strides = array<i32>} : memref<5120xi32, #tpu.memory_space<vmem>>, vector<16xi32>,
      tpu.vector_store_idx %arg6[%get3A_2035], %broadcast_in_dim3A_3 {add = true} : memref<10240xf32, #tpu.memory_space<vmem>>[vector<16xi32>], vector<16xf32>,
      %mul3A_2036 = arith.constant 8 : i32
      %mul3A_2037 = arith.muli %mul3A_2036, %scan3A_2019 : i32
      %add3A_2038 = arith.constant 2 : i32
      %add3A_2039 = arith.addi %mul3A_2037, %add3A_2038 : i32
      %mul3A_2040 = arith.constant 16 : i32
      %mul3A_2041 = arith.muli %add3A_2039, %mul3A_2040 : i32
      %get3A_2042 = arith.index_cast %mul3A_2041 : i32 to index
      %get3A_2043 = tpu.vector_load %arg5[%get3A_2042] {strides = array<i32>} : memref<5120xi32, #tpu.memory_space<vmem>>, vector<16xi32>,
      tpu.vector_store_idx %arg6[%get3A_2043], %broadcast_in_dim3A_3 {add = true} : memref<10240xf32, #tpu.memory_space<vmem>>[vector<16xi32>], vector<16xf32>,
      %mul3A_2044 = arith.constant 8 : i32
      %mul3A_2045 = arith.muli %mul3A_2044, %scan3A_2019 : i32
      %add3A_2046 = arith.constant 3 : i32
      %add3A_2047 = arith.addi %mul3A_2045, %add3A_2046 : i32
      %mul3A_2048 = arith.constant 16 : i32
      %mul3A_2049 = arith.muli %add3A_2047, %mul3A_2048 : i32
      %get3A_2050 = arith.index_cast %mul3A_2049 : i32 to index
      %get3A_2051 = tpu.vector_load %arg5[%get3A_2050] {strides = array<i32>} : memref<5120xi32, #tpu.memory_space<vmem>>, vector<16xi32>,
      tpu.vector_store_idx %arg6[%get3A_2051], %broadcast_in_dim3A_3 {add = true} : memref<10240xf32, #tpu.memory_space<vmem>>[vector<16xi32>], vector<16xf32>,
      %mul3A_2052 = arith.constant 8 : i32
      %mul3A_2053 = arith.muli %mul3A_2052, %scan3A_2019 : i32
      %add3A_2054 = arith.constant 4 : i32
      %add3A_2055 = arith.addi %mul3A_2053, %add3A_2054 : i32
      %mul3A_2056 = arith.constant 16 : i32
      %mul3A_2057 = arith.muli %add3A_2055, %mul3A_2056 : i32
      %get3A_2058 = arith.index_cast %mul3A_2057 : i32 to index
      %get3A_2059 = tpu.vector_load %arg5[%get3A_2058] {strides = array<i32>} : memref<5120xi32, #tpu.memory_space<vmem>>, vector<16xi32>,
      tpu.vector_store_idx %arg6[%get3A_2059], %broadcast_in_dim3A_3 {add = true} : memref<10240xf32, #tpu.memory_space<vmem>>[vector<16xi32>], vector<16xf32>,
      %mul3A_2060 = arith.constant 8 : i32
      %mul3A_2061 = arith.muli %mul3A_2060, %scan3A_2019 : i32
      %add3A_2062 = arith.constant 5 : i32
      %add3A_2063 = arith.addi %mul3A_2061, %add3A_2062 : i32
      %mul3A_2064 = arith.constant 16 : i32
      %mul3A_2065 = arith.muli %add3A_2063, %mul3A_2064 : i32
      %get3A_2066 = arith.index_cast %mul3A_2065 : i32 to index
      %get3A_2067 = tpu.vector_load %arg5[%get3A_2066] {strides = array<i32>} : memref<5120xi32, #tpu.memory_space<vmem>>, vector<16xi32>,
      tpu.vector_store_idx %arg6[%get3A_2067], %broadcast_in_dim3A_3 {add = true} : memref<10240xf32, #tpu.memory_space<vmem>>[vector<16xi32>], vector<16xf32>,
      %mul3A_2068 = arith.constant 8 : i32
      %mul3A_2069 = arith.muli %mul3A_2068, %scan3A_2019 : i32
      %add3A_2070 = arith.constant 6 : i32
      %add3A_2071 = arith.addi %mul3A_2069, %add3A_2070 : i32
      %mul3A_2072 = arith.constant 16 : i32
      %mul3A_2073 = arith.muli %add3A_2071, %mul3A_2072 : i32
      %get3A_2074 = arith.index_cast %mul3A_2073 : i32 to index
      %get3A_2075 = tpu.vector_load %arg5[%get3A_2074] {strides = array<i32>} : memref<5120xi32, #tpu.memory_space<vmem>>, vector<16xi32>,
      tpu.vector_store_idx %arg6[%get3A_2075], %broadcast_in_dim3A_3 {add = true} : memref<10240xf32, #tpu.memory_space<vmem>>[vector<16xi32>], vector<16xf32>,
      %mul3A_2076 = arith.constant 8 : i32
      %mul3A_2077 = arith.muli %mul3A_2076, %scan3A_2019 : i32
      %add3A_2078 = arith.constant 7 : i32
      %add3A_2079 = arith.addi %mul3A_2077, %add3A_2078 : i32
      %mul3A_2080 = arith.constant 16 : i32
      %mul3A_2081 = arith.muli %add3A_2079, %mul3A_2080 : i32
      %get3A_2082 = arith.index_cast %mul3A_2081 : i32 to index
      %get3A_2083 = tpu.vector_load %arg5[%get3A_2082] {strides = array<i32>} : memref<5120xi32, #tpu.memory_space<vmem>>, vector<16xi32>,
      tpu.vector_store_idx %arg6[%get3A_2083], %broadcast_in_dim3A_3 {add = true} : memref<10240xf32, #tpu.memory_space<vmem>>[vector<16xi32>], vector<16xf32>,
    }
    %scan3A_8 = arith.constant 40 : i32
    "tpu.region"() ({
      %run_scoped3A_2019 = tpu.sem_alloc : memref<!tpu.dma_semaphore, #tpu.memory_space<semaphore_mem>>
      %dma_start3A = arith.constant 0 : i32
      %dma_start3A_2020 = tpu.memref_slice %arg8[%arg1, %dma_start3A] : memref<16x10240xf32, #tpu.memory_space<vmem_shared>> -> memref<1x10240xf32, #tpu.memory_space<vmem_shared>>
      %dma_start3A_2021 = tpu.memref_squeeze %dma_start3A_2020 : memref<1x10240xf32, #tpu.memory_space<vmem_shared>> -> memref<10240xf32, #tpu.memory_space<vmem_shared>>
      %dma_start3A_2022 = arith.constant 0 : i32
      %dma_start3A_2023 = tpu.memref_slice %arg8[%arg1, %dma_start3A_2022] : memref<16x10240xf32, #tpu.memory_space<vmem_shared>> -> memref<1x10240xf32, #tpu.memory_space<vmem_shared>>
      %dma_start3A_2024 = tpu.memref_squeeze %dma_start3A_2023 : memref<1x10240xf32, #tpu.memory_space<vmem_shared>> -> memref<10240xf32, #tpu.memory_space<vmem_shared>>
      tpu.enqueue_dma source(%arg6 : memref<10240xf32, #tpu.memory_space<vmem>>) target(%dma_start3A_2024 : memref<10240xf32, #tpu.memory_space<vmem_shared>>) target_semaphore(%run_scoped3A_2019 : memref<!tpu.dma_semaphore, #tpu.memory_space<semaphore_mem>>)
      %dma_wait3A = arith.constant 0 : i32
      %dma_wait3A_2025 = tpu.memref_slice %arg8[%arg1, %dma_wait3A] : memref<16x10240xf32, #tpu.memory_space<vmem_shared>> -> memref<1x10240xf32, #tpu.memory_space<vmem_shared>>
      %dma_wait3A_2026 = tpu.memref_squeeze %dma_wait3A_2025 : memref<1x10240xf32, #tpu.memory_space<vmem_shared>> -> memref<10240xf32, #tpu.memory_space<vmem_shared>>
      %dma_wait3A_2027 = arith.constant 0 : i32
      %dma_wait3A_2028 = tpu.memref_slice %arg8[%arg1, %dma_wait3A_2027] : memref<16x10240xf32, #tpu.memory_space<vmem_shared>> -> memref<1x10240xf32, #tpu.memory_space<vmem_shared>>
      %dma_wait3A_2029 = tpu.memref_squeeze %dma_wait3A_2028 : memref<1x10240xf32, #tpu.memory_space<vmem_shared>> -> memref<10240xf32, #tpu.memory_space<vmem_shared>>
      tpu.wait_dma2 semaphore(%run_scoped3A_2019 : memref<!tpu.dma_semaphore, #tpu.memory_space<semaphore_mem>>) src(%arg6 : memref<10240xf32, #tpu.memory_space<vmem>>) dst(%dma_wait3A_2029 : memref<10240xf32, #tpu.memory_space<vmem_shared>>)
      tpu.yield
    }) : () -> ()
    %barrier3A = arith.constant 0 : index
    tpu.barrier barrier_id(%barrier3A)
    %mul3A_9 = arith.constant 640 : i32
    %mul3A_10 = arith.muli %arg1, %mul3A_9 : i32
    %run_scoped3A = arith.constant 0 : i32
    "tpu.region"() ({
      %run_scoped3A_2019 = tpu.sem_alloc : memref<!tpu.dma_semaphore, #tpu.memory_space<semaphore_mem>>
      %dma_start3A = arith.constant 0 : i32
      %dma_start3A_2020 = tpu.memref_slice %arg6[%dma_start3A] : memref<10240xf32, #tpu.memory_space<vmem>> -> memref<640xf32, #tpu.memory_space<vmem>>
      %dma_start3A_2021 = tpu.memref_slice %arg8[%run_scoped3A, %mul3A_10] : memref<16x10240xf32, #tpu.memory_space<vmem_shared>> -> memref<1x640xf32, #tpu.memory_space<vmem_shared>>
      %dma_start3A_2022 = tpu.memref_squeeze %dma_start3A_2021 : memref<1x640xf32, #tpu.memory_space<vmem_shared>> -> memref<640xf32, #tpu.memory_space<vmem_shared>>
      %dma_start3A_2023 = arith.constant 0 : i32
      %dma_start3A_2024 = tpu.memref_slice %arg6[%dma_start3A_2023] : memref<10240xf32, #tpu.memory_space<vmem>> -> memref<640xf32, #tpu.memory_space<vmem>>
      %dma_start3A_2025 = tpu.memref_slice %arg8[%run_scoped3A, %mul3A_10] : memref<16x10240xf32, #tpu.memory_space<vmem_shared>> -> memref<1x640xf32, #tpu.memory_space<vmem_shared>>
      %dma_start3A_2026 = tpu.memref_squeeze %dma_start3A_2025 : memref<1x640xf32, #tpu.memory_space<vmem_shared>> -> memref<640xf32, #tpu.memory_space<vmem_shared>>
      tpu.enqueue_dma source(%dma_start3A_2026 : memref<640xf32, #tpu.memory_space<vmem_shared>>) target(%dma_start3A_2024 : memref<640xf32, #tpu.memory_space<vmem>>) target_semaphore(%run_scoped3A_2019 : memref<!tpu.dma_semaphore, #tpu.memory_space<semaphore_mem>>)
      %dma_wait3A = arith.constant 0 : i32
      %dma_wait3A_2027 = tpu.memref_slice %arg6[%dma_wait3A] : memref<10240xf32, #tpu.memory_space<vmem>> -> memref<640xf32, #tpu.memory_space<vmem>>
      %dma_wait3A_2028 = tpu.memref_slice %arg8[%run_scoped3A, %mul3A_10] : memref<16x10240xf32, #tpu.memory_space<vmem_shared>> -> memref<1x640xf32, #tpu.memory_space<vmem_shared>>
      %dma_wait3A_2029 = tpu.memref_squeeze %dma_wait3A_2028 : memref<1x640xf32, #tpu.memory_space<vmem_shared>> -> memref<640xf32, #tpu.memory_space<vmem_shared>>
      %dma_wait3A_2030 = arith.constant 0 : i32
      %dma_wait3A_2031 = tpu.memref_slice %arg6[%dma_wait3A_2030] : memref<10240xf32, #tpu.memory_space<vmem>> -> memref<640xf32, #tpu.memory_space<vmem>>
      %dma_wait3A_2032 = tpu.memref_slice %arg8[%run_scoped3A, %mul3A_10] : memref<16x10240xf32, #tpu.memory_space<vmem_shared>> -> memref<1x640xf32, #tpu.memory_space<vmem_shared>>
      %dma_wait3A_2033 = tpu.memref_squeeze %dma_wait3A_2032 : memref<1x640xf32, #tpu.memory_space<vmem_shared>> -> memref<640xf32, #tpu.memory_space<vmem_shared>>
      tpu.wait_dma2 semaphore(%run_scoped3A_2019 : memref<!tpu.dma_semaphore, #tpu.memory_space<semaphore_mem>>) src(%dma_wait3A_2033 : memref<640xf32, #tpu.memory_space<vmem_shared>>) dst(%dma_wait3A_2031 : memref<640xf32, #tpu.memory_space<vmem>>)
      tpu.yield
    }) : () -> ()
    %mul3A_11 = arith.constant 640 : i32
    %mul3A_12 = arith.muli %arg1, %mul3A_11 : i32
    %run_scoped3A_13 = arith.constant 1 : i32
    "tpu.region"() ({
      %run_scoped3A_2019 = tpu.sem_alloc : memref<!tpu.dma_semaphore, #tpu.memory_space<semaphore_mem>>
      %dma_start3A = arith.constant 640 : i32
      %dma_start3A_2020 = tpu.memref_slice %arg6[%dma_start3A] : memref<10240xf32, #tpu.memory_space<vmem>> -> memref<640xf32, #tpu.memory_space<vmem>>
      %dma_start3A_2021 = tpu.memref_slice %arg8[%run_scoped3A_13, %mul3A_12] : memref<16x10240xf32, #tpu.memory_space<vmem_shared>> -> memref<1x640xf32, #tpu.memory_space<vmem_shared>>
      %dma_start3A_2022 = tpu.memref_squeeze %dma_start3A_2021 : memref<1x640xf32, #tpu.memory_space<vmem_shared>> -> memref<640xf32, #tpu.memory_space<vmem_shared>>
      %dma_start3A_2023 = arith.constant 640 : i32
      %dma_start3A_2024 = tpu.memref_slice %arg6[%dma_start3A_2023] : memref<10240xf32, #tpu.memory_space<vmem>> -> memref<640xf32, #tpu.memory_space<vmem>>
      %dma_start3A_2025 = tpu.memref_slice %arg8[%run_scoped3A_13, %mul3A_12] : memref<16x10240xf32, #tpu.memory_space<vmem_shared>> -> memref<1x640xf32, #tpu.memory_space<vmem_shared>>
      %dma_start3A_2026 = tpu.memref_squeeze %dma_start3A_2025 : memref<1x640xf32, #tpu.memory_space<vmem_shared>> -> memref<640xf32, #tpu.memory_space<vmem_shared>>
      tpu.enqueue_dma source(%dma_start3A_2026 : memref<640xf32, #tpu.memory_space<vmem_shared>>) target(%dma_start3A_2024 : memref<640xf32, #tpu.memory_space<vmem>>) target_semaphore(%run_scoped3A_2019 : memref<!tpu.dma_semaphore, #tpu.memory_space<semaphore_mem>>)
      %dma_wait3A = arith.constant 640 : i32
      %dma_wait3A_2027 = tpu.memref_slice %arg6[%dma_wait3A] : memref<10240xf32, #tpu.memory_space<vmem>> -> memref<640xf32, #tpu.memory_space<vmem>>
      %dma_wait3A_2028 = tpu.memref_slice %arg8[%run_scoped3A_13, %mul3A_12] : memref<16x10240xf32, #tpu.memory_space<vmem_shared>> -> memref<1x640xf32, #tpu.memory_space<vmem_shared>>
      %dma_wait3A_2029 = tpu.memref_squeeze %dma_wait3A_2028 : memref<1x640xf32, #tpu.memory_space<vmem_shared>> -> memref<640xf32, #tpu.memory_space<vmem_shared>>
      %dma_wait3A_2030 = arith.constant 640 : i32
      %dma_wait3A_2031 = tpu.memref_slice %arg6[%dma_wait3A_2030] : memref<10240xf32, #tpu.memory_space<vmem>> -> memref<640xf32, #tpu.memory_space<vmem>>
      %dma_wait3A_2032 = tpu.memref_slice %arg8[%run_scoped3A_13, %mul3A_12] : memref<16x10240xf32, #tpu.memory_space<vmem_shared>> -> memref<1x640xf32, #tpu.memory_space<vmem_shared>>
      %dma_wait3A_2033 = tpu.memref_squeeze %dma_wait3A_2032 : memref<1x640xf32, #tpu.memory_space<vmem_shared>> -> memref<640xf32, #tpu.memory_space<vmem_shared>>
      tpu.wait_dma2 semaphore(%run_scoped3A_2019 : memref<!tpu.dma_semaphore, #tpu.memory_space<semaphore_mem>>) src(%dma_wait3A_2033 : memref<640xf32, #tpu.memory_space<vmem_shared>>) dst(%dma_wait3A_2031 : memref<640xf32, #tpu.memory_space<vmem>>)
      tpu.yield
    }) : () -> ()
    %mul3A_14 = arith.constant 640 : i32
    %mul3A_15 = arith.muli %arg1, %mul3A_14 : i32
    %run_scoped3A_16 = arith.constant 2 : i32
    "tpu.region"() ({
      %run_scoped3A_2019 = tpu.sem_alloc : memref<!tpu.dma_semaphore, #tpu.memory_space<semaphore_mem>>
      %dma_start3A = arith.constant 1280 : i32
      %dma_start3A_2020 = tpu.memref_slice %arg6[%dma_start3A] : memref<10240xf32, #tpu.memory_space<vmem>> -> memref<640xf32, #tpu.memory_space<vmem>>
      %dma_start3A_2021 = tpu.memref_slice %arg8[%run_scoped3A_16, %mul3A_15] : memref<16x10240xf32, #tpu.memory_space<vmem_shared>> -> memref<1x640xf32, #tpu.memory_space<vmem_shared>>
      %dma_start3A_2022 = tpu.memref_squeeze %dma_start3A_2021 : memref<1x640xf32, #tpu.memory_space<vmem_shared>> -> memref<640xf32, #tpu.memory_space<vmem_shared>>
      %dma_start3A_2023 = arith.constant 1280 : i32
      %dma_start3A_2024 = tpu.memref_slice %arg6[%dma_start3A_2023] : memref<10240xf32, #tpu.memory_space<vmem>> -> memref<640xf32, #tpu.memory_space<vmem>>
      %dma_start3A_2025 = tpu.memref_slice %arg8[%run_scoped3A_16, %mul3A_15] : memref<16x10240xf32, #tpu.memory_space<vmem_shared>> -> memref<1x640xf32, #tpu.memory_space<vmem_shared>>
      %dma_start3A_2026 = tpu.memref_squeeze %dma_start3A_2025 : memref<1x640xf32, #tpu.memory_space<vmem_shared>> -> memref<640xf32, #tpu.memory_space<vmem_shared>>
      tpu.enqueue_dma source(%dma_start3A_2026 : memref<640xf32, #tpu.memory_space<vmem_shared>>) target(%dma_start3A_2024 : memref<640xf32, #tpu.memory_space<vmem>>) target_semaphore(%run_scoped3A_2019 : memref<!tpu.dma_semaphore, #tpu.memory_space<semaphore_mem>>)
      %dma_wait3A = arith.constant 1280 : i32
      %dma_wait3A_2027 = tpu.memref_slice %arg6[%dma_wait3A] : memref<10240xf32, #tpu.memory_space<vmem>> -> memref<640xf32, #tpu.memory_space<vmem>>
      %dma_wait3A_2028 = tpu.memref_slice %arg8[%run_scoped3A_16, %mul3A_15] : memref<16x10240xf32, #tpu.memory_space<vmem_shared>> -> memref<1x640xf32, #tpu.memory_space<vmem_shared>>
      %dma_wait3A_2029 = tpu.memref_squeeze %dma_wait3A_2028 : memref<1x640xf32, #tpu.memory_space<vmem_shared>> -> memref<640xf32, #tpu.memory_space<vmem_shared>>
      %dma_wait3A_2030 = arith.constant 1280 : i32
      %dma_wait3A_2031 = tpu.memref_slice %arg6[%dma_wait3A_2030] : memref<10240xf32, #tpu.memory_space<vmem>> -> memref<640xf32, #tpu.memory_space<vmem>>
      %dma_wait3A_2032 = tpu.memref_slice %arg8[%run_scoped3A_16, %mul3A_15] : memref<16x10240xf32, #tpu.memory_space<vmem_shared>> -> memref<1x640xf32, #tpu.memory_space<vmem_shared>>
      %dma_wait3A_2033 = tpu.memref_squeeze %dma_wait3A_2032 : memref<1x640xf32, #tpu.memory_space<vmem_shared>> -> memref<640xf32, #tpu.memory_space<vmem_shared>>
      tpu.wait_dma2 semaphore(%run_scoped3A_2019 : memref<!tpu.dma_semaphore, #tpu.memory_space<semaphore_mem>>) src(%dma_wait3A_2033 : memref<640xf32, #tpu.memory_space<vmem_shared>>) dst(%dma_wait3A_2031 : memref<640xf32, #tpu.memory_space<vmem>>)
      tpu.yield
    }) : () -> ()
    %mul3A_17 = arith.constant 640 : i32
    %mul3A_18 = arith.muli %arg1, %mul3A_17 : i32
    %run_scoped3A_19 = arith.constant 3 : i32
    "tpu.region"() ({
      %run_scoped3A_2019 = tpu.sem_alloc : memref<!tpu.dma_semaphore, #tpu.memory_space<semaphore_mem>>
      %dma_start3A = arith.constant 1920 : i32
      %dma_start3A_2020 = tpu.memref_slice %arg6[%dma_start3A] : memref<10240xf32, #tpu.memory_space<vmem>> -> memref<640xf32, #tpu.memory_space<vmem>>
      %dma_start3A_2021 = tpu.memref_slice %arg8[%run_scoped3A_19, %mul3A_18] : memref<16x10240xf32, #tpu.memory_space<vmem_shared>> -> memref<1x640xf32, #tpu.memory_space<vmem_shared>>
      %dma_start3A_2022 = tpu.memref_squeeze %dma_start3A_2021 : memref<1x640xf32, #tpu.memory_space<vmem_shared>> -> memref<640xf32, #tpu.memory_space<vmem_shared>>
      %dma_start3A_2023 = arith.constant 1920 : i32
      %dma_start3A_2024 = tpu.memref_slice %arg6[%dma_start3A_2023] : memref<10240xf32, #tpu.memory_space<vmem>> -> memref<640xf32, #tpu.memory_space<vmem>>
      %dma_start3A_2025 = tpu.memref_slice %arg8[%run_scoped3A_19, %mul3A_18] : memref<16x10240xf32, #tpu.memory_space<vmem_shared>> -> memref<1x640xf32, #tpu.memory_space<vmem_shared>>
      %dma_start3A_2026 = tpu.memref_squeeze %dma_start3A_2025 : memref<1x640xf32, #tpu.memory_space<vmem_shared>> -> memref<640xf32, #tpu.memory_space<vmem_shared>>
      tpu.enqueue_dma source(%dma_start3A_2026 : memref<640xf32, #tpu.memory_space<vmem_shared>>) target(%dma_start3A_2024 : memref<640xf32, #tpu.memory_space<vmem>>) target_semaphore(%run_scoped3A_2019 : memref<!tpu.dma_semaphore, #tpu.memory_space<semaphore_mem>>)
      %dma_wait3A = arith.constant 1920 : i32
      %dma_wait3A_2027 = tpu.memref_slice %arg6[%dma_wait3A] : memref<10240xf32, #tpu.memory_space<vmem>> -> memref<640xf32, #tpu.memory_space<vmem>>
      %dma_wait3A_2028 = tpu.memref_slice %arg8[%run_scoped3A_19, %mul3A_18] : memref<16x10240xf32, #tpu.memory_space<vmem_shared>> -> memref<1x640xf32, #tpu.memory_space<vmem_shared>>
      %dma_wait3A_2029 = tpu.memref_squeeze %dma_wait3A_2028 : memref<1x640xf32, #tpu.memory_space<vmem_shared>> -> memref<640xf32, #tpu.memory_space<vmem_shared>>
      %dma_wait3A_2030 = arith.constant 1920 : i32
      %dma_wait3A_2031 = tpu.memref_slice %arg6[%dma_wait3A_2030] : memref<10240xf32, #tpu.memory_space<vmem>> -> memref<640xf32, #tpu.memory_space<vmem>>
      %dma_wait3A_2032 = tpu.memref_slice %arg8[%run_scoped3A_19, %mul3A_18] : memref<16x10240xf32, #tpu.memory_space<vmem_shared>> -> memref<1x640xf32, #tpu.memory_space<vmem_shared>>
      %dma_wait3A_2033 = tpu.memref_squeeze %dma_wait3A_2032 : memref<1x640xf32, #tpu.memory_space<vmem_shared>> -> memref<640xf32, #tpu.memory_space<vmem_shared>>
      tpu.wait_dma2 semaphore(%run_scoped3A_2019 : memref<!tpu.dma_semaphore, #tpu.memory_space<semaphore_mem>>) src(%dma_wait3A_2033 : memref<640xf32, #tpu.memory_space<vmem_shared>>) dst(%dma_wait3A_2031 : memref<640xf32, #tpu.memory_space<vmem>>)
      tpu.yield
    }) : () -> ()
    %mul3A_20 = arith.constant 640 : i32
    %mul3A_21 = arith.muli %arg1, %mul3A_20 : i32
    %run_scoped3A_22 = arith.constant 4 : i32
    "tpu.region"() ({
      %run_scoped3A_2019 = tpu.sem_alloc : memref<!tpu.dma_semaphore, #tpu.memory_space<semaphore_mem>>
      %dma_start3A = arith.constant 2560 : i32
      %dma_start3A_2020 = tpu.memref_slice %arg6[%dma_start3A] : memref<10240xf32, #tpu.memory_space<vmem>> -> memref<640xf32, #tpu.memory_space<vmem>>
      %dma_start3A_2021 = tpu.memref_slice %arg8[%run_scoped3A_22, %mul3A_21] : memref<16x10240xf32, #tpu.memory_space<vmem_shared>> -> memref<1x640xf32, #tpu.memory_space<vmem_shared>>
      %dma_start3A_2022 = tpu.memref_squeeze %dma_start3A_2021 : memref<1x640xf32, #tpu.memory_space<vmem_shared>> -> memref<640xf32, #tpu.memory_space<vmem_shared>>
      %dma_start3A_2023 = arith.constant 2560 : i32
      %dma_start3A_2024 = tpu.memref_slice %arg6[%dma_start3A_2023] : memref<10240xf32, #tpu.memory_space<vmem>> -> memref<640xf32, #tpu.memory_space<vmem>>
      %dma_start3A_2025 = tpu.memref_slice %arg8[%run_scoped3A_22, %mul3A_21] : memref<16x10240xf32, #tpu.memory_space<vmem_shared>> -> memref<1x640xf32, #tpu.memory_space<vmem_shared>>
      %dma_start3A_2026 = tpu.memref_squeeze %dma_start3A_2025 : memref<1x640xf32, #tpu.memory_space<vmem_shared>> -> memref<640xf32, #tpu.memory_space<vmem_shared>>
      tpu.enqueue_dma source(%dma_start3A_2026 : memref<640xf32, #tpu.memory_space<vmem_shared>>) target(%dma_start3A_2024 : memref<640xf32, #tpu.memory_space<vmem>>) target_semaphore(%run_scoped3A_2019 : memref<!tpu.dma_semaphore, #tpu.memory_space<semaphore_mem>>)
      %dma_wait3A = arith.constant 2560 : i32
      %dma_wait3A_2027 = tpu.memref_slice %arg6[%dma_wait3A] : memref<10240xf32, #tpu.memory_space<vmem>> -> memref<640xf32, #tpu.memory_space<vmem>>
      %dma_wait3A_2028 = tpu.memref_slice %arg8[%run_scoped3A_22, %mul3A_21] : memref<16x10240xf32, #tpu.memory_space<vmem_shared>> -> memref<1x640xf32, #tpu.memory_space<vmem_shared>>
      %dma_wait3A_2029 = tpu.memref_squeeze %dma_wait3A_2028 : memref<1x640xf32, #tpu.memory_space<vmem_shared>> -> memref<640xf32, #tpu.memory_space<vmem_shared>>
      %dma_wait3A_2030 = arith.constant 2560 : i32
      %dma_wait3A_2031 = tpu.memref_slice %arg6[%dma_wait3A_2030] : memref<10240xf32, #tpu.memory_space<vmem>> -> memref<640xf32, #tpu.memory_space<vmem>>
      %dma_wait3A_2032 = tpu.memref_slice %arg8[%run_scoped3A_22, %mul3A_21] : memref<16x10240xf32, #tpu.memory_space<vmem_shared>> -> memref<1x640xf32, #tpu.memory_space<vmem_shared>>
      %dma_wait3A_2033 = tpu.memref_squeeze %dma_wait3A_2032 : memref<1x640xf32, #tpu.memory_space<vmem_shared>> -> memref<640xf32, #tpu.memory_space<vmem_shared>>
      tpu.wait_dma2 semaphore(%run_scoped3A_2019 : memref<!tpu.dma_semaphore, #tpu.memory_space<semaphore_mem>>) src(%dma_wait3A_2033 : memref<640xf32, #tpu.memory_space<vmem_shared>>) dst(%dma_wait3A_2031 : memref<640xf32, #tpu.memory_space<vmem>>)
      tpu.yield
    }) : () -> ()
    %mul3A_23 = arith.constant 640 : i32
    %mul3A_24 = arith.muli %arg1, %mul3A_23 : i32
    %run_scoped3A_25 = arith.constant 5 : i32
    "tpu.region"() ({
      %run_scoped3A_2019 = tpu.sem_alloc : memref<!tpu.dma_semaphore, #tpu.memory_space<semaphore_mem>>
      %dma_start3A = arith.constant 3200 : i32
      %dma_start3A_2020 = tpu.memref_slice %arg6[%dma_start3A] : memref<10240xf32, #tpu.memory_space<vmem>> -> memref<640xf32, #tpu.memory_space<vmem>>
      %dma_start3A_2021 = tpu.memref_slice %arg8[%run_scoped3A_25, %mul3A_24] : memref<16x10240xf32, #tpu.memory_space<vmem_shared>> -> memref<1x640xf32, #tpu.memory_space<vmem_shared>>
      %dma_start3A_2022 = tpu.memref_squeeze %dma_start3A_2021 : memref<1x640xf32, #tpu.memory_space<vmem_shared>> -> memref<640xf32, #tpu.memory_space<vmem_shared>>
      %dma_start3A_2023 = arith.constant 3200 : i32
      %dma_start3A_2024 = tpu.memref_slice %arg6[%dma_start3A_2023] : memref<10240xf32, #tpu.memory_space<vmem>> -> memref<640xf32, #tpu.memory_space<vmem>>
      %dma_start3A_2025 = tpu.memref_slice %arg8[%run_scoped3A_25, %mul3A_24] : memref<16x10240xf32, #tpu.memory_space<vmem_shared>> -> memref<1x640xf32, #tpu.memory_space<vmem_shared>>
      %dma_start3A_2026 = tpu.memref_squeeze %dma_start3A_2025 : memref<1x640xf32, #tpu.memory_space<vmem_shared>> -> memref<640xf32, #tpu.memory_space<vmem_shared>>
      tpu.enqueue_dma source(%dma_start3A_2026 : memref<640xf32, #tpu.memory_space<vmem_shared>>) target(%dma_start3A_2024 : memref<640xf32, #tpu.memory_space<vmem>>) target_semaphore(%run_scoped3A_2019 : memref<!tpu.dma_semaphore, #tpu.memory_space<semaphore_mem>>)
      %dma_wait3A = arith.constant 3200 : i32
      %dma_wait3A_2027 = tpu.memref_slice %arg6[%dma_wait3A] : memref<10240xf32, #tpu.memory_space<vmem>> -> memref<640xf32, #tpu.memory_space<vmem>>
      %dma_wait3A_2028 = tpu.memref_slice %arg8[%run_scoped3A_25, %mul3A_24] : memref<16x10240xf32, #tpu.memory_space<vmem_shared>> -> memref<1x640xf32, #tpu.memory_space<vmem_shared>>
      %dma_wait3A_2029 = tpu.memref_squeeze %dma_wait3A_2028 : memref<1x640xf32, #tpu.memory_space<vmem_shared>> -> memref<640xf32, #tpu.memory_space<vmem_shared>>
      %dma_wait3A_2030 = arith.constant 3200 : i32
      %dma_wait3A_2031 = tpu.memref_slice %arg6[%dma_wait3A_2030] : memref<10240xf32, #tpu.memory_space<vmem>> -> memref<640xf32, #tpu.memory_space<vmem>>
      %dma_wait3A_2032 = tpu.memref_slice %arg8[%run_scoped3A_25, %mul3A_24] : memref<16x10240xf32, #tpu.memory_space<vmem_shared>> -> memref<1x640xf32, #tpu.memory_space<vmem_shared>>
      %dma_wait3A_2033 = tpu.memref_squeeze %dma_wait3A_2032 : memref<1x640xf32, #tpu.memory_space<vmem_shared>> -> memref<640xf32, #tpu.memory_space<vmem_shared>>
      tpu.wait_dma2 semaphore(%run_scoped3A_2019 : memref<!tpu.dma_semaphore, #tpu.memory_space<semaphore_mem>>) src(%dma_wait3A_2033 : memref<640xf32, #tpu.memory_space<vmem_shared>>) dst(%dma_wait3A_2031 : memref<640xf32, #tpu.memory_space<vmem>>)
      tpu.yield
    }) : () -> ()
    %mul3A_26 = arith.constant 640 : i32
    %mul3A_27 = arith.muli %arg1, %mul3A_26 : i32
    %run_scoped3A_28 = arith.constant 6 : i32
    "tpu.region"() ({
      %run_scoped3A_2019 = tpu.sem_alloc : memref<!tpu.dma_semaphore, #tpu.memory_space<semaphore_mem>>
      %dma_start3A = arith.constant 3840 : i32
      %dma_start3A_2020 = tpu.memref_slice %arg6[%dma_start3A] : memref<10240xf32, #tpu.memory_space<vmem>> -> memref<640xf32, #tpu.memory_space<vmem>>
      %dma_start3A_2021 = tpu.memref_slice %arg8[%run_scoped3A_28, %mul3A_27] : memref<16x10240xf32, #tpu.memory_space<vmem_shared>> -> memref<1x640xf32, #tpu.memory_space<vmem_shared>>
      %dma_start3A_2022 = tpu.memref_squeeze %dma_start3A_2021 : memref<1x640xf32, #tpu.memory_space<vmem_shared>> -> memref<640xf32, #tpu.memory_space<vmem_shared>>
      %dma_start3A_2023 = arith.constant 3840 : i32
      %dma_start3A_2024 = tpu.memref_slice %arg6[%dma_start3A_2023] : memref<10240xf32, #tpu.memory_space<vmem>> -> memref<640xf32, #tpu.memory_space<vmem>>
      %dma_start3A_2025 = tpu.memref_slice %arg8[%run_scoped3A_28, %mul3A_27] : memref<16x10240xf32, #tpu.memory_space<vmem_shared>> -> memref<1x640xf32, #tpu.memory_space<vmem_shared>>
      %dma_start3A_2026 = tpu.memref_squeeze %dma_start3A_2025 : memref<1x640xf32, #tpu.memory_space<vmem_shared>> -> memref<640xf32, #tpu.memory_space<vmem_shared>>
      tpu.enqueue_dma source(%dma_start3A_2026 : memref<640xf32, #tpu.memory_space<vmem_shared>>) target(%dma_start3A_2024 : memref<640xf32, #tpu.memory_space<vmem>>) target_semaphore(%run_scoped3A_2019 : memref<!tpu.dma_semaphore, #tpu.memory_space<semaphore_mem>>)
      %dma_wait3A = arith.constant 3840 : i32
      %dma_wait3A_2027 = tpu.memref_slice %arg6[%dma_wait3A] : memref<10240xf32, #tpu.memory_space<vmem>> -> memref<640xf32, #tpu.memory_space<vmem>>
      %dma_wait3A_2028 = tpu.memref_slice %arg8[%run_scoped3A_28, %mul3A_27] : memref<16x10240xf32, #tpu.memory_space<vmem_shared>> -> memref<1x640xf32, #tpu.memory_space<vmem_shared>>
      %dma_wait3A_2029 = tpu.memref_squeeze %dma_wait3A_2028 : memref<1x640xf32, #tpu.memory_space<vmem_shared>> -> memref<640xf32, #tpu.memory_space<vmem_shared>>
      %dma_wait3A_2030 = arith.constant 3840 : i32
      %dma_wait3A_2031 = tpu.memref_slice %arg6[%dma_wait3A_2030] : memref<10240xf32, #tpu.memory_space<vmem>> -> memref<640xf32, #tpu.memory_space<vmem>>
      %dma_wait3A_2032 = tpu.memref_slice %arg8[%run_scoped3A_28, %mul3A_27] : memref<16x10240xf32, #tpu.memory_space<vmem_shared>> -> memref<1x640xf32, #tpu.memory_space<vmem_shared>>
      %dma_wait3A_2033 = tpu.memref_squeeze %dma_wait3A_2032 : memref<1x640xf32, #tpu.memory_space<vmem_shared>> -> memref<640xf32, #tpu.memory_space<vmem_shared>>
      tpu.wait_dma2 semaphore(%run_scoped3A_2019 : memref<!tpu.dma_semaphore, #tpu.memory_space<semaphore_mem>>) src(%dma_wait3A_2033 : memref<640xf32, #tpu.memory_space<vmem_shared>>) dst(%dma_wait3A_2031 : memref<640xf32, #tpu.memory_space<vmem>>)
      tpu.yield
    }) : () -> ()
    %mul3A_29 = arith.constant 640 : i32
    %mul3A_30 = arith.muli %arg1, %mul3A_29 : i32
    %run_scoped3A_31 = arith.constant 7 : i32
    "tpu.region"() ({
      %run_scoped3A_2019 = tpu.sem_alloc : memref<!tpu.dma_semaphore, #tpu.memory_space<semaphore_mem>>
      %dma_start3A = arith.constant 4480 : i32
      %dma_start3A_2020 = tpu.memref_slice %arg6[%dma_start3A] : memref<10240xf32, #tpu.memory_space<vmem>> -> memref<640xf32, #tpu.memory_space<vmem>>
      %dma_start3A_2021 = tpu.memref_slice %arg8[%run_scoped3A_31, %mul3A_30] : memref<16x10240xf32, #tpu.memory_space<vmem_shared>> -> memref<1x640xf32, #tpu.memory_space<vmem_shared>>
      %dma_start3A_2022 = tpu.memref_squeeze %dma_start3A_2021 : memref<1x640xf32, #tpu.memory_space<vmem_shared>> -> memref<640xf32, #tpu.memory_space<vmem_shared>>
      %dma_start3A_2023 = arith.constant 4480 : i32
      %dma_start3A_2024 = tpu.memref_slice %arg6[%dma_start3A_2023] : memref<10240xf32, #tpu.memory_space<vmem>> -> memref<640xf32, #tpu.memory_space<vmem>>
      %dma_start3A_2025 = tpu.memref_slice %arg8[%run_scoped3A_31, %mul3A_30] : memref<16x10240xf32, #tpu.memory_space<vmem_shared>> -> memref<1x640xf32, #tpu.memory_space<vmem_shared>>
      %dma_start3A_2026 = tpu.memref_squeeze %dma_start3A_2025 : memref<1x640xf32, #tpu.memory_space<vmem_shared>> -> memref<640xf32, #tpu.memory_space<vmem_shared>>
      tpu.enqueue_dma source(%dma_start3A_2026 : memref<640xf32, #tpu.memory_space<vmem_shared>>) target(%dma_start3A_2024 : memref<640xf32, #tpu.memory_space<vmem>>) target_semaphore(%run_scoped3A_2019 : memref<!tpu.dma_semaphore, #tpu.memory_space<semaphore_mem>>)
      %dma_wait3A = arith.constant 4480 : i32
      %dma_wait3A_2027 = tpu.memref_slice %arg6[%dma_wait3A] : memref<10240xf32, #tpu.memory_space<vmem>> -> memref<640xf32, #tpu.memory_space<vmem>>
      %dma_wait3A_2028 = tpu.memref_slice %arg8[%run_scoped3A_31, %mul3A_30] : memref<16x10240xf32, #tpu.memory_space<vmem_shared>> -> memref<1x640xf32, #tpu.memory_space<vmem_shared>>
      %dma_wait3A_2029 = tpu.memref_squeeze %dma_wait3A_2028 : memref<1x640xf32, #tpu.memory_space<vmem_shared>> -> memref<640xf32, #tpu.memory_space<vmem_shared>>
      %dma_wait3A_2030 = arith.constant 4480 : i32
      %dma_wait3A_2031 = tpu.memref_slice %arg6[%dma_wait3A_2030] : memref<10240xf32, #tpu.memory_space<vmem>> -> memref<640xf32, #tpu.memory_space<vmem>>
      %dma_wait3A_2032 = tpu.memref_slice %arg8[%run_scoped3A_31, %mul3A_30] : memref<16x10240xf32, #tpu.memory_space<vmem_shared>> -> memref<1x640xf32, #tpu.memory_space<vmem_shared>>
      %dma_wait3A_2033 = tpu.memref_squeeze %dma_wait3A_2032 : memref<1x640xf32, #tpu.memory_space<vmem_shared>> -> memref<640xf32, #tpu.memory_space<vmem_shared>>
      tpu.wait_dma2 semaphore(%run_scoped3A_2019 : memref<!tpu.dma_semaphore, #tpu.memory_space<semaphore_mem>>) src(%dma_wait3A_2033 : memref<640xf32, #tpu.memory_space<vmem_shared>>) dst(%dma_wait3A_2031 : memref<640xf32, #tpu.memory_space<vmem>>)
      tpu.yield
    }) : () -> ()
    %mul3A_32 = arith.constant 640 : i32
    %mul3A_33 = arith.muli %arg1, %mul3A_32 : i32
    %run_scoped3A_34 = arith.constant 8 : i32
    "tpu.region"() ({
      %run_scoped3A_2019 = tpu.sem_alloc : memref<!tpu.dma_semaphore, #tpu.memory_space<semaphore_mem>>
      %dma_start3A = arith.constant 5120 : i32
      %dma_start3A_2020 = tpu.memref_slice %arg6[%dma_start3A] : memref<10240xf32, #tpu.memory_space<vmem>> -> memref<640xf32, #tpu.memory_space<vmem>>
      %dma_start3A_2021 = tpu.memref_slice %arg8[%run_scoped3A_34, %mul3A_33] : memref<16x10240xf32, #tpu.memory_space<vmem_shared>> -> memref<1x640xf32, #tpu.memory_space<vmem_shared>>
      %dma_start3A_2022 = tpu.memref_squeeze %dma_start3A_2021 : memref<1x640xf32, #tpu.memory_space<vmem_shared>> -> memref<640xf32, #tpu.memory_space<vmem_shared>>
      %dma_start3A_2023 = arith.constant 5120 : i32
      %dma_start3A_2024 = tpu.memref_slice %arg6[%dma_start3A_2023] : memref<10240xf32, #tpu.memory_space<vmem>> -> memref<640xf32, #tpu.memory_space<vmem>>
      %dma_start3A_2025 = tpu.memref_slice %arg8[%run_scoped3A_34, %mul3A_33] : memref<16x10240xf32, #tpu.memory_space<vmem_shared>> -> memref<1x640xf32, #tpu.memory_space<vmem_shared>>
      %dma_start3A_2026 = tpu.memref_squeeze %dma_start3A_2025 : memref<1x640xf32, #tpu.memory_space<vmem_shared>> -> memref<640xf32, #tpu.memory_space<vmem_shared>>
      tpu.enqueue_dma source(%dma_start3A_2026 : memref<640xf32, #tpu.memory_space<vmem_shared>>) target(%dma_start3A_2024 : memref<640xf32, #tpu.memory_space<vmem>>) target_semaphore(%run_scoped3A_2019 : memref<!tpu.dma_semaphore, #tpu.memory_space<semaphore_mem>>)
      %dma_wait3A = arith.constant 5120 : i32
      %dma_wait3A_2027 = tpu.memref_slice %arg6[%dma_wait3A] : memref<10240xf32, #tpu.memory_space<vmem>> -> memref<640xf32, #tpu.memory_space<vmem>>
      %dma_wait3A_2028 = tpu.memref_slice %arg8[%run_scoped3A_34, %mul3A_33] : memref<16x10240xf32, #tpu.memory_space<vmem_shared>> -> memref<1x640xf32, #tpu.memory_space<vmem_shared>>
      %dma_wait3A_2029 = tpu.memref_squeeze %dma_wait3A_2028 : memref<1x640xf32, #tpu.memory_space<vmem_shared>> -> memref<640xf32, #tpu.memory_space<vmem_shared>>
      %dma_wait3A_2030 = arith.constant 5120 : i32
      %dma_wait3A_2031 = tpu.memref_slice %arg6[%dma_wait3A_2030] : memref<10240xf32, #tpu.memory_space<vmem>> -> memref<640xf32, #tpu.memory_space<vmem>>
      %dma_wait3A_2032 = tpu.memref_slice %arg8[%run_scoped3A_34, %mul3A_33] : memref<16x10240xf32, #tpu.memory_space<vmem_shared>> -> memref<1x640xf32, #tpu.memory_space<vmem_shared>>
      %dma_wait3A_2033 = tpu.memref_squeeze %dma_wait3A_2032 : memref<1x640xf32, #tpu.memory_space<vmem_shared>> -> memref<640xf32, #tpu.memory_space<vmem_shared>>
      tpu.wait_dma2 semaphore(%run_scoped3A_2019 : memref<!tpu.dma_semaphore, #tpu.memory_space<semaphore_mem>>) src(%dma_wait3A_2033 : memref<640xf32, #tpu.memory_space<vmem_shared>>) dst(%dma_wait3A_2031 : memref<640xf32, #tpu.memory_space<vmem>>)
      tpu.yield
    }) : () -> ()
    %mul3A_35 = arith.constant 640 : i32
    %mul3A_36 = arith.muli %arg1, %mul3A_35 : i32
    %run_scoped3A_37 = arith.constant 9 : i32
    "tpu.region"() ({
      %run_scoped3A_2019 = tpu.sem_alloc : memref<!tpu.dma_semaphore, #tpu.memory_space<semaphore_mem>>
      %dma_start3A = arith.constant 5760 : i32
      %dma_start3A_2020 = tpu.memref_slice %arg6[%dma_start3A] : memref<10240xf32, #tpu.memory_space<vmem>> -> memref<640xf32, #tpu.memory_space<vmem>>
      %dma_start3A_2021 = tpu.memref_slice %arg8[%run_scoped3A_37, %mul3A_36] : memref<16x10240xf32, #tpu.memory_space<vmem_shared>> -> memref<1x640xf32, #tpu.memory_space<vmem_shared>>
      %dma_start3A_2022 = tpu.memref_squeeze %dma_start3A_2021 : memref<1x640xf32, #tpu.memory_space<vmem_shared>> -> memref<640xf32, #tpu.memory_space<vmem_shared>>
      %dma_start3A_2023 = arith.constant 5760 : i32
      %dma_start3A_2024 = tpu.memref_slice %arg6[%dma_start3A_2023] : memref<10240xf32, #tpu.memory_space<vmem>> -> memref<640xf32, #tpu.memory_space<vmem>>
      %dma_start3A_2025 = tpu.memref_slice %arg8[%run_scoped3A_37, %mul3A_36] : memref<16x10240xf32, #tpu.memory_space<vmem_shared>> -> memref<1x640xf32, #tpu.memory_space<vmem_shared>>
      %dma_start3A_2026 = tpu.memref_squeeze %dma_start3A_2025 : memref<1x640xf32, #tpu.memory_space<vmem_shared>> -> memref<640xf32, #tpu.memory_space<vmem_shared>>
      tpu.enqueue_dma source(%dma_start3A_2026 : memref<640xf32, #tpu.memory_space<vmem_shared>>) target(%dma_start3A_2024 : memref<640xf32, #tpu.memory_space<vmem>>) target_semaphore(%run_scoped3A_2019 : memref<!tpu.dma_semaphore, #tpu.memory_space<semaphore_mem>>)
      %dma_wait3A = arith.constant 5760 : i32
      %dma_wait3A_2027 = tpu.memref_slice %arg6[%dma_wait3A] : memref<10240xf32, #tpu.memory_space<vmem>> -> memref<640xf32, #tpu.memory_space<vmem>>
      %dma_wait3A_2028 = tpu.memref_slice %arg8[%run_scoped3A_37, %mul3A_36] : memref<16x10240xf32, #tpu.memory_space<vmem_shared>> -> memref<1x640xf32, #tpu.memory_space<vmem_shared>>
      %dma_wait3A_2029 = tpu.memref_squeeze %dma_wait3A_2028 : memref<1x640xf32, #tpu.memory_space<vmem_shared>> -> memref<640xf32, #tpu.memory_space<vmem_shared>>
      %dma_wait3A_2030 = arith.constant 5760 : i32
      %dma_wait3A_2031 = tpu.memref_slice %arg6[%dma_wait3A_2030] : memref<10240xf32, #tpu.memory_space<vmem>> -> memref<640xf32, #tpu.memory_space<vmem>>
      %dma_wait3A_2032 = tpu.memref_slice %arg8[%run_scoped3A_37, %mul3A_36] : memref<16x10240xf32, #tpu.memory_space<vmem_shared>> -> memref<1x640xf32, #tpu.memory_space<vmem_shared>>
      %dma_wait3A_2033 = tpu.memref_squeeze %dma_wait3A_2032 : memref<1x640xf32, #tpu.memory_space<vmem_shared>> -> memref<640xf32, #tpu.memory_space<vmem_shared>>
      tpu.wait_dma2 semaphore(%run_scoped3A_2019 : memref<!tpu.dma_semaphore, #tpu.memory_space<semaphore_mem>>) src(%dma_wait3A_2033 : memref<640xf32, #tpu.memory_space<vmem_shared>>) dst(%dma_wait3A_2031 : memref<640xf32, #tpu.memory_space<vmem>>)
      tpu.yield
    }) : () -> ()
    %mul3A_38 = arith.constant 640 : i32
    %mul3A_39 = arith.muli %arg1, %mul3A_38 : i32
    %run_scoped3A_40 = arith.constant 10 : i32
    "tpu.region"() ({
      %run_scoped3A_2019 = tpu.sem_alloc : memref<!tpu.dma_semaphore, #tpu.memory_space<semaphore_mem>>
      %dma_start3A = arith.constant 6400 : i32
      %dma_start3A_2020 = tpu.memref_slice %arg6[%dma_start3A] : memref<10240xf32, #tpu.memory_space<vmem>> -> memref<640xf32, #tpu.memory_space<vmem>>
      %dma_start3A_2021 = tpu.memref_slice %arg8[%run_scoped3A_40, %mul3A_39] : memref<16x10240xf32, #tpu.memory_space<vmem_shared>> -> memref<1x640xf32, #tpu.memory_space<vmem_shared>>
      %dma_start3A_2022 = tpu.memref_squeeze %dma_start3A_2021 : memref<1x640xf32, #tpu.memory_space<vmem_shared>> -> memref<640xf32, #tpu.memory_space<vmem_shared>>
      %dma_start3A_2023 = arith.constant 6400 : i32
      %dma_start3A_2024 = tpu.memref_slice %arg6[%dma_start3A_2023] : memref<10240xf32, #tpu.memory_space<vmem>> -> memref<640xf32, #tpu.memory_space<vmem>>
      %dma_start3A_2025 = tpu.memref_slice %arg8[%run_scoped3A_40, %mul3A_39] : memref<16x10240xf32, #tpu.memory_space<vmem_shared>> -> memref<1x640xf32, #tpu.memory_space<vmem_shared>>
      %dma_start3A_2026 = tpu.memref_squeeze %dma_start3A_2025 : memref<1x640xf32, #tpu.memory_space<vmem_shared>> -> memref<640xf32, #tpu.memory_space<vmem_shared>>
      tpu.enqueue_dma source(%dma_start3A_2026 : memref<640xf32, #tpu.memory_space<vmem_shared>>) target(%dma_start3A_2024 : memref<640xf32, #tpu.memory_space<vmem>>) target_semaphore(%run_scoped3A_2019 : memref<!tpu.dma_semaphore, #tpu.memory_space<semaphore_mem>>)
      %dma_wait3A = arith.constant 6400 : i32
      %dma_wait3A_2027 = tpu.memref_slice %arg6[%dma_wait3A] : memref<10240xf32, #tpu.memory_space<vmem>> -> memref<640xf32, #tpu.memory_space<vmem>>
      %dma_wait3A_2028 = tpu.memref_slice %arg8[%run_scoped3A_40, %mul3A_39] : memref<16x10240xf32, #tpu.memory_space<vmem_shared>> -> memref<1x640xf32, #tpu.memory_space<vmem_shared>>
      %dma_wait3A_2029 = tpu.memref_squeeze %dma_wait3A_2028 : memref<1x640xf32, #tpu.memory_space<vmem_shared>> -> memref<640xf32, #tpu.memory_space<vmem_shared>>
      %dma_wait3A_2030 = arith.constant 6400 : i32
      %dma_wait3A_2031 = tpu.memref_slice %arg6[%dma_wait3A_2030] : memref<10240xf32, #tpu.memory_space<vmem>> -> memref<640xf32, #tpu.memory_space<vmem>>
      %dma_wait3A_2032 = tpu.memref_slice %arg8[%run_scoped3A_40, %mul3A_39] : memref<16x10240xf32, #tpu.memory_space<vmem_shared>> -> memref<1x640xf32, #tpu.memory_space<vmem_shared>>
      %dma_wait3A_2033 = tpu.memref_squeeze %dma_wait3A_2032 : memref<1x640xf32, #tpu.memory_space<vmem_shared>> -> memref<640xf32, #tpu.memory_space<vmem_shared>>
      tpu.wait_dma2 semaphore(%run_scoped3A_2019 : memref<!tpu.dma_semaphore, #tpu.memory_space<semaphore_mem>>) src(%dma_wait3A_2033 : memref<640xf32, #tpu.memory_space<vmem_shared>>) dst(%dma_wait3A_2031 : memref<640xf32, #tpu.memory_space<vmem>>)
      tpu.yield
    }) : () -> ()
    %mul3A_41 = arith.constant 640 : i32
    %mul3A_42 = arith.muli %arg1, %mul3A_41 : i32
    %run_scoped3A_43 = arith.constant 11 : i32
    "tpu.region"() ({
      %run_scoped3A_2019 = tpu.sem_alloc : memref<!tpu.dma_semaphore, #tpu.memory_space<semaphore_mem>>
      %dma_start3A = arith.constant 7040 : i32
      %dma_start3A_2020 = tpu.memref_slice %arg6[%dma_start3A] : memref<10240xf32, #tpu.memory_space<vmem>> -> memref<640xf32, #tpu.memory_space<vmem>>
      %dma_start3A_2021 = tpu.memref_slice %arg8[%run_scoped3A_43, %mul3A_42] : memref<16x10240xf32, #tpu.memory_space<vmem_shared>> -> memref<1x640xf32, #tpu.memory_space<vmem_shared>>
      %dma_start3A_2022 = tpu.memref_squeeze %dma_start3A_2021 : memref<1x640xf32, #tpu.memory_space<vmem_shared>> -> memref<640xf32, #tpu.memory_space<vmem_shared>>
      %dma_start3A_2023 = arith.constant 7040 : i32
      %dma_start3A_2024 = tpu.memref_slice %arg6[%dma_start3A_2023] : memref<10240xf32, #tpu.memory_space<vmem>> -> memref<640xf32, #tpu.memory_space<vmem>>
      %dma_start3A_2025 = tpu.memref_slice %arg8[%run_scoped3A_43, %mul3A_42] : memref<16x10240xf32, #tpu.memory_space<vmem_shared>> -> memref<1x640xf32, #tpu.memory_space<vmem_shared>>
      %dma_start3A_2026 = tpu.memref_squeeze %dma_start3A_2025 : memref<1x640xf32, #tpu.memory_space<vmem_shared>> -> memref<640xf32, #tpu.memory_space<vmem_shared>>
      tpu.enqueue_dma source(%dma_start3A_2026 : memref<640xf32, #tpu.memory_space<vmem_shared>>) target(%dma_start3A_2024 : memref<640xf32, #tpu.memory_space<vmem>>) target_semaphore(%run_scoped3A_2019 : memref<!tpu.dma_semaphore, #tpu.memory_space<semaphore_mem>>)
      %dma_wait3A = arith.constant 7040 : i32
      %dma_wait3A_2027 = tpu.memref_slice %arg6[%dma_wait3A] : memref<10240xf32, #tpu.memory_space<vmem>> -> memref<640xf32, #tpu.memory_space<vmem>>
      %dma_wait3A_2028 = tpu.memref_slice %arg8[%run_scoped3A_43, %mul3A_42] : memref<16x10240xf32, #tpu.memory_space<vmem_shared>> -> memref<1x640xf32, #tpu.memory_space<vmem_shared>>
      %dma_wait3A_2029 = tpu.memref_squeeze %dma_wait3A_2028 : memref<1x640xf32, #tpu.memory_space<vmem_shared>> -> memref<640xf32, #tpu.memory_space<vmem_shared>>
      %dma_wait3A_2030 = arith.constant 7040 : i32
      %dma_wait3A_2031 = tpu.memref_slice %arg6[%dma_wait3A_2030] : memref<10240xf32, #tpu.memory_space<vmem>> -> memref<640xf32, #tpu.memory_space<vmem>>
      %dma_wait3A_2032 = tpu.memref_slice %arg8[%run_scoped3A_43, %mul3A_42] : memref<16x10240xf32, #tpu.memory_space<vmem_shared>> -> memref<1x640xf32, #tpu.memory_space<vmem_shared>>
      %dma_wait3A_2033 = tpu.memref_squeeze %dma_wait3A_2032 : memref<1x640xf32, #tpu.memory_space<vmem_shared>> -> memref<640xf32, #tpu.memory_space<vmem_shared>>
      tpu.wait_dma2 semaphore(%run_scoped3A_2019 : memref<!tpu.dma_semaphore, #tpu.memory_space<semaphore_mem>>) src(%dma_wait3A_2033 : memref<640xf32, #tpu.memory_space<vmem_shared>>) dst(%dma_wait3A_2031 : memref<640xf32, #tpu.memory_space<vmem>>)
      tpu.yield
    }) : () -> ()
    %mul3A_44 = arith.constant 640 : i32
    %mul3A_45 = arith.muli %arg1, %mul3A_44 : i32
    %run_scoped3A_46 = arith.constant 12 : i32
    "tpu.region"() ({
      %run_scoped3A_2019 = tpu.sem_alloc : memref<!tpu.dma_semaphore, #tpu.memory_space<semaphore_mem>>
      %dma_start3A = arith.constant 7680 : i32
      %dma_start3A_2020 = tpu.memref_slice %arg6[%dma_start3A] : memref<10240xf32, #tpu.memory_space<vmem>> -> memref<640xf32, #tpu.memory_space<vmem>>
      %dma_start3A_2021 = tpu.memref_slice %arg8[%run_scoped3A_46, %mul3A_45] : memref<16x10240xf32, #tpu.memory_space<vmem_shared>> -> memref<1x640xf32, #tpu.memory_space<vmem_shared>>
      %dma_start3A_2022 = tpu.memref_squeeze %dma_start3A_2021 : memref<1x640xf32, #tpu.memory_space<vmem_shared>> -> memref<640xf32, #tpu.memory_space<vmem_shared>>
      %dma_start3A_2023 = arith.constant 7680 : i32
      %dma_start3A_2024 = tpu.memref_slice %arg6[%dma_start3A_2023] : memref<10240xf32, #tpu.memory_space<vmem>> -> memref<640xf32, #tpu.memory_space<vmem>>
      %dma_start3A_2025 = tpu.memref_slice %arg8[%run_scoped3A_46, %mul3A_45] : memref<16x10240xf32, #tpu.memory_space<vmem_shared>> -> memref<1x640xf32, #tpu.memory_space<vmem_shared>>
      %dma_start3A_2026 = tpu.memref_squeeze %dma_start3A_2025 : memref<1x640xf32, #tpu.memory_space<vmem_shared>> -> memref<640xf32, #tpu.memory_space<vmem_shared>>
      tpu.enqueue_dma source(%dma_start3A_2026 : memref<640xf32, #tpu.memory_space<vmem_shared>>) target(%dma_start3A_2024 : memref<640xf32, #tpu.memory_space<vmem>>) target_semaphore(%run_scoped3A_2019 : memref<!tpu.dma_semaphore, #tpu.memory_space<semaphore_mem>>)
      %dma_wait3A = arith.constant 7680 : i32
      %dma_wait3A_2027 = tpu.memref_slice %arg6[%dma_wait3A] : memref<10240xf32, #tpu.memory_space<vmem>> -> memref<640xf32, #tpu.memory_space<vmem>>
      %dma_wait3A_2028 = tpu.memref_slice %arg8[%run_scoped3A_46, %mul3A_45] : memref<16x10240xf32, #tpu.memory_space<vmem_shared>> -> memref<1x640xf32, #tpu.memory_space<vmem_shared>>
      %dma_wait3A_2029 = tpu.memref_squeeze %dma_wait3A_2028 : memref<1x640xf32, #tpu.memory_space<vmem_shared>> -> memref<640xf32, #tpu.memory_space<vmem_shared>>
      %dma_wait3A_2030 = arith.constant 7680 : i32
      %dma_wait3A_2031 = tpu.memref_slice %arg6[%dma_wait3A_2030] : memref<10240xf32, #tpu.memory_space<vmem>> -> memref<640xf32, #tpu.memory_space<vmem>>
      %dma_wait3A_2032 = tpu.memref_slice %arg8[%run_scoped3A_46, %mul3A_45] : memref<16x10240xf32, #tpu.memory_space<vmem_shared>> -> memref<1x640xf32, #tpu.memory_space<vmem_shared>>
      %dma_wait3A_2033 = tpu.memref_squeeze %dma_wait3A_2032 : memref<1x640xf32, #tpu.memory_space<vmem_shared>> -> memref<640xf32, #tpu.memory_space<vmem_shared>>
      tpu.wait_dma2 semaphore(%run_scoped3A_2019 : memref<!tpu.dma_semaphore, #tpu.memory_space<semaphore_mem>>) src(%dma_wait3A_2033 : memref<640xf32, #tpu.memory_space<vmem_shared>>) dst(%dma_wait3A_2031 : memref<640xf32, #tpu.memory_space<vmem>>)
      tpu.yield
    }) : () -> ()
    %mul3A_47 = arith.constant 640 : i32
    %mul3A_48 = arith.muli %arg1, %mul3A_47 : i32
    %run_scoped3A_49 = arith.constant 13 : i32
    "tpu.region"() ({
      %run_scoped3A_2019 = tpu.sem_alloc : memref<!tpu.dma_semaphore, #tpu.memory_space<semaphore_mem>>
      %dma_start3A = arith.constant 8320 : i32
      %dma_start3A_2020 = tpu.memref_slice %arg6[%dma_start3A] : memref<10240xf32, #tpu.memory_space<vmem>> -> memref<640xf32, #tpu.memory_space<vmem>>
      %dma_start3A_2021 = tpu.memref_slice %arg8[%run_scoped3A_49, %mul3A_48] : memref<16x10240xf32, #tpu.memory_space<vmem_shared>> -> memref<1x640xf32, #tpu.memory_space<vmem_shared>>
      %dma_start3A_2022 = tpu.memref_squeeze %dma_start3A_2021 : memref<1x640xf32, #tpu.memory_space<vmem_shared>> -> memref<640xf32, #tpu.memory_space<vmem_shared>>
      %dma_start3A_2023 = arith.constant 8320 : i32
      %dma_start3A_2024 = tpu.memref_slice %arg6[%dma_start3A_2023] : memref<10240xf32, #tpu.memory_space<vmem>> -> memref<640xf32, #tpu.memory_space<vmem>>
      %dma_start3A_2025 = tpu.memref_slice %arg8[%run_scoped3A_49, %mul3A_48] : memref<16x10240xf32, #tpu.memory_space<vmem_shared>> -> memref<1x640xf32, #tpu.memory_space<vmem_shared>>
      %dma_start3A_2026 = tpu.memref_squeeze %dma_start3A_2025 : memref<1x640xf32, #tpu.memory_space<vmem_shared>> -> memref<640xf32, #tpu.memory_space<vmem_shared>>
      tpu.enqueue_dma source(%dma_start3A_2026 : memref<640xf32, #tpu.memory_space<vmem_shared>>) target(%dma_start3A_2024 : memref<640xf32, #tpu.memory_space<vmem>>) target_semaphore(%run_scoped3A_2019 : memref<!tpu.dma_semaphore, #tpu.memory_space<semaphore_mem>>)
      %dma_wait3A = arith.constant 8320 : i32
      %dma_wait3A_2027 = tpu.memref_slice %arg6[%dma_wait3A] : memref<10240xf32, #tpu.memory_space<vmem>> -> memref<640xf32, #tpu.memory_space<vmem>>
      %dma_wait3A_2028 = tpu.memref_slice %arg8[%run_scoped3A_49, %mul3A_48] : memref<16x10240xf32, #tpu.memory_space<vmem_shared>> -> memref<1x640xf32, #tpu.memory_space<vmem_shared>>
      %dma_wait3A_2029 = tpu.memref_squeeze %dma_wait3A_2028 : memref<1x640xf32, #tpu.memory_space<vmem_shared>> -> memref<640xf32, #tpu.memory_space<vmem_shared>>
      %dma_wait3A_2030 = arith.constant 8320 : i32
      %dma_wait3A_2031 = tpu.memref_slice %arg6[%dma_wait3A_2030] : memref<10240xf32, #tpu.memory_space<vmem>> -> memref<640xf32, #tpu.memory_space<vmem>>
      %dma_wait3A_2032 = tpu.memref_slice %arg8[%run_scoped3A_49, %mul3A_48] : memref<16x10240xf32, #tpu.memory_space<vmem_shared>> -> memref<1x640xf32, #tpu.memory_space<vmem_shared>>
      %dma_wait3A_2033 = tpu.memref_squeeze %dma_wait3A_2032 : memref<1x640xf32, #tpu.memory_space<vmem_shared>> -> memref<640xf32, #tpu.memory_space<vmem_shared>>
      tpu.wait_dma2 semaphore(%run_scoped3A_2019 : memref<!tpu.dma_semaphore, #tpu.memory_space<semaphore_mem>>) src(%dma_wait3A_2033 : memref<640xf32, #tpu.memory_space<vmem_shared>>) dst(%dma_wait3A_2031 : memref<640xf32, #tpu.memory_space<vmem>>)
      tpu.yield
    }) : () -> ()
    %mul3A_50 = arith.constant 640 : i32
    %mul3A_51 = arith.muli %arg1, %mul3A_50 : i32
    %run_scoped3A_52 = arith.constant 14 : i32
    "tpu.region"() ({
      %run_scoped3A_2019 = tpu.sem_alloc : memref<!tpu.dma_semaphore, #tpu.memory_space<semaphore_mem>>
      %dma_start3A = arith.constant 8960 : i32
      %dma_start3A_2020 = tpu.memref_slice %arg6[%dma_start3A] : memref<10240xf32, #tpu.memory_space<vmem>> -> memref<640xf32, #tpu.memory_space<vmem>>
      %dma_start3A_2021 = tpu.memref_slice %arg8[%run_scoped3A_52, %mul3A_51] : memref<16x10240xf32, #tpu.memory_space<vmem_shared>> -> memref<1x640xf32, #tpu.memory_space<vmem_shared>>
      %dma_start3A_2022 = tpu.memref_squeeze %dma_start3A_2021 : memref<1x640xf32, #tpu.memory_space<vmem_shared>> -> memref<640xf32, #tpu.memory_space<vmem_shared>>
      %dma_start3A_2023 = arith.constant 8960 : i32
      %dma_start3A_2024 = tpu.memref_slice %arg6[%dma_start3A_2023] : memref<10240xf32, #tpu.memory_space<vmem>> -> memref<640xf32, #tpu.memory_space<vmem>>
      %dma_start3A_2025 = tpu.memref_slice %arg8[%run_scoped3A_52, %mul3A_51] : memref<16x10240xf32, #tpu.memory_space<vmem_shared>> -> memref<1x640xf32, #tpu.memory_space<vmem_shared>>
      %dma_start3A_2026 = tpu.memref_squeeze %dma_start3A_2025 : memref<1x640xf32, #tpu.memory_space<vmem_shared>> -> memref<640xf32, #tpu.memory_space<vmem_shared>>
      tpu.enqueue_dma source(%dma_start3A_2026 : memref<640xf32, #tpu.memory_space<vmem_shared>>) target(%dma_start3A_2024 : memref<640xf32, #tpu.memory_space<vmem>>) target_semaphore(%run_scoped3A_2019 : memref<!tpu.dma_semaphore, #tpu.memory_space<semaphore_mem>>)
      %dma_wait3A = arith.constant 8960 : i32
      %dma_wait3A_2027 = tpu.memref_slice %arg6[%dma_wait3A] : memref<10240xf32, #tpu.memory_space<vmem>> -> memref<640xf32, #tpu.memory_space<vmem>>
      %dma_wait3A_2028 = tpu.memref_slice %arg8[%run_scoped3A_52, %mul3A_51] : memref<16x10240xf32, #tpu.memory_space<vmem_shared>> -> memref<1x640xf32, #tpu.memory_space<vmem_shared>>
      %dma_wait3A_2029 = tpu.memref_squeeze %dma_wait3A_2028 : memref<1x640xf32, #tpu.memory_space<vmem_shared>> -> memref<640xf32, #tpu.memory_space<vmem_shared>>
      %dma_wait3A_2030 = arith.constant 8960 : i32
      %dma_wait3A_2031 = tpu.memref_slice %arg6[%dma_wait3A_2030] : memref<10240xf32, #tpu.memory_space<vmem>> -> memref<640xf32, #tpu.memory_space<vmem>>
      %dma_wait3A_2032 = tpu.memref_slice %arg8[%run_scoped3A_52, %mul3A_51] : memref<16x10240xf32, #tpu.memory_space<vmem_shared>> -> memref<1x640xf32, #tpu.memory_space<vmem_shared>>
      %dma_wait3A_2033 = tpu.memref_squeeze %dma_wait3A_2032 : memref<1x640xf32, #tpu.memory_space<vmem_shared>> -> memref<640xf32, #tpu.memory_space<vmem_shared>>
      tpu.wait_dma2 semaphore(%run_scoped3A_2019 : memref<!tpu.dma_semaphore, #tpu.memory_space<semaphore_mem>>) src(%dma_wait3A_2033 : memref<640xf32, #tpu.memory_space<vmem_shared>>) dst(%dma_wait3A_2031 : memref<640xf32, #tpu.memory_space<vmem>>)
      tpu.yield
    }) : () -> ()
    %mul3A_53 = arith.constant 640 : i32
    %mul3A_54 = arith.muli %arg1, %mul3A_53 : i32
    %run_scoped3A_55 = arith.constant 15 : i32
    "tpu.region"() ({
      %run_scoped3A_2019 = tpu.sem_alloc : memref<!tpu.dma_semaphore, #tpu.memory_space<semaphore_mem>>
      %dma_start3A = arith.constant 9600 : i32
      %dma_start3A_2020 = tpu.memref_slice %arg6[%dma_start3A] : memref<10240xf32, #tpu.memory_space<vmem>> -> memref<640xf32, #tpu.memory_space<vmem>>
      %dma_start3A_2021 = tpu.memref_slice %arg8[%run_scoped3A_55, %mul3A_54] : memref<16x10240xf32, #tpu.memory_space<vmem_shared>> -> memref<1x640xf32, #tpu.memory_space<vmem_shared>>
      %dma_start3A_2022 = tpu.memref_squeeze %dma_start3A_2021 : memref<1x640xf32, #tpu.memory_space<vmem_shared>> -> memref<640xf32, #tpu.memory_space<vmem_shared>>
      %dma_start3A_2023 = arith.constant 9600 : i32
      %dma_start3A_2024 = tpu.memref_slice %arg6[%dma_start3A_2023] : memref<10240xf32, #tpu.memory_space<vmem>> -> memref<640xf32, #tpu.memory_space<vmem>>
      %dma_start3A_2025 = tpu.memref_slice %arg8[%run_scoped3A_55, %mul3A_54] : memref<16x10240xf32, #tpu.memory_space<vmem_shared>> -> memref<1x640xf32, #tpu.memory_space<vmem_shared>>
      %dma_start3A_2026 = tpu.memref_squeeze %dma_start3A_2025 : memref<1x640xf32, #tpu.memory_space<vmem_shared>> -> memref<640xf32, #tpu.memory_space<vmem_shared>>
      tpu.enqueue_dma source(%dma_start3A_2026 : memref<640xf32, #tpu.memory_space<vmem_shared>>) target(%dma_start3A_2024 : memref<640xf32, #tpu.memory_space<vmem>>) target_semaphore(%run_scoped3A_2019 : memref<!tpu.dma_semaphore, #tpu.memory_space<semaphore_mem>>)
      %dma_wait3A = arith.constant 9600 : i32
      %dma_wait3A_2027 = tpu.memref_slice %arg6[%dma_wait3A] : memref<10240xf32, #tpu.memory_space<vmem>> -> memref<640xf32, #tpu.memory_space<vmem>>
      %dma_wait3A_2028 = tpu.memref_slice %arg8[%run_scoped3A_55, %mul3A_54] : memref<16x10240xf32, #tpu.memory_space<vmem_shared>> -> memref<1x640xf32, #tpu.memory_space<vmem_shared>>
      %dma_wait3A_2029 = tpu.memref_squeeze %dma_wait3A_2028 : memref<1x640xf32, #tpu.memory_space<vmem_shared>> -> memref<640xf32, #tpu.memory_space<vmem_shared>>
      %dma_wait3A_2030 = arith.constant 9600 : i32
      %dma_wait3A_2031 = tpu.memref_slice %arg6[%dma_wait3A_2030] : memref<10240xf32, #tpu.memory_space<vmem>> -> memref<640xf32, #tpu.memory_space<vmem>>
      %dma_wait3A_2032 = tpu.memref_slice %arg8[%run_scoped3A_55, %mul3A_54] : memref<16x10240xf32, #tpu.memory_space<vmem_shared>> -> memref<1x640xf32, #tpu.memory_space<vmem_shared>>
      %dma_wait3A_2033 = tpu.memref_squeeze %dma_wait3A_2032 : memref<1x640xf32, #tpu.memory_space<vmem_shared>> -> memref<640xf32, #tpu.memory_space<vmem_shared>>
      tpu.wait_dma2 semaphore(%run_scoped3A_2019 : memref<!tpu.dma_semaphore, #tpu.memory_space<semaphore_mem>>) src(%dma_wait3A_2033 : memref<640xf32, #tpu.memory_space<vmem_shared>>) dst(%dma_wait3A_2031 : memref<640xf32, #tpu.memory_space<vmem>>)
      tpu.yield
    }) : () -> ()
    %get3A = arith.constant 0 : index
    %get3A_56 = tpu.vector_load %arg6[%get3A] {strides = array<i32>} : memref<10240xf32, #tpu.memory_space<vmem>>, vector<16xf32>,
    %get3A_57 = arith.constant 640 : index
    %get3A_58 = tpu.vector_load %arg6[%get3A_57] {strides = array<i32>} : memref<10240xf32, #tpu.memory_space<vmem>>, vector<16xf32>,
    %add3A_59 = arith.addf %get3A_56, %get3A_58 : vector<16xf32>
    %get3A_60 = arith.constant 1280 : index
    %get3A_61 = tpu.vector_load %arg6[%get3A_60] {strides = array<i32>} : memref<10240xf32, #tpu.memory_space<vmem>>, vector<16xf32>,
    %add3A_62 = arith.addf %add3A_59, %get3A_61 : vector<16xf32>
    %get3A_63 = arith.constant 1920 : index
    %get3A_64 = tpu.vector_load %arg6[%get3A_63] {strides = array<i32>} : memref<10240xf32, #tpu.memory_space<vmem>>, vector<16xf32>,
    %add3A_65 = arith.addf %add3A_62, %get3A_64 : vector<16xf32>
    %get3A_66 = arith.constant 2560 : index
    %get3A_67 = tpu.vector_load %arg6[%get3A_66] {strides = array<i32>} : memref<10240xf32, #tpu.memory_space<vmem>>, vector<16xf32>,
    %add3A_68 = arith.addf %add3A_65, %get3A_67 : vector<16xf32>
    %get3A_69 = arith.constant 3200 : index
    %get3A_70 = tpu.vector_load %arg6[%get3A_69] {strides = array<i32>} : memref<10240xf32, #tpu.memory_space<vmem>>, vector<16xf32>,
    %add3A_71 = arith.addf %add3A_68, %get3A_70 : vector<16xf32>
    %get3A_72 = arith.constant 3840 : index
    %get3A_73 = tpu.vector_load %arg6[%get3A_72] {strides = array<i32>} : memref<10240xf32, #tpu.memory_space<vmem>>, vector<16xf32>,
    %add3A_74 = arith.addf %add3A_71, %get3A_73 : vector<16xf32>
    %get3A_75 = arith.constant 4480 : index
    %get3A_76 = tpu.vector_load %arg6[%get3A_75] {strides = array<i32>} : memref<10240xf32, #tpu.memory_space<vmem>>, vector<16xf32>,
    %add3A_77 = arith.addf %add3A_74, %get3A_76 : vector<16xf32>
    %get3A_78 = arith.constant 5120 : index
    %get3A_79 = tpu.vector_load %arg6[%get3A_78] {strides = array<i32>} : memref<10240xf32, #tpu.memory_space<vmem>>, vector<16xf32>,
    %add3A_80 = arith.addf %add3A_77, %get3A_79 : vector<16xf32>
    %get3A_81 = arith.constant 5760 : index
    %get3A_82 = tpu.vector_load %arg6[%get3A_81] {strides = array<i32>} : memref<10240xf32, #tpu.memory_space<vmem>>, vector<16xf32>,
    %add3A_83 = arith.addf %add3A_80, %get3A_82 : vector<16xf32>
    %get3A_84 = arith.constant 6400 : index
    %get3A_85 = tpu.vector_load %arg6[%get3A_84] {strides = array<i32>} : memref<10240xf32, #tpu.memory_space<vmem>>, vector<16xf32>,
    %add3A_86 = arith.addf %add3A_83, %get3A_85 : vector<16xf32>
    %get3A_87 = arith.constant 7040 : index
    %get3A_88 = tpu.vector_load %arg6[%get3A_87] {strides = array<i32>} : memref<10240xf32, #tpu.memory_space<vmem>>, vector<16xf32>,
    %add3A_89 = arith.addf %add3A_86, %get3A_88 : vector<16xf32>
    %get3A_90 = arith.constant 7680 : index
    %get3A_91 = tpu.vector_load %arg6[%get3A_90] {strides = array<i32>} : memref<10240xf32, #tpu.memory_space<vmem>>, vector<16xf32>,
    %add3A_92 = arith.addf %add3A_89, %get3A_91 : vector<16xf32>
    %get3A_93 = arith.constant 8320 : index
    %get3A_94 = tpu.vector_load %arg6[%get3A_93] {strides = array<i32>} : memref<10240xf32, #tpu.memory_space<vmem>>, vector<16xf32>,
    %add3A_95 = arith.addf %add3A_92, %get3A_94 : vector<16xf32>
    %get3A_96 = arith.constant 8960 : index
    %get3A_97 = tpu.vector_load %arg6[%get3A_96] {strides = array<i32>} : memref<10240xf32, #tpu.memory_space<vmem>>, vector<16xf32>,
    %add3A_98 = arith.addf %add3A_95, %get3A_97 : vector<16xf32>
    %get3A_99 = arith.constant 9600 : index
    %get3A_100 = tpu.vector_load %arg6[%get3A_99] {strides = array<i32>} : memref<10240xf32, #tpu.memory_space<vmem>>, vector<16xf32>,
    %add3A_101 = arith.addf %add3A_98, %get3A_100 : vector<16xf32>
    %swap3A = arith.constant 0 : index
    %swap3A_102 = tpu.vector_load %arg7[%swap3A] {strides = array<i32>} : memref<640xf32, #tpu.memory_space<vmem>>, vector<16xf32>,
    tpu.vector_store %arg7[%swap3A], %add3A_101 {strides = array<i32>} : memref<640xf32, #tpu.memory_space<vmem>>, vector<16xf32>,
    %get3A_103 = arith.constant 16 : index
    %get3A_104 = tpu.vector_load %arg6[%get3A_103] {strides = array<i32>} : memref<10240xf32, #tpu.memory_space<vmem>>, vector<16xf32>,
    %get3A_105 = arith.constant 656 : index
    %get3A_106 = tpu.vector_load %arg6[%get3A_105] {strides = array<i32>} : memref<10240xf32, #tpu.memory_space<vmem>>, vector<16xf32>,
    %add3A_107 = arith.addf %get3A_104, %get3A_106 : vector<16xf32>
    %get3A_108 = arith.constant 1296 : index
    %get3A_109 = tpu.vector_load %arg6[%get3A_108] {strides = array<i32>} : memref<10240xf32, #tpu.memory_space<vmem>>, vector<16xf32>,
    %add3A_110 = arith.addf %add3A_107, %get3A_109 : vector<16xf32>
    %get3A_111 = arith.constant 1936 : index
    %get3A_112 = tpu.vector_load %arg6[%get3A_111] {strides = array<i32>} : memref<10240xf32, #tpu.memory_space<vmem>>, vector<16xf32>,
    %add3A_113 = arith.addf %add3A_110, %get3A_112 : vector<16xf32>
    %get3A_114 = arith.constant 2576 : index
    %get3A_115 = tpu.vector_load %arg6[%get3A_114] {strides = array<i32>} : memref<10240xf32, #tpu.memory_space<vmem>>, vector<16xf32>,
    %add3A_116 = arith.addf %add3A_113, %get3A_115 : vector<16xf32>
    %get3A_117 = arith.constant 3216 : index
    %get3A_118 = tpu.vector_load %arg6[%get3A_117] {strides = array<i32>} : memref<10240xf32, #tpu.memory_space<vmem>>, vector<16xf32>,
    %add3A_119 = arith.addf %add3A_116, %get3A_118 : vector<16xf32>
    %get3A_120 = arith.constant 3856 : index
    %get3A_121 = tpu.vector_load %arg6[%get3A_120] {strides = array<i32>} : memref<10240xf32, #tpu.memory_space<vmem>>, vector<16xf32>,
    %add3A_122 = arith.addf %add3A_119, %get3A_121 : vector<16xf32>
    %get3A_123 = arith.constant 4496 : index
    %get3A_124 = tpu.vector_load %arg6[%get3A_123] {strides = array<i32>} : memref<10240xf32, #tpu.memory_space<vmem>>, vector<16xf32>,
    %add3A_125 = arith.addf %add3A_122, %get3A_124 : vector<16xf32>
    %get3A_126 = arith.constant 5136 : index
    %get3A_127 = tpu.vector_load %arg6[%get3A_126] {strides = array<i32>} : memref<10240xf32, #tpu.memory_space<vmem>>, vector<16xf32>,
    %add3A_128 = arith.addf %add3A_125, %get3A_127 : vector<16xf32>
    %get3A_129 = arith.constant 5776 : index
    %get3A_130 = tpu.vector_load %arg6[%get3A_129] {strides = array<i32>} : memref<10240xf32, #tpu.memory_space<vmem>>, vector<16xf32>,
    %add3A_131 = arith.addf %add3A_128, %get3A_130 : vector<16xf32>
    %get3A_132 = arith.constant 6416 : index
    %get3A_133 = tpu.vector_load %arg6[%get3A_132] {strides = array<i32>} : memref<10240xf32, #tpu.memory_space<vmem>>, vector<16xf32>,
    %add3A_134 = arith.addf %add3A_131, %get3A_133 : vector<16xf32>
    %get3A_135 = arith.constant 7056 : index
    %get3A_136 = tpu.vector_load %arg6[%get3A_135] {strides = array<i32>} : memref<10240xf32, #tpu.memory_space<vmem>>, vector<16xf32>,
    %add3A_137 = arith.addf %add3A_134, %get3A_136 : vector<16xf32>
    %get3A_138 = arith.constant 7696 : index
    %get3A_139 = tpu.vector_load %arg6[%get3A_138] {strides = array<i32>} : memref<10240xf32, #tpu.memory_space<vmem>>, vector<16xf32>,
    %add3A_140 = arith.addf %add3A_137, %get3A_139 : vector<16xf32>
    %get3A_141 = arith.constant 8336 : index
    %get3A_142 = tpu.vector_load %arg6[%get3A_141] {strides = array<i32>} : memref<10240xf32, #tpu.memory_space<vmem>>, vector<16xf32>,
    %add3A_143 = arith.addf %add3A_140, %get3A_142 : vector<16xf32>
    %get3A_144 = arith.constant 8976 : index
    %get3A_145 = tpu.vector_load %arg6[%get3A_144] {strides = array<i32>} : memref<10240xf32, #tpu.memory_space<vmem>>, vector<16xf32>,
    %add3A_146 = arith.addf %add3A_143, %get3A_145 : vector<16xf32>
    %get3A_147 = arith.constant 9616 : index
    %get3A_148 = tpu.vector_load %arg6[%get3A_147] {strides = array<i32>} : memref<10240xf32, #tpu.memory_space<vmem>>, vector<16xf32>,
    %add3A_149 = arith.addf %add3A_146, %get3A_148 : vector<16xf32>
    %swap3A_150 = arith.constant 16 : index
    %swap3A_151 = tpu.vector_load %arg7[%swap3A_150] {strides = array<i32>} : memref<640xf32, #tpu.memory_space<vmem>>, vector<16xf32>,
    tpu.vector_store %arg7[%swap3A_150], %add3A_149 {strides = array<i32>} : memref<640xf32, #tpu.memory_space<vmem>>, vector<16xf32>,
    %get3A_152 = arith.constant 32 : index
    %get3A_153 = tpu.vector_load %arg6[%get3A_152] {strides = array<i32>} : memref<10240xf32, #tpu.memory_space<vmem>>, vector<16xf32>,
    %get3A_154 = arith.constant 672 : index
    %get3A_155 = tpu.vector_load %arg6[%get3A_154] {strides = array<i32>} : memref<10240xf32, #tpu.memory_space<vmem>>, vector<16xf32>,
    %add3A_156 = arith.addf %get3A_153, %get3A_155 : vector<16xf32>
    %get3A_157 = arith.constant 1312 : index
    %get3A_158 = tpu.vector_load %arg6[%get3A_157] {strides = array<i32>} : memref<10240xf32, #tpu.memory_space<vmem>>, vector<16xf32>,
    %add3A_159 = arith.addf %add3A_156, %get3A_158 : vector<16xf32>
    %get3A_160 = arith.constant 1952 : index
    %get3A_161 = tpu.vector_load %arg6[%get3A_160] {strides = array<i32>} : memref<10240xf32, #tpu.memory_space<vmem>>, vector<16xf32>,
    %add3A_162 = arith.addf %add3A_159, %get3A_161 : vector<16xf32>
    %get3A_163 = arith.constant 2592 : index
    %get3A_164 = tpu.vector_load %arg6[%get3A_163] {strides = array<i32>} : memref<10240xf32, #tpu.memory_space<vmem>>, vector<16xf32>,
    %add3A_165 = arith.addf %add3A_162, %get3A_164 : vector<16xf32>
    %get3A_166 = arith.constant 3232 : index
    %get3A_167 = tpu.vector_load %arg6[%get3A_166] {strides = array<i32>} : memref<10240xf32, #tpu.memory_space<vmem>>, vector<16xf32>,
    %add3A_168 = arith.addf %add3A_165, %get3A_167 : vector<16xf32>
    %get3A_169 = arith.constant 3872 : index
    %get3A_170 = tpu.vector_load %arg6[%get3A_169] {strides = array<i32>} : memref<10240xf32, #tpu.memory_space<vmem>>, vector<16xf32>,
    %add3A_171 = arith.addf %add3A_168, %get3A_170 : vector<16xf32>
    %get3A_172 = arith.constant 4512 : index
    %get3A_173 = tpu.vector_load %arg6[%get3A_172] {strides = array<i32>} : memref<10240xf32, #tpu.memory_space<vmem>>, vector<16xf32>,
    %add3A_174 = arith.addf %add3A_171, %get3A_173 : vector<16xf32>
    %get3A_175 = arith.constant 5152 : index
    %get3A_176 = tpu.vector_load %arg6[%get3A_175] {strides = array<i32>} : memref<10240xf32, #tpu.memory_space<vmem>>, vector<16xf32>,
    %add3A_177 = arith.addf %add3A_174, %get3A_176 : vector<16xf32>
    %get3A_178 = arith.constant 5792 : index
    %get3A_179 = tpu.vector_load %arg6[%get3A_178] {strides = array<i32>} : memref<10240xf32, #tpu.memory_space<vmem>>, vector<16xf32>,
    %add3A_180 = arith.addf %add3A_177, %get3A_179 : vector<16xf32>
    %get3A_181 = arith.constant 6432 : index
    %get3A_182 = tpu.vector_load %arg6[%get3A_181] {strides = array<i32>} : memref<10240xf32, #tpu.memory_space<vmem>>, vector<16xf32>,
    %add3A_183 = arith.addf %add3A_180, %get3A_182 : vector<16xf32>
    %get3A_184 = arith.constant 7072 : index
    %get3A_185 = tpu.vector_load %arg6[%get3A_184] {strides = array<i32>} : memref<10240xf32, #tpu.memory_space<vmem>>, vector<16xf32>,
    %add3A_186 = arith.addf %add3A_183, %get3A_185 : vector<16xf32>
    %get3A_187 = arith.constant 7712 : index
    %get3A_188 = tpu.vector_load %arg6[%get3A_187] {strides = array<i32>} : memref<10240xf32, #tpu.memory_space<vmem>>, vector<16xf32>,
    %add3A_189 = arith.addf %add3A_186, %get3A_188 : vector<16xf32>
    %get3A_190 = arith.constant 8352 : index
    %get3A_191 = tpu.vector_load %arg6[%get3A_190] {strides = array<i32>} : memref<10240xf32, #tpu.memory_space<vmem>>, vector<16xf32>,
    %add3A_192 = arith.addf %add3A_189, %get3A_191 : vector<16xf32>
    %get3A_193 = arith.constant 8992 : index
    %get3A_194 = tpu.vector_load %arg6[%get3A_193] {strides = array<i32>} : memref<10240xf32, #tpu.memory_space<vmem>>, vector<16xf32>,
    %add3A_195 = arith.addf %add3A_192, %get3A_194 : vector<16xf32>
    %get3A_196 = arith.constant 9632 : index
    %get3A_197 = tpu.vector_load %arg6[%get3A_196] {strides = array<i32>} : memref<10240xf32, #tpu.memory_space<vmem>>, vector<16xf32>,
    %add3A_198 = arith.addf %add3A_195, %get3A_197 : vector<16xf32>
    %swap3A_199 = arith.constant 32 : index
    %swap3A_200 = tpu.vector_load %arg7[%swap3A_199] {strides = array<i32>} : memref<640xf32, #tpu.memory_space<vmem>>, vector<16xf32>,
    tpu.vector_store %arg7[%swap3A_199], %add3A_198 {strides = array<i32>} : memref<640xf32, #tpu.memory_space<vmem>>, vector<16xf32>,
    %get3A_201 = arith.constant 48 : index
    %get3A_202 = tpu.vector_load %arg6[%get3A_201] {strides = array<i32>} : memref<10240xf32, #tpu.memory_space<vmem>>, vector<16xf32>,
    %get3A_203 = arith.constant 688 : index
    %get3A_204 = tpu.vector_load %arg6[%get3A_203] {strides = array<i32>} : memref<10240xf32, #tpu.memory_space<vmem>>, vector<16xf32>,
    %add3A_205 = arith.addf %get3A_202, %get3A_204 : vector<16xf32>
    %get3A_206 = arith.constant 1328 : index
    %get3A_207 = tpu.vector_load %arg6[%get3A_206] {strides = array<i32>} : memref<10240xf32, #tpu.memory_space<vmem>>, vector<16xf32>,
    %add3A_208 = arith.addf %add3A_205, %get3A_207 : vector<16xf32>
    %get3A_209 = arith.constant 1968 : index
    %get3A_210 = tpu.vector_load %arg6[%get3A_209] {strides = array<i32>} : memref<10240xf32, #tpu.memory_space<vmem>>, vector<16xf32>,
    %add3A_211 = arith.addf %add3A_208, %get3A_210 : vector<16xf32>
    %get3A_212 = arith.constant 2608 : index
    %get3A_213 = tpu.vector_load %arg6[%get3A_212] {strides = array<i32>} : memref<10240xf32, #tpu.memory_space<vmem>>, vector<16xf32>,
    %add3A_214 = arith.addf %add3A_211, %get3A_213 : vector<16xf32>
    %get3A_215 = arith.constant 3248 : index
    %get3A_216 = tpu.vector_load %arg6[%get3A_215] {strides = array<i32>} : memref<10240xf32, #tpu.memory_space<vmem>>, vector<16xf32>,
    %add3A_217 = arith.addf %add3A_214, %get3A_216 : vector<16xf32>
    %get3A_218 = arith.constant 3888 : index
    %get3A_219 = tpu.vector_load %arg6[%get3A_218] {strides = array<i32>} : memref<10240xf32, #tpu.memory_space<vmem>>, vector<16xf32>,
    %add3A_220 = arith.addf %add3A_217, %get3A_219 : vector<16xf32>
    %get3A_221 = arith.constant 4528 : index
    %get3A_222 = tpu.vector_load %arg6[%get3A_221] {strides = array<i32>} : memref<10240xf32, #tpu.memory_space<vmem>>, vector<16xf32>,
    %add3A_223 = arith.addf %add3A_220, %get3A_222 : vector<16xf32>
    %get3A_224 = arith.constant 5168 : index
    %get3A_225 = tpu.vector_load %arg6[%get3A_224] {strides = array<i32>} : memref<10240xf32, #tpu.memory_space<vmem>>, vector<16xf32>,
    %add3A_226 = arith.addf %add3A_223, %get3A_225 : vector<16xf32>
    %get3A_227 = arith.constant 5808 : index
    %get3A_228 = tpu.vector_load %arg6[%get3A_227] {strides = array<i32>} : memref<10240xf32, #tpu.memory_space<vmem>>, vector<16xf32>,
    %add3A_229 = arith.addf %add3A_226, %get3A_228 : vector<16xf32>
    %get3A_230 = arith.constant 6448 : index
    %get3A_231 = tpu.vector_load %arg6[%get3A_230] {strides = array<i32>} : memref<10240xf32, #tpu.memory_space<vmem>>, vector<16xf32>,
    %add3A_232 = arith.addf %add3A_229, %get3A_231 : vector<16xf32>
    %get3A_233 = arith.constant 7088 : index
    %get3A_234 = tpu.vector_load %arg6[%get3A_233] {strides = array<i32>} : memref<10240xf32, #tpu.memory_space<vmem>>, vector<16xf32>,
    %add3A_235 = arith.addf %add3A_232, %get3A_234 : vector<16xf32>
    %get3A_236 = arith.constant 7728 : index
    %get3A_237 = tpu.vector_load %arg6[%get3A_236] {strides = array<i32>} : memref<10240xf32, #tpu.memory_space<vmem>>, vector<16xf32>,
    %add3A_238 = arith.addf %add3A_235, %get3A_237 : vector<16xf32>
    %get3A_239 = arith.constant 8368 : index
    %get3A_240 = tpu.vector_load %arg6[%get3A_239] {strides = array<i32>} : memref<10240xf32, #tpu.memory_space<vmem>>, vector<16xf32>,
    %add3A_241 = arith.addf %add3A_238, %get3A_240 : vector<16xf32>
    %get3A_242 = arith.constant 9008 : index
    %get3A_243 = tpu.vector_load %arg6[%get3A_242] {strides = array<i32>} : memref<10240xf32, #tpu.memory_space<vmem>>, vector<16xf32>,
    %add3A_244 = arith.addf %add3A_241, %get3A_243 : vector<16xf32>
    %get3A_245 = arith.constant 9648 : index
    %get3A_246 = tpu.vector_load %arg6[%get3A_245] {strides = array<i32>} : memref<10240xf32, #tpu.memory_space<vmem>>, vector<16xf32>,
    %add3A_247 = arith.addf %add3A_244, %get3A_246 : vector<16xf32>
    %swap3A_248 = arith.constant 48 : index
    %swap3A_249 = tpu.vector_load %arg7[%swap3A_248] {strides = array<i32>} : memref<640xf32, #tpu.memory_space<vmem>>, vector<16xf32>,
    tpu.vector_store %arg7[%swap3A_248], %add3A_247 {strides = array<i32>} : memref<640xf32, #tpu.memory_space<vmem>>, vector<16xf32>,
    %get3A_250 = arith.constant 64 : index
    %get3A_251 = tpu.vector_load %arg6[%get3A_250] {strides = array<i32>} : memref<10240xf32, #tpu.memory_space<vmem>>, vector<16xf32>,
    %get3A_252 = arith.constant 704 : index
    %get3A_253 = tpu.vector_load %arg6[%get3A_252] {strides = array<i32>} : memref<10240xf32, #tpu.memory_space<vmem>>, vector<16xf32>,
    %add3A_254 = arith.addf %get3A_251, %get3A_253 : vector<16xf32>
    %get3A_255 = arith.constant 1344 : index
    %get3A_256 = tpu.vector_load %arg6[%get3A_255] {strides = array<i32>} : memref<10240xf32, #tpu.memory_space<vmem>>, vector<16xf32>,
    %add3A_257 = arith.addf %add3A_254, %get3A_256 : vector<16xf32>
    %get3A_258 = arith.constant 1984 : index
    %get3A_259 = tpu.vector_load %arg6[%get3A_258] {strides = array<i32>} : memref<10240xf32, #tpu.memory_space<vmem>>, vector<16xf32>,
    %add3A_260 = arith.addf %add3A_257, %get3A_259 : vector<16xf32>
    %get3A_261 = arith.constant 2624 : index
    %get3A_262 = tpu.vector_load %arg6[%get3A_261] {strides = array<i32>} : memref<10240xf32, #tpu.memory_space<vmem>>, vector<16xf32>,
    %add3A_263 = arith.addf %add3A_260, %get3A_262 : vector<16xf32>
    %get3A_264 = arith.constant 3264 : index
    %get3A_265 = tpu.vector_load %arg6[%get3A_264] {strides = array<i32>} : memref<10240xf32, #tpu.memory_space<vmem>>, vector<16xf32>,
    %add3A_266 = arith.addf %add3A_263, %get3A_265 : vector<16xf32>
    %get3A_267 = arith.constant 3904 : index
    %get3A_268 = tpu.vector_load %arg6[%get3A_267] {strides = array<i32>} : memref<10240xf32, #tpu.memory_space<vmem>>, vector<16xf32>,
    %add3A_269 = arith.addf %add3A_266, %get3A_268 : vector<16xf32>
    %get3A_270 = arith.constant 4544 : index
    %get3A_271 = tpu.vector_load %arg6[%get3A_270] {strides = array<i32>} : memref<10240xf32, #tpu.memory_space<vmem>>, vector<16xf32>,
    %add3A_272 = arith.addf %add3A_269, %get3A_271 : vector<16xf32>
    %get3A_273 = arith.constant 5184 : index
    %get3A_274 = tpu.vector_load %arg6[%get3A_273] {strides = array<i32>} : memref<10240xf32, #tpu.memory_space<vmem>>, vector<16xf32>,
    %add3A_275 = arith.addf %add3A_272, %get3A_274 : vector<16xf32>
    %get3A_276 = arith.constant 5824 : index
    %get3A_277 = tpu.vector_load %arg6[%get3A_276] {strides = array<i32>} : memref<10240xf32, #tpu.memory_space<vmem>>, vector<16xf32>,
    %add3A_278 = arith.addf %add3A_275, %get3A_277 : vector<16xf32>
    %get3A_279 = arith.constant 6464 : index
    %get3A_280 = tpu.vector_load %arg6[%get3A_279] {strides = array<i32>} : memref<10240xf32, #tpu.memory_space<vmem>>, vector<16xf32>,
    %add3A_281 = arith.addf %add3A_278, %get3A_280 : vector<16xf32>
    %get3A_282 = arith.constant 7104 : index
    %get3A_283 = tpu.vector_load %arg6[%get3A_282] {strides = array<i32>} : memref<10240xf32, #tpu.memory_space<vmem>>, vector<16xf32>,
    %add3A_284 = arith.addf %add3A_281, %get3A_283 : vector<16xf32>
    %get3A_285 = arith.constant 7744 : index
    %get3A_286 = tpu.vector_load %arg6[%get3A_285] {strides = array<i32>} : memref<10240xf32, #tpu.memory_space<vmem>>, vector<16xf32>,
    %add3A_287 = arith.addf %add3A_284, %get3A_286 : vector<16xf32>
    %get3A_288 = arith.constant 8384 : index
    %get3A_289 = tpu.vector_load %arg6[%get3A_288] {strides = array<i32>} : memref<10240xf32, #tpu.memory_space<vmem>>, vector<16xf32>,
    %add3A_290 = arith.addf %add3A_287, %get3A_289 : vector<16xf32>
    %get3A_291 = arith.constant 9024 : index
    %get3A_292 = tpu.vector_load %arg6[%get3A_291] {strides = array<i32>} : memref<10240xf32, #tpu.memory_space<vmem>>, vector<16xf32>,
    %add3A_293 = arith.addf %add3A_290, %get3A_292 : vector<16xf32>
    %get3A_294 = arith.constant 9664 : index
    %get3A_295 = tpu.vector_load %arg6[%get3A_294] {strides = array<i32>} : memref<10240xf32, #tpu.memory_space<vmem>>, vector<16xf32>,
    %add3A_296 = arith.addf %add3A_293, %get3A_295 : vector<16xf32>
    %swap3A_297 = arith.constant 64 : index
    %swap3A_298 = tpu.vector_load %arg7[%swap3A_297] {strides = array<i32>} : memref<640xf32, #tpu.memory_space<vmem>>, vector<16xf32>,
    tpu.vector_store %arg7[%swap3A_297], %add3A_296 {strides = array<i32>} : memref<640xf32, #tpu.memory_space<vmem>>, vector<16xf32>,
    %get3A_299 = arith.constant 80 : index
    %get3A_300 = tpu.vector_load %arg6[%get3A_299] {strides = array<i32>} : memref<10240xf32, #tpu.memory_space<vmem>>, vector<16xf32>,
    %get3A_301 = arith.constant 720 : index
    %get3A_302 = tpu.vector_load %arg6[%get3A_301] {strides = array<i32>} : memref<10240xf32, #tpu.memory_space<vmem>>, vector<16xf32>,
    %add3A_303 = arith.addf %get3A_300, %get3A_302 : vector<16xf32>
    %get3A_304 = arith.constant 1360 : index
    %get3A_305 = tpu.vector_load %arg6[%get3A_304] {strides = array<i32>} : memref<10240xf32, #tpu.memory_space<vmem>>, vector<16xf32>,
    %add3A_306 = arith.addf %add3A_303, %get3A_305 : vector<16xf32>
    %get3A_307 = arith.constant 2000 : index
    %get3A_308 = tpu.vector_load %arg6[%get3A_307] {strides = array<i32>} : memref<10240xf32, #tpu.memory_space<vmem>>, vector<16xf32>,
    %add3A_309 = arith.addf %add3A_306, %get3A_308 : vector<16xf32>
    %get3A_310 = arith.constant 2640 : index
    %get3A_311 = tpu.vector_load %arg6[%get3A_310] {strides = array<i32>} : memref<10240xf32, #tpu.memory_space<vmem>>, vector<16xf32>,
    %add3A_312 = arith.addf %add3A_309, %get3A_311 : vector<16xf32>
    %get3A_313 = arith.constant 3280 : index
    %get3A_314 = tpu.vector_load %arg6[%get3A_313] {strides = array<i32>} : memref<10240xf32, #tpu.memory_space<vmem>>, vector<16xf32>,
    %add3A_315 = arith.addf %add3A_312, %get3A_314 : vector<16xf32>
    %get3A_316 = arith.constant 3920 : index
    %get3A_317 = tpu.vector_load %arg6[%get3A_316] {strides = array<i32>} : memref<10240xf32, #tpu.memory_space<vmem>>, vector<16xf32>,
    %add3A_318 = arith.addf %add3A_315, %get3A_317 : vector<16xf32>
    %get3A_319 = arith.constant 4560 : index
    %get3A_320 = tpu.vector_load %arg6[%get3A_319] {strides = array<i32>} : memref<10240xf32, #tpu.memory_space<vmem>>, vector<16xf32>,
    %add3A_321 = arith.addf %add3A_318, %get3A_320 : vector<16xf32>
    %get3A_322 = arith.constant 5200 : index
    %get3A_323 = tpu.vector_load %arg6[%get3A_322] {strides = array<i32>} : memref<10240xf32, #tpu.memory_space<vmem>>, vector<16xf32>,
    %add3A_324 = arith.addf %add3A_321, %get3A_323 : vector<16xf32>
    %get3A_325 = arith.constant 5840 : index
    %get3A_326 = tpu.vector_load %arg6[%get3A_325] {strides = array<i32>} : memref<10240xf32, #tpu.memory_space<vmem>>, vector<16xf32>,
    %add3A_327 = arith.addf %add3A_324, %get3A_326 : vector<16xf32>
    %get3A_328 = arith.constant 6480 : index
    %get3A_329 = tpu.vector_load %arg6[%get3A_328] {strides = array<i32>} : memref<10240xf32, #tpu.memory_space<vmem>>, vector<16xf32>,
    %add3A_330 = arith.addf %add3A_327, %get3A_329 : vector<16xf32>
    %get3A_331 = arith.constant 7120 : index
    %get3A_332 = tpu.vector_load %arg6[%get3A_331] {strides = array<i32>} : memref<10240xf32, #tpu.memory_space<vmem>>, vector<16xf32>,
    %add3A_333 = arith.addf %add3A_330, %get3A_332 : vector<16xf32>
    %get3A_334 = arith.constant 7760 : index
    %get3A_335 = tpu.vector_load %arg6[%get3A_334] {strides = array<i32>} : memref<10240xf32, #tpu.memory_space<vmem>>, vector<16xf32>,
    %add3A_336 = arith.addf %add3A_333, %get3A_335 : vector<16xf32>
    %get3A_337 = arith.constant 8400 : index
    %get3A_338 = tpu.vector_load %arg6[%get3A_337] {strides = array<i32>} : memref<10240xf32, #tpu.memory_space<vmem>>, vector<16xf32>,
    %add3A_339 = arith.addf %add3A_336, %get3A_338 : vector<16xf32>
    %get3A_340 = arith.constant 9040 : index
    %get3A_341 = tpu.vector_load %arg6[%get3A_340] {strides = array<i32>} : memref<10240xf32, #tpu.memory_space<vmem>>, vector<16xf32>,
    %add3A_342 = arith.addf %add3A_339, %get3A_341 : vector<16xf32>
    %get3A_343 = arith.constant 9680 : index
    %get3A_344 = tpu.vector_load %arg6[%get3A_343] {strides = array<i32>} : memref<10240xf32, #tpu.memory_space<vmem>>, vector<16xf32>,
    %add3A_345 = arith.addf %add3A_342, %get3A_344 : vector<16xf32>
    %swap3A_346 = arith.constant 80 : index
    %swap3A_347 = tpu.vector_load %arg7[%swap3A_346] {strides = array<i32>} : memref<640xf32, #tpu.memory_space<vmem>>, vector<16xf32>,
    tpu.vector_store %arg7[%swap3A_346], %add3A_345 {strides = array<i32>} : memref<640xf32, #tpu.memory_space<vmem>>, vector<16xf32>,
    %get3A_348 = arith.constant 96 : index
    %get3A_349 = tpu.vector_load %arg6[%get3A_348] {strides = array<i32>} : memref<10240xf32, #tpu.memory_space<vmem>>, vector<16xf32>,
    %get3A_350 = arith.constant 736 : index
    %get3A_351 = tpu.vector_load %arg6[%get3A_350] {strides = array<i32>} : memref<10240xf32, #tpu.memory_space<vmem>>, vector<16xf32>,
    %add3A_352 = arith.addf %get3A_349, %get3A_351 : vector<16xf32>
    %get3A_353 = arith.constant 1376 : index
    %get3A_354 = tpu.vector_load %arg6[%get3A_353] {strides = array<i32>} : memref<10240xf32, #tpu.memory_space<vmem>>, vector<16xf32>,
    %add3A_355 = arith.addf %add3A_352, %get3A_354 : vector<16xf32>
    %get3A_356 = arith.constant 2016 : index
    %get3A_357 = tpu.vector_load %arg6[%get3A_356] {strides = array<i32>} : memref<10240xf32, #tpu.memory_space<vmem>>, vector<16xf32>,
    %add3A_358 = arith.addf %add3A_355, %get3A_357 : vector<16xf32>
    %get3A_359 = arith.constant 2656 : index
    %get3A_360 = tpu.vector_load %arg6[%get3A_359] {strides = array<i32>} : memref<10240xf32, #tpu.memory_space<vmem>>, vector<16xf32>,
    %add3A_361 = arith.addf %add3A_358, %get3A_360 : vector<16xf32>
    %get3A_362 = arith.constant 3296 : index
    %get3A_363 = tpu.vector_load %arg6[%get3A_362] {strides = array<i32>} : memref<10240xf32, #tpu.memory_space<vmem>>, vector<16xf32>,
    %add3A_364 = arith.addf %add3A_361, %get3A_363 : vector<16xf32>
    %get3A_365 = arith.constant 3936 : index
    %get3A_366 = tpu.vector_load %arg6[%get3A_365] {strides = array<i32>} : memref<10240xf32, #tpu.memory_space<vmem>>, vector<16xf32>,
    %add3A_367 = arith.addf %add3A_364, %get3A_366 : vector<16xf32>
    %get3A_368 = arith.constant 4576 : index
    %get3A_369 = tpu.vector_load %arg6[%get3A_368] {strides = array<i32>} : memref<10240xf32, #tpu.memory_space<vmem>>, vector<16xf32>,
    %add3A_370 = arith.addf %add3A_367, %get3A_369 : vector<16xf32>
    %get3A_371 = arith.constant 5216 : index
    %get3A_372 = tpu.vector_load %arg6[%get3A_371] {strides = array<i32>} : memref<10240xf32, #tpu.memory_space<vmem>>, vector<16xf32>,
    %add3A_373 = arith.addf %add3A_370, %get3A_372 : vector<16xf32>
    %get3A_374 = arith.constant 5856 : index
    %get3A_375 = tpu.vector_load %arg6[%get3A_374] {strides = array<i32>} : memref<10240xf32, #tpu.memory_space<vmem>>, vector<16xf32>,
    %add3A_376 = arith.addf %add3A_373, %get3A_375 : vector<16xf32>
    %get3A_377 = arith.constant 6496 : index
    %get3A_378 = tpu.vector_load %arg6[%get3A_377] {strides = array<i32>} : memref<10240xf32, #tpu.memory_space<vmem>>, vector<16xf32>,
    %add3A_379 = arith.addf %add3A_376, %get3A_378 : vector<16xf32>
    %get3A_380 = arith.constant 7136 : index
    %get3A_381 = tpu.vector_load %arg6[%get3A_380] {strides = array<i32>} : memref<10240xf32, #tpu.memory_space<vmem>>, vector<16xf32>,
    %add3A_382 = arith.addf %add3A_379, %get3A_381 : vector<16xf32>
    %get3A_383 = arith.constant 7776 : index
    %get3A_384 = tpu.vector_load %arg6[%get3A_383] {strides = array<i32>} : memref<10240xf32, #tpu.memory_space<vmem>>, vector<16xf32>,
    %add3A_385 = arith.addf %add3A_382, %get3A_384 : vector<16xf32>
    %get3A_386 = arith.constant 8416 : index
    %get3A_387 = tpu.vector_load %arg6[%get3A_386] {strides = array<i32>} : memref<10240xf32, #tpu.memory_space<vmem>>, vector<16xf32>,
    %add3A_388 = arith.addf %add3A_385, %get3A_387 : vector<16xf32>
    %get3A_389 = arith.constant 9056 : index
    %get3A_390 = tpu.vector_load %arg6[%get3A_389] {strides = array<i32>} : memref<10240xf32, #tpu.memory_space<vmem>>, vector<16xf32>,
    %add3A_391 = arith.addf %add3A_388, %get3A_390 : vector<16xf32>
    %get3A_392 = arith.constant 9696 : index
    %get3A_393 = tpu.vector_load %arg6[%get3A_392] {strides = array<i32>} : memref<10240xf32, #tpu.memory_space<vmem>>, vector<16xf32>,
    %add3A_394 = arith.addf %add3A_391, %get3A_393 : vector<16xf32>
    %swap3A_395 = arith.constant 96 : index
    %swap3A_396 = tpu.vector_load %arg7[%swap3A_395] {strides = array<i32>} : memref<640xf32, #tpu.memory_space<vmem>>, vector<16xf32>,
    tpu.vector_store %arg7[%swap3A_395], %add3A_394 {strides = array<i32>} : memref<640xf32, #tpu.memory_space<vmem>>, vector<16xf32>,
    %get3A_397 = arith.constant 112 : index
    %get3A_398 = tpu.vector_load %arg6[%get3A_397] {strides = array<i32>} : memref<10240xf32, #tpu.memory_space<vmem>>, vector<16xf32>,
    %get3A_399 = arith.constant 752 : index
    %get3A_400 = tpu.vector_load %arg6[%get3A_399] {strides = array<i32>} : memref<10240xf32, #tpu.memory_space<vmem>>, vector<16xf32>,
    %add3A_401 = arith.addf %get3A_398, %get3A_400 : vector<16xf32>
    %get3A_402 = arith.constant 1392 : index
    %get3A_403 = tpu.vector_load %arg6[%get3A_402] {strides = array<i32>} : memref<10240xf32, #tpu.memory_space<vmem>>, vector<16xf32>,
    %add3A_404 = arith.addf %add3A_401, %get3A_403 : vector<16xf32>
    %get3A_405 = arith.constant 2032 : index
    %get3A_406 = tpu.vector_load %arg6[%get3A_405] {strides = array<i32>} : memref<10240xf32, #tpu.memory_space<vmem>>, vector<16xf32>,
    %add3A_407 = arith.addf %add3A_404, %get3A_406 : vector<16xf32>
    %get3A_408 = arith.constant 2672 : index
    %get3A_409 = tpu.vector_load %arg6[%get3A_408] {strides = array<i32>} : memref<10240xf32, #tpu.memory_space<vmem>>, vector<16xf32>,
    %add3A_410 = arith.addf %add3A_407, %get3A_409 : vector<16xf32>
    %get3A_411 = arith.constant 3312 : index
    %get3A_412 = tpu.vector_load %arg6[%get3A_411] {strides = array<i32>} : memref<10240xf32, #tpu.memory_space<vmem>>, vector<16xf32>,
    %add3A_413 = arith.addf %add3A_410, %get3A_412 : vector<16xf32>
    %get3A_414 = arith.constant 3952 : index
    %get3A_415 = tpu.vector_load %arg6[%get3A_414] {strides = array<i32>} : memref<10240xf32, #tpu.memory_space<vmem>>, vector<16xf32>,
    %add3A_416 = arith.addf %add3A_413, %get3A_415 : vector<16xf32>
    %get3A_417 = arith.constant 4592 : index
    %get3A_418 = tpu.vector_load %arg6[%get3A_417] {strides = array<i32>} : memref<10240xf32, #tpu.memory_space<vmem>>, vector<16xf32>,
    %add3A_419 = arith.addf %add3A_416, %get3A_418 : vector<16xf32>
    %get3A_420 = arith.constant 5232 : index
    %get3A_421 = tpu.vector_load %arg6[%get3A_420] {strides = array<i32>} : memref<10240xf32, #tpu.memory_space<vmem>>, vector<16xf32>,
    %add3A_422 = arith.addf %add3A_419, %get3A_421 : vector<16xf32>
    %get3A_423 = arith.constant 5872 : index
    %get3A_424 = tpu.vector_load %arg6[%get3A_423] {strides = array<i32>} : memref<10240xf32, #tpu.memory_space<vmem>>, vector<16xf32>,
    %add3A_425 = arith.addf %add3A_422, %get3A_424 : vector<16xf32>
    %get3A_426 = arith.constant 6512 : index
    %get3A_427 = tpu.vector_load %arg6[%get3A_426] {strides = array<i32>} : memref<10240xf32, #tpu.memory_space<vmem>>, vector<16xf32>,
    %add3A_428 = arith.addf %add3A_425, %get3A_427 : vector<16xf32>
    %get3A_429 = arith.constant 7152 : index
    %get3A_430 = tpu.vector_load %arg6[%get3A_429] {strides = array<i32>} : memref<10240xf32, #tpu.memory_space<vmem>>, vector<16xf32>,
    %add3A_431 = arith.addf %add3A_428, %get3A_430 : vector<16xf32>
    %get3A_432 = arith.constant 7792 : index
    %get3A_433 = tpu.vector_load %arg6[%get3A_432] {strides = array<i32>} : memref<10240xf32, #tpu.memory_space<vmem>>, vector<16xf32>,
    %add3A_434 = arith.addf %add3A_431, %get3A_433 : vector<16xf32>
    %get3A_435 = arith.constant 8432 : index
    %get3A_436 = tpu.vector_load %arg6[%get3A_435] {strides = array<i32>} : memref<10240xf32, #tpu.memory_space<vmem>>, vector<16xf32>,
    %add3A_437 = arith.addf %add3A_434, %get3A_436 : vector<16xf32>
    %get3A_438 = arith.constant 9072 : index
    %get3A_439 = tpu.vector_load %arg6[%get3A_438] {strides = array<i32>} : memref<10240xf32, #tpu.memory_space<vmem>>, vector<16xf32>,
    %add3A_440 = arith.addf %add3A_437, %get3A_439 : vector<16xf32>
    %get3A_441 = arith.constant 9712 : index
    %get3A_442 = tpu.vector_load %arg6[%get3A_441] {strides = array<i32>} : memref<10240xf32, #tpu.memory_space<vmem>>, vector<16xf32>,
    %add3A_443 = arith.addf %add3A_440, %get3A_442 : vector<16xf32>
    %swap3A_444 = arith.constant 112 : index
    %swap3A_445 = tpu.vector_load %arg7[%swap3A_444] {strides = array<i32>} : memref<640xf32, #tpu.memory_space<vmem>>, vector<16xf32>,
    tpu.vector_store %arg7[%swap3A_444], %add3A_443 {strides = array<i32>} : memref<640xf32, #tpu.memory_space<vmem>>, vector<16xf32>,
    %get3A_446 = arith.constant 128 : index
    %get3A_447 = tpu.vector_load %arg6[%get3A_446] {strides = array<i32>} : memref<10240xf32, #tpu.memory_space<vmem>>, vector<16xf32>,
    %get3A_448 = arith.constant 768 : index
    %get3A_449 = tpu.vector_load %arg6[%get3A_448] {strides = array<i32>} : memref<10240xf32, #tpu.memory_space<vmem>>, vector<16xf32>,
    %add3A_450 = arith.addf %get3A_447, %get3A_449 : vector<16xf32>
    %get3A_451 = arith.constant 1408 : index
    %get3A_452 = tpu.vector_load %arg6[%get3A_451] {strides = array<i32>} : memref<10240xf32, #tpu.memory_space<vmem>>, vector<16xf32>,
    %add3A_453 = arith.addf %add3A_450, %get3A_452 : vector<16xf32>
    %get3A_454 = arith.constant 2048 : index
    %get3A_455 = tpu.vector_load %arg6[%get3A_454] {strides = array<i32>} : memref<10240xf32, #tpu.memory_space<vmem>>, vector<16xf32>,
    %add3A_456 = arith.addf %add3A_453, %get3A_455 : vector<16xf32>
    %get3A_457 = arith.constant 2688 : index
    %get3A_458 = tpu.vector_load %arg6[%get3A_457] {strides = array<i32>} : memref<10240xf32, #tpu.memory_space<vmem>>, vector<16xf32>,
    %add3A_459 = arith.addf %add3A_456, %get3A_458 : vector<16xf32>
    %get3A_460 = arith.constant 3328 : index
    %get3A_461 = tpu.vector_load %arg6[%get3A_460] {strides = array<i32>} : memref<10240xf32, #tpu.memory_space<vmem>>, vector<16xf32>,
    %add3A_462 = arith.addf %add3A_459, %get3A_461 : vector<16xf32>
    %get3A_463 = arith.constant 3968 : index
    %get3A_464 = tpu.vector_load %arg6[%get3A_463] {strides = array<i32>} : memref<10240xf32, #tpu.memory_space<vmem>>, vector<16xf32>,
    %add3A_465 = arith.addf %add3A_462, %get3A_464 : vector<16xf32>
    %get3A_466 = arith.constant 4608 : index
    %get3A_467 = tpu.vector_load %arg6[%get3A_466] {strides = array<i32>} : memref<10240xf32, #tpu.memory_space<vmem>>, vector<16xf32>,
    %add3A_468 = arith.addf %add3A_465, %get3A_467 : vector<16xf32>
    %get3A_469 = arith.constant 5248 : index
    %get3A_470 = tpu.vector_load %arg6[%get3A_469] {strides = array<i32>} : memref<10240xf32, #tpu.memory_space<vmem>>, vector<16xf32>,
    %add3A_471 = arith.addf %add3A_468, %get3A_470 : vector<16xf32>
    %get3A_472 = arith.constant 5888 : index
    %get3A_473 = tpu.vector_load %arg6[%get3A_472] {strides = array<i32>} : memref<10240xf32, #tpu.memory_space<vmem>>, vector<16xf32>,
    %add3A_474 = arith.addf %add3A_471, %get3A_473 : vector<16xf32>
    %get3A_475 = arith.constant 6528 : index
    %get3A_476 = tpu.vector_load %arg6[%get3A_475] {strides = array<i32>} : memref<10240xf32, #tpu.memory_space<vmem>>, vector<16xf32>,
    %add3A_477 = arith.addf %add3A_474, %get3A_476 : vector<16xf32>
    %get3A_478 = arith.constant 7168 : index
    %get3A_479 = tpu.vector_load %arg6[%get3A_478] {strides = array<i32>} : memref<10240xf32, #tpu.memory_space<vmem>>, vector<16xf32>,
    %add3A_480 = arith.addf %add3A_477, %get3A_479 : vector<16xf32>
    %get3A_481 = arith.constant 7808 : index
    %get3A_482 = tpu.vector_load %arg6[%get3A_481] {strides = array<i32>} : memref<10240xf32, #tpu.memory_space<vmem>>, vector<16xf32>,
    %add3A_483 = arith.addf %add3A_480, %get3A_482 : vector<16xf32>
    %get3A_484 = arith.constant 8448 : index
    %get3A_485 = tpu.vector_load %arg6[%get3A_484] {strides = array<i32>} : memref<10240xf32, #tpu.memory_space<vmem>>, vector<16xf32>,
    %add3A_486 = arith.addf %add3A_483, %get3A_485 : vector<16xf32>
    %get3A_487 = arith.constant 9088 : index
    %get3A_488 = tpu.vector_load %arg6[%get3A_487] {strides = array<i32>} : memref<10240xf32, #tpu.memory_space<vmem>>, vector<16xf32>,
    %add3A_489 = arith.addf %add3A_486, %get3A_488 : vector<16xf32>
    %get3A_490 = arith.constant 9728 : index
    %get3A_491 = tpu.vector_load %arg6[%get3A_490] {strides = array<i32>} : memref<10240xf32, #tpu.memory_space<vmem>>, vector<16xf32>,
    %add3A_492 = arith.addf %add3A_489, %get3A_491 : vector<16xf32>
    %swap3A_493 = arith.constant 128 : index
    %swap3A_494 = tpu.vector_load %arg7[%swap3A_493] {strides = array<i32>} : memref<640xf32, #tpu.memory_space<vmem>>, vector<16xf32>,
    tpu.vector_store %arg7[%swap3A_493], %add3A_492 {strides = array<i32>} : memref<640xf32, #tpu.memory_space<vmem>>, vector<16xf32>,
    %get3A_495 = arith.constant 144 : index
    %get3A_496 = tpu.vector_load %arg6[%get3A_495] {strides = array<i32>} : memref<10240xf32, #tpu.memory_space<vmem>>, vector<16xf32>,
    %get3A_497 = arith.constant 784 : index
    %get3A_498 = tpu.vector_load %arg6[%get3A_497] {strides = array<i32>} : memref<10240xf32, #tpu.memory_space<vmem>>, vector<16xf32>,
    %add3A_499 = arith.addf %get3A_496, %get3A_498 : vector<16xf32>
    %get3A_500 = arith.constant 1424 : index
    %get3A_501 = tpu.vector_load %arg6[%get3A_500] {strides = array<i32>} : memref<10240xf32, #tpu.memory_space<vmem>>, vector<16xf32>,
    %add3A_502 = arith.addf %add3A_499, %get3A_501 : vector<16xf32>
    %get3A_503 = arith.constant 2064 : index
    %get3A_504 = tpu.vector_load %arg6[%get3A_503] {strides = array<i32>} : memref<10240xf32, #tpu.memory_space<vmem>>, vector<16xf32>,
    %add3A_505 = arith.addf %add3A_502, %get3A_504 : vector<16xf32>
    %get3A_506 = arith.constant 2704 : index
    %get3A_507 = tpu.vector_load %arg6[%get3A_506] {strides = array<i32>} : memref<10240xf32, #tpu.memory_space<vmem>>, vector<16xf32>,
    %add3A_508 = arith.addf %add3A_505, %get3A_507 : vector<16xf32>
    %get3A_509 = arith.constant 3344 : index
    %get3A_510 = tpu.vector_load %arg6[%get3A_509] {strides = array<i32>} : memref<10240xf32, #tpu.memory_space<vmem>>, vector<16xf32>,
    %add3A_511 = arith.addf %add3A_508, %get3A_510 : vector<16xf32>
    %get3A_512 = arith.constant 3984 : index
    %get3A_513 = tpu.vector_load %arg6[%get3A_512] {strides = array<i32>} : memref<10240xf32, #tpu.memory_space<vmem>>, vector<16xf32>,
    %add3A_514 = arith.addf %add3A_511, %get3A_513 : vector<16xf32>
    %get3A_515 = arith.constant 4624 : index
    %get3A_516 = tpu.vector_load %arg6[%get3A_515] {strides = array<i32>} : memref<10240xf32, #tpu.memory_space<vmem>>, vector<16xf32>,
    %add3A_517 = arith.addf %add3A_514, %get3A_516 : vector<16xf32>
    %get3A_518 = arith.constant 5264 : index
    %get3A_519 = tpu.vector_load %arg6[%get3A_518] {strides = array<i32>} : memref<10240xf32, #tpu.memory_space<vmem>>, vector<16xf32>,
    %add3A_520 = arith.addf %add3A_517, %get3A_519 : vector<16xf32>
    %get3A_521 = arith.constant 5904 : index
    %get3A_522 = tpu.vector_load %arg6[%get3A_521] {strides = array<i32>} : memref<10240xf32, #tpu.memory_space<vmem>>, vector<16xf32>,
    %add3A_523 = arith.addf %add3A_520, %get3A_522 : vector<16xf32>
    %get3A_524 = arith.constant 6544 : index
    %get3A_525 = tpu.vector_load %arg6[%get3A_524] {strides = array<i32>} : memref<10240xf32, #tpu.memory_space<vmem>>, vector<16xf32>,
    %add3A_526 = arith.addf %add3A_523, %get3A_525 : vector<16xf32>
    %get3A_527 = arith.constant 7184 : index
    %get3A_528 = tpu.vector_load %arg6[%get3A_527] {strides = array<i32>} : memref<10240xf32, #tpu.memory_space<vmem>>, vector<16xf32>,
    %add3A_529 = arith.addf %add3A_526, %get3A_528 : vector<16xf32>
    %get3A_530 = arith.constant 7824 : index
    %get3A_531 = tpu.vector_load %arg6[%get3A_530] {strides = array<i32>} : memref<10240xf32, #tpu.memory_space<vmem>>, vector<16xf32>,
    %add3A_532 = arith.addf %add3A_529, %get3A_531 : vector<16xf32>
    %get3A_533 = arith.constant 8464 : index
    %get3A_534 = tpu.vector_load %arg6[%get3A_533] {strides = array<i32>} : memref<10240xf32, #tpu.memory_space<vmem>>, vector<16xf32>,
    %add3A_535 = arith.addf %add3A_532, %get3A_534 : vector<16xf32>
    %get3A_536 = arith.constant 9104 : index
    %get3A_537 = tpu.vector_load %arg6[%get3A_536] {strides = array<i32>} : memref<10240xf32, #tpu.memory_space<vmem>>, vector<16xf32>,
    %add3A_538 = arith.addf %add3A_535, %get3A_537 : vector<16xf32>
    %get3A_539 = arith.constant 9744 : index
    %get3A_540 = tpu.vector_load %arg6[%get3A_539] {strides = array<i32>} : memref<10240xf32, #tpu.memory_space<vmem>>, vector<16xf32>,
    %add3A_541 = arith.addf %add3A_538, %get3A_540 : vector<16xf32>
    %swap3A_542 = arith.constant 144 : index
    %swap3A_543 = tpu.vector_load %arg7[%swap3A_542] {strides = array<i32>} : memref<640xf32, #tpu.memory_space<vmem>>, vector<16xf32>,
    tpu.vector_store %arg7[%swap3A_542], %add3A_541 {strides = array<i32>} : memref<640xf32, #tpu.memory_space<vmem>>, vector<16xf32>,
    %get3A_544 = arith.constant 160 : index
    %get3A_545 = tpu.vector_load %arg6[%get3A_544] {strides = array<i32>} : memref<10240xf32, #tpu.memory_space<vmem>>, vector<16xf32>,
    %get3A_546 = arith.constant 800 : index
    %get3A_547 = tpu.vector_load %arg6[%get3A_546] {strides = array<i32>} : memref<10240xf32, #tpu.memory_space<vmem>>, vector<16xf32>,
    %add3A_548 = arith.addf %get3A_545, %get3A_547 : vector<16xf32>
    %get3A_549 = arith.constant 1440 : index
    %get3A_550 = tpu.vector_load %arg6[%get3A_549] {strides = array<i32>} : memref<10240xf32, #tpu.memory_space<vmem>>, vector<16xf32>,
    %add3A_551 = arith.addf %add3A_548, %get3A_550 : vector<16xf32>
    %get3A_552 = arith.constant 2080 : index
    %get3A_553 = tpu.vector_load %arg6[%get3A_552] {strides = array<i32>} : memref<10240xf32, #tpu.memory_space<vmem>>, vector<16xf32>,
    %add3A_554 = arith.addf %add3A_551, %get3A_553 : vector<16xf32>
    %get3A_555 = arith.constant 2720 : index
    %get3A_556 = tpu.vector_load %arg6[%get3A_555] {strides = array<i32>} : memref<10240xf32, #tpu.memory_space<vmem>>, vector<16xf32>,
    %add3A_557 = arith.addf %add3A_554, %get3A_556 : vector<16xf32>
    %get3A_558 = arith.constant 3360 : index
    %get3A_559 = tpu.vector_load %arg6[%get3A_558] {strides = array<i32>} : memref<10240xf32, #tpu.memory_space<vmem>>, vector<16xf32>,
    %add3A_560 = arith.addf %add3A_557, %get3A_559 : vector<16xf32>
    %get3A_561 = arith.constant 4000 : index
    %get3A_562 = tpu.vector_load %arg6[%get3A_561] {strides = array<i32>} : memref<10240xf32, #tpu.memory_space<vmem>>, vector<16xf32>,
    %add3A_563 = arith.addf %add3A_560, %get3A_562 : vector<16xf32>
    %get3A_564 = arith.constant 4640 : index
    %get3A_565 = tpu.vector_load %arg6[%get3A_564] {strides = array<i32>} : memref<10240xf32, #tpu.memory_space<vmem>>, vector<16xf32>,
    %add3A_566 = arith.addf %add3A_563, %get3A_565 : vector<16xf32>
    %get3A_567 = arith.constant 5280 : index
    %get3A_568 = tpu.vector_load %arg6[%get3A_567] {strides = array<i32>} : memref<10240xf32, #tpu.memory_space<vmem>>, vector<16xf32>,
    %add3A_569 = arith.addf %add3A_566, %get3A_568 : vector<16xf32>
    %get3A_570 = arith.constant 5920 : index
    %get3A_571 = tpu.vector_load %arg6[%get3A_570] {strides = array<i32>} : memref<10240xf32, #tpu.memory_space<vmem>>, vector<16xf32>,
    %add3A_572 = arith.addf %add3A_569, %get3A_571 : vector<16xf32>
    %get3A_573 = arith.constant 6560 : index
    %get3A_574 = tpu.vector_load %arg6[%get3A_573] {strides = array<i32>} : memref<10240xf32, #tpu.memory_space<vmem>>, vector<16xf32>,
    %add3A_575 = arith.addf %add3A_572, %get3A_574 : vector<16xf32>
    %get3A_576 = arith.constant 7200 : index
    %get3A_577 = tpu.vector_load %arg6[%get3A_576] {strides = array<i32>} : memref<10240xf32, #tpu.memory_space<vmem>>, vector<16xf32>,
    %add3A_578 = arith.addf %add3A_575, %get3A_577 : vector<16xf32>
    %get3A_579 = arith.constant 7840 : index
    %get3A_580 = tpu.vector_load %arg6[%get3A_579] {strides = array<i32>} : memref<10240xf32, #tpu.memory_space<vmem>>, vector<16xf32>,
    %add3A_581 = arith.addf %add3A_578, %get3A_580 : vector<16xf32>
    %get3A_582 = arith.constant 8480 : index
    %get3A_583 = tpu.vector_load %arg6[%get3A_582] {strides = array<i32>} : memref<10240xf32, #tpu.memory_space<vmem>>, vector<16xf32>,
    %add3A_584 = arith.addf %add3A_581, %get3A_583 : vector<16xf32>
    %get3A_585 = arith.constant 9120 : index
    %get3A_586 = tpu.vector_load %arg6[%get3A_585] {strides = array<i32>} : memref<10240xf32, #tpu.memory_space<vmem>>, vector<16xf32>,
    %add3A_587 = arith.addf %add3A_584, %get3A_586 : vector<16xf32>
    %get3A_588 = arith.constant 9760 : index
    %get3A_589 = tpu.vector_load %arg6[%get3A_588] {strides = array<i32>} : memref<10240xf32, #tpu.memory_space<vmem>>, vector<16xf32>,
    %add3A_590 = arith.addf %add3A_587, %get3A_589 : vector<16xf32>
    %swap3A_591 = arith.constant 160 : index
    %swap3A_592 = tpu.vector_load %arg7[%swap3A_591] {strides = array<i32>} : memref<640xf32, #tpu.memory_space<vmem>>, vector<16xf32>,
    tpu.vector_store %arg7[%swap3A_591], %add3A_590 {strides = array<i32>} : memref<640xf32, #tpu.memory_space<vmem>>, vector<16xf32>,
    %get3A_593 = arith.constant 176 : index
    %get3A_594 = tpu.vector_load %arg6[%get3A_593] {strides = array<i32>} : memref<10240xf32, #tpu.memory_space<vmem>>, vector<16xf32>,
    %get3A_595 = arith.constant 816 : index
    %get3A_596 = tpu.vector_load %arg6[%get3A_595] {strides = array<i32>} : memref<10240xf32, #tpu.memory_space<vmem>>, vector<16xf32>,
    %add3A_597 = arith.addf %get3A_594, %get3A_596 : vector<16xf32>
    %get3A_598 = arith.constant 1456 : index
    %get3A_599 = tpu.vector_load %arg6[%get3A_598] {strides = array<i32>} : memref<10240xf32, #tpu.memory_space<vmem>>, vector<16xf32>,
    %add3A_600 = arith.addf %add3A_597, %get3A_599 : vector<16xf32>
    %get3A_601 = arith.constant 2096 : index
    %get3A_602 = tpu.vector_load %arg6[%get3A_601] {strides = array<i32>} : memref<10240xf32, #tpu.memory_space<vmem>>, vector<16xf32>,
    %add3A_603 = arith.addf %add3A_600, %get3A_602 : vector<16xf32>
    %get3A_604 = arith.constant 2736 : index
    %get3A_605 = tpu.vector_load %arg6[%get3A_604] {strides = array<i32>} : memref<10240xf32, #tpu.memory_space<vmem>>, vector<16xf32>,
    %add3A_606 = arith.addf %add3A_603, %get3A_605 : vector<16xf32>
    %get3A_607 = arith.constant 3376 : index
    %get3A_608 = tpu.vector_load %arg6[%get3A_607] {strides = array<i32>} : memref<10240xf32, #tpu.memory_space<vmem>>, vector<16xf32>,
    %add3A_609 = arith.addf %add3A_606, %get3A_608 : vector<16xf32>
    %get3A_610 = arith.constant 4016 : index
    %get3A_611 = tpu.vector_load %arg6[%get3A_610] {strides = array<i32>} : memref<10240xf32, #tpu.memory_space<vmem>>, vector<16xf32>,
    %add3A_612 = arith.addf %add3A_609, %get3A_611 : vector<16xf32>
    %get3A_613 = arith.constant 4656 : index
    %get3A_614 = tpu.vector_load %arg6[%get3A_613] {strides = array<i32>} : memref<10240xf32, #tpu.memory_space<vmem>>, vector<16xf32>,
    %add3A_615 = arith.addf %add3A_612, %get3A_614 : vector<16xf32>
    %get3A_616 = arith.constant 5296 : index
    %get3A_617 = tpu.vector_load %arg6[%get3A_616] {strides = array<i32>} : memref<10240xf32, #tpu.memory_space<vmem>>, vector<16xf32>,
    %add3A_618 = arith.addf %add3A_615, %get3A_617 : vector<16xf32>
    %get3A_619 = arith.constant 5936 : index
    %get3A_620 = tpu.vector_load %arg6[%get3A_619] {strides = array<i32>} : memref<10240xf32, #tpu.memory_space<vmem>>, vector<16xf32>,
    %add3A_621 = arith.addf %add3A_618, %get3A_620 : vector<16xf32>
    %get3A_622 = arith.constant 6576 : index
    %get3A_623 = tpu.vector_load %arg6[%get3A_622] {strides = array<i32>} : memref<10240xf32, #tpu.memory_space<vmem>>, vector<16xf32>,
    %add3A_624 = arith.addf %add3A_621, %get3A_623 : vector<16xf32>
    %get3A_625 = arith.constant 7216 : index
    %get3A_626 = tpu.vector_load %arg6[%get3A_625] {strides = array<i32>} : memref<10240xf32, #tpu.memory_space<vmem>>, vector<16xf32>,
    %add3A_627 = arith.addf %add3A_624, %get3A_626 : vector<16xf32>
    %get3A_628 = arith.constant 7856 : index
    %get3A_629 = tpu.vector_load %arg6[%get3A_628] {strides = array<i32>} : memref<10240xf32, #tpu.memory_space<vmem>>, vector<16xf32>,
    %add3A_630 = arith.addf %add3A_627, %get3A_629 : vector<16xf32>
    %get3A_631 = arith.constant 8496 : index
    %get3A_632 = tpu.vector_load %arg6[%get3A_631] {strides = array<i32>} : memref<10240xf32, #tpu.memory_space<vmem>>, vector<16xf32>,
    %add3A_633 = arith.addf %add3A_630, %get3A_632 : vector<16xf32>
    %get3A_634 = arith.constant 9136 : index
    %get3A_635 = tpu.vector_load %arg6[%get3A_634] {strides = array<i32>} : memref<10240xf32, #tpu.memory_space<vmem>>, vector<16xf32>,
    %add3A_636 = arith.addf %add3A_633, %get3A_635 : vector<16xf32>
    %get3A_637 = arith.constant 9776 : index
    %get3A_638 = tpu.vector_load %arg6[%get3A_637] {strides = array<i32>} : memref<10240xf32, #tpu.memory_space<vmem>>, vector<16xf32>,
    %add3A_639 = arith.addf %add3A_636, %get3A_638 : vector<16xf32>
    %swap3A_640 = arith.constant 176 : index
    %swap3A_641 = tpu.vector_load %arg7[%swap3A_640] {strides = array<i32>} : memref<640xf32, #tpu.memory_space<vmem>>, vector<16xf32>,
    tpu.vector_store %arg7[%swap3A_640], %add3A_639 {strides = array<i32>} : memref<640xf32, #tpu.memory_space<vmem>>, vector<16xf32>,
    %get3A_642 = arith.constant 192 : index
    %get3A_643 = tpu.vector_load %arg6[%get3A_642] {strides = array<i32>} : memref<10240xf32, #tpu.memory_space<vmem>>, vector<16xf32>,
    %get3A_644 = arith.constant 832 : index
    %get3A_645 = tpu.vector_load %arg6[%get3A_644] {strides = array<i32>} : memref<10240xf32, #tpu.memory_space<vmem>>, vector<16xf32>,
    %add3A_646 = arith.addf %get3A_643, %get3A_645 : vector<16xf32>
    %get3A_647 = arith.constant 1472 : index
    %get3A_648 = tpu.vector_load %arg6[%get3A_647] {strides = array<i32>} : memref<10240xf32, #tpu.memory_space<vmem>>, vector<16xf32>,
    %add3A_649 = arith.addf %add3A_646, %get3A_648 : vector<16xf32>
    %get3A_650 = arith.constant 2112 : index
    %get3A_651 = tpu.vector_load %arg6[%get3A_650] {strides = array<i32>} : memref<10240xf32, #tpu.memory_space<vmem>>, vector<16xf32>,
    %add3A_652 = arith.addf %add3A_649, %get3A_651 : vector<16xf32>
    %get3A_653 = arith.constant 2752 : index
    %get3A_654 = tpu.vector_load %arg6[%get3A_653] {strides = array<i32>} : memref<10240xf32, #tpu.memory_space<vmem>>, vector<16xf32>,
    %add3A_655 = arith.addf %add3A_652, %get3A_654 : vector<16xf32>
    %get3A_656 = arith.constant 3392 : index
    %get3A_657 = tpu.vector_load %arg6[%get3A_656] {strides = array<i32>} : memref<10240xf32, #tpu.memory_space<vmem>>, vector<16xf32>,
    %add3A_658 = arith.addf %add3A_655, %get3A_657 : vector<16xf32>
    %get3A_659 = arith.constant 4032 : index
    %get3A_660 = tpu.vector_load %arg6[%get3A_659] {strides = array<i32>} : memref<10240xf32, #tpu.memory_space<vmem>>, vector<16xf32>,
    %add3A_661 = arith.addf %add3A_658, %get3A_660 : vector<16xf32>
    %get3A_662 = arith.constant 4672 : index
    %get3A_663 = tpu.vector_load %arg6[%get3A_662] {strides = array<i32>} : memref<10240xf32, #tpu.memory_space<vmem>>, vector<16xf32>,
    %add3A_664 = arith.addf %add3A_661, %get3A_663 : vector<16xf32>
    %get3A_665 = arith.constant 5312 : index
    %get3A_666 = tpu.vector_load %arg6[%get3A_665] {strides = array<i32>} : memref<10240xf32, #tpu.memory_space<vmem>>, vector<16xf32>,
    %add3A_667 = arith.addf %add3A_664, %get3A_666 : vector<16xf32>
    %get3A_668 = arith.constant 5952 : index
    %get3A_669 = tpu.vector_load %arg6[%get3A_668] {strides = array<i32>} : memref<10240xf32, #tpu.memory_space<vmem>>, vector<16xf32>,
    %add3A_670 = arith.addf %add3A_667, %get3A_669 : vector<16xf32>
    %get3A_671 = arith.constant 6592 : index
    %get3A_672 = tpu.vector_load %arg6[%get3A_671] {strides = array<i32>} : memref<10240xf32, #tpu.memory_space<vmem>>, vector<16xf32>,
    %add3A_673 = arith.addf %add3A_670, %get3A_672 : vector<16xf32>
    %get3A_674 = arith.constant 7232 : index
    %get3A_675 = tpu.vector_load %arg6[%get3A_674] {strides = array<i32>} : memref<10240xf32, #tpu.memory_space<vmem>>, vector<16xf32>,
    %add3A_676 = arith.addf %add3A_673, %get3A_675 : vector<16xf32>
    %get3A_677 = arith.constant 7872 : index
    %get3A_678 = tpu.vector_load %arg6[%get3A_677] {strides = array<i32>} : memref<10240xf32, #tpu.memory_space<vmem>>, vector<16xf32>,
    %add3A_679 = arith.addf %add3A_676, %get3A_678 : vector<16xf32>
    %get3A_680 = arith.constant 8512 : index
    %get3A_681 = tpu.vector_load %arg6[%get3A_680] {strides = array<i32>} : memref<10240xf32, #tpu.memory_space<vmem>>, vector<16xf32>,
    %add3A_682 = arith.addf %add3A_679, %get3A_681 : vector<16xf32>
    %get3A_683 = arith.constant 9152 : index
    %get3A_684 = tpu.vector_load %arg6[%get3A_683] {strides = array<i32>} : memref<10240xf32, #tpu.memory_space<vmem>>, vector<16xf32>,
    %add3A_685 = arith.addf %add3A_682, %get3A_684 : vector<16xf32>
    %get3A_686 = arith.constant 9792 : index
    %get3A_687 = tpu.vector_load %arg6[%get3A_686] {strides = array<i32>} : memref<10240xf32, #tpu.memory_space<vmem>>, vector<16xf32>,
    %add3A_688 = arith.addf %add3A_685, %get3A_687 : vector<16xf32>
    %swap3A_689 = arith.constant 192 : index
    %swap3A_690 = tpu.vector_load %arg7[%swap3A_689] {strides = array<i32>} : memref<640xf32, #tpu.memory_space<vmem>>, vector<16xf32>,
    tpu.vector_store %arg7[%swap3A_689], %add3A_688 {strides = array<i32>} : memref<640xf32, #tpu.memory_space<vmem>>, vector<16xf32>,
    %get3A_691 = arith.constant 208 : index
    %get3A_692 = tpu.vector_load %arg6[%get3A_691] {strides = array<i32>} : memref<10240xf32, #tpu.memory_space<vmem>>, vector<16xf32>,
    %get3A_693 = arith.constant 848 : index
    %get3A_694 = tpu.vector_load %arg6[%get3A_693] {strides = array<i32>} : memref<10240xf32, #tpu.memory_space<vmem>>, vector<16xf32>,
    %add3A_695 = arith.addf %get3A_692, %get3A_694 : vector<16xf32>
    %get3A_696 = arith.constant 1488 : index
    %get3A_697 = tpu.vector_load %arg6[%get3A_696] {strides = array<i32>} : memref<10240xf32, #tpu.memory_space<vmem>>, vector<16xf32>,
    %add3A_698 = arith.addf %add3A_695, %get3A_697 : vector<16xf32>
    %get3A_699 = arith.constant 2128 : index
    %get3A_700 = tpu.vector_load %arg6[%get3A_699] {strides = array<i32>} : memref<10240xf32, #tpu.memory_space<vmem>>, vector<16xf32>,
    %add3A_701 = arith.addf %add3A_698, %get3A_700 : vector<16xf32>
    %get3A_702 = arith.constant 2768 : index
    %get3A_703 = tpu.vector_load %arg6[%get3A_702] {strides = array<i32>} : memref<10240xf32, #tpu.memory_space<vmem>>, vector<16xf32>,
    %add3A_704 = arith.addf %add3A_701, %get3A_703 : vector<16xf32>
    %get3A_705 = arith.constant 3408 : index
    %get3A_706 = tpu.vector_load %arg6[%get3A_705] {strides = array<i32>} : memref<10240xf32, #tpu.memory_space<vmem>>, vector<16xf32>,
    %add3A_707 = arith.addf %add3A_704, %get3A_706 : vector<16xf32>
    %get3A_708 = arith.constant 4048 : index
    %get3A_709 = tpu.vector_load %arg6[%get3A_708] {strides = array<i32>} : memref<10240xf32, #tpu.memory_space<vmem>>, vector<16xf32>,
    %add3A_710 = arith.addf %add3A_707, %get3A_709 : vector<16xf32>
    %get3A_711 = arith.constant 4688 : index
    %get3A_712 = tpu.vector_load %arg6[%get3A_711] {strides = array<i32>} : memref<10240xf32, #tpu.memory_space<vmem>>, vector<16xf32>,
    %add3A_713 = arith.addf %add3A_710, %get3A_712 : vector<16xf32>
    %get3A_714 = arith.constant 5328 : index
    %get3A_715 = tpu.vector_load %arg6[%get3A_714] {strides = array<i32>} : memref<10240xf32, #tpu.memory_space<vmem>>, vector<16xf32>,
    %add3A_716 = arith.addf %add3A_713, %get3A_715 : vector<16xf32>
    %get3A_717 = arith.constant 5968 : index
    %get3A_718 = tpu.vector_load %arg6[%get3A_717] {strides = array<i32>} : memref<10240xf32, #tpu.memory_space<vmem>>, vector<16xf32>,
    %add3A_719 = arith.addf %add3A_716, %get3A_718 : vector<16xf32>
    %get3A_720 = arith.constant 6608 : index
    %get3A_721 = tpu.vector_load %arg6[%get3A_720] {strides = array<i32>} : memref<10240xf32, #tpu.memory_space<vmem>>, vector<16xf32>,
    %add3A_722 = arith.addf %add3A_719, %get3A_721 : vector<16xf32>
    %get3A_723 = arith.constant 7248 : index
    %get3A_724 = tpu.vector_load %arg6[%get3A_723] {strides = array<i32>} : memref<10240xf32, #tpu.memory_space<vmem>>, vector<16xf32>,
    %add3A_725 = arith.addf %add3A_722, %get3A_724 : vector<16xf32>
    %get3A_726 = arith.constant 7888 : index
    %get3A_727 = tpu.vector_load %arg6[%get3A_726] {strides = array<i32>} : memref<10240xf32, #tpu.memory_space<vmem>>, vector<16xf32>,
    %add3A_728 = arith.addf %add3A_725, %get3A_727 : vector<16xf32>
    %get3A_729 = arith.constant 8528 : index
    %get3A_730 = tpu.vector_load %arg6[%get3A_729] {strides = array<i32>} : memref<10240xf32, #tpu.memory_space<vmem>>, vector<16xf32>,
    %add3A_731 = arith.addf %add3A_728, %get3A_730 : vector<16xf32>
    %get3A_732 = arith.constant 9168 : index
    %get3A_733 = tpu.vector_load %arg6[%get3A_732] {strides = array<i32>} : memref<10240xf32, #tpu.memory_space<vmem>>, vector<16xf32>,
    %add3A_734 = arith.addf %add3A_731, %get3A_733 : vector<16xf32>
    %get3A_735 = arith.constant 9808 : index
    %get3A_736 = tpu.vector_load %arg6[%get3A_735] {strides = array<i32>} : memref<10240xf32, #tpu.memory_space<vmem>>, vector<16xf32>,
    %add3A_737 = arith.addf %add3A_734, %get3A_736 : vector<16xf32>
    %swap3A_738 = arith.constant 208 : index
    %swap3A_739 = tpu.vector_load %arg7[%swap3A_738] {strides = array<i32>} : memref<640xf32, #tpu.memory_space<vmem>>, vector<16xf32>,
    tpu.vector_store %arg7[%swap3A_738], %add3A_737 {strides = array<i32>} : memref<640xf32, #tpu.memory_space<vmem>>, vector<16xf32>,
    %get3A_740 = arith.constant 224 : index
    %get3A_741 = tpu.vector_load %arg6[%get3A_740] {strides = array<i32>} : memref<10240xf32, #tpu.memory_space<vmem>>, vector<16xf32>,
    %get3A_742 = arith.constant 864 : index
    %get3A_743 = tpu.vector_load %arg6[%get3A_742] {strides = array<i32>} : memref<10240xf32, #tpu.memory_space<vmem>>, vector<16xf32>,
    %add3A_744 = arith.addf %get3A_741, %get3A_743 : vector<16xf32>
    %get3A_745 = arith.constant 1504 : index
    %get3A_746 = tpu.vector_load %arg6[%get3A_745] {strides = array<i32>} : memref<10240xf32, #tpu.memory_space<vmem>>, vector<16xf32>,
    %add3A_747 = arith.addf %add3A_744, %get3A_746 : vector<16xf32>
    %get3A_748 = arith.constant 2144 : index
    %get3A_749 = tpu.vector_load %arg6[%get3A_748] {strides = array<i32>} : memref<10240xf32, #tpu.memory_space<vmem>>, vector<16xf32>,
    %add3A_750 = arith.addf %add3A_747, %get3A_749 : vector<16xf32>
    %get3A_751 = arith.constant 2784 : index
    %get3A_752 = tpu.vector_load %arg6[%get3A_751] {strides = array<i32>} : memref<10240xf32, #tpu.memory_space<vmem>>, vector<16xf32>,
    %add3A_753 = arith.addf %add3A_750, %get3A_752 : vector<16xf32>
    %get3A_754 = arith.constant 3424 : index
    %get3A_755 = tpu.vector_load %arg6[%get3A_754] {strides = array<i32>} : memref<10240xf32, #tpu.memory_space<vmem>>, vector<16xf32>,
    %add3A_756 = arith.addf %add3A_753, %get3A_755 : vector<16xf32>
    %get3A_757 = arith.constant 4064 : index
    %get3A_758 = tpu.vector_load %arg6[%get3A_757] {strides = array<i32>} : memref<10240xf32, #tpu.memory_space<vmem>>, vector<16xf32>,
    %add3A_759 = arith.addf %add3A_756, %get3A_758 : vector<16xf32>
    %get3A_760 = arith.constant 4704 : index
    %get3A_761 = tpu.vector_load %arg6[%get3A_760] {strides = array<i32>} : memref<10240xf32, #tpu.memory_space<vmem>>, vector<16xf32>,
    %add3A_762 = arith.addf %add3A_759, %get3A_761 : vector<16xf32>
    %get3A_763 = arith.constant 5344 : index
    %get3A_764 = tpu.vector_load %arg6[%get3A_763] {strides = array<i32>} : memref<10240xf32, #tpu.memory_space<vmem>>, vector<16xf32>,
    %add3A_765 = arith.addf %add3A_762, %get3A_764 : vector<16xf32>
    %get3A_766 = arith.constant 5984 : index
    %get3A_767 = tpu.vector_load %arg6[%get3A_766] {strides = array<i32>} : memref<10240xf32, #tpu.memory_space<vmem>>, vector<16xf32>,
    %add3A_768 = arith.addf %add3A_765, %get3A_767 : vector<16xf32>
    %get3A_769 = arith.constant 6624 : index
    %get3A_770 = tpu.vector_load %arg6[%get3A_769] {strides = array<i32>} : memref<10240xf32, #tpu.memory_space<vmem>>, vector<16xf32>,
    %add3A_771 = arith.addf %add3A_768, %get3A_770 : vector<16xf32>
    %get3A_772 = arith.constant 7264 : index
    %get3A_773 = tpu.vector_load %arg6[%get3A_772] {strides = array<i32>} : memref<10240xf32, #tpu.memory_space<vmem>>, vector<16xf32>,
    %add3A_774 = arith.addf %add3A_771, %get3A_773 : vector<16xf32>
    %get3A_775 = arith.constant 7904 : index
    %get3A_776 = tpu.vector_load %arg6[%get3A_775] {strides = array<i32>} : memref<10240xf32, #tpu.memory_space<vmem>>, vector<16xf32>,
    %add3A_777 = arith.addf %add3A_774, %get3A_776 : vector<16xf32>
    %get3A_778 = arith.constant 8544 : index
    %get3A_779 = tpu.vector_load %arg6[%get3A_778] {strides = array<i32>} : memref<10240xf32, #tpu.memory_space<vmem>>, vector<16xf32>,
    %add3A_780 = arith.addf %add3A_777, %get3A_779 : vector<16xf32>
    %get3A_781 = arith.constant 9184 : index
    %get3A_782 = tpu.vector_load %arg6[%get3A_781] {strides = array<i32>} : memref<10240xf32, #tpu.memory_space<vmem>>, vector<16xf32>,
    %add3A_783 = arith.addf %add3A_780, %get3A_782 : vector<16xf32>
    %get3A_784 = arith.constant 9824 : index
    %get3A_785 = tpu.vector_load %arg6[%get3A_784] {strides = array<i32>} : memref<10240xf32, #tpu.memory_space<vmem>>, vector<16xf32>,
    %add3A_786 = arith.addf %add3A_783, %get3A_785 : vector<16xf32>
    %swap3A_787 = arith.constant 224 : index
    %swap3A_788 = tpu.vector_load %arg7[%swap3A_787] {strides = array<i32>} : memref<640xf32, #tpu.memory_space<vmem>>, vector<16xf32>,
    tpu.vector_store %arg7[%swap3A_787], %add3A_786 {strides = array<i32>} : memref<640xf32, #tpu.memory_space<vmem>>, vector<16xf32>,
    %get3A_789 = arith.constant 240 : index
    %get3A_790 = tpu.vector_load %arg6[%get3A_789] {strides = array<i32>} : memref<10240xf32, #tpu.memory_space<vmem>>, vector<16xf32>,
    %get3A_791 = arith.constant 880 : index
    %get3A_792 = tpu.vector_load %arg6[%get3A_791] {strides = array<i32>} : memref<10240xf32, #tpu.memory_space<vmem>>, vector<16xf32>,
    %add3A_793 = arith.addf %get3A_790, %get3A_792 : vector<16xf32>
    %get3A_794 = arith.constant 1520 : index
    %get3A_795 = tpu.vector_load %arg6[%get3A_794] {strides = array<i32>} : memref<10240xf32, #tpu.memory_space<vmem>>, vector<16xf32>,
    %add3A_796 = arith.addf %add3A_793, %get3A_795 : vector<16xf32>
    %get3A_797 = arith.constant 2160 : index
    %get3A_798 = tpu.vector_load %arg6[%get3A_797] {strides = array<i32>} : memref<10240xf32, #tpu.memory_space<vmem>>, vector<16xf32>,
    %add3A_799 = arith.addf %add3A_796, %get3A_798 : vector<16xf32>
    %get3A_800 = arith.constant 2800 : index
    %get3A_801 = tpu.vector_load %arg6[%get3A_800] {strides = array<i32>} : memref<10240xf32, #tpu.memory_space<vmem>>, vector<16xf32>,
    %add3A_802 = arith.addf %add3A_799, %get3A_801 : vector<16xf32>
    %get3A_803 = arith.constant 3440 : index
    %get3A_804 = tpu.vector_load %arg6[%get3A_803] {strides = array<i32>} : memref<10240xf32, #tpu.memory_space<vmem>>, vector<16xf32>,
    %add3A_805 = arith.addf %add3A_802, %get3A_804 : vector<16xf32>
    %get3A_806 = arith.constant 4080 : index
    %get3A_807 = tpu.vector_load %arg6[%get3A_806] {strides = array<i32>} : memref<10240xf32, #tpu.memory_space<vmem>>, vector<16xf32>,
    %add3A_808 = arith.addf %add3A_805, %get3A_807 : vector<16xf32>
    %get3A_809 = arith.constant 4720 : index
    %get3A_810 = tpu.vector_load %arg6[%get3A_809] {strides = array<i32>} : memref<10240xf32, #tpu.memory_space<vmem>>, vector<16xf32>,
    %add3A_811 = arith.addf %add3A_808, %get3A_810 : vector<16xf32>
    %get3A_812 = arith.constant 5360 : index
    %get3A_813 = tpu.vector_load %arg6[%get3A_812] {strides = array<i32>} : memref<10240xf32, #tpu.memory_space<vmem>>, vector<16xf32>,
    %add3A_814 = arith.addf %add3A_811, %get3A_813 : vector<16xf32>
    %get3A_815 = arith.constant 6000 : index
    %get3A_816 = tpu.vector_load %arg6[%get3A_815] {strides = array<i32>} : memref<10240xf32, #tpu.memory_space<vmem>>, vector<16xf32>,
    %add3A_817 = arith.addf %add3A_814, %get3A_816 : vector<16xf32>
    %get3A_818 = arith.constant 6640 : index
    %get3A_819 = tpu.vector_load %arg6[%get3A_818] {strides = array<i32>} : memref<10240xf32, #tpu.memory_space<vmem>>, vector<16xf32>,
    %add3A_820 = arith.addf %add3A_817, %get3A_819 : vector<16xf32>
    %get3A_821 = arith.constant 7280 : index
    %get3A_822 = tpu.vector_load %arg6[%get3A_821] {strides = array<i32>} : memref<10240xf32, #tpu.memory_space<vmem>>, vector<16xf32>,
    %add3A_823 = arith.addf %add3A_820, %get3A_822 : vector<16xf32>
    %get3A_824 = arith.constant 7920 : index
    %get3A_825 = tpu.vector_load %arg6[%get3A_824] {strides = array<i32>} : memref<10240xf32, #tpu.memory_space<vmem>>, vector<16xf32>,
    %add3A_826 = arith.addf %add3A_823, %get3A_825 : vector<16xf32>
    %get3A_827 = arith.constant 8560 : index
    %get3A_828 = tpu.vector_load %arg6[%get3A_827] {strides = array<i32>} : memref<10240xf32, #tpu.memory_space<vmem>>, vector<16xf32>,
    %add3A_829 = arith.addf %add3A_826, %get3A_828 : vector<16xf32>
    %get3A_830 = arith.constant 9200 : index
    %get3A_831 = tpu.vector_load %arg6[%get3A_830] {strides = array<i32>} : memref<10240xf32, #tpu.memory_space<vmem>>, vector<16xf32>,
    %add3A_832 = arith.addf %add3A_829, %get3A_831 : vector<16xf32>
    %get3A_833 = arith.constant 9840 : index
    %get3A_834 = tpu.vector_load %arg6[%get3A_833] {strides = array<i32>} : memref<10240xf32, #tpu.memory_space<vmem>>, vector<16xf32>,
    %add3A_835 = arith.addf %add3A_832, %get3A_834 : vector<16xf32>
    %swap3A_836 = arith.constant 240 : index
    %swap3A_837 = tpu.vector_load %arg7[%swap3A_836] {strides = array<i32>} : memref<640xf32, #tpu.memory_space<vmem>>, vector<16xf32>,
    tpu.vector_store %arg7[%swap3A_836], %add3A_835 {strides = array<i32>} : memref<640xf32, #tpu.memory_space<vmem>>, vector<16xf32>,
    %get3A_838 = arith.constant 256 : index
    %get3A_839 = tpu.vector_load %arg6[%get3A_838] {strides = array<i32>} : memref<10240xf32, #tpu.memory_space<vmem>>, vector<16xf32>,
    %get3A_840 = arith.constant 896 : index
    %get3A_841 = tpu.vector_load %arg6[%get3A_840] {strides = array<i32>} : memref<10240xf32, #tpu.memory_space<vmem>>, vector<16xf32>,
    %add3A_842 = arith.addf %get3A_839, %get3A_841 : vector<16xf32>
    %get3A_843 = arith.constant 1536 : index
    %get3A_844 = tpu.vector_load %arg6[%get3A_843] {strides = array<i32>} : memref<10240xf32, #tpu.memory_space<vmem>>, vector<16xf32>,
    %add3A_845 = arith.addf %add3A_842, %get3A_844 : vector<16xf32>
    %get3A_846 = arith.constant 2176 : index
    %get3A_847 = tpu.vector_load %arg6[%get3A_846] {strides = array<i32>} : memref<10240xf32, #tpu.memory_space<vmem>>, vector<16xf32>,
    %add3A_848 = arith.addf %add3A_845, %get3A_847 : vector<16xf32>
    %get3A_849 = arith.constant 2816 : index
    %get3A_850 = tpu.vector_load %arg6[%get3A_849] {strides = array<i32>} : memref<10240xf32, #tpu.memory_space<vmem>>, vector<16xf32>,
    %add3A_851 = arith.addf %add3A_848, %get3A_850 : vector<16xf32>
    %get3A_852 = arith.constant 3456 : index
    %get3A_853 = tpu.vector_load %arg6[%get3A_852] {strides = array<i32>} : memref<10240xf32, #tpu.memory_space<vmem>>, vector<16xf32>,
    %add3A_854 = arith.addf %add3A_851, %get3A_853 : vector<16xf32>
    %get3A_855 = arith.constant 4096 : index
    %get3A_856 = tpu.vector_load %arg6[%get3A_855] {strides = array<i32>} : memref<10240xf32, #tpu.memory_space<vmem>>, vector<16xf32>,
    %add3A_857 = arith.addf %add3A_854, %get3A_856 : vector<16xf32>
    %get3A_858 = arith.constant 4736 : index
    %get3A_859 = tpu.vector_load %arg6[%get3A_858] {strides = array<i32>} : memref<10240xf32, #tpu.memory_space<vmem>>, vector<16xf32>,
    %add3A_860 = arith.addf %add3A_857, %get3A_859 : vector<16xf32>
    %get3A_861 = arith.constant 5376 : index
    %get3A_862 = tpu.vector_load %arg6[%get3A_861] {strides = array<i32>} : memref<10240xf32, #tpu.memory_space<vmem>>, vector<16xf32>,
    %add3A_863 = arith.addf %add3A_860, %get3A_862 : vector<16xf32>
    %get3A_864 = arith.constant 6016 : index
    %get3A_865 = tpu.vector_load %arg6[%get3A_864] {strides = array<i32>} : memref<10240xf32, #tpu.memory_space<vmem>>, vector<16xf32>,
    %add3A_866 = arith.addf %add3A_863, %get3A_865 : vector<16xf32>
    %get3A_867 = arith.constant 6656 : index
    %get3A_868 = tpu.vector_load %arg6[%get3A_867] {strides = array<i32>} : memref<10240xf32, #tpu.memory_space<vmem>>, vector<16xf32>,
    %add3A_869 = arith.addf %add3A_866, %get3A_868 : vector<16xf32>
    %get3A_870 = arith.constant 7296 : index
    %get3A_871 = tpu.vector_load %arg6[%get3A_870] {strides = array<i32>} : memref<10240xf32, #tpu.memory_space<vmem>>, vector<16xf32>,
    %add3A_872 = arith.addf %add3A_869, %get3A_871 : vector<16xf32>
    %get3A_873 = arith.constant 7936 : index
    %get3A_874 = tpu.vector_load %arg6[%get3A_873] {strides = array<i32>} : memref<10240xf32, #tpu.memory_space<vmem>>, vector<16xf32>,
    %add3A_875 = arith.addf %add3A_872, %get3A_874 : vector<16xf32>
    %get3A_876 = arith.constant 8576 : index
    %get3A_877 = tpu.vector_load %arg6[%get3A_876] {strides = array<i32>} : memref<10240xf32, #tpu.memory_space<vmem>>, vector<16xf32>,
    %add3A_878 = arith.addf %add3A_875, %get3A_877 : vector<16xf32>
    %get3A_879 = arith.constant 9216 : index
    %get3A_880 = tpu.vector_load %arg6[%get3A_879] {strides = array<i32>} : memref<10240xf32, #tpu.memory_space<vmem>>, vector<16xf32>,
    %add3A_881 = arith.addf %add3A_878, %get3A_880 : vector<16xf32>
    %get3A_882 = arith.constant 9856 : index
    %get3A_883 = tpu.vector_load %arg6[%get3A_882] {strides = array<i32>} : memref<10240xf32, #tpu.memory_space<vmem>>, vector<16xf32>,
    %add3A_884 = arith.addf %add3A_881, %get3A_883 : vector<16xf32>
    %swap3A_885 = arith.constant 256 : index
    %swap3A_886 = tpu.vector_load %arg7[%swap3A_885] {strides = array<i32>} : memref<640xf32, #tpu.memory_space<vmem>>, vector<16xf32>,
    tpu.vector_store %arg7[%swap3A_885], %add3A_884 {strides = array<i32>} : memref<640xf32, #tpu.memory_space<vmem>>, vector<16xf32>,
    %get3A_887 = arith.constant 272 : index
    %get3A_888 = tpu.vector_load %arg6[%get3A_887] {strides = array<i32>} : memref<10240xf32, #tpu.memory_space<vmem>>, vector<16xf32>,
    %get3A_889 = arith.constant 912 : index
    %get3A_890 = tpu.vector_load %arg6[%get3A_889] {strides = array<i32>} : memref<10240xf32, #tpu.memory_space<vmem>>, vector<16xf32>,
    %add3A_891 = arith.addf %get3A_888, %get3A_890 : vector<16xf32>
    %get3A_892 = arith.constant 1552 : index
    %get3A_893 = tpu.vector_load %arg6[%get3A_892] {strides = array<i32>} : memref<10240xf32, #tpu.memory_space<vmem>>, vector<16xf32>,
    %add3A_894 = arith.addf %add3A_891, %get3A_893 : vector<16xf32>
    %get3A_895 = arith.constant 2192 : index
    %get3A_896 = tpu.vector_load %arg6[%get3A_895] {strides = array<i32>} : memref<10240xf32, #tpu.memory_space<vmem>>, vector<16xf32>,
    %add3A_897 = arith.addf %add3A_894, %get3A_896 : vector<16xf32>
    %get3A_898 = arith.constant 2832 : index
    %get3A_899 = tpu.vector_load %arg6[%get3A_898] {strides = array<i32>} : memref<10240xf32, #tpu.memory_space<vmem>>, vector<16xf32>,
    %add3A_900 = arith.addf %add3A_897, %get3A_899 : vector<16xf32>
    %get3A_901 = arith.constant 3472 : index
    %get3A_902 = tpu.vector_load %arg6[%get3A_901] {strides = array<i32>} : memref<10240xf32, #tpu.memory_space<vmem>>, vector<16xf32>,
    %add3A_903 = arith.addf %add3A_900, %get3A_902 : vector<16xf32>
    %get3A_904 = arith.constant 4112 : index
    %get3A_905 = tpu.vector_load %arg6[%get3A_904] {strides = array<i32>} : memref<10240xf32, #tpu.memory_space<vmem>>, vector<16xf32>,
    %add3A_906 = arith.addf %add3A_903, %get3A_905 : vector<16xf32>
    %get3A_907 = arith.constant 4752 : index
    %get3A_908 = tpu.vector_load %arg6[%get3A_907] {strides = array<i32>} : memref<10240xf32, #tpu.memory_space<vmem>>, vector<16xf32>,
    %add3A_909 = arith.addf %add3A_906, %get3A_908 : vector<16xf32>
    %get3A_910 = arith.constant 5392 : index
    %get3A_911 = tpu.vector_load %arg6[%get3A_910] {strides = array<i32>} : memref<10240xf32, #tpu.memory_space<vmem>>, vector<16xf32>,
    %add3A_912 = arith.addf %add3A_909, %get3A_911 : vector<16xf32>
    %get3A_913 = arith.constant 6032 : index
    %get3A_914 = tpu.vector_load %arg6[%get3A_913] {strides = array<i32>} : memref<10240xf32, #tpu.memory_space<vmem>>, vector<16xf32>,
    %add3A_915 = arith.addf %add3A_912, %get3A_914 : vector<16xf32>
    %get3A_916 = arith.constant 6672 : index
    %get3A_917 = tpu.vector_load %arg6[%get3A_916] {strides = array<i32>} : memref<10240xf32, #tpu.memory_space<vmem>>, vector<16xf32>,
    %add3A_918 = arith.addf %add3A_915, %get3A_917 : vector<16xf32>
    %get3A_919 = arith.constant 7312 : index
    %get3A_920 = tpu.vector_load %arg6[%get3A_919] {strides = array<i32>} : memref<10240xf32, #tpu.memory_space<vmem>>, vector<16xf32>,
    %add3A_921 = arith.addf %add3A_918, %get3A_920 : vector<16xf32>
    %get3A_922 = arith.constant 7952 : index
    %get3A_923 = tpu.vector_load %arg6[%get3A_922] {strides = array<i32>} : memref<10240xf32, #tpu.memory_space<vmem>>, vector<16xf32>,
    %add3A_924 = arith.addf %add3A_921, %get3A_923 : vector<16xf32>
    %get3A_925 = arith.constant 8592 : index
    %get3A_926 = tpu.vector_load %arg6[%get3A_925] {strides = array<i32>} : memref<10240xf32, #tpu.memory_space<vmem>>, vector<16xf32>,
    %add3A_927 = arith.addf %add3A_924, %get3A_926 : vector<16xf32>
    %get3A_928 = arith.constant 9232 : index
    %get3A_929 = tpu.vector_load %arg6[%get3A_928] {strides = array<i32>} : memref<10240xf32, #tpu.memory_space<vmem>>, vector<16xf32>,
    %add3A_930 = arith.addf %add3A_927, %get3A_929 : vector<16xf32>
    %get3A_931 = arith.constant 9872 : index
    %get3A_932 = tpu.vector_load %arg6[%get3A_931] {strides = array<i32>} : memref<10240xf32, #tpu.memory_space<vmem>>, vector<16xf32>,
    %add3A_933 = arith.addf %add3A_930, %get3A_932 : vector<16xf32>
    %swap3A_934 = arith.constant 272 : index
    %swap3A_935 = tpu.vector_load %arg7[%swap3A_934] {strides = array<i32>} : memref<640xf32, #tpu.memory_space<vmem>>, vector<16xf32>,
    tpu.vector_store %arg7[%swap3A_934], %add3A_933 {strides = array<i32>} : memref<640xf32, #tpu.memory_space<vmem>>, vector<16xf32>,
    %get3A_936 = arith.constant 288 : index
    %get3A_937 = tpu.vector_load %arg6[%get3A_936] {strides = array<i32>} : memref<10240xf32, #tpu.memory_space<vmem>>, vector<16xf32>,
    %get3A_938 = arith.constant 928 : index
    %get3A_939 = tpu.vector_load %arg6[%get3A_938] {strides = array<i32>} : memref<10240xf32, #tpu.memory_space<vmem>>, vector<16xf32>,
    %add3A_940 = arith.addf %get3A_937, %get3A_939 : vector<16xf32>
    %get3A_941 = arith.constant 1568 : index
    %get3A_942 = tpu.vector_load %arg6[%get3A_941] {strides = array<i32>} : memref<10240xf32, #tpu.memory_space<vmem>>, vector<16xf32>,
    %add3A_943 = arith.addf %add3A_940, %get3A_942 : vector<16xf32>
    %get3A_944 = arith.constant 2208 : index
    %get3A_945 = tpu.vector_load %arg6[%get3A_944] {strides = array<i32>} : memref<10240xf32, #tpu.memory_space<vmem>>, vector<16xf32>,
    %add3A_946 = arith.addf %add3A_943, %get3A_945 : vector<16xf32>
    %get3A_947 = arith.constant 2848 : index
    %get3A_948 = tpu.vector_load %arg6[%get3A_947] {strides = array<i32>} : memref<10240xf32, #tpu.memory_space<vmem>>, vector<16xf32>,
    %add3A_949 = arith.addf %add3A_946, %get3A_948 : vector<16xf32>
    %get3A_950 = arith.constant 3488 : index
    %get3A_951 = tpu.vector_load %arg6[%get3A_950] {strides = array<i32>} : memref<10240xf32, #tpu.memory_space<vmem>>, vector<16xf32>,
    %add3A_952 = arith.addf %add3A_949, %get3A_951 : vector<16xf32>
    %get3A_953 = arith.constant 4128 : index
    %get3A_954 = tpu.vector_load %arg6[%get3A_953] {strides = array<i32>} : memref<10240xf32, #tpu.memory_space<vmem>>, vector<16xf32>,
    %add3A_955 = arith.addf %add3A_952, %get3A_954 : vector<16xf32>
    %get3A_956 = arith.constant 4768 : index
    %get3A_957 = tpu.vector_load %arg6[%get3A_956] {strides = array<i32>} : memref<10240xf32, #tpu.memory_space<vmem>>, vector<16xf32>,
    %add3A_958 = arith.addf %add3A_955, %get3A_957 : vector<16xf32>
    %get3A_959 = arith.constant 5408 : index
    %get3A_960 = tpu.vector_load %arg6[%get3A_959] {strides = array<i32>} : memref<10240xf32, #tpu.memory_space<vmem>>, vector<16xf32>,
    %add3A_961 = arith.addf %add3A_958, %get3A_960 : vector<16xf32>
    %get3A_962 = arith.constant 6048 : index
    %get3A_963 = tpu.vector_load %arg6[%get3A_962] {strides = array<i32>} : memref<10240xf32, #tpu.memory_space<vmem>>, vector<16xf32>,
    %add3A_964 = arith.addf %add3A_961, %get3A_963 : vector<16xf32>
    %get3A_965 = arith.constant 6688 : index
    %get3A_966 = tpu.vector_load %arg6[%get3A_965] {strides = array<i32>} : memref<10240xf32, #tpu.memory_space<vmem>>, vector<16xf32>,
    %add3A_967 = arith.addf %add3A_964, %get3A_966 : vector<16xf32>
    %get3A_968 = arith.constant 7328 : index
    %get3A_969 = tpu.vector_load %arg6[%get3A_968] {strides = array<i32>} : memref<10240xf32, #tpu.memory_space<vmem>>, vector<16xf32>,
    %add3A_970 = arith.addf %add3A_967, %get3A_969 : vector<16xf32>
    %get3A_971 = arith.constant 7968 : index
    %get3A_972 = tpu.vector_load %arg6[%get3A_971] {strides = array<i32>} : memref<10240xf32, #tpu.memory_space<vmem>>, vector<16xf32>,
    %add3A_973 = arith.addf %add3A_970, %get3A_972 : vector<16xf32>
    %get3A_974 = arith.constant 8608 : index
    %get3A_975 = tpu.vector_load %arg6[%get3A_974] {strides = array<i32>} : memref<10240xf32, #tpu.memory_space<vmem>>, vector<16xf32>,
    %add3A_976 = arith.addf %add3A_973, %get3A_975 : vector<16xf32>
    %get3A_977 = arith.constant 9248 : index
    %get3A_978 = tpu.vector_load %arg6[%get3A_977] {strides = array<i32>} : memref<10240xf32, #tpu.memory_space<vmem>>, vector<16xf32>,
    %add3A_979 = arith.addf %add3A_976, %get3A_978 : vector<16xf32>
    %get3A_980 = arith.constant 9888 : index
    %get3A_981 = tpu.vector_load %arg6[%get3A_980] {strides = array<i32>} : memref<10240xf32, #tpu.memory_space<vmem>>, vector<16xf32>,
    %add3A_982 = arith.addf %add3A_979, %get3A_981 : vector<16xf32>
    %swap3A_983 = arith.constant 288 : index
    %swap3A_984 = tpu.vector_load %arg7[%swap3A_983] {strides = array<i32>} : memref<640xf32, #tpu.memory_space<vmem>>, vector<16xf32>,
    tpu.vector_store %arg7[%swap3A_983], %add3A_982 {strides = array<i32>} : memref<640xf32, #tpu.memory_space<vmem>>, vector<16xf32>,
    %get3A_985 = arith.constant 304 : index
    %get3A_986 = tpu.vector_load %arg6[%get3A_985] {strides = array<i32>} : memref<10240xf32, #tpu.memory_space<vmem>>, vector<16xf32>,
    %get3A_987 = arith.constant 944 : index
    %get3A_988 = tpu.vector_load %arg6[%get3A_987] {strides = array<i32>} : memref<10240xf32, #tpu.memory_space<vmem>>, vector<16xf32>,
    %add3A_989 = arith.addf %get3A_986, %get3A_988 : vector<16xf32>
    %get3A_990 = arith.constant 1584 : index
    %get3A_991 = tpu.vector_load %arg6[%get3A_990] {strides = array<i32>} : memref<10240xf32, #tpu.memory_space<vmem>>, vector<16xf32>,
    %add3A_992 = arith.addf %add3A_989, %get3A_991 : vector<16xf32>
    %get3A_993 = arith.constant 2224 : index
    %get3A_994 = tpu.vector_load %arg6[%get3A_993] {strides = array<i32>} : memref<10240xf32, #tpu.memory_space<vmem>>, vector<16xf32>,
    %add3A_995 = arith.addf %add3A_992, %get3A_994 : vector<16xf32>
    %get3A_996 = arith.constant 2864 : index
    %get3A_997 = tpu.vector_load %arg6[%get3A_996] {strides = array<i32>} : memref<10240xf32, #tpu.memory_space<vmem>>, vector<16xf32>,
    %add3A_998 = arith.addf %add3A_995, %get3A_997 : vector<16xf32>
    %get3A_999 = arith.constant 3504 : index
    %get3A_1000 = tpu.vector_load %arg6[%get3A_999] {strides = array<i32>} : memref<10240xf32, #tpu.memory_space<vmem>>, vector<16xf32>,
    %add3A_1001 = arith.addf %add3A_998, %get3A_1000 : vector<16xf32>
    %get3A_1002 = arith.constant 4144 : index
    %get3A_1003 = tpu.vector_load %arg6[%get3A_1002] {strides = array<i32>} : memref<10240xf32, #tpu.memory_space<vmem>>, vector<16xf32>,
    %add3A_1004 = arith.addf %add3A_1001, %get3A_1003 : vector<16xf32>
    %get3A_1005 = arith.constant 4784 : index
    %get3A_1006 = tpu.vector_load %arg6[%get3A_1005] {strides = array<i32>} : memref<10240xf32, #tpu.memory_space<vmem>>, vector<16xf32>,
    %add3A_1007 = arith.addf %add3A_1004, %get3A_1006 : vector<16xf32>
    %get3A_1008 = arith.constant 5424 : index
    %get3A_1009 = tpu.vector_load %arg6[%get3A_1008] {strides = array<i32>} : memref<10240xf32, #tpu.memory_space<vmem>>, vector<16xf32>,
    %add3A_1010 = arith.addf %add3A_1007, %get3A_1009 : vector<16xf32>
    %get3A_1011 = arith.constant 6064 : index
    %get3A_1012 = tpu.vector_load %arg6[%get3A_1011] {strides = array<i32>} : memref<10240xf32, #tpu.memory_space<vmem>>, vector<16xf32>,
    %add3A_1013 = arith.addf %add3A_1010, %get3A_1012 : vector<16xf32>
    %get3A_1014 = arith.constant 6704 : index
    %get3A_1015 = tpu.vector_load %arg6[%get3A_1014] {strides = array<i32>} : memref<10240xf32, #tpu.memory_space<vmem>>, vector<16xf32>,
    %add3A_1016 = arith.addf %add3A_1013, %get3A_1015 : vector<16xf32>
    %get3A_1017 = arith.constant 7344 : index
    %get3A_1018 = tpu.vector_load %arg6[%get3A_1017] {strides = array<i32>} : memref<10240xf32, #tpu.memory_space<vmem>>, vector<16xf32>,
    %add3A_1019 = arith.addf %add3A_1016, %get3A_1018 : vector<16xf32>
    %get3A_1020 = arith.constant 7984 : index
    %get3A_1021 = tpu.vector_load %arg6[%get3A_1020] {strides = array<i32>} : memref<10240xf32, #tpu.memory_space<vmem>>, vector<16xf32>,
    %add3A_1022 = arith.addf %add3A_1019, %get3A_1021 : vector<16xf32>
    %get3A_1023 = arith.constant 8624 : index
    %get3A_1024 = tpu.vector_load %arg6[%get3A_1023] {strides = array<i32>} : memref<10240xf32, #tpu.memory_space<vmem>>, vector<16xf32>,
    %add3A_1025 = arith.addf %add3A_1022, %get3A_1024 : vector<16xf32>
    %get3A_1026 = arith.constant 9264 : index
    %get3A_1027 = tpu.vector_load %arg6[%get3A_1026] {strides = array<i32>} : memref<10240xf32, #tpu.memory_space<vmem>>, vector<16xf32>,
    %add3A_1028 = arith.addf %add3A_1025, %get3A_1027 : vector<16xf32>
    %get3A_1029 = arith.constant 9904 : index
    %get3A_1030 = tpu.vector_load %arg6[%get3A_1029] {strides = array<i32>} : memref<10240xf32, #tpu.memory_space<vmem>>, vector<16xf32>,
    %add3A_1031 = arith.addf %add3A_1028, %get3A_1030 : vector<16xf32>
    %swap3A_1032 = arith.constant 304 : index
    %swap3A_1033 = tpu.vector_load %arg7[%swap3A_1032] {strides = array<i32>} : memref<640xf32, #tpu.memory_space<vmem>>, vector<16xf32>,
    tpu.vector_store %arg7[%swap3A_1032], %add3A_1031 {strides = array<i32>} : memref<640xf32, #tpu.memory_space<vmem>>, vector<16xf32>,
    %get3A_1034 = arith.constant 320 : index
    %get3A_1035 = tpu.vector_load %arg6[%get3A_1034] {strides = array<i32>} : memref<10240xf32, #tpu.memory_space<vmem>>, vector<16xf32>,
    %get3A_1036 = arith.constant 960 : index
    %get3A_1037 = tpu.vector_load %arg6[%get3A_1036] {strides = array<i32>} : memref<10240xf32, #tpu.memory_space<vmem>>, vector<16xf32>,
    %add3A_1038 = arith.addf %get3A_1035, %get3A_1037 : vector<16xf32>
    %get3A_1039 = arith.constant 1600 : index
    %get3A_1040 = tpu.vector_load %arg6[%get3A_1039] {strides = array<i32>} : memref<10240xf32, #tpu.memory_space<vmem>>, vector<16xf32>,
    %add3A_1041 = arith.addf %add3A_1038, %get3A_1040 : vector<16xf32>
    %get3A_1042 = arith.constant 2240 : index
    %get3A_1043 = tpu.vector_load %arg6[%get3A_1042] {strides = array<i32>} : memref<10240xf32, #tpu.memory_space<vmem>>, vector<16xf32>,
    %add3A_1044 = arith.addf %add3A_1041, %get3A_1043 : vector<16xf32>
    %get3A_1045 = arith.constant 2880 : index
    %get3A_1046 = tpu.vector_load %arg6[%get3A_1045] {strides = array<i32>} : memref<10240xf32, #tpu.memory_space<vmem>>, vector<16xf32>,
    %add3A_1047 = arith.addf %add3A_1044, %get3A_1046 : vector<16xf32>
    %get3A_1048 = arith.constant 3520 : index
    %get3A_1049 = tpu.vector_load %arg6[%get3A_1048] {strides = array<i32>} : memref<10240xf32, #tpu.memory_space<vmem>>, vector<16xf32>,
    %add3A_1050 = arith.addf %add3A_1047, %get3A_1049 : vector<16xf32>
    %get3A_1051 = arith.constant 4160 : index
    %get3A_1052 = tpu.vector_load %arg6[%get3A_1051] {strides = array<i32>} : memref<10240xf32, #tpu.memory_space<vmem>>, vector<16xf32>,
    %add3A_1053 = arith.addf %add3A_1050, %get3A_1052 : vector<16xf32>
    %get3A_1054 = arith.constant 4800 : index
    %get3A_1055 = tpu.vector_load %arg6[%get3A_1054] {strides = array<i32>} : memref<10240xf32, #tpu.memory_space<vmem>>, vector<16xf32>,
    %add3A_1056 = arith.addf %add3A_1053, %get3A_1055 : vector<16xf32>
    %get3A_1057 = arith.constant 5440 : index
    %get3A_1058 = tpu.vector_load %arg6[%get3A_1057] {strides = array<i32>} : memref<10240xf32, #tpu.memory_space<vmem>>, vector<16xf32>,
    %add3A_1059 = arith.addf %add3A_1056, %get3A_1058 : vector<16xf32>
    %get3A_1060 = arith.constant 6080 : index
    %get3A_1061 = tpu.vector_load %arg6[%get3A_1060] {strides = array<i32>} : memref<10240xf32, #tpu.memory_space<vmem>>, vector<16xf32>,
    %add3A_1062 = arith.addf %add3A_1059, %get3A_1061 : vector<16xf32>
    %get3A_1063 = arith.constant 6720 : index
    %get3A_1064 = tpu.vector_load %arg6[%get3A_1063] {strides = array<i32>} : memref<10240xf32, #tpu.memory_space<vmem>>, vector<16xf32>,
    %add3A_1065 = arith.addf %add3A_1062, %get3A_1064 : vector<16xf32>
    %get3A_1066 = arith.constant 7360 : index
    %get3A_1067 = tpu.vector_load %arg6[%get3A_1066] {strides = array<i32>} : memref<10240xf32, #tpu.memory_space<vmem>>, vector<16xf32>,
    %add3A_1068 = arith.addf %add3A_1065, %get3A_1067 : vector<16xf32>
    %get3A_1069 = arith.constant 8000 : index
    %get3A_1070 = tpu.vector_load %arg6[%get3A_1069] {strides = array<i32>} : memref<10240xf32, #tpu.memory_space<vmem>>, vector<16xf32>,
    %add3A_1071 = arith.addf %add3A_1068, %get3A_1070 : vector<16xf32>
    %get3A_1072 = arith.constant 8640 : index
    %get3A_1073 = tpu.vector_load %arg6[%get3A_1072] {strides = array<i32>} : memref<10240xf32, #tpu.memory_space<vmem>>, vector<16xf32>,
    %add3A_1074 = arith.addf %add3A_1071, %get3A_1073 : vector<16xf32>
    %get3A_1075 = arith.constant 9280 : index
    %get3A_1076 = tpu.vector_load %arg6[%get3A_1075] {strides = array<i32>} : memref<10240xf32, #tpu.memory_space<vmem>>, vector<16xf32>,
    %add3A_1077 = arith.addf %add3A_1074, %get3A_1076 : vector<16xf32>
    %get3A_1078 = arith.constant 9920 : index
    %get3A_1079 = tpu.vector_load %arg6[%get3A_1078] {strides = array<i32>} : memref<10240xf32, #tpu.memory_space<vmem>>, vector<16xf32>,
    %add3A_1080 = arith.addf %add3A_1077, %get3A_1079 : vector<16xf32>
    %swap3A_1081 = arith.constant 320 : index
    %swap3A_1082 = tpu.vector_load %arg7[%swap3A_1081] {strides = array<i32>} : memref<640xf32, #tpu.memory_space<vmem>>, vector<16xf32>,
    tpu.vector_store %arg7[%swap3A_1081], %add3A_1080 {strides = array<i32>} : memref<640xf32, #tpu.memory_space<vmem>>, vector<16xf32>,
    %get3A_1083 = arith.constant 336 : index
    %get3A_1084 = tpu.vector_load %arg6[%get3A_1083] {strides = array<i32>} : memref<10240xf32, #tpu.memory_space<vmem>>, vector<16xf32>,
    %get3A_1085 = arith.constant 976 : index
    %get3A_1086 = tpu.vector_load %arg6[%get3A_1085] {strides = array<i32>} : memref<10240xf32, #tpu.memory_space<vmem>>, vector<16xf32>,
    %add3A_1087 = arith.addf %get3A_1084, %get3A_1086 : vector<16xf32>
    %get3A_1088 = arith.constant 1616 : index
    %get3A_1089 = tpu.vector_load %arg6[%get3A_1088] {strides = array<i32>} : memref<10240xf32, #tpu.memory_space<vmem>>, vector<16xf32>,
    %add3A_1090 = arith.addf %add3A_1087, %get3A_1089 : vector<16xf32>
    %get3A_1091 = arith.constant 2256 : index
    %get3A_1092 = tpu.vector_load %arg6[%get3A_1091] {strides = array<i32>} : memref<10240xf32, #tpu.memory_space<vmem>>, vector<16xf32>,
    %add3A_1093 = arith.addf %add3A_1090, %get3A_1092 : vector<16xf32>
    %get3A_1094 = arith.constant 2896 : index
    %get3A_1095 = tpu.vector_load %arg6[%get3A_1094] {strides = array<i32>} : memref<10240xf32, #tpu.memory_space<vmem>>, vector<16xf32>,
    %add3A_1096 = arith.addf %add3A_1093, %get3A_1095 : vector<16xf32>
    %get3A_1097 = arith.constant 3536 : index
    %get3A_1098 = tpu.vector_load %arg6[%get3A_1097] {strides = array<i32>} : memref<10240xf32, #tpu.memory_space<vmem>>, vector<16xf32>,
    %add3A_1099 = arith.addf %add3A_1096, %get3A_1098 : vector<16xf32>
    %get3A_1100 = arith.constant 4176 : index
    %get3A_1101 = tpu.vector_load %arg6[%get3A_1100] {strides = array<i32>} : memref<10240xf32, #tpu.memory_space<vmem>>, vector<16xf32>,
    %add3A_1102 = arith.addf %add3A_1099, %get3A_1101 : vector<16xf32>
    %get3A_1103 = arith.constant 4816 : index
    %get3A_1104 = tpu.vector_load %arg6[%get3A_1103] {strides = array<i32>} : memref<10240xf32, #tpu.memory_space<vmem>>, vector<16xf32>,
    %add3A_1105 = arith.addf %add3A_1102, %get3A_1104 : vector<16xf32>
    %get3A_1106 = arith.constant 5456 : index
    %get3A_1107 = tpu.vector_load %arg6[%get3A_1106] {strides = array<i32>} : memref<10240xf32, #tpu.memory_space<vmem>>, vector<16xf32>,
    %add3A_1108 = arith.addf %add3A_1105, %get3A_1107 : vector<16xf32>
    %get3A_1109 = arith.constant 6096 : index
    %get3A_1110 = tpu.vector_load %arg6[%get3A_1109] {strides = array<i32>} : memref<10240xf32, #tpu.memory_space<vmem>>, vector<16xf32>,
    %add3A_1111 = arith.addf %add3A_1108, %get3A_1110 : vector<16xf32>
    %get3A_1112 = arith.constant 6736 : index
    %get3A_1113 = tpu.vector_load %arg6[%get3A_1112] {strides = array<i32>} : memref<10240xf32, #tpu.memory_space<vmem>>, vector<16xf32>,
    %add3A_1114 = arith.addf %add3A_1111, %get3A_1113 : vector<16xf32>
    %get3A_1115 = arith.constant 7376 : index
    %get3A_1116 = tpu.vector_load %arg6[%get3A_1115] {strides = array<i32>} : memref<10240xf32, #tpu.memory_space<vmem>>, vector<16xf32>,
    %add3A_1117 = arith.addf %add3A_1114, %get3A_1116 : vector<16xf32>
    %get3A_1118 = arith.constant 8016 : index
    %get3A_1119 = tpu.vector_load %arg6[%get3A_1118] {strides = array<i32>} : memref<10240xf32, #tpu.memory_space<vmem>>, vector<16xf32>,
    %add3A_1120 = arith.addf %add3A_1117, %get3A_1119 : vector<16xf32>
    %get3A_1121 = arith.constant 8656 : index
    %get3A_1122 = tpu.vector_load %arg6[%get3A_1121] {strides = array<i32>} : memref<10240xf32, #tpu.memory_space<vmem>>, vector<16xf32>,
    %add3A_1123 = arith.addf %add3A_1120, %get3A_1122 : vector<16xf32>
    %get3A_1124 = arith.constant 9296 : index
    %get3A_1125 = tpu.vector_load %arg6[%get3A_1124] {strides = array<i32>} : memref<10240xf32, #tpu.memory_space<vmem>>, vector<16xf32>,
    %add3A_1126 = arith.addf %add3A_1123, %get3A_1125 : vector<16xf32>
    %get3A_1127 = arith.constant 9936 : index
    %get3A_1128 = tpu.vector_load %arg6[%get3A_1127] {strides = array<i32>} : memref<10240xf32, #tpu.memory_space<vmem>>, vector<16xf32>,
    %add3A_1129 = arith.addf %add3A_1126, %get3A_1128 : vector<16xf32>
    %swap3A_1130 = arith.constant 336 : index
    %swap3A_1131 = tpu.vector_load %arg7[%swap3A_1130] {strides = array<i32>} : memref<640xf32, #tpu.memory_space<vmem>>, vector<16xf32>,
    tpu.vector_store %arg7[%swap3A_1130], %add3A_1129 {strides = array<i32>} : memref<640xf32, #tpu.memory_space<vmem>>, vector<16xf32>,
    %get3A_1132 = arith.constant 352 : index
    %get3A_1133 = tpu.vector_load %arg6[%get3A_1132] {strides = array<i32>} : memref<10240xf32, #tpu.memory_space<vmem>>, vector<16xf32>,
    %get3A_1134 = arith.constant 992 : index
    %get3A_1135 = tpu.vector_load %arg6[%get3A_1134] {strides = array<i32>} : memref<10240xf32, #tpu.memory_space<vmem>>, vector<16xf32>,
    %add3A_1136 = arith.addf %get3A_1133, %get3A_1135 : vector<16xf32>
    %get3A_1137 = arith.constant 1632 : index
    %get3A_1138 = tpu.vector_load %arg6[%get3A_1137] {strides = array<i32>} : memref<10240xf32, #tpu.memory_space<vmem>>, vector<16xf32>,
    %add3A_1139 = arith.addf %add3A_1136, %get3A_1138 : vector<16xf32>
    %get3A_1140 = arith.constant 2272 : index
    %get3A_1141 = tpu.vector_load %arg6[%get3A_1140] {strides = array<i32>} : memref<10240xf32, #tpu.memory_space<vmem>>, vector<16xf32>,
    %add3A_1142 = arith.addf %add3A_1139, %get3A_1141 : vector<16xf32>
    %get3A_1143 = arith.constant 2912 : index
    %get3A_1144 = tpu.vector_load %arg6[%get3A_1143] {strides = array<i32>} : memref<10240xf32, #tpu.memory_space<vmem>>, vector<16xf32>,
    %add3A_1145 = arith.addf %add3A_1142, %get3A_1144 : vector<16xf32>
    %get3A_1146 = arith.constant 3552 : index
    %get3A_1147 = tpu.vector_load %arg6[%get3A_1146] {strides = array<i32>} : memref<10240xf32, #tpu.memory_space<vmem>>, vector<16xf32>,
    %add3A_1148 = arith.addf %add3A_1145, %get3A_1147 : vector<16xf32>
    %get3A_1149 = arith.constant 4192 : index
    %get3A_1150 = tpu.vector_load %arg6[%get3A_1149] {strides = array<i32>} : memref<10240xf32, #tpu.memory_space<vmem>>, vector<16xf32>,
    %add3A_1151 = arith.addf %add3A_1148, %get3A_1150 : vector<16xf32>
    %get3A_1152 = arith.constant 4832 : index
    %get3A_1153 = tpu.vector_load %arg6[%get3A_1152] {strides = array<i32>} : memref<10240xf32, #tpu.memory_space<vmem>>, vector<16xf32>,
    %add3A_1154 = arith.addf %add3A_1151, %get3A_1153 : vector<16xf32>
    %get3A_1155 = arith.constant 5472 : index
    %get3A_1156 = tpu.vector_load %arg6[%get3A_1155] {strides = array<i32>} : memref<10240xf32, #tpu.memory_space<vmem>>, vector<16xf32>,
    %add3A_1157 = arith.addf %add3A_1154, %get3A_1156 : vector<16xf32>
    %get3A_1158 = arith.constant 6112 : index
    %get3A_1159 = tpu.vector_load %arg6[%get3A_1158] {strides = array<i32>} : memref<10240xf32, #tpu.memory_space<vmem>>, vector<16xf32>,
    %add3A_1160 = arith.addf %add3A_1157, %get3A_1159 : vector<16xf32>
    %get3A_1161 = arith.constant 6752 : index
    %get3A_1162 = tpu.vector_load %arg6[%get3A_1161] {strides = array<i32>} : memref<10240xf32, #tpu.memory_space<vmem>>, vector<16xf32>,
    %add3A_1163 = arith.addf %add3A_1160, %get3A_1162 : vector<16xf32>
    %get3A_1164 = arith.constant 7392 : index
    %get3A_1165 = tpu.vector_load %arg6[%get3A_1164] {strides = array<i32>} : memref<10240xf32, #tpu.memory_space<vmem>>, vector<16xf32>,
    %add3A_1166 = arith.addf %add3A_1163, %get3A_1165 : vector<16xf32>
    %get3A_1167 = arith.constant 8032 : index
    %get3A_1168 = tpu.vector_load %arg6[%get3A_1167] {strides = array<i32>} : memref<10240xf32, #tpu.memory_space<vmem>>, vector<16xf32>,
    %add3A_1169 = arith.addf %add3A_1166, %get3A_1168 : vector<16xf32>
    %get3A_1170 = arith.constant 8672 : index
    %get3A_1171 = tpu.vector_load %arg6[%get3A_1170] {strides = array<i32>} : memref<10240xf32, #tpu.memory_space<vmem>>, vector<16xf32>,
    %add3A_1172 = arith.addf %add3A_1169, %get3A_1171 : vector<16xf32>
    %get3A_1173 = arith.constant 9312 : index
    %get3A_1174 = tpu.vector_load %arg6[%get3A_1173] {strides = array<i32>} : memref<10240xf32, #tpu.memory_space<vmem>>, vector<16xf32>,
    %add3A_1175 = arith.addf %add3A_1172, %get3A_1174 : vector<16xf32>
    %get3A_1176 = arith.constant 9952 : index
    %get3A_1177 = tpu.vector_load %arg6[%get3A_1176] {strides = array<i32>} : memref<10240xf32, #tpu.memory_space<vmem>>, vector<16xf32>,
    %add3A_1178 = arith.addf %add3A_1175, %get3A_1177 : vector<16xf32>
    %swap3A_1179 = arith.constant 352 : index
    %swap3A_1180 = tpu.vector_load %arg7[%swap3A_1179] {strides = array<i32>} : memref<640xf32, #tpu.memory_space<vmem>>, vector<16xf32>,
    tpu.vector_store %arg7[%swap3A_1179], %add3A_1178 {strides = array<i32>} : memref<640xf32, #tpu.memory_space<vmem>>, vector<16xf32>,
    %get3A_1181 = arith.constant 368 : index
    %get3A_1182 = tpu.vector_load %arg6[%get3A_1181] {strides = array<i32>} : memref<10240xf32, #tpu.memory_space<vmem>>, vector<16xf32>,
    %get3A_1183 = arith.constant 1008 : index
    %get3A_1184 = tpu.vector_load %arg6[%get3A_1183] {strides = array<i32>} : memref<10240xf32, #tpu.memory_space<vmem>>, vector<16xf32>,
    %add3A_1185 = arith.addf %get3A_1182, %get3A_1184 : vector<16xf32>
    %get3A_1186 = arith.constant 1648 : index
    %get3A_1187 = tpu.vector_load %arg6[%get3A_1186] {strides = array<i32>} : memref<10240xf32, #tpu.memory_space<vmem>>, vector<16xf32>,
    %add3A_1188 = arith.addf %add3A_1185, %get3A_1187 : vector<16xf32>
    %get3A_1189 = arith.constant 2288 : index
    %get3A_1190 = tpu.vector_load %arg6[%get3A_1189] {strides = array<i32>} : memref<10240xf32, #tpu.memory_space<vmem>>, vector<16xf32>,
    %add3A_1191 = arith.addf %add3A_1188, %get3A_1190 : vector<16xf32>
    %get3A_1192 = arith.constant 2928 : index
    %get3A_1193 = tpu.vector_load %arg6[%get3A_1192] {strides = array<i32>} : memref<10240xf32, #tpu.memory_space<vmem>>, vector<16xf32>,
    %add3A_1194 = arith.addf %add3A_1191, %get3A_1193 : vector<16xf32>
    %get3A_1195 = arith.constant 3568 : index
    %get3A_1196 = tpu.vector_load %arg6[%get3A_1195] {strides = array<i32>} : memref<10240xf32, #tpu.memory_space<vmem>>, vector<16xf32>,
    %add3A_1197 = arith.addf %add3A_1194, %get3A_1196 : vector<16xf32>
    %get3A_1198 = arith.constant 4208 : index
    %get3A_1199 = tpu.vector_load %arg6[%get3A_1198] {strides = array<i32>} : memref<10240xf32, #tpu.memory_space<vmem>>, vector<16xf32>,
    %add3A_1200 = arith.addf %add3A_1197, %get3A_1199 : vector<16xf32>
    %get3A_1201 = arith.constant 4848 : index
    %get3A_1202 = tpu.vector_load %arg6[%get3A_1201] {strides = array<i32>} : memref<10240xf32, #tpu.memory_space<vmem>>, vector<16xf32>,
    %add3A_1203 = arith.addf %add3A_1200, %get3A_1202 : vector<16xf32>
    %get3A_1204 = arith.constant 5488 : index
    %get3A_1205 = tpu.vector_load %arg6[%get3A_1204] {strides = array<i32>} : memref<10240xf32, #tpu.memory_space<vmem>>, vector<16xf32>,
    %add3A_1206 = arith.addf %add3A_1203, %get3A_1205 : vector<16xf32>
    %get3A_1207 = arith.constant 6128 : index
    %get3A_1208 = tpu.vector_load %arg6[%get3A_1207] {strides = array<i32>} : memref<10240xf32, #tpu.memory_space<vmem>>, vector<16xf32>,
    %add3A_1209 = arith.addf %add3A_1206, %get3A_1208 : vector<16xf32>
    %get3A_1210 = arith.constant 6768 : index
    %get3A_1211 = tpu.vector_load %arg6[%get3A_1210] {strides = array<i32>} : memref<10240xf32, #tpu.memory_space<vmem>>, vector<16xf32>,
    %add3A_1212 = arith.addf %add3A_1209, %get3A_1211 : vector<16xf32>
    %get3A_1213 = arith.constant 7408 : index
    %get3A_1214 = tpu.vector_load %arg6[%get3A_1213] {strides = array<i32>} : memref<10240xf32, #tpu.memory_space<vmem>>, vector<16xf32>,
    %add3A_1215 = arith.addf %add3A_1212, %get3A_1214 : vector<16xf32>
    %get3A_1216 = arith.constant 8048 : index
    %get3A_1217 = tpu.vector_load %arg6[%get3A_1216] {strides = array<i32>} : memref<10240xf32, #tpu.memory_space<vmem>>, vector<16xf32>,
    %add3A_1218 = arith.addf %add3A_1215, %get3A_1217 : vector<16xf32>
    %get3A_1219 = arith.constant 8688 : index
    %get3A_1220 = tpu.vector_load %arg6[%get3A_1219] {strides = array<i32>} : memref<10240xf32, #tpu.memory_space<vmem>>, vector<16xf32>,
    %add3A_1221 = arith.addf %add3A_1218, %get3A_1220 : vector<16xf32>
    %get3A_1222 = arith.constant 9328 : index
    %get3A_1223 = tpu.vector_load %arg6[%get3A_1222] {strides = array<i32>} : memref<10240xf32, #tpu.memory_space<vmem>>, vector<16xf32>,
    %add3A_1224 = arith.addf %add3A_1221, %get3A_1223 : vector<16xf32>
    %get3A_1225 = arith.constant 9968 : index
    %get3A_1226 = tpu.vector_load %arg6[%get3A_1225] {strides = array<i32>} : memref<10240xf32, #tpu.memory_space<vmem>>, vector<16xf32>,
    %add3A_1227 = arith.addf %add3A_1224, %get3A_1226 : vector<16xf32>
    %swap3A_1228 = arith.constant 368 : index
    %swap3A_1229 = tpu.vector_load %arg7[%swap3A_1228] {strides = array<i32>} : memref<640xf32, #tpu.memory_space<vmem>>, vector<16xf32>,
    tpu.vector_store %arg7[%swap3A_1228], %add3A_1227 {strides = array<i32>} : memref<640xf32, #tpu.memory_space<vmem>>, vector<16xf32>,
    %get3A_1230 = arith.constant 384 : index
    %get3A_1231 = tpu.vector_load %arg6[%get3A_1230] {strides = array<i32>} : memref<10240xf32, #tpu.memory_space<vmem>>, vector<16xf32>,
    %get3A_1232 = arith.constant 1024 : index
    %get3A_1233 = tpu.vector_load %arg6[%get3A_1232] {strides = array<i32>} : memref<10240xf32, #tpu.memory_space<vmem>>, vector<16xf32>,
    %add3A_1234 = arith.addf %get3A_1231, %get3A_1233 : vector<16xf32>
    %get3A_1235 = arith.constant 1664 : index
    %get3A_1236 = tpu.vector_load %arg6[%get3A_1235] {strides = array<i32>} : memref<10240xf32, #tpu.memory_space<vmem>>, vector<16xf32>,
    %add3A_1237 = arith.addf %add3A_1234, %get3A_1236 : vector<16xf32>
    %get3A_1238 = arith.constant 2304 : index
    %get3A_1239 = tpu.vector_load %arg6[%get3A_1238] {strides = array<i32>} : memref<10240xf32, #tpu.memory_space<vmem>>, vector<16xf32>,
    %add3A_1240 = arith.addf %add3A_1237, %get3A_1239 : vector<16xf32>
    %get3A_1241 = arith.constant 2944 : index
    %get3A_1242 = tpu.vector_load %arg6[%get3A_1241] {strides = array<i32>} : memref<10240xf32, #tpu.memory_space<vmem>>, vector<16xf32>,
    %add3A_1243 = arith.addf %add3A_1240, %get3A_1242 : vector<16xf32>
    %get3A_1244 = arith.constant 3584 : index
    %get3A_1245 = tpu.vector_load %arg6[%get3A_1244] {strides = array<i32>} : memref<10240xf32, #tpu.memory_space<vmem>>, vector<16xf32>,
    %add3A_1246 = arith.addf %add3A_1243, %get3A_1245 : vector<16xf32>
    %get3A_1247 = arith.constant 4224 : index
    %get3A_1248 = tpu.vector_load %arg6[%get3A_1247] {strides = array<i32>} : memref<10240xf32, #tpu.memory_space<vmem>>, vector<16xf32>,
    %add3A_1249 = arith.addf %add3A_1246, %get3A_1248 : vector<16xf32>
    %get3A_1250 = arith.constant 4864 : index
    %get3A_1251 = tpu.vector_load %arg6[%get3A_1250] {strides = array<i32>} : memref<10240xf32, #tpu.memory_space<vmem>>, vector<16xf32>,
    %add3A_1252 = arith.addf %add3A_1249, %get3A_1251 : vector<16xf32>
    %get3A_1253 = arith.constant 5504 : index
    %get3A_1254 = tpu.vector_load %arg6[%get3A_1253] {strides = array<i32>} : memref<10240xf32, #tpu.memory_space<vmem>>, vector<16xf32>,
    %add3A_1255 = arith.addf %add3A_1252, %get3A_1254 : vector<16xf32>
    %get3A_1256 = arith.constant 6144 : index
    %get3A_1257 = tpu.vector_load %arg6[%get3A_1256] {strides = array<i32>} : memref<10240xf32, #tpu.memory_space<vmem>>, vector<16xf32>,
    %add3A_1258 = arith.addf %add3A_1255, %get3A_1257 : vector<16xf32>
    %get3A_1259 = arith.constant 6784 : index
    %get3A_1260 = tpu.vector_load %arg6[%get3A_1259] {strides = array<i32>} : memref<10240xf32, #tpu.memory_space<vmem>>, vector<16xf32>,
    %add3A_1261 = arith.addf %add3A_1258, %get3A_1260 : vector<16xf32>
    %get3A_1262 = arith.constant 7424 : index
    %get3A_1263 = tpu.vector_load %arg6[%get3A_1262] {strides = array<i32>} : memref<10240xf32, #tpu.memory_space<vmem>>, vector<16xf32>,
    %add3A_1264 = arith.addf %add3A_1261, %get3A_1263 : vector<16xf32>
    %get3A_1265 = arith.constant 8064 : index
    %get3A_1266 = tpu.vector_load %arg6[%get3A_1265] {strides = array<i32>} : memref<10240xf32, #tpu.memory_space<vmem>>, vector<16xf32>,
    %add3A_1267 = arith.addf %add3A_1264, %get3A_1266 : vector<16xf32>
    %get3A_1268 = arith.constant 8704 : index
    %get3A_1269 = tpu.vector_load %arg6[%get3A_1268] {strides = array<i32>} : memref<10240xf32, #tpu.memory_space<vmem>>, vector<16xf32>,
    %add3A_1270 = arith.addf %add3A_1267, %get3A_1269 : vector<16xf32>
    %get3A_1271 = arith.constant 9344 : index
    %get3A_1272 = tpu.vector_load %arg6[%get3A_1271] {strides = array<i32>} : memref<10240xf32, #tpu.memory_space<vmem>>, vector<16xf32>,
    %add3A_1273 = arith.addf %add3A_1270, %get3A_1272 : vector<16xf32>
    %get3A_1274 = arith.constant 9984 : index
    %get3A_1275 = tpu.vector_load %arg6[%get3A_1274] {strides = array<i32>} : memref<10240xf32, #tpu.memory_space<vmem>>, vector<16xf32>,
    %add3A_1276 = arith.addf %add3A_1273, %get3A_1275 : vector<16xf32>
    %swap3A_1277 = arith.constant 384 : index
    %swap3A_1278 = tpu.vector_load %arg7[%swap3A_1277] {strides = array<i32>} : memref<640xf32, #tpu.memory_space<vmem>>, vector<16xf32>,
    tpu.vector_store %arg7[%swap3A_1277], %add3A_1276 {strides = array<i32>} : memref<640xf32, #tpu.memory_space<vmem>>, vector<16xf32>,
    %get3A_1279 = arith.constant 400 : index
    %get3A_1280 = tpu.vector_load %arg6[%get3A_1279] {strides = array<i32>} : memref<10240xf32, #tpu.memory_space<vmem>>, vector<16xf32>,
    %get3A_1281 = arith.constant 1040 : index
    %get3A_1282 = tpu.vector_load %arg6[%get3A_1281] {strides = array<i32>} : memref<10240xf32, #tpu.memory_space<vmem>>, vector<16xf32>,
    %add3A_1283 = arith.addf %get3A_1280, %get3A_1282 : vector<16xf32>
    %get3A_1284 = arith.constant 1680 : index
    %get3A_1285 = tpu.vector_load %arg6[%get3A_1284] {strides = array<i32>} : memref<10240xf32, #tpu.memory_space<vmem>>, vector<16xf32>,
    %add3A_1286 = arith.addf %add3A_1283, %get3A_1285 : vector<16xf32>
    %get3A_1287 = arith.constant 2320 : index
    %get3A_1288 = tpu.vector_load %arg6[%get3A_1287] {strides = array<i32>} : memref<10240xf32, #tpu.memory_space<vmem>>, vector<16xf32>,
    %add3A_1289 = arith.addf %add3A_1286, %get3A_1288 : vector<16xf32>
    %get3A_1290 = arith.constant 2960 : index
    %get3A_1291 = tpu.vector_load %arg6[%get3A_1290] {strides = array<i32>} : memref<10240xf32, #tpu.memory_space<vmem>>, vector<16xf32>,
    %add3A_1292 = arith.addf %add3A_1289, %get3A_1291 : vector<16xf32>
    %get3A_1293 = arith.constant 3600 : index
    %get3A_1294 = tpu.vector_load %arg6[%get3A_1293] {strides = array<i32>} : memref<10240xf32, #tpu.memory_space<vmem>>, vector<16xf32>,
    %add3A_1295 = arith.addf %add3A_1292, %get3A_1294 : vector<16xf32>
    %get3A_1296 = arith.constant 4240 : index
    %get3A_1297 = tpu.vector_load %arg6[%get3A_1296] {strides = array<i32>} : memref<10240xf32, #tpu.memory_space<vmem>>, vector<16xf32>,
    %add3A_1298 = arith.addf %add3A_1295, %get3A_1297 : vector<16xf32>
    %get3A_1299 = arith.constant 4880 : index
    %get3A_1300 = tpu.vector_load %arg6[%get3A_1299] {strides = array<i32>} : memref<10240xf32, #tpu.memory_space<vmem>>, vector<16xf32>,
    %add3A_1301 = arith.addf %add3A_1298, %get3A_1300 : vector<16xf32>
    %get3A_1302 = arith.constant 5520 : index
    %get3A_1303 = tpu.vector_load %arg6[%get3A_1302] {strides = array<i32>} : memref<10240xf32, #tpu.memory_space<vmem>>, vector<16xf32>,
    %add3A_1304 = arith.addf %add3A_1301, %get3A_1303 : vector<16xf32>
    %get3A_1305 = arith.constant 6160 : index
    %get3A_1306 = tpu.vector_load %arg6[%get3A_1305] {strides = array<i32>} : memref<10240xf32, #tpu.memory_space<vmem>>, vector<16xf32>,
    %add3A_1307 = arith.addf %add3A_1304, %get3A_1306 : vector<16xf32>
    %get3A_1308 = arith.constant 6800 : index
    %get3A_1309 = tpu.vector_load %arg6[%get3A_1308] {strides = array<i32>} : memref<10240xf32, #tpu.memory_space<vmem>>, vector<16xf32>,
    %add3A_1310 = arith.addf %add3A_1307, %get3A_1309 : vector<16xf32>
    %get3A_1311 = arith.constant 7440 : index
    %get3A_1312 = tpu.vector_load %arg6[%get3A_1311] {strides = array<i32>} : memref<10240xf32, #tpu.memory_space<vmem>>, vector<16xf32>,
    %add3A_1313 = arith.addf %add3A_1310, %get3A_1312 : vector<16xf32>
    %get3A_1314 = arith.constant 8080 : index
    %get3A_1315 = tpu.vector_load %arg6[%get3A_1314] {strides = array<i32>} : memref<10240xf32, #tpu.memory_space<vmem>>, vector<16xf32>,
    %add3A_1316 = arith.addf %add3A_1313, %get3A_1315 : vector<16xf32>
    %get3A_1317 = arith.constant 8720 : index
    %get3A_1318 = tpu.vector_load %arg6[%get3A_1317] {strides = array<i32>} : memref<10240xf32, #tpu.memory_space<vmem>>, vector<16xf32>,
    %add3A_1319 = arith.addf %add3A_1316, %get3A_1318 : vector<16xf32>
    %get3A_1320 = arith.constant 9360 : index
    %get3A_1321 = tpu.vector_load %arg6[%get3A_1320] {strides = array<i32>} : memref<10240xf32, #tpu.memory_space<vmem>>, vector<16xf32>,
    %add3A_1322 = arith.addf %add3A_1319, %get3A_1321 : vector<16xf32>
    %get3A_1323 = arith.constant 10000 : index
    %get3A_1324 = tpu.vector_load %arg6[%get3A_1323] {strides = array<i32>} : memref<10240xf32, #tpu.memory_space<vmem>>, vector<16xf32>,
    %add3A_1325 = arith.addf %add3A_1322, %get3A_1324 : vector<16xf32>
    %swap3A_1326 = arith.constant 400 : index
    %swap3A_1327 = tpu.vector_load %arg7[%swap3A_1326] {strides = array<i32>} : memref<640xf32, #tpu.memory_space<vmem>>, vector<16xf32>,
    tpu.vector_store %arg7[%swap3A_1326], %add3A_1325 {strides = array<i32>} : memref<640xf32, #tpu.memory_space<vmem>>, vector<16xf32>,
    %get3A_1328 = arith.constant 416 : index
    %get3A_1329 = tpu.vector_load %arg6[%get3A_1328] {strides = array<i32>} : memref<10240xf32, #tpu.memory_space<vmem>>, vector<16xf32>,
    %get3A_1330 = arith.constant 1056 : index
    %get3A_1331 = tpu.vector_load %arg6[%get3A_1330] {strides = array<i32>} : memref<10240xf32, #tpu.memory_space<vmem>>, vector<16xf32>,
    %add3A_1332 = arith.addf %get3A_1329, %get3A_1331 : vector<16xf32>
    %get3A_1333 = arith.constant 1696 : index
    %get3A_1334 = tpu.vector_load %arg6[%get3A_1333] {strides = array<i32>} : memref<10240xf32, #tpu.memory_space<vmem>>, vector<16xf32>,
    %add3A_1335 = arith.addf %add3A_1332, %get3A_1334 : vector<16xf32>
    %get3A_1336 = arith.constant 2336 : index
    %get3A_1337 = tpu.vector_load %arg6[%get3A_1336] {strides = array<i32>} : memref<10240xf32, #tpu.memory_space<vmem>>, vector<16xf32>,
    %add3A_1338 = arith.addf %add3A_1335, %get3A_1337 : vector<16xf32>
    %get3A_1339 = arith.constant 2976 : index
    %get3A_1340 = tpu.vector_load %arg6[%get3A_1339] {strides = array<i32>} : memref<10240xf32, #tpu.memory_space<vmem>>, vector<16xf32>,
    %add3A_1341 = arith.addf %add3A_1338, %get3A_1340 : vector<16xf32>
    %get3A_1342 = arith.constant 3616 : index
    %get3A_1343 = tpu.vector_load %arg6[%get3A_1342] {strides = array<i32>} : memref<10240xf32, #tpu.memory_space<vmem>>, vector<16xf32>,
    %add3A_1344 = arith.addf %add3A_1341, %get3A_1343 : vector<16xf32>
    %get3A_1345 = arith.constant 4256 : index
    %get3A_1346 = tpu.vector_load %arg6[%get3A_1345] {strides = array<i32>} : memref<10240xf32, #tpu.memory_space<vmem>>, vector<16xf32>,
    %add3A_1347 = arith.addf %add3A_1344, %get3A_1346 : vector<16xf32>
    %get3A_1348 = arith.constant 4896 : index
    %get3A_1349 = tpu.vector_load %arg6[%get3A_1348] {strides = array<i32>} : memref<10240xf32, #tpu.memory_space<vmem>>, vector<16xf32>,
    %add3A_1350 = arith.addf %add3A_1347, %get3A_1349 : vector<16xf32>
    %get3A_1351 = arith.constant 5536 : index
    %get3A_1352 = tpu.vector_load %arg6[%get3A_1351] {strides = array<i32>} : memref<10240xf32, #tpu.memory_space<vmem>>, vector<16xf32>,
    %add3A_1353 = arith.addf %add3A_1350, %get3A_1352 : vector<16xf32>
    %get3A_1354 = arith.constant 6176 : index
    %get3A_1355 = tpu.vector_load %arg6[%get3A_1354] {strides = array<i32>} : memref<10240xf32, #tpu.memory_space<vmem>>, vector<16xf32>,
    %add3A_1356 = arith.addf %add3A_1353, %get3A_1355 : vector<16xf32>
    %get3A_1357 = arith.constant 6816 : index
    %get3A_1358 = tpu.vector_load %arg6[%get3A_1357] {strides = array<i32>} : memref<10240xf32, #tpu.memory_space<vmem>>, vector<16xf32>,
    %add3A_1359 = arith.addf %add3A_1356, %get3A_1358 : vector<16xf32>
    %get3A_1360 = arith.constant 7456 : index
    %get3A_1361 = tpu.vector_load %arg6[%get3A_1360] {strides = array<i32>} : memref<10240xf32, #tpu.memory_space<vmem>>, vector<16xf32>,
    %add3A_1362 = arith.addf %add3A_1359, %get3A_1361 : vector<16xf32>
    %get3A_1363 = arith.constant 8096 : index
    %get3A_1364 = tpu.vector_load %arg6[%get3A_1363] {strides = array<i32>} : memref<10240xf32, #tpu.memory_space<vmem>>, vector<16xf32>,
    %add3A_1365 = arith.addf %add3A_1362, %get3A_1364 : vector<16xf32>
    %get3A_1366 = arith.constant 8736 : index
    %get3A_1367 = tpu.vector_load %arg6[%get3A_1366] {strides = array<i32>} : memref<10240xf32, #tpu.memory_space<vmem>>, vector<16xf32>,
    %add3A_1368 = arith.addf %add3A_1365, %get3A_1367 : vector<16xf32>
    %get3A_1369 = arith.constant 9376 : index
    %get3A_1370 = tpu.vector_load %arg6[%get3A_1369] {strides = array<i32>} : memref<10240xf32, #tpu.memory_space<vmem>>, vector<16xf32>,
    %add3A_1371 = arith.addf %add3A_1368, %get3A_1370 : vector<16xf32>
    %get3A_1372 = arith.constant 10016 : index
    %get3A_1373 = tpu.vector_load %arg6[%get3A_1372] {strides = array<i32>} : memref<10240xf32, #tpu.memory_space<vmem>>, vector<16xf32>,
    %add3A_1374 = arith.addf %add3A_1371, %get3A_1373 : vector<16xf32>
    %swap3A_1375 = arith.constant 416 : index
    %swap3A_1376 = tpu.vector_load %arg7[%swap3A_1375] {strides = array<i32>} : memref<640xf32, #tpu.memory_space<vmem>>, vector<16xf32>,
    tpu.vector_store %arg7[%swap3A_1375], %add3A_1374 {strides = array<i32>} : memref<640xf32, #tpu.memory_space<vmem>>, vector<16xf32>,
    %get3A_1377 = arith.constant 432 : index
    %get3A_1378 = tpu.vector_load %arg6[%get3A_1377] {strides = array<i32>} : memref<10240xf32, #tpu.memory_space<vmem>>, vector<16xf32>,
    %get3A_1379 = arith.constant 1072 : index
    %get3A_1380 = tpu.vector_load %arg6[%get3A_1379] {strides = array<i32>} : memref<10240xf32, #tpu.memory_space<vmem>>, vector<16xf32>,
    %add3A_1381 = arith.addf %get3A_1378, %get3A_1380 : vector<16xf32>
    %get3A_1382 = arith.constant 1712 : index
    %get3A_1383 = tpu.vector_load %arg6[%get3A_1382] {strides = array<i32>} : memref<10240xf32, #tpu.memory_space<vmem>>, vector<16xf32>,
    %add3A_1384 = arith.addf %add3A_1381, %get3A_1383 : vector<16xf32>
    %get3A_1385 = arith.constant 2352 : index
    %get3A_1386 = tpu.vector_load %arg6[%get3A_1385] {strides = array<i32>} : memref<10240xf32, #tpu.memory_space<vmem>>, vector<16xf32>,
    %add3A_1387 = arith.addf %add3A_1384, %get3A_1386 : vector<16xf32>
    %get3A_1388 = arith.constant 2992 : index
    %get3A_1389 = tpu.vector_load %arg6[%get3A_1388] {strides = array<i32>} : memref<10240xf32, #tpu.memory_space<vmem>>, vector<16xf32>,
    %add3A_1390 = arith.addf %add3A_1387, %get3A_1389 : vector<16xf32>
    %get3A_1391 = arith.constant 3632 : index
    %get3A_1392 = tpu.vector_load %arg6[%get3A_1391] {strides = array<i32>} : memref<10240xf32, #tpu.memory_space<vmem>>, vector<16xf32>,
    %add3A_1393 = arith.addf %add3A_1390, %get3A_1392 : vector<16xf32>
    %get3A_1394 = arith.constant 4272 : index
    %get3A_1395 = tpu.vector_load %arg6[%get3A_1394] {strides = array<i32>} : memref<10240xf32, #tpu.memory_space<vmem>>, vector<16xf32>,
    %add3A_1396 = arith.addf %add3A_1393, %get3A_1395 : vector<16xf32>
    %get3A_1397 = arith.constant 4912 : index
    %get3A_1398 = tpu.vector_load %arg6[%get3A_1397] {strides = array<i32>} : memref<10240xf32, #tpu.memory_space<vmem>>, vector<16xf32>,
    %add3A_1399 = arith.addf %add3A_1396, %get3A_1398 : vector<16xf32>
    %get3A_1400 = arith.constant 5552 : index
    %get3A_1401 = tpu.vector_load %arg6[%get3A_1400] {strides = array<i32>} : memref<10240xf32, #tpu.memory_space<vmem>>, vector<16xf32>,
    %add3A_1402 = arith.addf %add3A_1399, %get3A_1401 : vector<16xf32>
    %get3A_1403 = arith.constant 6192 : index
    %get3A_1404 = tpu.vector_load %arg6[%get3A_1403] {strides = array<i32>} : memref<10240xf32, #tpu.memory_space<vmem>>, vector<16xf32>,
    %add3A_1405 = arith.addf %add3A_1402, %get3A_1404 : vector<16xf32>
    %get3A_1406 = arith.constant 6832 : index
    %get3A_1407 = tpu.vector_load %arg6[%get3A_1406] {strides = array<i32>} : memref<10240xf32, #tpu.memory_space<vmem>>, vector<16xf32>,
    %add3A_1408 = arith.addf %add3A_1405, %get3A_1407 : vector<16xf32>
    %get3A_1409 = arith.constant 7472 : index
    %get3A_1410 = tpu.vector_load %arg6[%get3A_1409] {strides = array<i32>} : memref<10240xf32, #tpu.memory_space<vmem>>, vector<16xf32>,
    %add3A_1411 = arith.addf %add3A_1408, %get3A_1410 : vector<16xf32>
    %get3A_1412 = arith.constant 8112 : index
    %get3A_1413 = tpu.vector_load %arg6[%get3A_1412] {strides = array<i32>} : memref<10240xf32, #tpu.memory_space<vmem>>, vector<16xf32>,
    %add3A_1414 = arith.addf %add3A_1411, %get3A_1413 : vector<16xf32>
    %get3A_1415 = arith.constant 8752 : index
    %get3A_1416 = tpu.vector_load %arg6[%get3A_1415] {strides = array<i32>} : memref<10240xf32, #tpu.memory_space<vmem>>, vector<16xf32>,
    %add3A_1417 = arith.addf %add3A_1414, %get3A_1416 : vector<16xf32>
    %get3A_1418 = arith.constant 9392 : index
    %get3A_1419 = tpu.vector_load %arg6[%get3A_1418] {strides = array<i32>} : memref<10240xf32, #tpu.memory_space<vmem>>, vector<16xf32>,
    %add3A_1420 = arith.addf %add3A_1417, %get3A_1419 : vector<16xf32>
    %get3A_1421 = arith.constant 10032 : index
    %get3A_1422 = tpu.vector_load %arg6[%get3A_1421] {strides = array<i32>} : memref<10240xf32, #tpu.memory_space<vmem>>, vector<16xf32>,
    %add3A_1423 = arith.addf %add3A_1420, %get3A_1422 : vector<16xf32>
    %swap3A_1424 = arith.constant 432 : index
    %swap3A_1425 = tpu.vector_load %arg7[%swap3A_1424] {strides = array<i32>} : memref<640xf32, #tpu.memory_space<vmem>>, vector<16xf32>,
    tpu.vector_store %arg7[%swap3A_1424], %add3A_1423 {strides = array<i32>} : memref<640xf32, #tpu.memory_space<vmem>>, vector<16xf32>,
    %get3A_1426 = arith.constant 448 : index
    %get3A_1427 = tpu.vector_load %arg6[%get3A_1426] {strides = array<i32>} : memref<10240xf32, #tpu.memory_space<vmem>>, vector<16xf32>,
    %get3A_1428 = arith.constant 1088 : index
    %get3A_1429 = tpu.vector_load %arg6[%get3A_1428] {strides = array<i32>} : memref<10240xf32, #tpu.memory_space<vmem>>, vector<16xf32>,
    %add3A_1430 = arith.addf %get3A_1427, %get3A_1429 : vector<16xf32>
    %get3A_1431 = arith.constant 1728 : index
    %get3A_1432 = tpu.vector_load %arg6[%get3A_1431] {strides = array<i32>} : memref<10240xf32, #tpu.memory_space<vmem>>, vector<16xf32>,
    %add3A_1433 = arith.addf %add3A_1430, %get3A_1432 : vector<16xf32>
    %get3A_1434 = arith.constant 2368 : index
    %get3A_1435 = tpu.vector_load %arg6[%get3A_1434] {strides = array<i32>} : memref<10240xf32, #tpu.memory_space<vmem>>, vector<16xf32>,
    %add3A_1436 = arith.addf %add3A_1433, %get3A_1435 : vector<16xf32>
    %get3A_1437 = arith.constant 3008 : index
    %get3A_1438 = tpu.vector_load %arg6[%get3A_1437] {strides = array<i32>} : memref<10240xf32, #tpu.memory_space<vmem>>, vector<16xf32>,
    %add3A_1439 = arith.addf %add3A_1436, %get3A_1438 : vector<16xf32>
    %get3A_1440 = arith.constant 3648 : index
    %get3A_1441 = tpu.vector_load %arg6[%get3A_1440] {strides = array<i32>} : memref<10240xf32, #tpu.memory_space<vmem>>, vector<16xf32>,
    %add3A_1442 = arith.addf %add3A_1439, %get3A_1441 : vector<16xf32>
    %get3A_1443 = arith.constant 4288 : index
    %get3A_1444 = tpu.vector_load %arg6[%get3A_1443] {strides = array<i32>} : memref<10240xf32, #tpu.memory_space<vmem>>, vector<16xf32>,
    %add3A_1445 = arith.addf %add3A_1442, %get3A_1444 : vector<16xf32>
    %get3A_1446 = arith.constant 4928 : index
    %get3A_1447 = tpu.vector_load %arg6[%get3A_1446] {strides = array<i32>} : memref<10240xf32, #tpu.memory_space<vmem>>, vector<16xf32>,
    %add3A_1448 = arith.addf %add3A_1445, %get3A_1447 : vector<16xf32>
    %get3A_1449 = arith.constant 5568 : index
    %get3A_1450 = tpu.vector_load %arg6[%get3A_1449] {strides = array<i32>} : memref<10240xf32, #tpu.memory_space<vmem>>, vector<16xf32>,
    %add3A_1451 = arith.addf %add3A_1448, %get3A_1450 : vector<16xf32>
    %get3A_1452 = arith.constant 6208 : index
    %get3A_1453 = tpu.vector_load %arg6[%get3A_1452] {strides = array<i32>} : memref<10240xf32, #tpu.memory_space<vmem>>, vector<16xf32>,
    %add3A_1454 = arith.addf %add3A_1451, %get3A_1453 : vector<16xf32>
    %get3A_1455 = arith.constant 6848 : index
    %get3A_1456 = tpu.vector_load %arg6[%get3A_1455] {strides = array<i32>} : memref<10240xf32, #tpu.memory_space<vmem>>, vector<16xf32>,
    %add3A_1457 = arith.addf %add3A_1454, %get3A_1456 : vector<16xf32>
    %get3A_1458 = arith.constant 7488 : index
    %get3A_1459 = tpu.vector_load %arg6[%get3A_1458] {strides = array<i32>} : memref<10240xf32, #tpu.memory_space<vmem>>, vector<16xf32>,
    %add3A_1460 = arith.addf %add3A_1457, %get3A_1459 : vector<16xf32>
    %get3A_1461 = arith.constant 8128 : index
    %get3A_1462 = tpu.vector_load %arg6[%get3A_1461] {strides = array<i32>} : memref<10240xf32, #tpu.memory_space<vmem>>, vector<16xf32>,
    %add3A_1463 = arith.addf %add3A_1460, %get3A_1462 : vector<16xf32>
    %get3A_1464 = arith.constant 8768 : index
    %get3A_1465 = tpu.vector_load %arg6[%get3A_1464] {strides = array<i32>} : memref<10240xf32, #tpu.memory_space<vmem>>, vector<16xf32>,
    %add3A_1466 = arith.addf %add3A_1463, %get3A_1465 : vector<16xf32>
    %get3A_1467 = arith.constant 9408 : index
    %get3A_1468 = tpu.vector_load %arg6[%get3A_1467] {strides = array<i32>} : memref<10240xf32, #tpu.memory_space<vmem>>, vector<16xf32>,
    %add3A_1469 = arith.addf %add3A_1466, %get3A_1468 : vector<16xf32>
    %get3A_1470 = arith.constant 10048 : index
    %get3A_1471 = tpu.vector_load %arg6[%get3A_1470] {strides = array<i32>} : memref<10240xf32, #tpu.memory_space<vmem>>, vector<16xf32>,
    %add3A_1472 = arith.addf %add3A_1469, %get3A_1471 : vector<16xf32>
    %swap3A_1473 = arith.constant 448 : index
    %swap3A_1474 = tpu.vector_load %arg7[%swap3A_1473] {strides = array<i32>} : memref<640xf32, #tpu.memory_space<vmem>>, vector<16xf32>,
    tpu.vector_store %arg7[%swap3A_1473], %add3A_1472 {strides = array<i32>} : memref<640xf32, #tpu.memory_space<vmem>>, vector<16xf32>,
    %get3A_1475 = arith.constant 464 : index
    %get3A_1476 = tpu.vector_load %arg6[%get3A_1475] {strides = array<i32>} : memref<10240xf32, #tpu.memory_space<vmem>>, vector<16xf32>,
    %get3A_1477 = arith.constant 1104 : index
    %get3A_1478 = tpu.vector_load %arg6[%get3A_1477] {strides = array<i32>} : memref<10240xf32, #tpu.memory_space<vmem>>, vector<16xf32>,
    %add3A_1479 = arith.addf %get3A_1476, %get3A_1478 : vector<16xf32>
    %get3A_1480 = arith.constant 1744 : index
    %get3A_1481 = tpu.vector_load %arg6[%get3A_1480] {strides = array<i32>} : memref<10240xf32, #tpu.memory_space<vmem>>, vector<16xf32>,
    %add3A_1482 = arith.addf %add3A_1479, %get3A_1481 : vector<16xf32>
    %get3A_1483 = arith.constant 2384 : index
    %get3A_1484 = tpu.vector_load %arg6[%get3A_1483] {strides = array<i32>} : memref<10240xf32, #tpu.memory_space<vmem>>, vector<16xf32>,
    %add3A_1485 = arith.addf %add3A_1482, %get3A_1484 : vector<16xf32>
    %get3A_1486 = arith.constant 3024 : index
    %get3A_1487 = tpu.vector_load %arg6[%get3A_1486] {strides = array<i32>} : memref<10240xf32, #tpu.memory_space<vmem>>, vector<16xf32>,
    %add3A_1488 = arith.addf %add3A_1485, %get3A_1487 : vector<16xf32>
    %get3A_1489 = arith.constant 3664 : index
    %get3A_1490 = tpu.vector_load %arg6[%get3A_1489] {strides = array<i32>} : memref<10240xf32, #tpu.memory_space<vmem>>, vector<16xf32>,
    %add3A_1491 = arith.addf %add3A_1488, %get3A_1490 : vector<16xf32>
    %get3A_1492 = arith.constant 4304 : index
    %get3A_1493 = tpu.vector_load %arg6[%get3A_1492] {strides = array<i32>} : memref<10240xf32, #tpu.memory_space<vmem>>, vector<16xf32>,
    %add3A_1494 = arith.addf %add3A_1491, %get3A_1493 : vector<16xf32>
    %get3A_1495 = arith.constant 4944 : index
    %get3A_1496 = tpu.vector_load %arg6[%get3A_1495] {strides = array<i32>} : memref<10240xf32, #tpu.memory_space<vmem>>, vector<16xf32>,
    %add3A_1497 = arith.addf %add3A_1494, %get3A_1496 : vector<16xf32>
    %get3A_1498 = arith.constant 5584 : index
    %get3A_1499 = tpu.vector_load %arg6[%get3A_1498] {strides = array<i32>} : memref<10240xf32, #tpu.memory_space<vmem>>, vector<16xf32>,
    %add3A_1500 = arith.addf %add3A_1497, %get3A_1499 : vector<16xf32>
    %get3A_1501 = arith.constant 6224 : index
    %get3A_1502 = tpu.vector_load %arg6[%get3A_1501] {strides = array<i32>} : memref<10240xf32, #tpu.memory_space<vmem>>, vector<16xf32>,
    %add3A_1503 = arith.addf %add3A_1500, %get3A_1502 : vector<16xf32>
    %get3A_1504 = arith.constant 6864 : index
    %get3A_1505 = tpu.vector_load %arg6[%get3A_1504] {strides = array<i32>} : memref<10240xf32, #tpu.memory_space<vmem>>, vector<16xf32>,
    %add3A_1506 = arith.addf %add3A_1503, %get3A_1505 : vector<16xf32>
    %get3A_1507 = arith.constant 7504 : index
    %get3A_1508 = tpu.vector_load %arg6[%get3A_1507] {strides = array<i32>} : memref<10240xf32, #tpu.memory_space<vmem>>, vector<16xf32>,
    %add3A_1509 = arith.addf %add3A_1506, %get3A_1508 : vector<16xf32>
    %get3A_1510 = arith.constant 8144 : index
    %get3A_1511 = tpu.vector_load %arg6[%get3A_1510] {strides = array<i32>} : memref<10240xf32, #tpu.memory_space<vmem>>, vector<16xf32>,
    %add3A_1512 = arith.addf %add3A_1509, %get3A_1511 : vector<16xf32>
    %get3A_1513 = arith.constant 8784 : index
    %get3A_1514 = tpu.vector_load %arg6[%get3A_1513] {strides = array<i32>} : memref<10240xf32, #tpu.memory_space<vmem>>, vector<16xf32>,
    %add3A_1515 = arith.addf %add3A_1512, %get3A_1514 : vector<16xf32>
    %get3A_1516 = arith.constant 9424 : index
    %get3A_1517 = tpu.vector_load %arg6[%get3A_1516] {strides = array<i32>} : memref<10240xf32, #tpu.memory_space<vmem>>, vector<16xf32>,
    %add3A_1518 = arith.addf %add3A_1515, %get3A_1517 : vector<16xf32>
    %get3A_1519 = arith.constant 10064 : index
    %get3A_1520 = tpu.vector_load %arg6[%get3A_1519] {strides = array<i32>} : memref<10240xf32, #tpu.memory_space<vmem>>, vector<16xf32>,
    %add3A_1521 = arith.addf %add3A_1518, %get3A_1520 : vector<16xf32>
    %swap3A_1522 = arith.constant 464 : index
    %swap3A_1523 = tpu.vector_load %arg7[%swap3A_1522] {strides = array<i32>} : memref<640xf32, #tpu.memory_space<vmem>>, vector<16xf32>,
    tpu.vector_store %arg7[%swap3A_1522], %add3A_1521 {strides = array<i32>} : memref<640xf32, #tpu.memory_space<vmem>>, vector<16xf32>,
    %get3A_1524 = arith.constant 480 : index
    %get3A_1525 = tpu.vector_load %arg6[%get3A_1524] {strides = array<i32>} : memref<10240xf32, #tpu.memory_space<vmem>>, vector<16xf32>,
    %get3A_1526 = arith.constant 1120 : index
    %get3A_1527 = tpu.vector_load %arg6[%get3A_1526] {strides = array<i32>} : memref<10240xf32, #tpu.memory_space<vmem>>, vector<16xf32>,
    %add3A_1528 = arith.addf %get3A_1525, %get3A_1527 : vector<16xf32>
    %get3A_1529 = arith.constant 1760 : index
    %get3A_1530 = tpu.vector_load %arg6[%get3A_1529] {strides = array<i32>} : memref<10240xf32, #tpu.memory_space<vmem>>, vector<16xf32>,
    %add3A_1531 = arith.addf %add3A_1528, %get3A_1530 : vector<16xf32>
    %get3A_1532 = arith.constant 2400 : index
    %get3A_1533 = tpu.vector_load %arg6[%get3A_1532] {strides = array<i32>} : memref<10240xf32, #tpu.memory_space<vmem>>, vector<16xf32>,
    %add3A_1534 = arith.addf %add3A_1531, %get3A_1533 : vector<16xf32>
    %get3A_1535 = arith.constant 3040 : index
    %get3A_1536 = tpu.vector_load %arg6[%get3A_1535] {strides = array<i32>} : memref<10240xf32, #tpu.memory_space<vmem>>, vector<16xf32>,
    %add3A_1537 = arith.addf %add3A_1534, %get3A_1536 : vector<16xf32>
    %get3A_1538 = arith.constant 3680 : index
    %get3A_1539 = tpu.vector_load %arg6[%get3A_1538] {strides = array<i32>} : memref<10240xf32, #tpu.memory_space<vmem>>, vector<16xf32>,
    %add3A_1540 = arith.addf %add3A_1537, %get3A_1539 : vector<16xf32>
    %get3A_1541 = arith.constant 4320 : index
    %get3A_1542 = tpu.vector_load %arg6[%get3A_1541] {strides = array<i32>} : memref<10240xf32, #tpu.memory_space<vmem>>, vector<16xf32>,
    %add3A_1543 = arith.addf %add3A_1540, %get3A_1542 : vector<16xf32>
    %get3A_1544 = arith.constant 4960 : index
    %get3A_1545 = tpu.vector_load %arg6[%get3A_1544] {strides = array<i32>} : memref<10240xf32, #tpu.memory_space<vmem>>, vector<16xf32>,
    %add3A_1546 = arith.addf %add3A_1543, %get3A_1545 : vector<16xf32>
    %get3A_1547 = arith.constant 5600 : index
    %get3A_1548 = tpu.vector_load %arg6[%get3A_1547] {strides = array<i32>} : memref<10240xf32, #tpu.memory_space<vmem>>, vector<16xf32>,
    %add3A_1549 = arith.addf %add3A_1546, %get3A_1548 : vector<16xf32>
    %get3A_1550 = arith.constant 6240 : index
    %get3A_1551 = tpu.vector_load %arg6[%get3A_1550] {strides = array<i32>} : memref<10240xf32, #tpu.memory_space<vmem>>, vector<16xf32>,
    %add3A_1552 = arith.addf %add3A_1549, %get3A_1551 : vector<16xf32>
    %get3A_1553 = arith.constant 6880 : index
    %get3A_1554 = tpu.vector_load %arg6[%get3A_1553] {strides = array<i32>} : memref<10240xf32, #tpu.memory_space<vmem>>, vector<16xf32>,
    %add3A_1555 = arith.addf %add3A_1552, %get3A_1554 : vector<16xf32>
    %get3A_1556 = arith.constant 7520 : index
    %get3A_1557 = tpu.vector_load %arg6[%get3A_1556] {strides = array<i32>} : memref<10240xf32, #tpu.memory_space<vmem>>, vector<16xf32>,
    %add3A_1558 = arith.addf %add3A_1555, %get3A_1557 : vector<16xf32>
    %get3A_1559 = arith.constant 8160 : index
    %get3A_1560 = tpu.vector_load %arg6[%get3A_1559] {strides = array<i32>} : memref<10240xf32, #tpu.memory_space<vmem>>, vector<16xf32>,
    %add3A_1561 = arith.addf %add3A_1558, %get3A_1560 : vector<16xf32>
    %get3A_1562 = arith.constant 8800 : index
    %get3A_1563 = tpu.vector_load %arg6[%get3A_1562] {strides = array<i32>} : memref<10240xf32, #tpu.memory_space<vmem>>, vector<16xf32>,
    %add3A_1564 = arith.addf %add3A_1561, %get3A_1563 : vector<16xf32>
    %get3A_1565 = arith.constant 9440 : index
    %get3A_1566 = tpu.vector_load %arg6[%get3A_1565] {strides = array<i32>} : memref<10240xf32, #tpu.memory_space<vmem>>, vector<16xf32>,
    %add3A_1567 = arith.addf %add3A_1564, %get3A_1566 : vector<16xf32>
    %get3A_1568 = arith.constant 10080 : index
    %get3A_1569 = tpu.vector_load %arg6[%get3A_1568] {strides = array<i32>} : memref<10240xf32, #tpu.memory_space<vmem>>, vector<16xf32>,
    %add3A_1570 = arith.addf %add3A_1567, %get3A_1569 : vector<16xf32>
    %swap3A_1571 = arith.constant 480 : index
    %swap3A_1572 = tpu.vector_load %arg7[%swap3A_1571] {strides = array<i32>} : memref<640xf32, #tpu.memory_space<vmem>>, vector<16xf32>,
    tpu.vector_store %arg7[%swap3A_1571], %add3A_1570 {strides = array<i32>} : memref<640xf32, #tpu.memory_space<vmem>>, vector<16xf32>,
    %get3A_1573 = arith.constant 496 : index
    %get3A_1574 = tpu.vector_load %arg6[%get3A_1573] {strides = array<i32>} : memref<10240xf32, #tpu.memory_space<vmem>>, vector<16xf32>,
    %get3A_1575 = arith.constant 1136 : index
    %get3A_1576 = tpu.vector_load %arg6[%get3A_1575] {strides = array<i32>} : memref<10240xf32, #tpu.memory_space<vmem>>, vector<16xf32>,
    %add3A_1577 = arith.addf %get3A_1574, %get3A_1576 : vector<16xf32>
    %get3A_1578 = arith.constant 1776 : index
    %get3A_1579 = tpu.vector_load %arg6[%get3A_1578] {strides = array<i32>} : memref<10240xf32, #tpu.memory_space<vmem>>, vector<16xf32>,
    %add3A_1580 = arith.addf %add3A_1577, %get3A_1579 : vector<16xf32>
    %get3A_1581 = arith.constant 2416 : index
    %get3A_1582 = tpu.vector_load %arg6[%get3A_1581] {strides = array<i32>} : memref<10240xf32, #tpu.memory_space<vmem>>, vector<16xf32>,
    %add3A_1583 = arith.addf %add3A_1580, %get3A_1582 : vector<16xf32>
    %get3A_1584 = arith.constant 3056 : index
    %get3A_1585 = tpu.vector_load %arg6[%get3A_1584] {strides = array<i32>} : memref<10240xf32, #tpu.memory_space<vmem>>, vector<16xf32>,
    %add3A_1586 = arith.addf %add3A_1583, %get3A_1585 : vector<16xf32>
    %get3A_1587 = arith.constant 3696 : index
    %get3A_1588 = tpu.vector_load %arg6[%get3A_1587] {strides = array<i32>} : memref<10240xf32, #tpu.memory_space<vmem>>, vector<16xf32>,
    %add3A_1589 = arith.addf %add3A_1586, %get3A_1588 : vector<16xf32>
    %get3A_1590 = arith.constant 4336 : index
    %get3A_1591 = tpu.vector_load %arg6[%get3A_1590] {strides = array<i32>} : memref<10240xf32, #tpu.memory_space<vmem>>, vector<16xf32>,
    %add3A_1592 = arith.addf %add3A_1589, %get3A_1591 : vector<16xf32>
    %get3A_1593 = arith.constant 4976 : index
    %get3A_1594 = tpu.vector_load %arg6[%get3A_1593] {strides = array<i32>} : memref<10240xf32, #tpu.memory_space<vmem>>, vector<16xf32>,
    %add3A_1595 = arith.addf %add3A_1592, %get3A_1594 : vector<16xf32>
    %get3A_1596 = arith.constant 5616 : index
    %get3A_1597 = tpu.vector_load %arg6[%get3A_1596] {strides = array<i32>} : memref<10240xf32, #tpu.memory_space<vmem>>, vector<16xf32>,
    %add3A_1598 = arith.addf %add3A_1595, %get3A_1597 : vector<16xf32>
    %get3A_1599 = arith.constant 6256 : index
    %get3A_1600 = tpu.vector_load %arg6[%get3A_1599] {strides = array<i32>} : memref<10240xf32, #tpu.memory_space<vmem>>, vector<16xf32>,
    %add3A_1601 = arith.addf %add3A_1598, %get3A_1600 : vector<16xf32>
    %get3A_1602 = arith.constant 6896 : index
    %get3A_1603 = tpu.vector_load %arg6[%get3A_1602] {strides = array<i32>} : memref<10240xf32, #tpu.memory_space<vmem>>, vector<16xf32>,
    %add3A_1604 = arith.addf %add3A_1601, %get3A_1603 : vector<16xf32>
    %get3A_1605 = arith.constant 7536 : index
    %get3A_1606 = tpu.vector_load %arg6[%get3A_1605] {strides = array<i32>} : memref<10240xf32, #tpu.memory_space<vmem>>, vector<16xf32>,
    %add3A_1607 = arith.addf %add3A_1604, %get3A_1606 : vector<16xf32>
    %get3A_1608 = arith.constant 8176 : index
    %get3A_1609 = tpu.vector_load %arg6[%get3A_1608] {strides = array<i32>} : memref<10240xf32, #tpu.memory_space<vmem>>, vector<16xf32>,
    %add3A_1610 = arith.addf %add3A_1607, %get3A_1609 : vector<16xf32>
    %get3A_1611 = arith.constant 8816 : index
    %get3A_1612 = tpu.vector_load %arg6[%get3A_1611] {strides = array<i32>} : memref<10240xf32, #tpu.memory_space<vmem>>, vector<16xf32>,
    %add3A_1613 = arith.addf %add3A_1610, %get3A_1612 : vector<16xf32>
    %get3A_1614 = arith.constant 9456 : index
    %get3A_1615 = tpu.vector_load %arg6[%get3A_1614] {strides = array<i32>} : memref<10240xf32, #tpu.memory_space<vmem>>, vector<16xf32>,
    %add3A_1616 = arith.addf %add3A_1613, %get3A_1615 : vector<16xf32>
    %get3A_1617 = arith.constant 10096 : index
    %get3A_1618 = tpu.vector_load %arg6[%get3A_1617] {strides = array<i32>} : memref<10240xf32, #tpu.memory_space<vmem>>, vector<16xf32>,
    %add3A_1619 = arith.addf %add3A_1616, %get3A_1618 : vector<16xf32>
    %swap3A_1620 = arith.constant 496 : index
    %swap3A_1621 = tpu.vector_load %arg7[%swap3A_1620] {strides = array<i32>} : memref<640xf32, #tpu.memory_space<vmem>>, vector<16xf32>,
    tpu.vector_store %arg7[%swap3A_1620], %add3A_1619 {strides = array<i32>} : memref<640xf32, #tpu.memory_space<vmem>>, vector<16xf32>,
    %get3A_1622 = arith.constant 512 : index
    %get3A_1623 = tpu.vector_load %arg6[%get3A_1622] {strides = array<i32>} : memref<10240xf32, #tpu.memory_space<vmem>>, vector<16xf32>,
    %get3A_1624 = arith.constant 1152 : index
    %get3A_1625 = tpu.vector_load %arg6[%get3A_1624] {strides = array<i32>} : memref<10240xf32, #tpu.memory_space<vmem>>, vector<16xf32>,
    %add3A_1626 = arith.addf %get3A_1623, %get3A_1625 : vector<16xf32>
    %get3A_1627 = arith.constant 1792 : index
    %get3A_1628 = tpu.vector_load %arg6[%get3A_1627] {strides = array<i32>} : memref<10240xf32, #tpu.memory_space<vmem>>, vector<16xf32>,
    %add3A_1629 = arith.addf %add3A_1626, %get3A_1628 : vector<16xf32>
    %get3A_1630 = arith.constant 2432 : index
    %get3A_1631 = tpu.vector_load %arg6[%get3A_1630] {strides = array<i32>} : memref<10240xf32, #tpu.memory_space<vmem>>, vector<16xf32>,
    %add3A_1632 = arith.addf %add3A_1629, %get3A_1631 : vector<16xf32>
    %get3A_1633 = arith.constant 3072 : index
    %get3A_1634 = tpu.vector_load %arg6[%get3A_1633] {strides = array<i32>} : memref<10240xf32, #tpu.memory_space<vmem>>, vector<16xf32>,
    %add3A_1635 = arith.addf %add3A_1632, %get3A_1634 : vector<16xf32>
    %get3A_1636 = arith.constant 3712 : index
    %get3A_1637 = tpu.vector_load %arg6[%get3A_1636] {strides = array<i32>} : memref<10240xf32, #tpu.memory_space<vmem>>, vector<16xf32>,
    %add3A_1638 = arith.addf %add3A_1635, %get3A_1637 : vector<16xf32>
    %get3A_1639 = arith.constant 4352 : index
    %get3A_1640 = tpu.vector_load %arg6[%get3A_1639] {strides = array<i32>} : memref<10240xf32, #tpu.memory_space<vmem>>, vector<16xf32>,
    %add3A_1641 = arith.addf %add3A_1638, %get3A_1640 : vector<16xf32>
    %get3A_1642 = arith.constant 4992 : index
    %get3A_1643 = tpu.vector_load %arg6[%get3A_1642] {strides = array<i32>} : memref<10240xf32, #tpu.memory_space<vmem>>, vector<16xf32>,
    %add3A_1644 = arith.addf %add3A_1641, %get3A_1643 : vector<16xf32>
    %get3A_1645 = arith.constant 5632 : index
    %get3A_1646 = tpu.vector_load %arg6[%get3A_1645] {strides = array<i32>} : memref<10240xf32, #tpu.memory_space<vmem>>, vector<16xf32>,
    %add3A_1647 = arith.addf %add3A_1644, %get3A_1646 : vector<16xf32>
    %get3A_1648 = arith.constant 6272 : index
    %get3A_1649 = tpu.vector_load %arg6[%get3A_1648] {strides = array<i32>} : memref<10240xf32, #tpu.memory_space<vmem>>, vector<16xf32>,
    %add3A_1650 = arith.addf %add3A_1647, %get3A_1649 : vector<16xf32>
    %get3A_1651 = arith.constant 6912 : index
    %get3A_1652 = tpu.vector_load %arg6[%get3A_1651] {strides = array<i32>} : memref<10240xf32, #tpu.memory_space<vmem>>, vector<16xf32>,
    %add3A_1653 = arith.addf %add3A_1650, %get3A_1652 : vector<16xf32>
    %get3A_1654 = arith.constant 7552 : index
    %get3A_1655 = tpu.vector_load %arg6[%get3A_1654] {strides = array<i32>} : memref<10240xf32, #tpu.memory_space<vmem>>, vector<16xf32>,
    %add3A_1656 = arith.addf %add3A_1653, %get3A_1655 : vector<16xf32>
    %get3A_1657 = arith.constant 8192 : index
    %get3A_1658 = tpu.vector_load %arg6[%get3A_1657] {strides = array<i32>} : memref<10240xf32, #tpu.memory_space<vmem>>, vector<16xf32>,
    %add3A_1659 = arith.addf %add3A_1656, %get3A_1658 : vector<16xf32>
    %get3A_1660 = arith.constant 8832 : index
    %get3A_1661 = tpu.vector_load %arg6[%get3A_1660] {strides = array<i32>} : memref<10240xf32, #tpu.memory_space<vmem>>, vector<16xf32>,
    %add3A_1662 = arith.addf %add3A_1659, %get3A_1661 : vector<16xf32>
    %get3A_1663 = arith.constant 9472 : index
    %get3A_1664 = tpu.vector_load %arg6[%get3A_1663] {strides = array<i32>} : memref<10240xf32, #tpu.memory_space<vmem>>, vector<16xf32>,
    %add3A_1665 = arith.addf %add3A_1662, %get3A_1664 : vector<16xf32>
    %get3A_1666 = arith.constant 10112 : index
    %get3A_1667 = tpu.vector_load %arg6[%get3A_1666] {strides = array<i32>} : memref<10240xf32, #tpu.memory_space<vmem>>, vector<16xf32>,
    %add3A_1668 = arith.addf %add3A_1665, %get3A_1667 : vector<16xf32>
    %swap3A_1669 = arith.constant 512 : index
    %swap3A_1670 = tpu.vector_load %arg7[%swap3A_1669] {strides = array<i32>} : memref<640xf32, #tpu.memory_space<vmem>>, vector<16xf32>,
    tpu.vector_store %arg7[%swap3A_1669], %add3A_1668 {strides = array<i32>} : memref<640xf32, #tpu.memory_space<vmem>>, vector<16xf32>,
    %get3A_1671 = arith.constant 528 : index
    %get3A_1672 = tpu.vector_load %arg6[%get3A_1671] {strides = array<i32>} : memref<10240xf32, #tpu.memory_space<vmem>>, vector<16xf32>,
    %get3A_1673 = arith.constant 1168 : index
    %get3A_1674 = tpu.vector_load %arg6[%get3A_1673] {strides = array<i32>} : memref<10240xf32, #tpu.memory_space<vmem>>, vector<16xf32>,
    %add3A_1675 = arith.addf %get3A_1672, %get3A_1674 : vector<16xf32>
    %get3A_1676 = arith.constant 1808 : index
    %get3A_1677 = tpu.vector_load %arg6[%get3A_1676] {strides = array<i32>} : memref<10240xf32, #tpu.memory_space<vmem>>, vector<16xf32>,
    %add3A_1678 = arith.addf %add3A_1675, %get3A_1677 : vector<16xf32>
    %get3A_1679 = arith.constant 2448 : index
    %get3A_1680 = tpu.vector_load %arg6[%get3A_1679] {strides = array<i32>} : memref<10240xf32, #tpu.memory_space<vmem>>, vector<16xf32>,
    %add3A_1681 = arith.addf %add3A_1678, %get3A_1680 : vector<16xf32>
    %get3A_1682 = arith.constant 3088 : index
    %get3A_1683 = tpu.vector_load %arg6[%get3A_1682] {strides = array<i32>} : memref<10240xf32, #tpu.memory_space<vmem>>, vector<16xf32>,
    %add3A_1684 = arith.addf %add3A_1681, %get3A_1683 : vector<16xf32>
    %get3A_1685 = arith.constant 3728 : index
    %get3A_1686 = tpu.vector_load %arg6[%get3A_1685] {strides = array<i32>} : memref<10240xf32, #tpu.memory_space<vmem>>, vector<16xf32>,
    %add3A_1687 = arith.addf %add3A_1684, %get3A_1686 : vector<16xf32>
    %get3A_1688 = arith.constant 4368 : index
    %get3A_1689 = tpu.vector_load %arg6[%get3A_1688] {strides = array<i32>} : memref<10240xf32, #tpu.memory_space<vmem>>, vector<16xf32>,
    %add3A_1690 = arith.addf %add3A_1687, %get3A_1689 : vector<16xf32>
    %get3A_1691 = arith.constant 5008 : index
    %get3A_1692 = tpu.vector_load %arg6[%get3A_1691] {strides = array<i32>} : memref<10240xf32, #tpu.memory_space<vmem>>, vector<16xf32>,
    %add3A_1693 = arith.addf %add3A_1690, %get3A_1692 : vector<16xf32>
    %get3A_1694 = arith.constant 5648 : index
    %get3A_1695 = tpu.vector_load %arg6[%get3A_1694] {strides = array<i32>} : memref<10240xf32, #tpu.memory_space<vmem>>, vector<16xf32>,
    %add3A_1696 = arith.addf %add3A_1693, %get3A_1695 : vector<16xf32>
    %get3A_1697 = arith.constant 6288 : index
    %get3A_1698 = tpu.vector_load %arg6[%get3A_1697] {strides = array<i32>} : memref<10240xf32, #tpu.memory_space<vmem>>, vector<16xf32>,
    %add3A_1699 = arith.addf %add3A_1696, %get3A_1698 : vector<16xf32>
    %get3A_1700 = arith.constant 6928 : index
    %get3A_1701 = tpu.vector_load %arg6[%get3A_1700] {strides = array<i32>} : memref<10240xf32, #tpu.memory_space<vmem>>, vector<16xf32>,
    %add3A_1702 = arith.addf %add3A_1699, %get3A_1701 : vector<16xf32>
    %get3A_1703 = arith.constant 7568 : index
    %get3A_1704 = tpu.vector_load %arg6[%get3A_1703] {strides = array<i32>} : memref<10240xf32, #tpu.memory_space<vmem>>, vector<16xf32>,
    %add3A_1705 = arith.addf %add3A_1702, %get3A_1704 : vector<16xf32>
    %get3A_1706 = arith.constant 8208 : index
    %get3A_1707 = tpu.vector_load %arg6[%get3A_1706] {strides = array<i32>} : memref<10240xf32, #tpu.memory_space<vmem>>, vector<16xf32>,
    %add3A_1708 = arith.addf %add3A_1705, %get3A_1707 : vector<16xf32>
    %get3A_1709 = arith.constant 8848 : index
    %get3A_1710 = tpu.vector_load %arg6[%get3A_1709] {strides = array<i32>} : memref<10240xf32, #tpu.memory_space<vmem>>, vector<16xf32>,
    %add3A_1711 = arith.addf %add3A_1708, %get3A_1710 : vector<16xf32>
    %get3A_1712 = arith.constant 9488 : index
    %get3A_1713 = tpu.vector_load %arg6[%get3A_1712] {strides = array<i32>} : memref<10240xf32, #tpu.memory_space<vmem>>, vector<16xf32>,
    %add3A_1714 = arith.addf %add3A_1711, %get3A_1713 : vector<16xf32>
    %get3A_1715 = arith.constant 10128 : index
    %get3A_1716 = tpu.vector_load %arg6[%get3A_1715] {strides = array<i32>} : memref<10240xf32, #tpu.memory_space<vmem>>, vector<16xf32>,
    %add3A_1717 = arith.addf %add3A_1714, %get3A_1716 : vector<16xf32>
    %swap3A_1718 = arith.constant 528 : index
    %swap3A_1719 = tpu.vector_load %arg7[%swap3A_1718] {strides = array<i32>} : memref<640xf32, #tpu.memory_space<vmem>>, vector<16xf32>,
    tpu.vector_store %arg7[%swap3A_1718], %add3A_1717 {strides = array<i32>} : memref<640xf32, #tpu.memory_space<vmem>>, vector<16xf32>,
    %get3A_1720 = arith.constant 544 : index
    %get3A_1721 = tpu.vector_load %arg6[%get3A_1720] {strides = array<i32>} : memref<10240xf32, #tpu.memory_space<vmem>>, vector<16xf32>,
    %get3A_1722 = arith.constant 1184 : index
    %get3A_1723 = tpu.vector_load %arg6[%get3A_1722] {strides = array<i32>} : memref<10240xf32, #tpu.memory_space<vmem>>, vector<16xf32>,
    %add3A_1724 = arith.addf %get3A_1721, %get3A_1723 : vector<16xf32>
    %get3A_1725 = arith.constant 1824 : index
    %get3A_1726 = tpu.vector_load %arg6[%get3A_1725] {strides = array<i32>} : memref<10240xf32, #tpu.memory_space<vmem>>, vector<16xf32>,
    %add3A_1727 = arith.addf %add3A_1724, %get3A_1726 : vector<16xf32>
    %get3A_1728 = arith.constant 2464 : index
    %get3A_1729 = tpu.vector_load %arg6[%get3A_1728] {strides = array<i32>} : memref<10240xf32, #tpu.memory_space<vmem>>, vector<16xf32>,
    %add3A_1730 = arith.addf %add3A_1727, %get3A_1729 : vector<16xf32>
    %get3A_1731 = arith.constant 3104 : index
    %get3A_1732 = tpu.vector_load %arg6[%get3A_1731] {strides = array<i32>} : memref<10240xf32, #tpu.memory_space<vmem>>, vector<16xf32>,
    %add3A_1733 = arith.addf %add3A_1730, %get3A_1732 : vector<16xf32>
    %get3A_1734 = arith.constant 3744 : index
    %get3A_1735 = tpu.vector_load %arg6[%get3A_1734] {strides = array<i32>} : memref<10240xf32, #tpu.memory_space<vmem>>, vector<16xf32>,
    %add3A_1736 = arith.addf %add3A_1733, %get3A_1735 : vector<16xf32>
    %get3A_1737 = arith.constant 4384 : index
    %get3A_1738 = tpu.vector_load %arg6[%get3A_1737] {strides = array<i32>} : memref<10240xf32, #tpu.memory_space<vmem>>, vector<16xf32>,
    %add3A_1739 = arith.addf %add3A_1736, %get3A_1738 : vector<16xf32>
    %get3A_1740 = arith.constant 5024 : index
    %get3A_1741 = tpu.vector_load %arg6[%get3A_1740] {strides = array<i32>} : memref<10240xf32, #tpu.memory_space<vmem>>, vector<16xf32>,
    %add3A_1742 = arith.addf %add3A_1739, %get3A_1741 : vector<16xf32>
    %get3A_1743 = arith.constant 5664 : index
    %get3A_1744 = tpu.vector_load %arg6[%get3A_1743] {strides = array<i32>} : memref<10240xf32, #tpu.memory_space<vmem>>, vector<16xf32>,
    %add3A_1745 = arith.addf %add3A_1742, %get3A_1744 : vector<16xf32>
    %get3A_1746 = arith.constant 6304 : index
    %get3A_1747 = tpu.vector_load %arg6[%get3A_1746] {strides = array<i32>} : memref<10240xf32, #tpu.memory_space<vmem>>, vector<16xf32>,
    %add3A_1748 = arith.addf %add3A_1745, %get3A_1747 : vector<16xf32>
    %get3A_1749 = arith.constant 6944 : index
    %get3A_1750 = tpu.vector_load %arg6[%get3A_1749] {strides = array<i32>} : memref<10240xf32, #tpu.memory_space<vmem>>, vector<16xf32>,
    %add3A_1751 = arith.addf %add3A_1748, %get3A_1750 : vector<16xf32>
    %get3A_1752 = arith.constant 7584 : index
    %get3A_1753 = tpu.vector_load %arg6[%get3A_1752] {strides = array<i32>} : memref<10240xf32, #tpu.memory_space<vmem>>, vector<16xf32>,
    %add3A_1754 = arith.addf %add3A_1751, %get3A_1753 : vector<16xf32>
    %get3A_1755 = arith.constant 8224 : index
    %get3A_1756 = tpu.vector_load %arg6[%get3A_1755] {strides = array<i32>} : memref<10240xf32, #tpu.memory_space<vmem>>, vector<16xf32>,
    %add3A_1757 = arith.addf %add3A_1754, %get3A_1756 : vector<16xf32>
    %get3A_1758 = arith.constant 8864 : index
    %get3A_1759 = tpu.vector_load %arg6[%get3A_1758] {strides = array<i32>} : memref<10240xf32, #tpu.memory_space<vmem>>, vector<16xf32>,
    %add3A_1760 = arith.addf %add3A_1757, %get3A_1759 : vector<16xf32>
    %get3A_1761 = arith.constant 9504 : index
    %get3A_1762 = tpu.vector_load %arg6[%get3A_1761] {strides = array<i32>} : memref<10240xf32, #tpu.memory_space<vmem>>, vector<16xf32>,
    %add3A_1763 = arith.addf %add3A_1760, %get3A_1762 : vector<16xf32>
    %get3A_1764 = arith.constant 10144 : index
    %get3A_1765 = tpu.vector_load %arg6[%get3A_1764] {strides = array<i32>} : memref<10240xf32, #tpu.memory_space<vmem>>, vector<16xf32>,
    %add3A_1766 = arith.addf %add3A_1763, %get3A_1765 : vector<16xf32>
    %swap3A_1767 = arith.constant 544 : index
    %swap3A_1768 = tpu.vector_load %arg7[%swap3A_1767] {strides = array<i32>} : memref<640xf32, #tpu.memory_space<vmem>>, vector<16xf32>,
    tpu.vector_store %arg7[%swap3A_1767], %add3A_1766 {strides = array<i32>} : memref<640xf32, #tpu.memory_space<vmem>>, vector<16xf32>,
    %get3A_1769 = arith.constant 560 : index
    %get3A_1770 = tpu.vector_load %arg6[%get3A_1769] {strides = array<i32>} : memref<10240xf32, #tpu.memory_space<vmem>>, vector<16xf32>,
    %get3A_1771 = arith.constant 1200 : index
    %get3A_1772 = tpu.vector_load %arg6[%get3A_1771] {strides = array<i32>} : memref<10240xf32, #tpu.memory_space<vmem>>, vector<16xf32>,
    %add3A_1773 = arith.addf %get3A_1770, %get3A_1772 : vector<16xf32>
    %get3A_1774 = arith.constant 1840 : index
    %get3A_1775 = tpu.vector_load %arg6[%get3A_1774] {strides = array<i32>} : memref<10240xf32, #tpu.memory_space<vmem>>, vector<16xf32>,
    %add3A_1776 = arith.addf %add3A_1773, %get3A_1775 : vector<16xf32>
    %get3A_1777 = arith.constant 2480 : index
    %get3A_1778 = tpu.vector_load %arg6[%get3A_1777] {strides = array<i32>} : memref<10240xf32, #tpu.memory_space<vmem>>, vector<16xf32>,
    %add3A_1779 = arith.addf %add3A_1776, %get3A_1778 : vector<16xf32>
    %get3A_1780 = arith.constant 3120 : index
    %get3A_1781 = tpu.vector_load %arg6[%get3A_1780] {strides = array<i32>} : memref<10240xf32, #tpu.memory_space<vmem>>, vector<16xf32>,
    %add3A_1782 = arith.addf %add3A_1779, %get3A_1781 : vector<16xf32>
    %get3A_1783 = arith.constant 3760 : index
    %get3A_1784 = tpu.vector_load %arg6[%get3A_1783] {strides = array<i32>} : memref<10240xf32, #tpu.memory_space<vmem>>, vector<16xf32>,
    %add3A_1785 = arith.addf %add3A_1782, %get3A_1784 : vector<16xf32>
    %get3A_1786 = arith.constant 4400 : index
    %get3A_1787 = tpu.vector_load %arg6[%get3A_1786] {strides = array<i32>} : memref<10240xf32, #tpu.memory_space<vmem>>, vector<16xf32>,
    %add3A_1788 = arith.addf %add3A_1785, %get3A_1787 : vector<16xf32>
    %get3A_1789 = arith.constant 5040 : index
    %get3A_1790 = tpu.vector_load %arg6[%get3A_1789] {strides = array<i32>} : memref<10240xf32, #tpu.memory_space<vmem>>, vector<16xf32>,
    %add3A_1791 = arith.addf %add3A_1788, %get3A_1790 : vector<16xf32>
    %get3A_1792 = arith.constant 5680 : index
    %get3A_1793 = tpu.vector_load %arg6[%get3A_1792] {strides = array<i32>} : memref<10240xf32, #tpu.memory_space<vmem>>, vector<16xf32>,
    %add3A_1794 = arith.addf %add3A_1791, %get3A_1793 : vector<16xf32>
    %get3A_1795 = arith.constant 6320 : index
    %get3A_1796 = tpu.vector_load %arg6[%get3A_1795] {strides = array<i32>} : memref<10240xf32, #tpu.memory_space<vmem>>, vector<16xf32>,
    %add3A_1797 = arith.addf %add3A_1794, %get3A_1796 : vector<16xf32>
    %get3A_1798 = arith.constant 6960 : index
    %get3A_1799 = tpu.vector_load %arg6[%get3A_1798] {strides = array<i32>} : memref<10240xf32, #tpu.memory_space<vmem>>, vector<16xf32>,
    %add3A_1800 = arith.addf %add3A_1797, %get3A_1799 : vector<16xf32>
    %get3A_1801 = arith.constant 7600 : index
    %get3A_1802 = tpu.vector_load %arg6[%get3A_1801] {strides = array<i32>} : memref<10240xf32, #tpu.memory_space<vmem>>, vector<16xf32>,
    %add3A_1803 = arith.addf %add3A_1800, %get3A_1802 : vector<16xf32>
    %get3A_1804 = arith.constant 8240 : index
    %get3A_1805 = tpu.vector_load %arg6[%get3A_1804] {strides = array<i32>} : memref<10240xf32, #tpu.memory_space<vmem>>, vector<16xf32>,
    %add3A_1806 = arith.addf %add3A_1803, %get3A_1805 : vector<16xf32>
    %get3A_1807 = arith.constant 8880 : index
    %get3A_1808 = tpu.vector_load %arg6[%get3A_1807] {strides = array<i32>} : memref<10240xf32, #tpu.memory_space<vmem>>, vector<16xf32>,
    %add3A_1809 = arith.addf %add3A_1806, %get3A_1808 : vector<16xf32>
    %get3A_1810 = arith.constant 9520 : index
    %get3A_1811 = tpu.vector_load %arg6[%get3A_1810] {strides = array<i32>} : memref<10240xf32, #tpu.memory_space<vmem>>, vector<16xf32>,
    %add3A_1812 = arith.addf %add3A_1809, %get3A_1811 : vector<16xf32>
    %get3A_1813 = arith.constant 10160 : index
    %get3A_1814 = tpu.vector_load %arg6[%get3A_1813] {strides = array<i32>} : memref<10240xf32, #tpu.memory_space<vmem>>, vector<16xf32>,
    %add3A_1815 = arith.addf %add3A_1812, %get3A_1814 : vector<16xf32>
    %swap3A_1816 = arith.constant 560 : index
    %swap3A_1817 = tpu.vector_load %arg7[%swap3A_1816] {strides = array<i32>} : memref<640xf32, #tpu.memory_space<vmem>>, vector<16xf32>,
    tpu.vector_store %arg7[%swap3A_1816], %add3A_1815 {strides = array<i32>} : memref<640xf32, #tpu.memory_space<vmem>>, vector<16xf32>,
    %get3A_1818 = arith.constant 576 : index
    %get3A_1819 = tpu.vector_load %arg6[%get3A_1818] {strides = array<i32>} : memref<10240xf32, #tpu.memory_space<vmem>>, vector<16xf32>,
    %get3A_1820 = arith.constant 1216 : index
    %get3A_1821 = tpu.vector_load %arg6[%get3A_1820] {strides = array<i32>} : memref<10240xf32, #tpu.memory_space<vmem>>, vector<16xf32>,
    %add3A_1822 = arith.addf %get3A_1819, %get3A_1821 : vector<16xf32>
    %get3A_1823 = arith.constant 1856 : index
    %get3A_1824 = tpu.vector_load %arg6[%get3A_1823] {strides = array<i32>} : memref<10240xf32, #tpu.memory_space<vmem>>, vector<16xf32>,
    %add3A_1825 = arith.addf %add3A_1822, %get3A_1824 : vector<16xf32>
    %get3A_1826 = arith.constant 2496 : index
    %get3A_1827 = tpu.vector_load %arg6[%get3A_1826] {strides = array<i32>} : memref<10240xf32, #tpu.memory_space<vmem>>, vector<16xf32>,
    %add3A_1828 = arith.addf %add3A_1825, %get3A_1827 : vector<16xf32>
    %get3A_1829 = arith.constant 3136 : index
    %get3A_1830 = tpu.vector_load %arg6[%get3A_1829] {strides = array<i32>} : memref<10240xf32, #tpu.memory_space<vmem>>, vector<16xf32>,
    %add3A_1831 = arith.addf %add3A_1828, %get3A_1830 : vector<16xf32>
    %get3A_1832 = arith.constant 3776 : index
    %get3A_1833 = tpu.vector_load %arg6[%get3A_1832] {strides = array<i32>} : memref<10240xf32, #tpu.memory_space<vmem>>, vector<16xf32>,
    %add3A_1834 = arith.addf %add3A_1831, %get3A_1833 : vector<16xf32>
    %get3A_1835 = arith.constant 4416 : index
    %get3A_1836 = tpu.vector_load %arg6[%get3A_1835] {strides = array<i32>} : memref<10240xf32, #tpu.memory_space<vmem>>, vector<16xf32>,
    %add3A_1837 = arith.addf %add3A_1834, %get3A_1836 : vector<16xf32>
    %get3A_1838 = arith.constant 5056 : index
    %get3A_1839 = tpu.vector_load %arg6[%get3A_1838] {strides = array<i32>} : memref<10240xf32, #tpu.memory_space<vmem>>, vector<16xf32>,
    %add3A_1840 = arith.addf %add3A_1837, %get3A_1839 : vector<16xf32>
    %get3A_1841 = arith.constant 5696 : index
    %get3A_1842 = tpu.vector_load %arg6[%get3A_1841] {strides = array<i32>} : memref<10240xf32, #tpu.memory_space<vmem>>, vector<16xf32>,
    %add3A_1843 = arith.addf %add3A_1840, %get3A_1842 : vector<16xf32>
    %get3A_1844 = arith.constant 6336 : index
    %get3A_1845 = tpu.vector_load %arg6[%get3A_1844] {strides = array<i32>} : memref<10240xf32, #tpu.memory_space<vmem>>, vector<16xf32>,
    %add3A_1846 = arith.addf %add3A_1843, %get3A_1845 : vector<16xf32>
    %get3A_1847 = arith.constant 6976 : index
    %get3A_1848 = tpu.vector_load %arg6[%get3A_1847] {strides = array<i32>} : memref<10240xf32, #tpu.memory_space<vmem>>, vector<16xf32>,
    %add3A_1849 = arith.addf %add3A_1846, %get3A_1848 : vector<16xf32>
    %get3A_1850 = arith.constant 7616 : index
    %get3A_1851 = tpu.vector_load %arg6[%get3A_1850] {strides = array<i32>} : memref<10240xf32, #tpu.memory_space<vmem>>, vector<16xf32>,
    %add3A_1852 = arith.addf %add3A_1849, %get3A_1851 : vector<16xf32>
    %get3A_1853 = arith.constant 8256 : index
    %get3A_1854 = tpu.vector_load %arg6[%get3A_1853] {strides = array<i32>} : memref<10240xf32, #tpu.memory_space<vmem>>, vector<16xf32>,
    %add3A_1855 = arith.addf %add3A_1852, %get3A_1854 : vector<16xf32>
    %get3A_1856 = arith.constant 8896 : index
    %get3A_1857 = tpu.vector_load %arg6[%get3A_1856] {strides = array<i32>} : memref<10240xf32, #tpu.memory_space<vmem>>, vector<16xf32>,
    %add3A_1858 = arith.addf %add3A_1855, %get3A_1857 : vector<16xf32>
    %get3A_1859 = arith.constant 9536 : index
    %get3A_1860 = tpu.vector_load %arg6[%get3A_1859] {strides = array<i32>} : memref<10240xf32, #tpu.memory_space<vmem>>, vector<16xf32>,
    %add3A_1861 = arith.addf %add3A_1858, %get3A_1860 : vector<16xf32>
    %get3A_1862 = arith.constant 10176 : index
    %get3A_1863 = tpu.vector_load %arg6[%get3A_1862] {strides = array<i32>} : memref<10240xf32, #tpu.memory_space<vmem>>, vector<16xf32>,
    %add3A_1864 = arith.addf %add3A_1861, %get3A_1863 : vector<16xf32>
    %swap3A_1865 = arith.constant 576 : index
    %swap3A_1866 = tpu.vector_load %arg7[%swap3A_1865] {strides = array<i32>} : memref<640xf32, #tpu.memory_space<vmem>>, vector<16xf32>,
    tpu.vector_store %arg7[%swap3A_1865], %add3A_1864 {strides = array<i32>} : memref<640xf32, #tpu.memory_space<vmem>>, vector<16xf32>,
    %get3A_1867 = arith.constant 592 : index
    %get3A_1868 = tpu.vector_load %arg6[%get3A_1867] {strides = array<i32>} : memref<10240xf32, #tpu.memory_space<vmem>>, vector<16xf32>,
    %get3A_1869 = arith.constant 1232 : index
    %get3A_1870 = tpu.vector_load %arg6[%get3A_1869] {strides = array<i32>} : memref<10240xf32, #tpu.memory_space<vmem>>, vector<16xf32>,
    %add3A_1871 = arith.addf %get3A_1868, %get3A_1870 : vector<16xf32>
    %get3A_1872 = arith.constant 1872 : index
    %get3A_1873 = tpu.vector_load %arg6[%get3A_1872] {strides = array<i32>} : memref<10240xf32, #tpu.memory_space<vmem>>, vector<16xf32>,
    %add3A_1874 = arith.addf %add3A_1871, %get3A_1873 : vector<16xf32>
    %get3A_1875 = arith.constant 2512 : index
    %get3A_1876 = tpu.vector_load %arg6[%get3A_1875] {strides = array<i32>} : memref<10240xf32, #tpu.memory_space<vmem>>, vector<16xf32>,
    %add3A_1877 = arith.addf %add3A_1874, %get3A_1876 : vector<16xf32>
    %get3A_1878 = arith.constant 3152 : index
    %get3A_1879 = tpu.vector_load %arg6[%get3A_1878] {strides = array<i32>} : memref<10240xf32, #tpu.memory_space<vmem>>, vector<16xf32>,
    %add3A_1880 = arith.addf %add3A_1877, %get3A_1879 : vector<16xf32>
    %get3A_1881 = arith.constant 3792 : index
    %get3A_1882 = tpu.vector_load %arg6[%get3A_1881] {strides = array<i32>} : memref<10240xf32, #tpu.memory_space<vmem>>, vector<16xf32>,
    %add3A_1883 = arith.addf %add3A_1880, %get3A_1882 : vector<16xf32>
    %get3A_1884 = arith.constant 4432 : index
    %get3A_1885 = tpu.vector_load %arg6[%get3A_1884] {strides = array<i32>} : memref<10240xf32, #tpu.memory_space<vmem>>, vector<16xf32>,
    %add3A_1886 = arith.addf %add3A_1883, %get3A_1885 : vector<16xf32>
    %get3A_1887 = arith.constant 5072 : index
    %get3A_1888 = tpu.vector_load %arg6[%get3A_1887] {strides = array<i32>} : memref<10240xf32, #tpu.memory_space<vmem>>, vector<16xf32>,
    %add3A_1889 = arith.addf %add3A_1886, %get3A_1888 : vector<16xf32>
    %get3A_1890 = arith.constant 5712 : index
    %get3A_1891 = tpu.vector_load %arg6[%get3A_1890] {strides = array<i32>} : memref<10240xf32, #tpu.memory_space<vmem>>, vector<16xf32>,
    %add3A_1892 = arith.addf %add3A_1889, %get3A_1891 : vector<16xf32>
    %get3A_1893 = arith.constant 6352 : index
    %get3A_1894 = tpu.vector_load %arg6[%get3A_1893] {strides = array<i32>} : memref<10240xf32, #tpu.memory_space<vmem>>, vector<16xf32>,
    %add3A_1895 = arith.addf %add3A_1892, %get3A_1894 : vector<16xf32>
    %get3A_1896 = arith.constant 6992 : index
    %get3A_1897 = tpu.vector_load %arg6[%get3A_1896] {strides = array<i32>} : memref<10240xf32, #tpu.memory_space<vmem>>, vector<16xf32>,
    %add3A_1898 = arith.addf %add3A_1895, %get3A_1897 : vector<16xf32>
    %get3A_1899 = arith.constant 7632 : index
    %get3A_1900 = tpu.vector_load %arg6[%get3A_1899] {strides = array<i32>} : memref<10240xf32, #tpu.memory_space<vmem>>, vector<16xf32>,
    %add3A_1901 = arith.addf %add3A_1898, %get3A_1900 : vector<16xf32>
    %get3A_1902 = arith.constant 8272 : index
    %get3A_1903 = tpu.vector_load %arg6[%get3A_1902] {strides = array<i32>} : memref<10240xf32, #tpu.memory_space<vmem>>, vector<16xf32>,
    %add3A_1904 = arith.addf %add3A_1901, %get3A_1903 : vector<16xf32>
    %get3A_1905 = arith.constant 8912 : index
    %get3A_1906 = tpu.vector_load %arg6[%get3A_1905] {strides = array<i32>} : memref<10240xf32, #tpu.memory_space<vmem>>, vector<16xf32>,
    %add3A_1907 = arith.addf %add3A_1904, %get3A_1906 : vector<16xf32>
    %get3A_1908 = arith.constant 9552 : index
    %get3A_1909 = tpu.vector_load %arg6[%get3A_1908] {strides = array<i32>} : memref<10240xf32, #tpu.memory_space<vmem>>, vector<16xf32>,
    %add3A_1910 = arith.addf %add3A_1907, %get3A_1909 : vector<16xf32>
    %get3A_1911 = arith.constant 10192 : index
    %get3A_1912 = tpu.vector_load %arg6[%get3A_1911] {strides = array<i32>} : memref<10240xf32, #tpu.memory_space<vmem>>, vector<16xf32>,
    %add3A_1913 = arith.addf %add3A_1910, %get3A_1912 : vector<16xf32>
    %swap3A_1914 = arith.constant 592 : index
    %swap3A_1915 = tpu.vector_load %arg7[%swap3A_1914] {strides = array<i32>} : memref<640xf32, #tpu.memory_space<vmem>>, vector<16xf32>,
    tpu.vector_store %arg7[%swap3A_1914], %add3A_1913 {strides = array<i32>} : memref<640xf32, #tpu.memory_space<vmem>>, vector<16xf32>,
    %get3A_1916 = arith.constant 608 : index
    %get3A_1917 = tpu.vector_load %arg6[%get3A_1916] {strides = array<i32>} : memref<10240xf32, #tpu.memory_space<vmem>>, vector<16xf32>,
    %get3A_1918 = arith.constant 1248 : index
    %get3A_1919 = tpu.vector_load %arg6[%get3A_1918] {strides = array<i32>} : memref<10240xf32, #tpu.memory_space<vmem>>, vector<16xf32>,
    %add3A_1920 = arith.addf %get3A_1917, %get3A_1919 : vector<16xf32>
    %get3A_1921 = arith.constant 1888 : index
    %get3A_1922 = tpu.vector_load %arg6[%get3A_1921] {strides = array<i32>} : memref<10240xf32, #tpu.memory_space<vmem>>, vector<16xf32>,
    %add3A_1923 = arith.addf %add3A_1920, %get3A_1922 : vector<16xf32>
    %get3A_1924 = arith.constant 2528 : index
    %get3A_1925 = tpu.vector_load %arg6[%get3A_1924] {strides = array<i32>} : memref<10240xf32, #tpu.memory_space<vmem>>, vector<16xf32>,
    %add3A_1926 = arith.addf %add3A_1923, %get3A_1925 : vector<16xf32>
    %get3A_1927 = arith.constant 3168 : index
    %get3A_1928 = tpu.vector_load %arg6[%get3A_1927] {strides = array<i32>} : memref<10240xf32, #tpu.memory_space<vmem>>, vector<16xf32>,
    %add3A_1929 = arith.addf %add3A_1926, %get3A_1928 : vector<16xf32>
    %get3A_1930 = arith.constant 3808 : index
    %get3A_1931 = tpu.vector_load %arg6[%get3A_1930] {strides = array<i32>} : memref<10240xf32, #tpu.memory_space<vmem>>, vector<16xf32>,
    %add3A_1932 = arith.addf %add3A_1929, %get3A_1931 : vector<16xf32>
    %get3A_1933 = arith.constant 4448 : index
    %get3A_1934 = tpu.vector_load %arg6[%get3A_1933] {strides = array<i32>} : memref<10240xf32, #tpu.memory_space<vmem>>, vector<16xf32>,
    %add3A_1935 = arith.addf %add3A_1932, %get3A_1934 : vector<16xf32>
    %get3A_1936 = arith.constant 5088 : index
    %get3A_1937 = tpu.vector_load %arg6[%get3A_1936] {strides = array<i32>} : memref<10240xf32, #tpu.memory_space<vmem>>, vector<16xf32>,
    %add3A_1938 = arith.addf %add3A_1935, %get3A_1937 : vector<16xf32>
    %get3A_1939 = arith.constant 5728 : index
    %get3A_1940 = tpu.vector_load %arg6[%get3A_1939] {strides = array<i32>} : memref<10240xf32, #tpu.memory_space<vmem>>, vector<16xf32>,
    %add3A_1941 = arith.addf %add3A_1938, %get3A_1940 : vector<16xf32>
    %get3A_1942 = arith.constant 6368 : index
    %get3A_1943 = tpu.vector_load %arg6[%get3A_1942] {strides = array<i32>} : memref<10240xf32, #tpu.memory_space<vmem>>, vector<16xf32>,
    %add3A_1944 = arith.addf %add3A_1941, %get3A_1943 : vector<16xf32>
    %get3A_1945 = arith.constant 7008 : index
    %get3A_1946 = tpu.vector_load %arg6[%get3A_1945] {strides = array<i32>} : memref<10240xf32, #tpu.memory_space<vmem>>, vector<16xf32>,
    %add3A_1947 = arith.addf %add3A_1944, %get3A_1946 : vector<16xf32>
    %get3A_1948 = arith.constant 7648 : index
    %get3A_1949 = tpu.vector_load %arg6[%get3A_1948] {strides = array<i32>} : memref<10240xf32, #tpu.memory_space<vmem>>, vector<16xf32>,
    %add3A_1950 = arith.addf %add3A_1947, %get3A_1949 : vector<16xf32>
    %get3A_1951 = arith.constant 8288 : index
    %get3A_1952 = tpu.vector_load %arg6[%get3A_1951] {strides = array<i32>} : memref<10240xf32, #tpu.memory_space<vmem>>, vector<16xf32>,
    %add3A_1953 = arith.addf %add3A_1950, %get3A_1952 : vector<16xf32>
    %get3A_1954 = arith.constant 8928 : index
    %get3A_1955 = tpu.vector_load %arg6[%get3A_1954] {strides = array<i32>} : memref<10240xf32, #tpu.memory_space<vmem>>, vector<16xf32>,
    %add3A_1956 = arith.addf %add3A_1953, %get3A_1955 : vector<16xf32>
    %get3A_1957 = arith.constant 9568 : index
    %get3A_1958 = tpu.vector_load %arg6[%get3A_1957] {strides = array<i32>} : memref<10240xf32, #tpu.memory_space<vmem>>, vector<16xf32>,
    %add3A_1959 = arith.addf %add3A_1956, %get3A_1958 : vector<16xf32>
    %get3A_1960 = arith.constant 10208 : index
    %get3A_1961 = tpu.vector_load %arg6[%get3A_1960] {strides = array<i32>} : memref<10240xf32, #tpu.memory_space<vmem>>, vector<16xf32>,
    %add3A_1962 = arith.addf %add3A_1959, %get3A_1961 : vector<16xf32>
    %swap3A_1963 = arith.constant 608 : index
    %swap3A_1964 = tpu.vector_load %arg7[%swap3A_1963] {strides = array<i32>} : memref<640xf32, #tpu.memory_space<vmem>>, vector<16xf32>,
    tpu.vector_store %arg7[%swap3A_1963], %add3A_1962 {strides = array<i32>} : memref<640xf32, #tpu.memory_space<vmem>>, vector<16xf32>,
    %get3A_1965 = arith.constant 624 : index
    %get3A_1966 = tpu.vector_load %arg6[%get3A_1965] {strides = array<i32>} : memref<10240xf32, #tpu.memory_space<vmem>>, vector<16xf32>,
    %get3A_1967 = arith.constant 1264 : index
    %get3A_1968 = tpu.vector_load %arg6[%get3A_1967] {strides = array<i32>} : memref<10240xf32, #tpu.memory_space<vmem>>, vector<16xf32>,
    %add3A_1969 = arith.addf %get3A_1966, %get3A_1968 : vector<16xf32>
    %get3A_1970 = arith.constant 1904 : index
    %get3A_1971 = tpu.vector_load %arg6[%get3A_1970] {strides = array<i32>} : memref<10240xf32, #tpu.memory_space<vmem>>, vector<16xf32>,
    %add3A_1972 = arith.addf %add3A_1969, %get3A_1971 : vector<16xf32>
    %get3A_1973 = arith.constant 2544 : index
    %get3A_1974 = tpu.vector_load %arg6[%get3A_1973] {strides = array<i32>} : memref<10240xf32, #tpu.memory_space<vmem>>, vector<16xf32>,
    %add3A_1975 = arith.addf %add3A_1972, %get3A_1974 : vector<16xf32>
    %get3A_1976 = arith.constant 3184 : index
    %get3A_1977 = tpu.vector_load %arg6[%get3A_1976] {strides = array<i32>} : memref<10240xf32, #tpu.memory_space<vmem>>, vector<16xf32>,
    %add3A_1978 = arith.addf %add3A_1975, %get3A_1977 : vector<16xf32>
    %get3A_1979 = arith.constant 3824 : index
    %get3A_1980 = tpu.vector_load %arg6[%get3A_1979] {strides = array<i32>} : memref<10240xf32, #tpu.memory_space<vmem>>, vector<16xf32>,
    %add3A_1981 = arith.addf %add3A_1978, %get3A_1980 : vector<16xf32>
    %get3A_1982 = arith.constant 4464 : index
    %get3A_1983 = tpu.vector_load %arg6[%get3A_1982] {strides = array<i32>} : memref<10240xf32, #tpu.memory_space<vmem>>, vector<16xf32>,
    %add3A_1984 = arith.addf %add3A_1981, %get3A_1983 : vector<16xf32>
    %get3A_1985 = arith.constant 5104 : index
    %get3A_1986 = tpu.vector_load %arg6[%get3A_1985] {strides = array<i32>} : memref<10240xf32, #tpu.memory_space<vmem>>, vector<16xf32>,
    %add3A_1987 = arith.addf %add3A_1984, %get3A_1986 : vector<16xf32>
    %get3A_1988 = arith.constant 5744 : index
    %get3A_1989 = tpu.vector_load %arg6[%get3A_1988] {strides = array<i32>} : memref<10240xf32, #tpu.memory_space<vmem>>, vector<16xf32>,
    %add3A_1990 = arith.addf %add3A_1987, %get3A_1989 : vector<16xf32>
    %get3A_1991 = arith.constant 6384 : index
    %get3A_1992 = tpu.vector_load %arg6[%get3A_1991] {strides = array<i32>} : memref<10240xf32, #tpu.memory_space<vmem>>, vector<16xf32>,
    %add3A_1993 = arith.addf %add3A_1990, %get3A_1992 : vector<16xf32>
    %get3A_1994 = arith.constant 7024 : index
    %get3A_1995 = tpu.vector_load %arg6[%get3A_1994] {strides = array<i32>} : memref<10240xf32, #tpu.memory_space<vmem>>, vector<16xf32>,
    %add3A_1996 = arith.addf %add3A_1993, %get3A_1995 : vector<16xf32>
    %get3A_1997 = arith.constant 7664 : index
    %get3A_1998 = tpu.vector_load %arg6[%get3A_1997] {strides = array<i32>} : memref<10240xf32, #tpu.memory_space<vmem>>, vector<16xf32>,
    %add3A_1999 = arith.addf %add3A_1996, %get3A_1998 : vector<16xf32>
    %get3A_2000 = arith.constant 8304 : index
    %get3A_2001 = tpu.vector_load %arg6[%get3A_2000] {strides = array<i32>} : memref<10240xf32, #tpu.memory_space<vmem>>, vector<16xf32>,
    %add3A_2002 = arith.addf %add3A_1999, %get3A_2001 : vector<16xf32>
    %get3A_2003 = arith.constant 8944 : index
    %get3A_2004 = tpu.vector_load %arg6[%get3A_2003] {strides = array<i32>} : memref<10240xf32, #tpu.memory_space<vmem>>, vector<16xf32>,
    %add3A_2005 = arith.addf %add3A_2002, %get3A_2004 : vector<16xf32>
    %get3A_2006 = arith.constant 9584 : index
    %get3A_2007 = tpu.vector_load %arg6[%get3A_2006] {strides = array<i32>} : memref<10240xf32, #tpu.memory_space<vmem>>, vector<16xf32>,
    %add3A_2008 = arith.addf %add3A_2005, %get3A_2007 : vector<16xf32>
    %get3A_2009 = arith.constant 10224 : index
    %get3A_2010 = tpu.vector_load %arg6[%get3A_2009] {strides = array<i32>} : memref<10240xf32, #tpu.memory_space<vmem>>, vector<16xf32>,
    %add3A_2011 = arith.addf %add3A_2008, %get3A_2010 : vector<16xf32>
    %swap3A_2012 = arith.constant 624 : index
    %swap3A_2013 = tpu.vector_load %arg7[%swap3A_2012] {strides = array<i32>} : memref<640xf32, #tpu.memory_space<vmem>>, vector<16xf32>,
    tpu.vector_store %arg7[%swap3A_2012], %add3A_2011 {strides = array<i32>} : memref<640xf32, #tpu.memory_space<vmem>>, vector<16xf32>,
    %mul3A_2014 = arith.constant 10240 : i32
    %mul3A_2015 = arith.muli %arg0, %mul3A_2014 : i32
    %mul3A_2016 = arith.constant 640 : i32
    %mul3A_2017 = arith.muli %arg1, %mul3A_2016 : i32
    %add3A_2018 = arith.addi %mul3A_2015, %mul3A_2017 : i32
    "tpu.region"() ({
      %run_scoped3A_2019 = tpu.sem_alloc : memref<!tpu.dma_semaphore, #tpu.memory_space<semaphore_mem>>
      %dma_start3A = tpu.memref_slice %arg4[%add3A_2018] : memref<20480xf32, #tpu.memory_space<hbm>> -> memref<640xf32, #tpu.memory_space<hbm>>
      %dma_start3A_2020 = tpu.memref_slice %arg4[%add3A_2018] : memref<20480xf32, #tpu.memory_space<hbm>> -> memref<640xf32, #tpu.memory_space<hbm>>
      tpu.enqueue_dma source(%arg7 : memref<640xf32, #tpu.memory_space<vmem>>) target(%dma_start3A_2020 : memref<640xf32, #tpu.memory_space<hbm>>) target_semaphore(%run_scoped3A_2019 : memref<!tpu.dma_semaphore, #tpu.memory_space<semaphore_mem>>)
      %dma_wait3A = tpu.memref_slice %arg4[%add3A_2018] : memref<20480xf32, #tpu.memory_space<hbm>> -> memref<640xf32, #tpu.memory_space<hbm>>
      %dma_wait3A_2021 = tpu.memref_slice %arg4[%add3A_2018] : memref<20480xf32, #tpu.memory_space<hbm>> -> memref<640xf32, #tpu.memory_space<hbm>>
      tpu.wait_dma2 semaphore(%run_scoped3A_2019 : memref<!tpu.dma_semaphore, #tpu.memory_space<semaphore_mem>>) src(%arg7 : memref<640xf32, #tpu.memory_space<vmem>>) dst(%dma_wait3A_2021 : memref<640xf32, #tpu.memory_space<hbm>>)
      tpu.yield
    }) : () -> ()
    return
  }
}

#map = affine_map<(d0, d1) -> (0, 0)>
module attributes {stable_mosaic.version = 14 : i64} {
  func.func @body(%arg0: i32, %arg1: i32, %arg2: memref<10240x128xbf16, #tpu.memory_space<hbm>>, %arg3: memref<1280x128xi32, #tpu.memory_space<hbm>>, %arg4: memref<1280x128xi32, #tpu.memory_space<hbm>>, %arg5: memref<10240x128xbf16, #tpu.memory_space<hbm>>, %arg6: memref<20480x128xbf16, #tpu.memory_space<hbm>>, %arg7: memref<40x128xi32, #tpu.memory_space<vmem>>, %arg8: memref<40x128xi32, #tpu.memory_space<vmem>>, %arg9: memref<128x128xbf16, #tpu.memory_space<vmem>>, %arg10: memref<128x128xbf16, #tpu.memory_space<vmem>>, %arg11: memref<10240x128xbf16, #tpu.memory_space<vmem_shared>>, %arg12: memref<10240x128xbf16, #tpu.memory_space<vmem_shared>>, %arg13: memref<!tpu.dma_semaphore, #tpu.memory_space<semaphore_mem>>) attributes {dimension_semantics = [#tpu.dimension_semantics<core_parallel>, #tpu.dimension_semantics<subcore_parallel>], iteration_bounds = array<i64: 2, 16>, scalar_prefetch = 0 : i64, scratch_operands = 7 : i64, tpu.core_type = #tpu.core_type<sc_vector_subcore>, window_params = [{transform_indices = #map}, {transform_indices = #map}, {transform_indices = #map}, {transform_indices = #map}, {transform_indices = #map}]} {
    %mul3A = arith.constant 640 : i32
    %mul3A_0 = arith.muli %arg1, %mul3A : i32
    %mul3A_1 = arith.constant 640 : i32
    %mul3A_2 = arith.muli %arg1, %mul3A_1 : i32
    "tpu.region"() ({
      %run_scoped3A = tpu.sem_alloc : memref<!tpu.dma_semaphore, #tpu.memory_space<semaphore_mem>>
      %dma_start3A = arith.constant 0 : i32
      %dma_start3A_20 = tpu.memref_slice %arg11[%mul3A_2, %dma_start3A] : memref<10240x128xbf16, #tpu.memory_space<vmem_shared>> -> memref<640x128xbf16, #tpu.memory_space<vmem_shared>>
      %dma_start3A_21 = arith.constant 0 : i32
      %dma_start3A_22 = tpu.memref_slice %arg5[%mul3A_0, %dma_start3A_21] : memref<10240x128xbf16, #tpu.memory_space<hbm>> -> memref<640x128xbf16, #tpu.memory_space<hbm>>
      tpu.enqueue_dma source(%dma_start3A_22 : memref<640x128xbf16, #tpu.memory_space<hbm>>) target(%dma_start3A_20 : memref<640x128xbf16, #tpu.memory_space<vmem_shared>>) target_semaphore(%run_scoped3A : memref<!tpu.dma_semaphore, #tpu.memory_space<semaphore_mem>>)
      %dma_wait3A = arith.constant 0 : i32
      %dma_wait3A_23 = tpu.memref_slice %arg11[%mul3A_2, %dma_wait3A] : memref<10240x128xbf16, #tpu.memory_space<vmem_shared>> -> memref<640x128xbf16, #tpu.memory_space<vmem_shared>>
      %dma_wait3A_24 = arith.constant 0 : i32
      %dma_wait3A_25 = tpu.memref_slice %arg5[%mul3A_0, %dma_wait3A_24] : memref<10240x128xbf16, #tpu.memory_space<hbm>> -> memref<640x128xbf16, #tpu.memory_space<hbm>>
      tpu.wait_dma2 semaphore(%run_scoped3A : memref<!tpu.dma_semaphore, #tpu.memory_space<semaphore_mem>>) src(%dma_wait3A_25 : memref<640x128xbf16, #tpu.memory_space<hbm>>) dst(%dma_wait3A_23 : memref<640x128xbf16, #tpu.memory_space<vmem_shared>>)
      tpu.yield
    }) : () -> ()
    %mul3A_3 = arith.constant 640 : i32
    %mul3A_4 = arith.muli %arg1, %mul3A_3 : i32
    %mul3A_5 = arith.constant 640 : i32
    %mul3A_6 = arith.muli %arg1, %mul3A_5 : i32
    "tpu.region"() ({
      %run_scoped3A = tpu.sem_alloc : memref<!tpu.dma_semaphore, #tpu.memory_space<semaphore_mem>>
      %dma_start3A = arith.constant 0 : i32
      %dma_start3A_20 = tpu.memref_slice %arg12[%mul3A_6, %dma_start3A] : memref<10240x128xbf16, #tpu.memory_space<vmem_shared>> -> memref<640x128xbf16, #tpu.memory_space<vmem_shared>>
      %dma_start3A_21 = arith.constant 0 : i32
      %dma_start3A_22 = tpu.memref_slice %arg2[%mul3A_4, %dma_start3A_21] : memref<10240x128xbf16, #tpu.memory_space<hbm>> -> memref<640x128xbf16, #tpu.memory_space<hbm>>
      tpu.enqueue_dma source(%dma_start3A_22 : memref<640x128xbf16, #tpu.memory_space<hbm>>) target(%dma_start3A_20 : memref<640x128xbf16, #tpu.memory_space<vmem_shared>>) target_semaphore(%run_scoped3A : memref<!tpu.dma_semaphore, #tpu.memory_space<semaphore_mem>>)
      %dma_wait3A = arith.constant 0 : i32
      %dma_wait3A_23 = tpu.memref_slice %arg12[%mul3A_6, %dma_wait3A] : memref<10240x128xbf16, #tpu.memory_space<vmem_shared>> -> memref<640x128xbf16, #tpu.memory_space<vmem_shared>>
      %dma_wait3A_24 = arith.constant 0 : i32
      %dma_wait3A_25 = tpu.memref_slice %arg2[%mul3A_4, %dma_wait3A_24] : memref<10240x128xbf16, #tpu.memory_space<hbm>> -> memref<640x128xbf16, #tpu.memory_space<hbm>>
      tpu.wait_dma2 semaphore(%run_scoped3A : memref<!tpu.dma_semaphore, #tpu.memory_space<semaphore_mem>>) src(%dma_wait3A_25 : memref<640x128xbf16, #tpu.memory_space<hbm>>) dst(%dma_wait3A_23 : memref<640x128xbf16, #tpu.memory_space<vmem_shared>>)
      tpu.yield
    }) : () -> ()
    %eq3A = arith.constant 0 : i32
    %eq3A_7 = arith.cmpi eq, %arg0, %eq3A : i32
    %convert_element_type3A = arith.extui %eq3A_7 : i1 to i32
    %cond3A = arith.constant 0 : i32
    %cond3A_8 = arith.cmpi ne, %convert_element_type3A, %cond3A : i32
    scf.if %cond3A_8 {
      %mul3A_20 = arith.constant 40 : i32
      %mul3A_21 = arith.muli %arg1, %mul3A_20 : i32
      "tpu.region"() ({
        %run_scoped3A = tpu.sem_alloc : memref<!tpu.dma_semaphore, #tpu.memory_space<semaphore_mem>>
        %dma_start3A_41 = arith.constant 0 : i32
        %dma_start3A_42 = arith.constant 0 : i32
        %dma_start3A_43 = tpu.memref_slice %arg7[%dma_start3A_41, %dma_start3A_42] : memref<40x128xi32, #tpu.memory_space<vmem>> -> memref<40x128xi32, #tpu.memory_space<vmem>>
        %dma_start3A_44 = arith.constant 0 : i32
        %dma_start3A_45 = tpu.memref_slice %arg3[%mul3A_21, %dma_start3A_44] : memref<1280x128xi32, #tpu.memory_space<hbm>> -> memref<40x128xi32, #tpu.memory_space<hbm>>
        %dma_start3A_46 = arith.constant 0 : i32
        %dma_start3A_47 = arith.constant 0 : i32
        %dma_start3A_48 = tpu.memref_slice %arg7[%dma_start3A_46, %dma_start3A_47] : memref<40x128xi32, #tpu.memory_space<vmem>> -> memref<40x128xi32, #tpu.memory_space<vmem>>
        %dma_start3A_49 = arith.constant 0 : i32
        %dma_start3A_50 = tpu.memref_slice %arg3[%mul3A_21, %dma_start3A_49] : memref<1280x128xi32, #tpu.memory_space<hbm>> -> memref<40x128xi32, #tpu.memory_space<hbm>>
        tpu.enqueue_dma source(%dma_start3A_50 : memref<40x128xi32, #tpu.memory_space<hbm>>) target(%dma_start3A_48 : memref<40x128xi32, #tpu.memory_space<vmem>>) target_semaphore(%run_scoped3A : memref<!tpu.dma_semaphore, #tpu.memory_space<semaphore_mem>>)
        %dma_wait3A = arith.constant 0 : i32
        %dma_wait3A_51 = arith.constant 0 : i32
        %dma_wait3A_52 = tpu.memref_slice %arg7[%dma_wait3A, %dma_wait3A_51] : memref<40x128xi32, #tpu.memory_space<vmem>> -> memref<40x128xi32, #tpu.memory_space<vmem>>
        %dma_wait3A_53 = arith.constant 0 : i32
        %dma_wait3A_54 = tpu.memref_slice %arg3[%mul3A_21, %dma_wait3A_53] : memref<1280x128xi32, #tpu.memory_space<hbm>> -> memref<40x128xi32, #tpu.memory_space<hbm>>
        %dma_wait3A_55 = arith.constant 0 : i32
        %dma_wait3A_56 = arith.constant 0 : i32
        %dma_wait3A_57 = tpu.memref_slice %arg7[%dma_wait3A_55, %dma_wait3A_56] : memref<40x128xi32, #tpu.memory_space<vmem>> -> memref<40x128xi32, #tpu.memory_space<vmem>>
        %dma_wait3A_58 = arith.constant 0 : i32
        %dma_wait3A_59 = tpu.memref_slice %arg3[%mul3A_21, %dma_wait3A_58] : memref<1280x128xi32, #tpu.memory_space<hbm>> -> memref<40x128xi32, #tpu.memory_space<hbm>>
        tpu.wait_dma2 semaphore(%run_scoped3A : memref<!tpu.dma_semaphore, #tpu.memory_space<semaphore_mem>>) src(%dma_wait3A_59 : memref<40x128xi32, #tpu.memory_space<hbm>>) dst(%dma_wait3A_57 : memref<40x128xi32, #tpu.memory_space<vmem>>)
        tpu.yield
      }) : () -> ()
      "tpu.region"() ({
        %run_scoped3A = tpu.sem_alloc : memref<!tpu.dma_semaphore, #tpu.memory_space<semaphore_mem>>
        %dma_start3A_41 = arith.constant 0 : i32
        %dma_start3A_42 = arith.constant 0 : i32
        %dma_start3A_43 = tpu.memref_slice %arg8[%dma_start3A_41, %dma_start3A_42] : memref<40x128xi32, #tpu.memory_space<vmem>> -> memref<40x128xi32, #tpu.memory_space<vmem>>
        %dma_start3A_44 = arith.constant 0 : i32
        %dma_start3A_45 = tpu.memref_slice %arg4[%mul3A_21, %dma_start3A_44] : memref<1280x128xi32, #tpu.memory_space<hbm>> -> memref<40x128xi32, #tpu.memory_space<hbm>>
        %dma_start3A_46 = arith.constant 0 : i32
        %dma_start3A_47 = arith.constant 0 : i32
        %dma_start3A_48 = tpu.memref_slice %arg8[%dma_start3A_46, %dma_start3A_47] : memref<40x128xi32, #tpu.memory_space<vmem>> -> memref<40x128xi32, #tpu.memory_space<vmem>>
        %dma_start3A_49 = arith.constant 0 : i32
        %dma_start3A_50 = tpu.memref_slice %arg4[%mul3A_21, %dma_start3A_49] : memref<1280x128xi32, #tpu.memory_space<hbm>> -> memref<40x128xi32, #tpu.memory_space<hbm>>
        tpu.enqueue_dma source(%dma_start3A_50 : memref<40x128xi32, #tpu.memory_space<hbm>>) target(%dma_start3A_48 : memref<40x128xi32, #tpu.memory_space<vmem>>) target_semaphore(%run_scoped3A : memref<!tpu.dma_semaphore, #tpu.memory_space<semaphore_mem>>)
        %dma_wait3A = arith.constant 0 : i32
        %dma_wait3A_51 = arith.constant 0 : i32
        %dma_wait3A_52 = tpu.memref_slice %arg8[%dma_wait3A, %dma_wait3A_51] : memref<40x128xi32, #tpu.memory_space<vmem>> -> memref<40x128xi32, #tpu.memory_space<vmem>>
        %dma_wait3A_53 = arith.constant 0 : i32
        %dma_wait3A_54 = tpu.memref_slice %arg4[%mul3A_21, %dma_wait3A_53] : memref<1280x128xi32, #tpu.memory_space<hbm>> -> memref<40x128xi32, #tpu.memory_space<hbm>>
        %dma_wait3A_55 = arith.constant 0 : i32
        %dma_wait3A_56 = arith.constant 0 : i32
        %dma_wait3A_57 = tpu.memref_slice %arg8[%dma_wait3A_55, %dma_wait3A_56] : memref<40x128xi32, #tpu.memory_space<vmem>> -> memref<40x128xi32, #tpu.memory_space<vmem>>
        %dma_wait3A_58 = arith.constant 0 : i32
        %dma_wait3A_59 = tpu.memref_slice %arg4[%mul3A_21, %dma_wait3A_58] : memref<1280x128xi32, #tpu.memory_space<hbm>> -> memref<40x128xi32, #tpu.memory_space<hbm>>
        tpu.wait_dma2 semaphore(%run_scoped3A : memref<!tpu.dma_semaphore, #tpu.memory_space<semaphore_mem>>) src(%dma_wait3A_59 : memref<40x128xi32, #tpu.memory_space<hbm>>) dst(%dma_wait3A_57 : memref<40x128xi32, #tpu.memory_space<vmem>>)
        tpu.yield
      }) : () -> ()
      %barrier3A_22 = arith.constant 0 : index
      tpu.barrier barrier_id(%barrier3A_22)
      %dma_start3A = arith.constant 0 : i32
      %dma_start3A_23 = arith.constant 0 : i32
      %dma_start3A_24 = tpu.memref_slice %arg7[%dma_start3A, %dma_start3A_23] : memref<40x128xi32, #tpu.memory_space<vmem>> -> memref<1x128xi32, #tpu.memory_space<vmem>>
      %dma_start3A_25 = tpu.memref_squeeze %dma_start3A_24 : memref<1x128xi32, #tpu.memory_space<vmem>> -> memref<128xi32, #tpu.memory_space<vmem>>
      %dma_start3A_26 = arith.constant 0 : i32
      %dma_start3A_27 = arith.constant 0 : i32
      %dma_start3A_28 = tpu.memref_slice %arg12[%dma_start3A_26, %dma_start3A_27] : memref<10240x128xbf16, #tpu.memory_space<vmem_shared>> -> memref<10240x128xbf16, #tpu.memory_space<vmem_shared>>
      tpu.enqueue_indirect_dma source(%dma_start3A_28 : memref<10240x128xbf16, #tpu.memory_space<vmem_shared>>) target(%arg9 : memref<128x128xbf16, #tpu.memory_space<vmem>>) offsets(%dma_start3A_25 : memref<128xi32, #tpu.memory_space<vmem>>) semaphore(%arg13 : memref<!tpu.dma_semaphore, #tpu.memory_space<semaphore_mem>>)
      %dma_start3A_29 = arith.constant 1 : i32
      %dma_start3A_30 = arith.constant 0 : i32
      %dma_start3A_31 = tpu.memref_slice %arg7[%dma_start3A_29, %dma_start3A_30] : memref<40x128xi32, #tpu.memory_space<vmem>> -> memref<1x128xi32, #tpu.memory_space<vmem>>
      %dma_start3A_32 = tpu.memref_squeeze %dma_start3A_31 : memref<1x128xi32, #tpu.memory_space<vmem>> -> memref<128xi32, #tpu.memory_space<vmem>>
      %dma_start3A_33 = arith.constant 0 : i32
      %dma_start3A_34 = arith.constant 0 : i32
      %dma_start3A_35 = tpu.memref_slice %arg12[%dma_start3A_33, %dma_start3A_34] : memref<10240x128xbf16, #tpu.memory_space<vmem_shared>> -> memref<10240x128xbf16, #tpu.memory_space<vmem_shared>>
      tpu.enqueue_indirect_dma source(%dma_start3A_35 : memref<10240x128xbf16, #tpu.memory_space<vmem_shared>>) target(%arg10 : memref<128x128xbf16, #tpu.memory_space<vmem>>) offsets(%dma_start3A_32 : memref<128xi32, #tpu.memory_space<vmem>>) semaphore(%arg13 : memref<!tpu.dma_semaphore, #tpu.memory_space<semaphore_mem>>)
      %scan3A = arith.constant 0 : i32
      %scan3A_36 = arith.constant 0 : i32
      %scan3A_37 = arith.constant 20 : i32
      %scan3A_38 = arith.addi %scan3A_36, %scan3A_37 : i32
      %scan3A_39 = arith.constant 1 : i32
      scf.for %scan3A_41 = %scan3A_36 to %scan3A_38 step %scan3A_39  : i32 {
        %mul3A_42 = arith.constant 2 : i32
        %mul3A_43 = arith.muli %mul3A_42, %scan3A_41 : i32
        %add3A_44 = arith.constant 0 : i32
        %add3A_45 = arith.addi %mul3A_43, %add3A_44 : i32
        %dma_wait3A = arith.constant 0 : i32
        %dma_wait3A_46 = tpu.memref_slice %arg7[%add3A_45, %dma_wait3A] : memref<40x128xi32, #tpu.memory_space<vmem>> -> memref<1x128xi32, #tpu.memory_space<vmem>>
        %dma_wait3A_47 = tpu.memref_squeeze %dma_wait3A_46 : memref<1x128xi32, #tpu.memory_space<vmem>> -> memref<128xi32, #tpu.memory_space<vmem>>
        %dma_wait3A_48 = arith.constant 0 : i32
        %dma_wait3A_49 = arith.constant 0 : i32
        %dma_wait3A_50 = tpu.memref_slice %arg12[%dma_wait3A_48, %dma_wait3A_49] : memref<10240x128xbf16, #tpu.memory_space<vmem_shared>> -> memref<10240x128xbf16, #tpu.memory_space<vmem_shared>>
        tpu.wait_indirect_dma semaphore(%arg13 : memref<!tpu.dma_semaphore, #tpu.memory_space<semaphore_mem>>) src(%dma_wait3A_50 : memref<10240x128xbf16, #tpu.memory_space<vmem_shared>>) dst(%arg9 : memref<128x128xbf16, #tpu.memory_space<vmem>>)
        "tpu.region"() ({
          %run_scoped3A = tpu.sem_alloc : memref<!tpu.dma_semaphore, #tpu.memory_space<semaphore_mem>>
          %dma_start3A_74 = arith.constant 0 : i32
          %dma_start3A_75 = tpu.memref_slice %arg8[%add3A_45, %dma_start3A_74] : memref<40x128xi32, #tpu.memory_space<vmem>> -> memref<1x128xi32, #tpu.memory_space<vmem>>
          %dma_start3A_76 = tpu.memref_squeeze %dma_start3A_75 : memref<1x128xi32, #tpu.memory_space<vmem>> -> memref<128xi32, #tpu.memory_space<vmem>>
          %dma_start3A_77 = arith.constant 0 : i32
          %dma_start3A_78 = arith.constant 0 : i32
          %dma_start3A_79 = tpu.memref_slice %arg11[%dma_start3A_77, %dma_start3A_78] : memref<10240x128xbf16, #tpu.memory_space<vmem_shared>> -> memref<10240x128xbf16, #tpu.memory_space<vmem_shared>>
          tpu.enqueue_indirect_dma source(%arg9 : memref<128x128xbf16, #tpu.memory_space<vmem>>) target(%dma_start3A_79 : memref<10240x128xbf16, #tpu.memory_space<vmem_shared>>) offsets(%dma_start3A_76 : memref<128xi32, #tpu.memory_space<vmem>>) semaphore(%run_scoped3A : memref<!tpu.dma_semaphore, #tpu.memory_space<semaphore_mem>>) {add = true}
          %dma_wait3A_80 = arith.constant 0 : i32
          %dma_wait3A_81 = tpu.memref_slice %arg8[%add3A_45, %dma_wait3A_80] : memref<40x128xi32, #tpu.memory_space<vmem>> -> memref<1x128xi32, #tpu.memory_space<vmem>>
          %dma_wait3A_82 = tpu.memref_squeeze %dma_wait3A_81 : memref<1x128xi32, #tpu.memory_space<vmem>> -> memref<128xi32, #tpu.memory_space<vmem>>
          %dma_wait3A_83 = arith.constant 0 : i32
          %dma_wait3A_84 = arith.constant 0 : i32
          %dma_wait3A_85 = tpu.memref_slice %arg11[%dma_wait3A_83, %dma_wait3A_84] : memref<10240x128xbf16, #tpu.memory_space<vmem_shared>> -> memref<10240x128xbf16, #tpu.memory_space<vmem_shared>>
          tpu.wait_indirect_dma semaphore(%run_scoped3A : memref<!tpu.dma_semaphore, #tpu.memory_space<semaphore_mem>>) src(%arg9 : memref<128x128xbf16, #tpu.memory_space<vmem>>) dst(%dma_wait3A_85 : memref<10240x128xbf16, #tpu.memory_space<vmem_shared>>)
          tpu.yield
        }) : () -> ()
        %add3A_51 = arith.constant 2 : i32
        %add3A_52 = arith.addi %add3A_45, %add3A_51 : i32
        %lt3A = arith.constant 40 : i32
        %lt3A_53 = arith.cmpi slt, %add3A_52, %lt3A : i32
        %convert_element_type3A_54 = arith.extui %lt3A_53 : i1 to i32
        %cond3A_55 = arith.constant 0 : i32
        %cond3A_56 = arith.cmpi ne, %convert_element_type3A_54, %cond3A_55 : i32
        scf.if %cond3A_56 {
          %add3A_74 = arith.constant 2 : i32
          %add3A_75 = arith.addi %add3A_45, %add3A_74 : i32
          %dma_start3A_76 = arith.constant 0 : i32
          %dma_start3A_77 = tpu.memref_slice %arg7[%add3A_75, %dma_start3A_76] : memref<40x128xi32, #tpu.memory_space<vmem>> -> memref<1x128xi32, #tpu.memory_space<vmem>>
          %dma_start3A_78 = tpu.memref_squeeze %dma_start3A_77 : memref<1x128xi32, #tpu.memory_space<vmem>> -> memref<128xi32, #tpu.memory_space<vmem>>
          %dma_start3A_79 = arith.constant 0 : i32
          %dma_start3A_80 = arith.constant 0 : i32
          %dma_start3A_81 = tpu.memref_slice %arg12[%dma_start3A_79, %dma_start3A_80] : memref<10240x128xbf16, #tpu.memory_space<vmem_shared>> -> memref<10240x128xbf16, #tpu.memory_space<vmem_shared>>
          tpu.enqueue_indirect_dma source(%dma_start3A_81 : memref<10240x128xbf16, #tpu.memory_space<vmem_shared>>) target(%arg9 : memref<128x128xbf16, #tpu.memory_space<vmem>>) offsets(%dma_start3A_78 : memref<128xi32, #tpu.memory_space<vmem>>) semaphore(%arg13 : memref<!tpu.dma_semaphore, #tpu.memory_space<semaphore_mem>>)
        } else {
        }
        %mul3A_57 = arith.constant 2 : i32
        %mul3A_58 = arith.muli %mul3A_57, %scan3A_41 : i32
        %add3A_59 = arith.constant 1 : i32
        %add3A_60 = arith.addi %mul3A_58, %add3A_59 : i32
        %dma_wait3A_61 = arith.constant 0 : i32
        %dma_wait3A_62 = tpu.memref_slice %arg7[%add3A_60, %dma_wait3A_61] : memref<40x128xi32, #tpu.memory_space<vmem>> -> memref<1x128xi32, #tpu.memory_space<vmem>>
        %dma_wait3A_63 = tpu.memref_squeeze %dma_wait3A_62 : memref<1x128xi32, #tpu.memory_space<vmem>> -> memref<128xi32, #tpu.memory_space<vmem>>
        %dma_wait3A_64 = arith.constant 0 : i32
        %dma_wait3A_65 = arith.constant 0 : i32
        %dma_wait3A_66 = tpu.memref_slice %arg12[%dma_wait3A_64, %dma_wait3A_65] : memref<10240x128xbf16, #tpu.memory_space<vmem_shared>> -> memref<10240x128xbf16, #tpu.memory_space<vmem_shared>>
        tpu.wait_indirect_dma semaphore(%arg13 : memref<!tpu.dma_semaphore, #tpu.memory_space<semaphore_mem>>) src(%dma_wait3A_66 : memref<10240x128xbf16, #tpu.memory_space<vmem_shared>>) dst(%arg10 : memref<128x128xbf16, #tpu.memory_space<vmem>>)
        "tpu.region"() ({
          %run_scoped3A = tpu.sem_alloc : memref<!tpu.dma_semaphore, #tpu.memory_space<semaphore_mem>>
          %dma_start3A_74 = arith.constant 0 : i32
          %dma_start3A_75 = tpu.memref_slice %arg8[%add3A_60, %dma_start3A_74] : memref<40x128xi32, #tpu.memory_space<vmem>> -> memref<1x128xi32, #tpu.memory_space<vmem>>
          %dma_start3A_76 = tpu.memref_squeeze %dma_start3A_75 : memref<1x128xi32, #tpu.memory_space<vmem>> -> memref<128xi32, #tpu.memory_space<vmem>>
          %dma_start3A_77 = arith.constant 0 : i32
          %dma_start3A_78 = arith.constant 0 : i32
          %dma_start3A_79 = tpu.memref_slice %arg11[%dma_start3A_77, %dma_start3A_78] : memref<10240x128xbf16, #tpu.memory_space<vmem_shared>> -> memref<10240x128xbf16, #tpu.memory_space<vmem_shared>>
          tpu.enqueue_indirect_dma source(%arg10 : memref<128x128xbf16, #tpu.memory_space<vmem>>) target(%dma_start3A_79 : memref<10240x128xbf16, #tpu.memory_space<vmem_shared>>) offsets(%dma_start3A_76 : memref<128xi32, #tpu.memory_space<vmem>>) semaphore(%run_scoped3A : memref<!tpu.dma_semaphore, #tpu.memory_space<semaphore_mem>>) {add = true}
          %dma_wait3A_80 = arith.constant 0 : i32
          %dma_wait3A_81 = tpu.memref_slice %arg8[%add3A_60, %dma_wait3A_80] : memref<40x128xi32, #tpu.memory_space<vmem>> -> memref<1x128xi32, #tpu.memory_space<vmem>>
          %dma_wait3A_82 = tpu.memref_squeeze %dma_wait3A_81 : memref<1x128xi32, #tpu.memory_space<vmem>> -> memref<128xi32, #tpu.memory_space<vmem>>
          %dma_wait3A_83 = arith.constant 0 : i32
          %dma_wait3A_84 = arith.constant 0 : i32
          %dma_wait3A_85 = tpu.memref_slice %arg11[%dma_wait3A_83, %dma_wait3A_84] : memref<10240x128xbf16, #tpu.memory_space<vmem_shared>> -> memref<10240x128xbf16, #tpu.memory_space<vmem_shared>>
          tpu.wait_indirect_dma semaphore(%run_scoped3A : memref<!tpu.dma_semaphore, #tpu.memory_space<semaphore_mem>>) src(%arg10 : memref<128x128xbf16, #tpu.memory_space<vmem>>) dst(%dma_wait3A_85 : memref<10240x128xbf16, #tpu.memory_space<vmem_shared>>)
          tpu.yield
        }) : () -> ()
        %add3A_67 = arith.constant 2 : i32
        %add3A_68 = arith.addi %add3A_60, %add3A_67 : i32
        %lt3A_69 = arith.constant 40 : i32
        %lt3A_70 = arith.cmpi slt, %add3A_68, %lt3A_69 : i32
        %convert_element_type3A_71 = arith.extui %lt3A_70 : i1 to i32
        %cond3A_72 = arith.constant 0 : i32
        %cond3A_73 = arith.cmpi ne, %convert_element_type3A_71, %cond3A_72 : i32
        scf.if %cond3A_73 {
          %add3A_74 = arith.constant 2 : i32
          %add3A_75 = arith.addi %add3A_60, %add3A_74 : i32
          %dma_start3A_76 = arith.constant 0 : i32
          %dma_start3A_77 = tpu.memref_slice %arg7[%add3A_75, %dma_start3A_76] : memref<40x128xi32, #tpu.memory_space<vmem>> -> memref<1x128xi32, #tpu.memory_space<vmem>>
          %dma_start3A_78 = tpu.memref_squeeze %dma_start3A_77 : memref<1x128xi32, #tpu.memory_space<vmem>> -> memref<128xi32, #tpu.memory_space<vmem>>
          %dma_start3A_79 = arith.constant 0 : i32
          %dma_start3A_80 = arith.constant 0 : i32
          %dma_start3A_81 = tpu.memref_slice %arg12[%dma_start3A_79, %dma_start3A_80] : memref<10240x128xbf16, #tpu.memory_space<vmem_shared>> -> memref<10240x128xbf16, #tpu.memory_space<vmem_shared>>
          tpu.enqueue_indirect_dma source(%dma_start3A_81 : memref<10240x128xbf16, #tpu.memory_space<vmem_shared>>) target(%arg10 : memref<128x128xbf16, #tpu.memory_space<vmem>>) offsets(%dma_start3A_78 : memref<128xi32, #tpu.memory_space<vmem>>) semaphore(%arg13 : memref<!tpu.dma_semaphore, #tpu.memory_space<semaphore_mem>>)
        } else {
        }
      }
      %scan3A_40 = arith.constant 20 : i32
    } else {
    }
    %eq3A_9 = arith.constant 1 : i32
    %eq3A_10 = arith.cmpi eq, %arg0, %eq3A_9 : i32
    %convert_element_type3A_11 = arith.extui %eq3A_10 : i1 to i32
    %cond3A_12 = arith.constant 0 : i32
    %cond3A_13 = arith.cmpi ne, %convert_element_type3A_11, %cond3A_12 : i32
    scf.if %cond3A_13 {
      %mul3A_20 = arith.constant 40 : i32
      %mul3A_21 = arith.muli %arg1, %mul3A_20 : i32
      %add3A_22 = arith.constant 640 : i32
      %add3A_23 = arith.addi %add3A_22, %mul3A_21 : i32
      "tpu.region"() ({
        %run_scoped3A = tpu.sem_alloc : memref<!tpu.dma_semaphore, #tpu.memory_space<semaphore_mem>>
        %dma_start3A_43 = arith.constant 0 : i32
        %dma_start3A_44 = arith.constant 0 : i32
        %dma_start3A_45 = tpu.memref_slice %arg7[%dma_start3A_43, %dma_start3A_44] : memref<40x128xi32, #tpu.memory_space<vmem>> -> memref<40x128xi32, #tpu.memory_space<vmem>>
        %dma_start3A_46 = arith.constant 0 : i32
        %dma_start3A_47 = tpu.memref_slice %arg3[%add3A_23, %dma_start3A_46] : memref<1280x128xi32, #tpu.memory_space<hbm>> -> memref<40x128xi32, #tpu.memory_space<hbm>>
        %dma_start3A_48 = arith.constant 0 : i32
        %dma_start3A_49 = arith.constant 0 : i32
        %dma_start3A_50 = tpu.memref_slice %arg7[%dma_start3A_48, %dma_start3A_49] : memref<40x128xi32, #tpu.memory_space<vmem>> -> memref<40x128xi32, #tpu.memory_space<vmem>>
        %dma_start3A_51 = arith.constant 0 : i32
        %dma_start3A_52 = tpu.memref_slice %arg3[%add3A_23, %dma_start3A_51] : memref<1280x128xi32, #tpu.memory_space<hbm>> -> memref<40x128xi32, #tpu.memory_space<hbm>>
        tpu.enqueue_dma source(%dma_start3A_52 : memref<40x128xi32, #tpu.memory_space<hbm>>) target(%dma_start3A_50 : memref<40x128xi32, #tpu.memory_space<vmem>>) target_semaphore(%run_scoped3A : memref<!tpu.dma_semaphore, #tpu.memory_space<semaphore_mem>>)
        %dma_wait3A = arith.constant 0 : i32
        %dma_wait3A_53 = arith.constant 0 : i32
        %dma_wait3A_54 = tpu.memref_slice %arg7[%dma_wait3A, %dma_wait3A_53] : memref<40x128xi32, #tpu.memory_space<vmem>> -> memref<40x128xi32, #tpu.memory_space<vmem>>
        %dma_wait3A_55 = arith.constant 0 : i32
        %dma_wait3A_56 = tpu.memref_slice %arg3[%add3A_23, %dma_wait3A_55] : memref<1280x128xi32, #tpu.memory_space<hbm>> -> memref<40x128xi32, #tpu.memory_space<hbm>>
        %dma_wait3A_57 = arith.constant 0 : i32
        %dma_wait3A_58 = arith.constant 0 : i32
        %dma_wait3A_59 = tpu.memref_slice %arg7[%dma_wait3A_57, %dma_wait3A_58] : memref<40x128xi32, #tpu.memory_space<vmem>> -> memref<40x128xi32, #tpu.memory_space<vmem>>
        %dma_wait3A_60 = arith.constant 0 : i32
        %dma_wait3A_61 = tpu.memref_slice %arg3[%add3A_23, %dma_wait3A_60] : memref<1280x128xi32, #tpu.memory_space<hbm>> -> memref<40x128xi32, #tpu.memory_space<hbm>>
        tpu.wait_dma2 semaphore(%run_scoped3A : memref<!tpu.dma_semaphore, #tpu.memory_space<semaphore_mem>>) src(%dma_wait3A_61 : memref<40x128xi32, #tpu.memory_space<hbm>>) dst(%dma_wait3A_59 : memref<40x128xi32, #tpu.memory_space<vmem>>)
        tpu.yield
      }) : () -> ()
      "tpu.region"() ({
        %run_scoped3A = tpu.sem_alloc : memref<!tpu.dma_semaphore, #tpu.memory_space<semaphore_mem>>
        %dma_start3A_43 = arith.constant 0 : i32
        %dma_start3A_44 = arith.constant 0 : i32
        %dma_start3A_45 = tpu.memref_slice %arg8[%dma_start3A_43, %dma_start3A_44] : memref<40x128xi32, #tpu.memory_space<vmem>> -> memref<40x128xi32, #tpu.memory_space<vmem>>
        %dma_start3A_46 = arith.constant 0 : i32
        %dma_start3A_47 = tpu.memref_slice %arg4[%add3A_23, %dma_start3A_46] : memref<1280x128xi32, #tpu.memory_space<hbm>> -> memref<40x128xi32, #tpu.memory_space<hbm>>
        %dma_start3A_48 = arith.constant 0 : i32
        %dma_start3A_49 = arith.constant 0 : i32
        %dma_start3A_50 = tpu.memref_slice %arg8[%dma_start3A_48, %dma_start3A_49] : memref<40x128xi32, #tpu.memory_space<vmem>> -> memref<40x128xi32, #tpu.memory_space<vmem>>
        %dma_start3A_51 = arith.constant 0 : i32
        %dma_start3A_52 = tpu.memref_slice %arg4[%add3A_23, %dma_start3A_51] : memref<1280x128xi32, #tpu.memory_space<hbm>> -> memref<40x128xi32, #tpu.memory_space<hbm>>
        tpu.enqueue_dma source(%dma_start3A_52 : memref<40x128xi32, #tpu.memory_space<hbm>>) target(%dma_start3A_50 : memref<40x128xi32, #tpu.memory_space<vmem>>) target_semaphore(%run_scoped3A : memref<!tpu.dma_semaphore, #tpu.memory_space<semaphore_mem>>)
        %dma_wait3A = arith.constant 0 : i32
        %dma_wait3A_53 = arith.constant 0 : i32
        %dma_wait3A_54 = tpu.memref_slice %arg8[%dma_wait3A, %dma_wait3A_53] : memref<40x128xi32, #tpu.memory_space<vmem>> -> memref<40x128xi32, #tpu.memory_space<vmem>>
        %dma_wait3A_55 = arith.constant 0 : i32
        %dma_wait3A_56 = tpu.memref_slice %arg4[%add3A_23, %dma_wait3A_55] : memref<1280x128xi32, #tpu.memory_space<hbm>> -> memref<40x128xi32, #tpu.memory_space<hbm>>
        %dma_wait3A_57 = arith.constant 0 : i32
        %dma_wait3A_58 = arith.constant 0 : i32
        %dma_wait3A_59 = tpu.memref_slice %arg8[%dma_wait3A_57, %dma_wait3A_58] : memref<40x128xi32, #tpu.memory_space<vmem>> -> memref<40x128xi32, #tpu.memory_space<vmem>>
        %dma_wait3A_60 = arith.constant 0 : i32
        %dma_wait3A_61 = tpu.memref_slice %arg4[%add3A_23, %dma_wait3A_60] : memref<1280x128xi32, #tpu.memory_space<hbm>> -> memref<40x128xi32, #tpu.memory_space<hbm>>
        tpu.wait_dma2 semaphore(%run_scoped3A : memref<!tpu.dma_semaphore, #tpu.memory_space<semaphore_mem>>) src(%dma_wait3A_61 : memref<40x128xi32, #tpu.memory_space<hbm>>) dst(%dma_wait3A_59 : memref<40x128xi32, #tpu.memory_space<vmem>>)
        tpu.yield
      }) : () -> ()
      %barrier3A_24 = arith.constant 0 : index
      tpu.barrier barrier_id(%barrier3A_24)
      %dma_start3A = arith.constant 0 : i32
      %dma_start3A_25 = arith.constant 0 : i32
      %dma_start3A_26 = tpu.memref_slice %arg7[%dma_start3A, %dma_start3A_25] : memref<40x128xi32, #tpu.memory_space<vmem>> -> memref<1x128xi32, #tpu.memory_space<vmem>>
      %dma_start3A_27 = tpu.memref_squeeze %dma_start3A_26 : memref<1x128xi32, #tpu.memory_space<vmem>> -> memref<128xi32, #tpu.memory_space<vmem>>
      %dma_start3A_28 = arith.constant 0 : i32
      %dma_start3A_29 = arith.constant 0 : i32
      %dma_start3A_30 = tpu.memref_slice %arg12[%dma_start3A_28, %dma_start3A_29] : memref<10240x128xbf16, #tpu.memory_space<vmem_shared>> -> memref<10240x128xbf16, #tpu.memory_space<vmem_shared>>
      tpu.enqueue_indirect_dma source(%dma_start3A_30 : memref<10240x128xbf16, #tpu.memory_space<vmem_shared>>) target(%arg9 : memref<128x128xbf16, #tpu.memory_space<vmem>>) offsets(%dma_start3A_27 : memref<128xi32, #tpu.memory_space<vmem>>) semaphore(%arg13 : memref<!tpu.dma_semaphore, #tpu.memory_space<semaphore_mem>>)
      %dma_start3A_31 = arith.constant 1 : i32
      %dma_start3A_32 = arith.constant 0 : i32
      %dma_start3A_33 = tpu.memref_slice %arg7[%dma_start3A_31, %dma_start3A_32] : memref<40x128xi32, #tpu.memory_space<vmem>> -> memref<1x128xi32, #tpu.memory_space<vmem>>
      %dma_start3A_34 = tpu.memref_squeeze %dma_start3A_33 : memref<1x128xi32, #tpu.memory_space<vmem>> -> memref<128xi32, #tpu.memory_space<vmem>>
      %dma_start3A_35 = arith.constant 0 : i32
      %dma_start3A_36 = arith.constant 0 : i32
      %dma_start3A_37 = tpu.memref_slice %arg12[%dma_start3A_35, %dma_start3A_36] : memref<10240x128xbf16, #tpu.memory_space<vmem_shared>> -> memref<10240x128xbf16, #tpu.memory_space<vmem_shared>>
      tpu.enqueue_indirect_dma source(%dma_start3A_37 : memref<10240x128xbf16, #tpu.memory_space<vmem_shared>>) target(%arg10 : memref<128x128xbf16, #tpu.memory_space<vmem>>) offsets(%dma_start3A_34 : memref<128xi32, #tpu.memory_space<vmem>>) semaphore(%arg13 : memref<!tpu.dma_semaphore, #tpu.memory_space<semaphore_mem>>)
      %scan3A = arith.constant 0 : i32
      %scan3A_38 = arith.constant 0 : i32
      %scan3A_39 = arith.constant 20 : i32
      %scan3A_40 = arith.addi %scan3A_38, %scan3A_39 : i32
      %scan3A_41 = arith.constant 1 : i32
      scf.for %scan3A_43 = %scan3A_38 to %scan3A_40 step %scan3A_41  : i32 {
        %mul3A_44 = arith.constant 2 : i32
        %mul3A_45 = arith.muli %mul3A_44, %scan3A_43 : i32
        %add3A_46 = arith.constant 0 : i32
        %add3A_47 = arith.addi %mul3A_45, %add3A_46 : i32
        %dma_wait3A = arith.constant 0 : i32
        %dma_wait3A_48 = tpu.memref_slice %arg7[%add3A_47, %dma_wait3A] : memref<40x128xi32, #tpu.memory_space<vmem>> -> memref<1x128xi32, #tpu.memory_space<vmem>>
        %dma_wait3A_49 = tpu.memref_squeeze %dma_wait3A_48 : memref<1x128xi32, #tpu.memory_space<vmem>> -> memref<128xi32, #tpu.memory_space<vmem>>
        %dma_wait3A_50 = arith.constant 0 : i32
        %dma_wait3A_51 = arith.constant 0 : i32
        %dma_wait3A_52 = tpu.memref_slice %arg12[%dma_wait3A_50, %dma_wait3A_51] : memref<10240x128xbf16, #tpu.memory_space<vmem_shared>> -> memref<10240x128xbf16, #tpu.memory_space<vmem_shared>>
        tpu.wait_indirect_dma semaphore(%arg13 : memref<!tpu.dma_semaphore, #tpu.memory_space<semaphore_mem>>) src(%dma_wait3A_52 : memref<10240x128xbf16, #tpu.memory_space<vmem_shared>>) dst(%arg9 : memref<128x128xbf16, #tpu.memory_space<vmem>>)
        "tpu.region"() ({
          %run_scoped3A = tpu.sem_alloc : memref<!tpu.dma_semaphore, #tpu.memory_space<semaphore_mem>>
          %dma_start3A_76 = arith.constant 0 : i32
          %dma_start3A_77 = tpu.memref_slice %arg8[%add3A_47, %dma_start3A_76] : memref<40x128xi32, #tpu.memory_space<vmem>> -> memref<1x128xi32, #tpu.memory_space<vmem>>
          %dma_start3A_78 = tpu.memref_squeeze %dma_start3A_77 : memref<1x128xi32, #tpu.memory_space<vmem>> -> memref<128xi32, #tpu.memory_space<vmem>>
          %dma_start3A_79 = arith.constant 0 : i32
          %dma_start3A_80 = arith.constant 0 : i32
          %dma_start3A_81 = tpu.memref_slice %arg11[%dma_start3A_79, %dma_start3A_80] : memref<10240x128xbf16, #tpu.memory_space<vmem_shared>> -> memref<10240x128xbf16, #tpu.memory_space<vmem_shared>>
          tpu.enqueue_indirect_dma source(%arg9 : memref<128x128xbf16, #tpu.memory_space<vmem>>) target(%dma_start3A_81 : memref<10240x128xbf16, #tpu.memory_space<vmem_shared>>) offsets(%dma_start3A_78 : memref<128xi32, #tpu.memory_space<vmem>>) semaphore(%run_scoped3A : memref<!tpu.dma_semaphore, #tpu.memory_space<semaphore_mem>>) {add = true}
          %dma_wait3A_82 = arith.constant 0 : i32
          %dma_wait3A_83 = tpu.memref_slice %arg8[%add3A_47, %dma_wait3A_82] : memref<40x128xi32, #tpu.memory_space<vmem>> -> memref<1x128xi32, #tpu.memory_space<vmem>>
          %dma_wait3A_84 = tpu.memref_squeeze %dma_wait3A_83 : memref<1x128xi32, #tpu.memory_space<vmem>> -> memref<128xi32, #tpu.memory_space<vmem>>
          %dma_wait3A_85 = arith.constant 0 : i32
          %dma_wait3A_86 = arith.constant 0 : i32
          %dma_wait3A_87 = tpu.memref_slice %arg11[%dma_wait3A_85, %dma_wait3A_86] : memref<10240x128xbf16, #tpu.memory_space<vmem_shared>> -> memref<10240x128xbf16, #tpu.memory_space<vmem_shared>>
          tpu.wait_indirect_dma semaphore(%run_scoped3A : memref<!tpu.dma_semaphore, #tpu.memory_space<semaphore_mem>>) src(%arg9 : memref<128x128xbf16, #tpu.memory_space<vmem>>) dst(%dma_wait3A_87 : memref<10240x128xbf16, #tpu.memory_space<vmem_shared>>)
          tpu.yield
        }) : () -> ()
        %add3A_53 = arith.constant 2 : i32
        %add3A_54 = arith.addi %add3A_47, %add3A_53 : i32
        %lt3A = arith.constant 40 : i32
        %lt3A_55 = arith.cmpi slt, %add3A_54, %lt3A : i32
        %convert_element_type3A_56 = arith.extui %lt3A_55 : i1 to i32
        %cond3A_57 = arith.constant 0 : i32
        %cond3A_58 = arith.cmpi ne, %convert_element_type3A_56, %cond3A_57 : i32
        scf.if %cond3A_58 {
          %add3A_76 = arith.constant 2 : i32
          %add3A_77 = arith.addi %add3A_47, %add3A_76 : i32
          %dma_start3A_78 = arith.constant 0 : i32
          %dma_start3A_79 = tpu.memref_slice %arg7[%add3A_77, %dma_start3A_78] : memref<40x128xi32, #tpu.memory_space<vmem>> -> memref<1x128xi32, #tpu.memory_space<vmem>>
          %dma_start3A_80 = tpu.memref_squeeze %dma_start3A_79 : memref<1x128xi32, #tpu.memory_space<vmem>> -> memref<128xi32, #tpu.memory_space<vmem>>
          %dma_start3A_81 = arith.constant 0 : i32
          %dma_start3A_82 = arith.constant 0 : i32
          %dma_start3A_83 = tpu.memref_slice %arg12[%dma_start3A_81, %dma_start3A_82] : memref<10240x128xbf16, #tpu.memory_space<vmem_shared>> -> memref<10240x128xbf16, #tpu.memory_space<vmem_shared>>
          tpu.enqueue_indirect_dma source(%dma_start3A_83 : memref<10240x128xbf16, #tpu.memory_space<vmem_shared>>) target(%arg9 : memref<128x128xbf16, #tpu.memory_space<vmem>>) offsets(%dma_start3A_80 : memref<128xi32, #tpu.memory_space<vmem>>) semaphore(%arg13 : memref<!tpu.dma_semaphore, #tpu.memory_space<semaphore_mem>>)
        } else {
        }
        %mul3A_59 = arith.constant 2 : i32
        %mul3A_60 = arith.muli %mul3A_59, %scan3A_43 : i32
        %add3A_61 = arith.constant 1 : i32
        %add3A_62 = arith.addi %mul3A_60, %add3A_61 : i32
        %dma_wait3A_63 = arith.constant 0 : i32
        %dma_wait3A_64 = tpu.memref_slice %arg7[%add3A_62, %dma_wait3A_63] : memref<40x128xi32, #tpu.memory_space<vmem>> -> memref<1x128xi32, #tpu.memory_space<vmem>>
        %dma_wait3A_65 = tpu.memref_squeeze %dma_wait3A_64 : memref<1x128xi32, #tpu.memory_space<vmem>> -> memref<128xi32, #tpu.memory_space<vmem>>
        %dma_wait3A_66 = arith.constant 0 : i32
        %dma_wait3A_67 = arith.constant 0 : i32
        %dma_wait3A_68 = tpu.memref_slice %arg12[%dma_wait3A_66, %dma_wait3A_67] : memref<10240x128xbf16, #tpu.memory_space<vmem_shared>> -> memref<10240x128xbf16, #tpu.memory_space<vmem_shared>>
        tpu.wait_indirect_dma semaphore(%arg13 : memref<!tpu.dma_semaphore, #tpu.memory_space<semaphore_mem>>) src(%dma_wait3A_68 : memref<10240x128xbf16, #tpu.memory_space<vmem_shared>>) dst(%arg10 : memref<128x128xbf16, #tpu.memory_space<vmem>>)
        "tpu.region"() ({
          %run_scoped3A = tpu.sem_alloc : memref<!tpu.dma_semaphore, #tpu.memory_space<semaphore_mem>>
          %dma_start3A_76 = arith.constant 0 : i32
          %dma_start3A_77 = tpu.memref_slice %arg8[%add3A_62, %dma_start3A_76] : memref<40x128xi32, #tpu.memory_space<vmem>> -> memref<1x128xi32, #tpu.memory_space<vmem>>
          %dma_start3A_78 = tpu.memref_squeeze %dma_start3A_77 : memref<1x128xi32, #tpu.memory_space<vmem>> -> memref<128xi32, #tpu.memory_space<vmem>>
          %dma_start3A_79 = arith.constant 0 : i32
          %dma_start3A_80 = arith.constant 0 : i32
          %dma_start3A_81 = tpu.memref_slice %arg11[%dma_start3A_79, %dma_start3A_80] : memref<10240x128xbf16, #tpu.memory_space<vmem_shared>> -> memref<10240x128xbf16, #tpu.memory_space<vmem_shared>>
          tpu.enqueue_indirect_dma source(%arg10 : memref<128x128xbf16, #tpu.memory_space<vmem>>) target(%dma_start3A_81 : memref<10240x128xbf16, #tpu.memory_space<vmem_shared>>) offsets(%dma_start3A_78 : memref<128xi32, #tpu.memory_space<vmem>>) semaphore(%run_scoped3A : memref<!tpu.dma_semaphore, #tpu.memory_space<semaphore_mem>>) {add = true}
          %dma_wait3A_82 = arith.constant 0 : i32
          %dma_wait3A_83 = tpu.memref_slice %arg8[%add3A_62, %dma_wait3A_82] : memref<40x128xi32, #tpu.memory_space<vmem>> -> memref<1x128xi32, #tpu.memory_space<vmem>>
          %dma_wait3A_84 = tpu.memref_squeeze %dma_wait3A_83 : memref<1x128xi32, #tpu.memory_space<vmem>> -> memref<128xi32, #tpu.memory_space<vmem>>
          %dma_wait3A_85 = arith.constant 0 : i32
          %dma_wait3A_86 = arith.constant 0 : i32
          %dma_wait3A_87 = tpu.memref_slice %arg11[%dma_wait3A_85, %dma_wait3A_86] : memref<10240x128xbf16, #tpu.memory_space<vmem_shared>> -> memref<10240x128xbf16, #tpu.memory_space<vmem_shared>>
          tpu.wait_indirect_dma semaphore(%run_scoped3A : memref<!tpu.dma_semaphore, #tpu.memory_space<semaphore_mem>>) src(%arg10 : memref<128x128xbf16, #tpu.memory_space<vmem>>) dst(%dma_wait3A_87 : memref<10240x128xbf16, #tpu.memory_space<vmem_shared>>)
          tpu.yield
        }) : () -> ()
        %add3A_69 = arith.constant 2 : i32
        %add3A_70 = arith.addi %add3A_62, %add3A_69 : i32
        %lt3A_71 = arith.constant 40 : i32
        %lt3A_72 = arith.cmpi slt, %add3A_70, %lt3A_71 : i32
        %convert_element_type3A_73 = arith.extui %lt3A_72 : i1 to i32
        %cond3A_74 = arith.constant 0 : i32
        %cond3A_75 = arith.cmpi ne, %convert_element_type3A_73, %cond3A_74 : i32
        scf.if %cond3A_75 {
          %add3A_76 = arith.constant 2 : i32
          %add3A_77 = arith.addi %add3A_62, %add3A_76 : i32
          %dma_start3A_78 = arith.constant 0 : i32
          %dma_start3A_79 = tpu.memref_slice %arg7[%add3A_77, %dma_start3A_78] : memref<40x128xi32, #tpu.memory_space<vmem>> -> memref<1x128xi32, #tpu.memory_space<vmem>>
          %dma_start3A_80 = tpu.memref_squeeze %dma_start3A_79 : memref<1x128xi32, #tpu.memory_space<vmem>> -> memref<128xi32, #tpu.memory_space<vmem>>
          %dma_start3A_81 = arith.constant 0 : i32
          %dma_start3A_82 = arith.constant 0 : i32
          %dma_start3A_83 = tpu.memref_slice %arg12[%dma_start3A_81, %dma_start3A_82] : memref<10240x128xbf16, #tpu.memory_space<vmem_shared>> -> memref<10240x128xbf16, #tpu.memory_space<vmem_shared>>
          tpu.enqueue_indirect_dma source(%dma_start3A_83 : memref<10240x128xbf16, #tpu.memory_space<vmem_shared>>) target(%arg10 : memref<128x128xbf16, #tpu.memory_space<vmem>>) offsets(%dma_start3A_80 : memref<128xi32, #tpu.memory_space<vmem>>) semaphore(%arg13 : memref<!tpu.dma_semaphore, #tpu.memory_space<semaphore_mem>>)
        } else {
        }
      }
      %scan3A_42 = arith.constant 20 : i32
    } else {
    }
    %barrier3A = arith.constant 0 : index
    tpu.barrier barrier_id(%barrier3A)
    %mul3A_14 = arith.constant 640 : i32
    %mul3A_15 = arith.muli %arg1, %mul3A_14 : i32
    %mul3A_16 = arith.constant 10240 : i32
    %mul3A_17 = arith.muli %arg0, %mul3A_16 : i32
    %mul3A_18 = arith.constant 640 : i32
    %mul3A_19 = arith.muli %arg1, %mul3A_18 : i32
    %add3A = arith.addi %mul3A_17, %mul3A_19 : i32
    "tpu.region"() ({
      %run_scoped3A = tpu.sem_alloc : memref<!tpu.dma_semaphore, #tpu.memory_space<semaphore_mem>>
      %dma_start3A = arith.constant 0 : i32
      %dma_start3A_20 = tpu.memref_slice %arg6[%add3A, %dma_start3A] : memref<20480x128xbf16, #tpu.memory_space<hbm>> -> memref<640x128xbf16, #tpu.memory_space<hbm>>
      %dma_start3A_21 = arith.constant 0 : i32
      %dma_start3A_22 = tpu.memref_slice %arg11[%mul3A_15, %dma_start3A_21] : memref<10240x128xbf16, #tpu.memory_space<vmem_shared>> -> memref<640x128xbf16, #tpu.memory_space<vmem_shared>>
      tpu.enqueue_dma source(%dma_start3A_22 : memref<640x128xbf16, #tpu.memory_space<vmem_shared>>) target(%dma_start3A_20 : memref<640x128xbf16, #tpu.memory_space<hbm>>) target_semaphore(%run_scoped3A : memref<!tpu.dma_semaphore, #tpu.memory_space<semaphore_mem>>)
      %dma_wait3A = arith.constant 0 : i32
      %dma_wait3A_23 = tpu.memref_slice %arg6[%add3A, %dma_wait3A] : memref<20480x128xbf16, #tpu.memory_space<hbm>> -> memref<640x128xbf16, #tpu.memory_space<hbm>>
      %dma_wait3A_24 = arith.constant 0 : i32
      %dma_wait3A_25 = tpu.memref_slice %arg11[%mul3A_15, %dma_wait3A_24] : memref<10240x128xbf16, #tpu.memory_space<vmem_shared>> -> memref<640x128xbf16, #tpu.memory_space<vmem_shared>>
      tpu.wait_dma2 semaphore(%run_scoped3A : memref<!tpu.dma_semaphore, #tpu.memory_space<semaphore_mem>>) src(%dma_wait3A_25 : memref<640x128xbf16, #tpu.memory_space<vmem_shared>>) dst(%dma_wait3A_23 : memref<640x128xbf16, #tpu.memory_space<hbm>>)
      tpu.yield
    }) : () -> ()
    return
  }
}

module attributes {stable_mosaic.version = 14 : i64} {
  func.func @_pre_body(%arg0: i32, %arg1: memref<2000x256xf32, #tpu.memory_space<vmem>>, %arg2: memref<256x256xf32, #tpu.memory_space<vmem>>, %arg3: memref<1x128xf32, #tpu.memory_space<vmem>>, %arg4: memref<2000x128xf32, #tpu.memory_space<vmem>>, %arg5: memref<2000x128xf32, #tpu.memory_space<vmem>>, %arg6: memref<2000x128xbf16, #tpu.memory_space<vmem>>) attributes {dimension_semantics = [#tpu.dimension_semantics<arbitrary>], iteration_bounds = array<i64: 5>, scalar_prefetch = 0 : i64, scratch_operands = 0 : i64, tpu.core_type = #tpu.core_type<tc>, window_params = [{transform_indices = @transform_0, window_bounds = array<i64: 2000, 256>}, {pipeline_mode = #tpu.pipeline_mode<synchronous>, transform_indices = @transform_1, window_bounds = array<i64: 256, 256>}, {pipeline_mode = #tpu.pipeline_mode<synchronous>, transform_indices = @transform_2, window_bounds = array<i64: 1, 128>}, {transform_indices = @transform_3, window_bounds = array<i64: 2000, 128>}, {transform_indices = @transform_4, window_bounds = array<i64: 2000, 128>}, {transform_indices = @transform_5, window_bounds = array<i64: 2000, 128>}]} {
    %get3A = arith.constant 0 : index
    %get3A_0 = arith.constant 0 : index
    %get3A_1 = vector.load %arg1[%get3A, %get3A_0] : memref<2000x256xf32, #tpu.memory_space<vmem>>, vector<2000x256xf32>
    %get3A_2 = arith.constant 0 : index
    %get3A_3 = arith.constant 0 : index
    %get3A_4 = vector.load %arg2[%get3A_2, %get3A_3] : memref<256x256xf32, #tpu.memory_space<vmem>>, vector<256x256xf32>
    %dot_general3A = arith.constant dense<0.000000e+00> : vector<2000x256xf32>
    %dot_general3A_5 = tpu.matmul %get3A_1, %get3A_4, %dot_general3A {dimension_numbers = #tpu.dot_dimension_numbers<[1], [0], [0], [1], [0, 0, 1, 1], [], []>, transpose_lhs_hint = false} : vector<2000x256xf32>, vector<256x256xf32>, vector<2000x256xf32> -> vector<2000x256xf32>
    %slice3A = vector.extract_strided_slice %dot_general3A_5 {offsets = [0, 0], sizes = [2000, 128], strides = [1, 1]} : vector<2000x256xf32> to vector<2000x128xf32>
    %get3A_6 = arith.constant 0 : index
    %get3A_7 = arith.constant 0 : index
    %get3A_8 = vector.load %arg3[%get3A_6, %get3A_7] : memref<1x128xf32, #tpu.memory_space<vmem>>, vector<1x128xf32>
    %add3A = vector.broadcast %get3A_8 : vector<1x128xf32> to vector<2000x128xf32>
    %add3A_9 = arith.addf %slice3A, %add3A : vector<2000x128xf32>
    %ge3A = arith.constant 0.000000e+00 : f32
    %ge3A_10 = vector.broadcast %ge3A : f32 to vector<2000x128xf32>
    %ge3A_11 = arith.cmpf oge, %add3A_9, %ge3A_10 : vector<2000x128xf32>
    %mul3A = arith.constant 2.000000e-01 : f32
    %mul3A_12 = vector.broadcast %mul3A : f32 to vector<2000x128xf32>
    %mul3A_13 = arith.mulf %mul3A_12, %add3A_9 : vector<2000x128xf32>
    %select_n3A = arith.select %ge3A_11, %add3A_9, %mul3A_13 : vector<2000x128xi1>, vector<2000x128xf32>
    %swap3A = arith.constant 0 : index
    %swap3A_14 = arith.constant 0 : index
    %swap3A_15 = vector.load %arg4[%swap3A, %swap3A_14] : memref<2000x128xf32, #tpu.memory_space<vmem>>, vector<2000x128xf32>
    tpu.vector_store %arg4[%swap3A, %swap3A_14], %select_n3A {strides = array<i32>} : memref<2000x128xf32, #tpu.memory_space<vmem>>, vector<2000x128xf32>,
    %slice3A_16 = vector.extract_strided_slice %dot_general3A_5 {offsets = [0, 128], sizes = [2000, 128], strides = [1, 1]} : vector<2000x256xf32> to vector<2000x128xf32>
    %swap3A_17 = arith.constant 0 : index
    %swap3A_18 = arith.constant 0 : index
    %swap3A_19 = vector.load %arg5[%swap3A_17, %swap3A_18] : memref<2000x128xf32, #tpu.memory_space<vmem>>, vector<2000x128xf32>
    tpu.vector_store %arg5[%swap3A_17, %swap3A_18], %slice3A_16 {strides = array<i32>} : memref<2000x128xf32, #tpu.memory_space<vmem>>, vector<2000x128xf32>,
    %slice3A_20 = vector.extract_strided_slice %dot_general3A_5 {offsets = [0, 128], sizes = [2000, 128], strides = [1, 1]} : vector<2000x256xf32> to vector<2000x128xf32>
    %convert_element_type3A = arith.truncf %slice3A_20 : vector<2000x128xf32> to vector<2000x128xbf16>
    %swap3A_21 = arith.constant 0 : index
    %swap3A_22 = arith.constant 0 : index
    %swap3A_23 = vector.load %arg6[%swap3A_21, %swap3A_22] : memref<2000x128xbf16, #tpu.memory_space<vmem>>, vector<2000x128xbf16>
    tpu.vector_store %arg6[%swap3A_21, %swap3A_22], %convert_element_type3A {strides = array<i32>} : memref<2000x128xbf16, #tpu.memory_space<vmem>>, vector<2000x128xbf16>,
    return
  }
  func.func @transform_0(%arg0: i32) -> (i32, i32) {
    %c0_i32 = arith.constant 0 : i32
    %c0_i32_0 = arith.constant 0 : i32
    return %arg0, %c0_i32 : i32, i32
  }
  func.func @transform_1(%arg0: i32) -> (i32, i32) {
    %c0_i32 = arith.constant 0 : i32
    %c0_i32_0 = arith.constant 0 : i32
    %c0_i32_1 = arith.constant 0 : i32
    return %c0_i32, %c0_i32_0 : i32, i32
  }
  func.func @transform_2(%arg0: i32) -> (i32, i32) {
    %c0_i32 = arith.constant 0 : i32
    %c0_i32_0 = arith.constant 0 : i32
    %c0_i32_1 = arith.constant 0 : i32
    return %c0_i32, %c0_i32_0 : i32, i32
  }
  func.func @transform_3(%arg0: i32) -> (i32, i32) {
    %c0_i32 = arith.constant 0 : i32
    %c0_i32_0 = arith.constant 0 : i32
    return %arg0, %c0_i32 : i32, i32
  }
  func.func @transform_4(%arg0: i32) -> (i32, i32) {
    %c0_i32 = arith.constant 0 : i32
    %c0_i32_0 = arith.constant 0 : i32
    return %arg0, %c0_i32 : i32, i32
  }
  func.func @transform_5(%arg0: i32) -> (i32, i32) {
    %c0_i32 = arith.constant 0 : i32
    %c0_i32_0 = arith.constant 0 : i32
    return %arg0, %c0_i32 : i32, i32
  }
}

module attributes {stable_mosaic.version = 14 : i64} {
  func.func @_post_body(%arg0: i32, %arg1: memref<2000x128xf32, #tpu.memory_space<vmem>>, %arg2: memref<2000x128xf32, #tpu.memory_space<vmem>>, %arg3: memref<1x2000x128xbf16, #tpu.memory_space<vmem>>, %arg4: memref<1x2000x128xbf16, #tpu.memory_space<vmem>>, %arg5: memref<2000x1xf32, #tpu.memory_space<vmem>>, %arg6: memref<256x256xf32, #tpu.memory_space<vmem>>, %arg7: memref<1x128xf32, #tpu.memory_space<vmem>>, %arg8: memref<1x256xf32, #tpu.memory_space<vmem>>, %arg9: memref<1x256xf32, #tpu.memory_space<vmem>>, %arg10: memref<1x256xf32, #tpu.memory_space<vmem>>, %arg11: memref<2000x256xf32, #tpu.memory_space<vmem>>) attributes {dimension_semantics = [#tpu.dimension_semantics<arbitrary>], iteration_bounds = array<i64: 5>, scalar_prefetch = 0 : i64, scratch_operands = 0 : i64, tpu.core_type = #tpu.core_type<tc>, window_params = [{transform_indices = @transform_0, window_bounds = array<i64: 2000, 128>}, {transform_indices = @transform_1, window_bounds = array<i64: 2000, 128>}, {transform_indices = @transform_2, window_bounds = array<i64: 1, 2000, 128>}, {transform_indices = @transform_3, window_bounds = array<i64: 1, 2000, 128>}, {transform_indices = @transform_4, window_bounds = array<i64: 2000, 1>}, {pipeline_mode = #tpu.pipeline_mode<synchronous>, transform_indices = @transform_5, window_bounds = array<i64: 256, 256>}, {pipeline_mode = #tpu.pipeline_mode<synchronous>, transform_indices = @transform_6, window_bounds = array<i64: 1, 128>}, {pipeline_mode = #tpu.pipeline_mode<synchronous>, transform_indices = @transform_7, window_bounds = array<i64: 1, 256>}, {pipeline_mode = #tpu.pipeline_mode<synchronous>, transform_indices = @transform_8, window_bounds = array<i64: 1, 256>}, {pipeline_mode = #tpu.pipeline_mode<synchronous>, transform_indices = @transform_9, window_bounds = array<i64: 1, 256>}, {transform_indices = @transform_10, window_bounds = array<i64: 2000, 256>}]} {
    %get3A = arith.constant 0 : index
    %get3A_0 = arith.constant 0 : index
    %get3A_1 = vector.load %arg5[%get3A, %get3A_0] : memref<2000x1xf32, #tpu.memory_space<vmem>>, vector<2000x1xf32>
    %add3A = arith.constant 1.000000e+00 : f32
    %add3A_2 = vector.broadcast %add3A : f32 to vector<2000x1xf32>
    %add3A_3 = arith.addf %get3A_1, %add3A_2 : vector<2000x1xf32>
    %get3A_4 = arith.constant 0 : index
    %get3A_5 = arith.constant 0 : index
    %get3A_6 = arith.constant 0 : index
    %get3A_7 = vector.load %arg3[%get3A_4, %get3A_5, %get3A_6] : memref<1x2000x128xbf16, #tpu.memory_space<vmem>>, vector<1x2000x128xbf16>
    %get3A_8 = vector.shape_cast %get3A_7 : vector<1x2000x128xbf16> to vector<2000x128xbf16>
    %convert_element_type3A = arith.extf %get3A_8 : vector<2000x128xbf16> to vector<2000x128xf32>
    %get3A_9 = arith.constant 0 : index
    %get3A_10 = arith.constant 0 : index
    %get3A_11 = arith.constant 0 : index
    %get3A_12 = vector.load %arg4[%get3A_9, %get3A_10, %get3A_11] : memref<1x2000x128xbf16, #tpu.memory_space<vmem>>, vector<1x2000x128xbf16>
    %get3A_13 = vector.shape_cast %get3A_12 : vector<1x2000x128xbf16> to vector<2000x128xbf16>
    %convert_element_type3A_14 = arith.extf %get3A_13 : vector<2000x128xbf16> to vector<2000x128xf32>
    %add3A_15 = arith.addf %convert_element_type3A, %convert_element_type3A_14 : vector<2000x128xf32>
    %get3A_16 = arith.constant 0 : index
    %get3A_17 = arith.constant 0 : index
    %get3A_18 = vector.load %arg2[%get3A_16, %get3A_17] : memref<2000x128xf32, #tpu.memory_space<vmem>>, vector<2000x128xf32>
    %add3A_19 = arith.addf %add3A_15, %get3A_18 : vector<2000x128xf32>
    %div3A = vector.broadcast %add3A_3 : vector<2000x1xf32> to vector<2000x128xf32>
    %div3A_20 = arith.divf %add3A_19, %div3A : vector<2000x128xf32>
    %get3A_21 = arith.constant 0 : index
    %get3A_22 = arith.constant 0 : index
    %get3A_23 = vector.load %arg7[%get3A_21, %get3A_22] : memref<1x128xf32, #tpu.memory_space<vmem>>, vector<1x128xf32>
    %add3A_24 = vector.broadcast %get3A_23 : vector<1x128xf32> to vector<2000x128xf32>
    %add3A_25 = arith.addf %div3A_20, %add3A_24 : vector<2000x128xf32>
    %ge3A = arith.constant 0.000000e+00 : f32
    %ge3A_26 = vector.broadcast %ge3A : f32 to vector<2000x128xf32>
    %ge3A_27 = arith.cmpf oge, %add3A_25, %ge3A_26 : vector<2000x128xf32>
    %mul3A = arith.constant 2.000000e-01 : f32
    %mul3A_28 = vector.broadcast %mul3A : f32 to vector<2000x128xf32>
    %mul3A_29 = arith.mulf %mul3A_28, %add3A_25 : vector<2000x128xf32>
    %select_n3A = arith.select %ge3A_27, %add3A_25, %mul3A_29 : vector<2000x128xi1>, vector<2000x128xf32>
    %get3A_30 = arith.constant 0 : index
    %get3A_31 = arith.constant 0 : index
    %get3A_32 = vector.load %arg1[%get3A_30, %get3A_31] : memref<2000x128xf32, #tpu.memory_space<vmem>>, vector<2000x128xf32>
    %get3A_33 = arith.constant 0 : index
    %get3A_34 = arith.constant 0 : index
    %get3A_35 = vector.load %arg6[%get3A_33, %get3A_34] : memref<256x256xf32, #tpu.memory_space<vmem>>, vector<128x256xf32>
    %dot_general3A = arith.constant dense<0.000000e+00> : vector<2000x256xf32>
    %dot_general3A_36 = tpu.matmul %get3A_32, %get3A_35, %dot_general3A {dimension_numbers = #tpu.dot_dimension_numbers<[1], [0], [0], [1], [0, 0, 1, 1], [], []>, transpose_lhs_hint = false} : vector<2000x128xf32>, vector<128x256xf32>, vector<2000x256xf32> -> vector<2000x256xf32>
    %get3A_37 = arith.constant 128 : index
    %get3A_38 = arith.constant 0 : index
    %get3A_39 = vector.load %arg6[%get3A_37, %get3A_38] : memref<256x256xf32, #tpu.memory_space<vmem>>, vector<128x256xf32>
    %dot_general3A_40 = arith.constant dense<0.000000e+00> : vector<2000x256xf32>
    %dot_general3A_41 = tpu.matmul %select_n3A, %get3A_39, %dot_general3A_40 {dimension_numbers = #tpu.dot_dimension_numbers<[1], [0], [0], [1], [0, 0, 1, 1], [], []>, transpose_lhs_hint = false} : vector<2000x128xf32>, vector<128x256xf32>, vector<2000x256xf32> -> vector<2000x256xf32>
    %add3A_42 = arith.addf %dot_general3A_36, %dot_general3A_41 : vector<2000x256xf32>
    %get3A_43 = arith.constant 0 : index
    %get3A_44 = arith.constant 0 : index
    %get3A_45 = vector.load %arg8[%get3A_43, %get3A_44] : memref<1x256xf32, #tpu.memory_space<vmem>>, vector<1x256xf32>
    %add3A_46 = vector.broadcast %get3A_45 : vector<1x256xf32> to vector<2000x256xf32>
    %add3A_47 = arith.addf %add3A_42, %add3A_46 : vector<2000x256xf32>
    %reduce_sum3A = arith.constant dense<0.000000e+00> : vector<2000xf32>
    %reduce_sum3A_48 = vector.multi_reduction <add>, %add3A_47, %reduce_sum3A [1] : vector<2000x256xf32> to vector<2000xf32>
    %broadcast_in_dim3A = vector.shape_cast %reduce_sum3A_48 : vector<2000xf32> to vector<2000x1xf32>
    %div3A_49 = arith.constant 2.560000e+02 : f32
    %div3A_50 = vector.broadcast %div3A_49 : f32 to vector<2000x1xf32>
    %div3A_51 = arith.divf %broadcast_in_dim3A, %div3A_50 : vector<2000x1xf32>
    %sub3A = vector.broadcast %div3A_51 : vector<2000x1xf32> to vector<2000x256xf32>
    %sub3A_52 = arith.subf %add3A_47, %sub3A : vector<2000x256xf32>
    %mul3A_53 = arith.mulf %sub3A_52, %sub3A_52 : vector<2000x256xf32>
    %reduce_sum3A_54 = arith.constant dense<0.000000e+00> : vector<2000xf32>
    %reduce_sum3A_55 = vector.multi_reduction <add>, %mul3A_53, %reduce_sum3A_54 [1] : vector<2000x256xf32> to vector<2000xf32>
    %broadcast_in_dim3A_56 = vector.shape_cast %reduce_sum3A_55 : vector<2000xf32> to vector<2000x1xf32>
    %div3A_57 = arith.constant 2.560000e+02 : f32
    %div3A_58 = vector.broadcast %div3A_57 : f32 to vector<2000x1xf32>
    %div3A_59 = arith.divf %broadcast_in_dim3A_56, %div3A_58 : vector<2000x1xf32>
    %add3A_60 = arith.constant 9.99999974E-6 : f32
    %add3A_61 = vector.broadcast %add3A_60 : f32 to vector<2000x1xf32>
    %add3A_62 = arith.addf %div3A_59, %add3A_61 : vector<2000x1xf32>
    %rsqrt3A = math.rsqrt %add3A_62 : vector<2000x1xf32>
    %mul3A_63 = vector.broadcast %rsqrt3A : vector<2000x1xf32> to vector<2000x256xf32>
    %mul3A_64 = arith.mulf %sub3A_52, %mul3A_63 : vector<2000x256xf32>
    %get3A_65 = arith.constant 0 : index
    %get3A_66 = arith.constant 0 : index
    %get3A_67 = vector.load %arg9[%get3A_65, %get3A_66] : memref<1x256xf32, #tpu.memory_space<vmem>>, vector<1x256xf32>
    %mul3A_68 = vector.broadcast %get3A_67 : vector<1x256xf32> to vector<2000x256xf32>
    %mul3A_69 = arith.mulf %mul3A_64, %mul3A_68 : vector<2000x256xf32>
    %get3A_70 = arith.constant 0 : index
    %get3A_71 = arith.constant 0 : index
    %get3A_72 = vector.load %arg10[%get3A_70, %get3A_71] : memref<1x256xf32, #tpu.memory_space<vmem>>, vector<1x256xf32>
    %add3A_73 = vector.broadcast %get3A_72 : vector<1x256xf32> to vector<2000x256xf32>
    %add3A_74 = arith.addf %mul3A_69, %add3A_73 : vector<2000x256xf32>
    %ge3A_75 = arith.constant 0.000000e+00 : f32
    %ge3A_76 = vector.broadcast %ge3A_75 : f32 to vector<2000x256xf32>
    %ge3A_77 = arith.cmpf oge, %add3A_74, %ge3A_76 : vector<2000x256xf32>
    %mul3A_78 = arith.constant 2.000000e-01 : f32
    %mul3A_79 = vector.broadcast %mul3A_78 : f32 to vector<2000x256xf32>
    %mul3A_80 = arith.mulf %mul3A_79, %add3A_74 : vector<2000x256xf32>
    %select_n3A_81 = arith.select %ge3A_77, %add3A_74, %mul3A_80 : vector<2000x256xi1>, vector<2000x256xf32>
    %swap3A = arith.constant 0 : index
    %swap3A_82 = arith.constant 0 : index
    %swap3A_83 = vector.load %arg11[%swap3A, %swap3A_82] : memref<2000x256xf32, #tpu.memory_space<vmem>>, vector<2000x256xf32>
    tpu.vector_store %arg11[%swap3A, %swap3A_82], %select_n3A_81 {strides = array<i32>} : memref<2000x256xf32, #tpu.memory_space<vmem>>, vector<2000x256xf32>,
    return
  }
  func.func @transform_0(%arg0: i32) -> (i32, i32) {
    %c0_i32 = arith.constant 0 : i32
    %c0_i32_0 = arith.constant 0 : i32
    return %arg0, %c0_i32 : i32, i32
  }
  func.func @transform_1(%arg0: i32) -> (i32, i32) {
    %c0_i32 = arith.constant 0 : i32
    %c0_i32_0 = arith.constant 0 : i32
    return %arg0, %c0_i32 : i32, i32
  }
  func.func @transform_2(%arg0: i32) -> (i32, i32, i32) {
    %c0_i32 = arith.constant 0 : i32
    %c0_i32_0 = arith.constant 0 : i32
    %c0_i32_1 = arith.constant 0 : i32
    return %c0_i32, %arg0, %c0_i32_0 : i32, i32, i32
  }
  func.func @transform_3(%arg0: i32) -> (i32, i32, i32) {
    %c1_i32 = arith.constant 1 : i32
    %c0_i32 = arith.constant 0 : i32
    %c0_i32_0 = arith.constant 0 : i32
    return %c1_i32, %arg0, %c0_i32 : i32, i32, i32
  }
  func.func @transform_4(%arg0: i32) -> (i32, i32) {
    %c0_i32 = arith.constant 0 : i32
    %c0_i32_0 = arith.constant 0 : i32
    return %arg0, %c0_i32 : i32, i32
  }
  func.func @transform_5(%arg0: i32) -> (i32, i32) {
    %c0_i32 = arith.constant 0 : i32
    %c0_i32_0 = arith.constant 0 : i32
    %c0_i32_1 = arith.constant 0 : i32
    return %c0_i32, %c0_i32_0 : i32, i32
  }
  func.func @transform_6(%arg0: i32) -> (i32, i32) {
    %c0_i32 = arith.constant 0 : i32
    %c0_i32_0 = arith.constant 0 : i32
    %c0_i32_1 = arith.constant 0 : i32
    return %c0_i32, %c0_i32_0 : i32, i32
  }
  func.func @transform_7(%arg0: i32) -> (i32, i32) {
    %c0_i32 = arith.constant 0 : i32
    %c0_i32_0 = arith.constant 0 : i32
    %c0_i32_1 = arith.constant 0 : i32
    return %c0_i32, %c0_i32_0 : i32, i32
  }
  func.func @transform_8(%arg0: i32) -> (i32, i32) {
    %c0_i32 = arith.constant 0 : i32
    %c0_i32_0 = arith.constant 0 : i32
    %c0_i32_1 = arith.constant 0 : i32
    return %c0_i32, %c0_i32_0 : i32, i32
  }
  func.func @transform_9(%arg0: i32) -> (i32, i32) {
    %c0_i32 = arith.constant 0 : i32
    %c0_i32_0 = arith.constant 0 : i32
    %c0_i32_1 = arith.constant 0 : i32
    return %c0_i32, %c0_i32_0 : i32, i32
  }
  func.func @transform_10(%arg0: i32) -> (i32, i32) {
    %c0_i32 = arith.constant 0 : i32
    %c0_i32_0 = arith.constant 0 : i32
    return %arg0, %c0_i32 : i32, i32
  }
}

</mosaic_0001>

<sc_bundles>
// kernel: kernel.6.cloned.1.call-start
scs
__scs_entry_jumppad:
0x0: {  	(pc) =	sbr.rel $0x88, $3  }
0x1: {  	(tag) =	ssettag $0x0;
	lr =	simm.s32 $0x1  }
0x2: {  	[smem:$0x3F97] =	sst lr;
	_ =	strace $0xD0000000  }
0x3: {  	_ = 	snop  }
0x4: {  	_ = 	snop  }
0x5: {  	_ = 	snop  }
0x6: {  	_ = 	snop  }
0x7: {  	_ = 	snop  }
__scs_overlays_trampoline_lowered:
0x8: {  	[smem:$0x3FA6] =	sst s0  }
0x9: {  	[smem:$0x3FA7] =	sst s1  }
0xa: {  	[smem:$0x3FA8] =	sst s2  }
0xb: {  	[smem:$0x3FA9] =	sst s3  }
0xc: {  	[smem:$0x3FAA] =	sst s4  }
0xd: {  	[smem:$0x3FAB] =	sst s5  }
0xe: {  	[smem:$0x3FAC] =	sst s6  }
0xf: {  	[smem:$0x3FAD] =	sst s7  }
0x10: {  	[smem:$0x3FAE] =	sst s8  }
0x11: {  	[smem:$0x3FAF] =	sst s9;
	s0 =	simm.s32 @!p0 $0x0  }
0x12: {  	s1 =	sld [smem:$0x3F95];
	s0 =	simm.s32 @p0 $0x1  }
0x13: {  	[smem:$0x3FB0] =	sst s0;
	s0 =	simm.s32 @!p1 $0x0  }
0x14: {  	s2 =	sld [smem:$0x3F94];
	s0 =	simm.s32 @p1 $0x1  }
0x15: {  	[smem:$0x3FB1] =	sst s0;
	s0 =	simm.s32 @!p2 $0x0  }
0x16: {  	s3 =	sld [smem:$0x3FDB];
	s0 =	simm.s32 @p2 $0x1  }
0x17: {  	s4 =	simm.s32 $0x1BF5;
	[smem:$0x3FB3] =	sst s0  }
0x18: {  	s0 =	sld [smem:$0x3F96];
	_ =	swait.ge [sflag:s4], $0x0  }
0x19: {  	s7 =	sld [smem:$0x3F97]  }
0x1a: {  	s8 =	sadd.s32 $0xFFFFE003, lr  }
0x1b: {  	s9 =	sadd.s32 $0xFFFFFEF7, lr;
	s5 =	simm.s32 $0xFFFFFFFF;
	p2 =	slt.u32 s8, $0xFFFFF086  }
0x1c: {  	p1 =	slt.u32 s9, $0xF7A;
	s5 =	simm.s32 @!p2 $0x0  }
0x1d: {  	s5 =	simm.s32 @p1 $0x1;
	p0 =	seq.s32 s7, s2  }
0x1e: {  	s7 =	smul.u32 @!p0 $0xF7A, s2;
	p2 =	seq.s32 @!p0 s5, $0x0  }
0x1f: {  	s9 =	smul.u32 $0xF7A, s1;
	s8 =	simm.s32 @!p0 $0x1BF5;
	p2 =	por !p2, p0  }
0x20: {  	[sflag:s8] =	ssyncset.s32 @!p0 $0xFFFFF086;
	s6 =	sadd.s32 @!p0 s3, s7;
	s7 =	simm.s32 @!p0 $0x108  }
0x21: {  	s3 =	sadd.s32 s3, s9;
	s6 =	sadd.s32 @!p0 $0x88, s6;
	s7 =	simm.s32 @p2 $0x1082  }
0x22: {  	[simem:s7], [sflag:s8] =	dma.local @!p0 [hbm:s6], $0xF7A  }
0x23: {  	s9 =	sor.u32 $0xD0000000, s2;
	s6 =	simm.s32 $0x108;
	_ =	swait.ge @!p0 [sflag:s8], $0x0  }
0x24: {  	s3 =	sadd.s32 $0x88, s3;
	s6 =	simm.s32 @!p1 $0x1082;
	[sflag:s4] =	ssyncset.s32 $0xFFFFF086  }
0x25: {  	[simem:s6], [sflag:s4] =	dma.local [hbm:s3], $0xF7A  }
0x26: {  	[smem:$0x3F97] =	sst s1;
	(tag) =	ssettag s2;
	_ =	strace s9  }
0x27: {  	s1 =	sld [smem:$0x3FA7]  }
0x28: {  	s2 =	sld [smem:$0x3FA8]  }
0x29: {  	s4 =	sld [smem:$0x3FAA]  }
0x2a: {  	p0 =	seq.s32 s5, $0x0;
	s5 =	sld [smem:$0x3FAB]  }
0x2b: {  	s6 =	sld [smem:$0x3FAC]  }
0x2c: {  	s7 =	sld [smem:$0x3FAD]  }
0x2d: {  	s3 =	simm.s32 $0x108;
	s8 =	sld [smem:$0x3FAE]  }
0x2e: {  	s3 =	simm.s32 @!p0 $0x1082;
	s9 =	sld [smem:$0x3FAF]  }
0x2f: {  	lr =	sadd.s32 s0, s3;
	s0 =	sld [smem:$0x3FA6]  }
0x30: {  	s3 =	sld [smem:$0x3FA9]  }
0x31: {  	[smem:$0x3FB2] =	sst s10  }
0x32: {  	s10 =	sld [smem:$0x3FB0];
	_ =	sdelay $0x3  }
0x33: {  	p0 =	seq.s32 s10, $0x1;
	s10 =	sld [smem:$0x3FB2];
	_ =	sdelay $0x3  }
0x34: {  	[smem:$0x3FB2] =	sst s10  }
0x35: {  	s10 =	sld [smem:$0x3FB1];
	_ =	sdelay $0x3  }
0x36: {  	p1 =	seq.s32 s10, $0x1;
	s10 =	sld [smem:$0x3FB2];
	_ =	sdelay $0x3  }
0x37: {  	[smem:$0x3FB2] =	sst s10  }
0x38: {  	s10 =	sld [smem:$0x3FB3]  }
0x39: {  	_ = 	snop;
	(pc) =	sbr.ind lr, $3  }
0x3a: {  	_ = 	snop  }
0x3b: {  	_ = 	snop  }
0x3c: {  	p2 =	seq.s32 s10, $0x1;
	s10 =	sld [smem:$0x3FB2]  }
0x3d: {  	_ =	shalt  }
0x3e: {  	_ =	shalt  }
0x3f: {  	_ =	shalt  }
0x40: {  	_ =	shalt  }
0x41: {  	_ =	shalt  }
0x42: {  	_ =	shalt  }
0x43: {  	_ =	shalt  }
0x44: {  	_ =	shalt  }
0x45: {  	_ =	shalt  }
0x46: {  	_ =	shalt  }
0x47: {  	_ =	shalt  }
0x48: {  	_ =	shalt  }
0x49: {  	_ =	shalt  }
0x4a: {  	_ =	shalt  }
0x4b: {  	_ =	shalt  }
0x4c: {  	_ =	shalt  }
0x4d: {  	_ =	shalt  }
0x4e: {  	_ =	shalt  }
0x4f: {  	_ =	shalt  }
0x50: {  	_ =	shalt  }
0x51: {  	_ =	shalt  }
0x52: {  	_ =	shalt  }
0x53: {  	_ =	shalt  }
0x54: {  	_ =	shalt  }
0x55: {  	_ =	shalt  }
0x56: {  	_ =	shalt  }
0x57: {  	_ =	shalt  }
0x58: {  	_ =	shalt  }
0x59: {  	_ =	shalt  }
0x5a: {  	_ =	shalt  }
0x5b: {  	_ =	shalt  }
0x5c: {  	_ =	shalt  }
0x5d: {  	_ =	shalt  }
0x5e: {  	_ =	shalt  }
0x5f: {  	_ =	shalt  }
0x60: {  	_ =	shalt  }
0x61: {  	_ =	shalt  }
0x62: {  	_ =	shalt  }
0x63: {  	_ =	shalt  }
0x64: {  	_ =	shalt  }
0x65: {  	_ =	shalt  }
0x66: {  	_ =	shalt  }
0x67: {  	_ =	shalt  }
0x68: {  	_ =	shalt  }
0x69: {  	_ =	shalt  }
0x6a: {  	_ =	shalt  }
0x6b: {  	_ =	shalt  }
0x6c: {  	_ =	shalt  }
0x6d: {  	_ =	shalt  }
0x6e: {  	_ =	shalt  }
0x6f: {  	_ =	shalt  }
0x70: {  	_ =	shalt  }
0x71: {  	_ =	shalt  }
0x72: {  	_ =	shalt  }
0x73: {  	_ =	shalt  }
0x74: {  	_ =	shalt  }
0x75: {  	_ =	shalt  }
0x76: {  	_ =	shalt  }
0x77: {  	_ =	shalt  }
0x78: {  	_ =	shalt  }
0x79: {  	_ =	shalt  }
0x7a: {  	_ =	shalt  }
0x7b: {  	_ =	shalt  }
0x7c: {  	_ =	shalt  }
0x7d: {  	_ =	shalt  }
0x7e: {  	_ =	shalt  }
0x7f: {  	_ =	shalt  }
0x80: {  	_ =	shalt  }
0x81: {  	_ =	shalt  }
0x82: {  	_ =	shalt  }
0x83: {  	_ =	shalt  }
0x84: {  	_ =	shalt  }
0x85: {  	_ =	shalt  }
0x86: {  	_ =	shalt  }
0x87: {  	_ =	shalt  }
.Lfunc_end0:
.L_simem_size_0:
called_computation_lowered:
.L_overlay_start_0:
0x88: {  	s2 =	sld [smem:$0x3FD9]  }
0x89: {  	s3 =	sld [smem:$0x3FFE];
	_ =	sdelay $0x1  }
0x8a: {  	s1 =	srdreg.scid  }
0x8b: {  	s0 =	sand.u32 $0x1, s1  }
0x8c: {  	s17 =	sshll.u32 s0, $0xA;
	s2 =	sadd.s32 s3, s2  }
0x8d: {  	s2 =	sadd.s32 s2, s17  }
0x8e: {  	[smem:$0x3FBE] =	sst s2  }
0x8f: {  	_ = 	snop  }
0x90: {  	s18 =	sld [smem:$0x3FD0];
	(tm) =	ssettm $0x1  }
0x91: {  	s19 =	sld [smem:$0x3FFB];
	_ =	sdelay $0x3  }
0x92: {  	_ =	strace s19  }
0x93: {  	s2 =	sld [smem:$0x3FFC];
	_ =	sdelay $0x3  }
0x94: {  	_ =	strace s2  }
0x95: {  	s2 =	sld [smem:$0x3FFD];
	_ =	sdelay $0x3  }
0x96: {  	_ =	strace s2  }
0x97: {  	_ =	strace $0x8FFFFFFF  }
0x98: {  	s20 =	sld [smem:$0x3FDB];
	_ =	sdelay $0x1  }
0x99: {  	s4 =	simm.s32 $_scs_section_size  }
0x9a: {  	s5 =	simm.s32 $_size__tile_overlayer_lowered;
	s6 =	simm.s32 $_tile_overlayer_lowered  }
0x9b: {  	s7 =	simm.s32 $0x1BFF;
	s21 =	sshll.u32 s6, $0x1;
	s4 =	sadd.s32 s4, s20  }
0x9c: {  	s22 =	simm.s32 $0x0;
	s5 =	sshll.u32 s5, $0x1;
	s6 =	sadd.s32 s21, s4  }
0x9d: {  	[timem:s22], [sflag:s7] =	dma.local [hbm:s6], s5  }
0x9e: {  	_ =	swait.ge [sflag:s7], s5  }
0x9f: {  	s5 =	ssub.s32 $0x0, s5;
	[sflag:s7] =	ssyncset.done $0x0  }
0xa0: {  	[sflag:s7] =	ssyncadd.s32 s5;
	_ =	sdelay $0x1  }
0xa1: {  	s23 =	simm.s32 $0x1B8B  }
0xa2: {  	_ =	swait.ge [sflag:s23], $0x1  }
0xa3: {  	[sflag:s23] =	ssyncset.done $0x0  }
0xa4: {  	[sflag:s23] =	ssyncadd.s32 $0xFFFFFFFF  }
0xa5: {  	s5 =	sld [smem:$0x0]  }
0xa6: {  	s6 =	sand.u32 $0xFFFFFFFE, s1  }
0xa7: {  	p0 =	sne.s32 s1, s6  }
0xa8: {  	s6 =	sshll.u32 @p0 s6, $0xE  }
0xa9: {  	s6 =	sadd.s32 @p0 $0x11B8D, s6;
	s7 =	sshll.u32 @p0 s5, $0x11  }
0xaa: {  	s6 =	sor.u32 @p0 s7, s6  }
0xab: {  	[sflag:s6] =	ssyncadd.remote.s32 @p0 $0x1;
	_ =	sdelay $0x1  }
0xac: {  	s6 =	simm.s32 @p0 $0x1B8D  }
0xad: {  	_ =	swait.eq @p0 [sflag:s6], $0x1  }
0xae: {  	[sflag:s6] =	ssyncadd.s32 @p0 $0xFFFFFFFF  }
0xaf: {  	s7 =	sshll.u32 @!p0 s1, $0xE  }
0xb0: {  	s7 =	sor.u32 @!p0 $0x4000, s7;
	s6 =	simm.s32 @!p0 $0x1B8D  }
0xb1: {  	s5 =	sshll.u32 @!p0 s5, $0x11;
	s7 =	sadd.s32 @!p0 $0x11B8D, s7;
	_ =	swait.eq @!p0 [sflag:s6], $0x1  }
0xb2: {  	s5 =	sor.u32 @!p0 s5, s7;
	[sflag:s6] =	ssyncadd.s32 @!p0 $0xFFFFFFFF  }
0xb3: {  	s25 =	simm.s32 $0x1B8E;
	s24 =	sld [smem:$0x3FFE];
	[sflag:s5] =	ssyncadd.remote.s32 @!p0 $0x1  }
0xb4: {  	s26 =	simm.s32 $execute0_lowered;
	[smem:$0x3FD2] =	sst s25  }
0xb5: {  	s6 =	sshll.u32 s26, $0x1;
	_ =	strace $0x80000049;
	[dreg:$0x1] =	wrdreg $0xFFFFFFFF  }
0xb6: {  	s28 =	simm.s32 $_size_execute0_lowered;
	s4 =	sadd.s32 s4, s6;
	[dreg:$0x0] =	wrdreg $0x0  }
0xb7: {  	s6 =	sshll.u32 s28, $0x1;
	[dreg:$0x2] =	wrdreg s4  }
0xb8: {  	[dreg:$0x3] =	wrdreg s6  }
0xb9: {  	[dreg:$0x4] =	wrdreg $0xC0  }
0xba: {  	_ =	task [dreg:s22], $0x5FFFF  }
0xbb: {  	[dreg:$0x1] =	wrdreg $0xFFFFFFFF  }
0xbc: {  	[dreg:$0x0] =	wrdreg $0x60  }
0xbd: {  	[dreg:$0x2] =	wrdreg s24  }
0xbe: {  	[dreg:$0x3] =	wrdreg s18  }
0xbf: {  	[dreg:$0x4] =	wrdreg $0x68000  }
0xc0: {  	[dreg:$0x5] =	wrdreg $0x108000  }
0xc1: {  	[dreg:$0x6] =	wrdreg $0x9  }
0xc2: {  	_ =	task.clear_ibuf [dreg:s22], $0x7FFFF;
	_ =	strace $0x90000049  }
0xc3: {  	s29 =	simm.s32 $0x9;
	_ =	strace $0x8000004B  }
0xc4: {  	_ =	swait.ge [sflag:s29], $0x1  }
0xc5: {  	[sflag:s29] =	ssyncadd.s32 $0xFFFFFFFF  }
0xc6: {  	_ =	strace $0x9000004B  }
0xc7: {  	_ =	sfence  }
0xc8: {  	s30 =	sld [smem:$0x0];
	_ =	sdelay $0x2  }
0xc9: {  	s31 =	sshll.u32 s1, $0xD;
	s1 =	sshrl.u32 s1, $0x2  }
0xca: {  	s4 =	sand.u32 $0x4000, s31;
	s1 =	sadd.s32 s1, s30  }
0xcb: {  	s0 =	sor.u32 s4, s0;
	s1 =	sshll.u32 s1, $0x11  }
0xcc: {  	s0 =	sor.u32 s1, s0  }
0xcd: {  	s0 =	sadd.s32 $0x8F2B, s0  }
0xce: {  	[sflag:s0] =	ssyncadd.remote.s32 $0x1  }
0xcf: {  	_ =	sfence.sel $0xFFFF  }
0xd0: {  	[dreg:$0x0] =	wrdreg $0xFFFFFFFF;
	(pc) =	sbr.abs _section_cstart, $3  }
0xd1: {  	[dreg:$0x1] =	wrdreg $0xFFFFFFFF  }
0xd2: {  	_ =	task.clear_ibuf [dreg:s22], $0x2FFFF;
	_ =	strace $0x9FFFFFFF  }
0xd3: {  	(tm) =	ssettm $0x7FFFFFFF  }
tec
execute0_lowered:
.L_overlay_start_1:
0x0: {  	(tag) =	ssettag $0x1  }
0x1: {  	s5 =	rddreg [dreg:$0x0]  }
0x2: {  	s12 =	rddreg [dreg:$0x1]  }
0x3: {  	s2 =	rddreg [dreg:$0x2]  }
0x4: {  	s3 =	rddreg [dreg:$0x3]  }
0x5: {  	s0 =	rddreg [dreg:$0x4];
	s1 =	stileid.u32  }
0x6: {  	s4 =	simm.s32 $0x0;
	s7 =	srdreg.scid;
	s19 =	simm.s32 $0x2800  }
0x7: {  	s20 =	simm.s32 $0x4800;
	s21 =	simm.s32 $0x1;
	s22 =	simm.s32 $0x2700  }
0x8: {  	s23 =	simm.s32 $0x2780;
	s6 =	smul.u32 $0x14000, s1;
	[smem:$0x7FF] =	sst s4  }
0x9: {  	s8 =	sand.u32 $0x1, s7;
	s10 =	sadd.s32 $0x2F400, s5;
	s29 =	smul.u32 $0x280, s1  }
0xa: {  	s13 =	sadd.s32 $0x1400, s5;
	s30 =	sshll.u32 s1, $0x6;
	s16 =	smul.u32 $0x1400, s1  }
0xb: {  	_ =	strace $0x8000004A;
	s9 =	ssub.s32 $0x2, s8;
	s18 =	smul.u32 $0x2800, s8  }
0xc: {  	p0 =	seq.s32 s8, $0x1;
	s26 =	sshrl.u32 s6, $0x4;
	s11 =	sshrl.u32 s9, $0x1  }
0xd: {  	s28 =	sshrl.u32 s6, $0x1;
	s6 =	sor.u32 $0x1C02, s30;
	s8 =	sadd.s32 s10, s29  }
0xe: {  	s16 =	sshrl.u32 s16, $0x3;
	s7 =	sadd.s32 s26, s5;
	s14 =	ssub.s32 s9, s11  }
0xf: {  	s15 =	sadd.s32 s28, s2;
	s17 =	sadd.s32 s28, s3;
	s9 =	sadd.s32 s13, s29  }
.Ltmp0:
0x10: {  	s16 =	sadd.s32 $0x2800, s16;
	s18 =	sadd.s32 s29, s18;
	(pc) =	sbr.rel .LBB2_1-.Ltmp0, $4  }
0x11: {  	s5 =	sadd.s32 $0x7400, s7;
	s7 =	sadd.s32 $0x1B400, s7;
	s10 =	sadd.s32 s10, s16  }
0x12: {  	s11 =	sadd.s32 s13, s16;
	s31 =	sshll.u32 s18, $0x3;
	s13 =	smax.u32 s14, $0x1  }
0x13: {  	s14 =	sshrl.u32 s15, $0x3;
	s15 =	simm.s32 $0x2;
	s16 =	sshrl.u32 s17, $0x3  }
0x14: {  	s17 =	simm.s32 $0x1400;
	s18 =	simm.s32 $0x80;
	s12 =	sadd.s32 s12, s31  }
.LBB2_7:
0x15: {  	[tilespmem:s20], [sflag:$0x1] =	stream.indirect.gather [spmem:s3], $0x40, s25, s18, $0xb8;
	[tilespmem:$0x1A800] =	vst v63  }
.LBB2_8:
0x16: {  	_ =	swait.ge [sflag:s21], $0x2000  }
0x17: {  	[sflag:s21] =	ssyncset.done $0x0  }
0x18: {  	[sflag:s21] =	ssyncadd.s32 $0xFFFFE000  }
0x19: {  	[spmem:s2] =	stream.indirect.scatter.add.bf16 [tilespmem:s19], [sflag:$0x2], $0x40, s22, s18, $0xb8;
	[tilespmem:$0x1A800] =	vst v63  }
0x1a: {  	_ =	swait.ge [sflag:s15], $0x2000  }
0x1b: {  	[sflag:s15] =	ssyncset.done $0x0  }
0x1c: {  	[sflag:s15] =	ssyncadd.s32 $0xFFFFE000  }
0x1d: {  	_ =	swait.ge [sflag:s21], $0x2000  }
0x1e: {  	[sflag:s21] =	ssyncset.done $0x0  }
0x1f: {  	[sflag:s21] =	ssyncadd.s32 $0xFFFFE000  }
0x20: {  	[spmem:s2] =	stream.indirect.scatter.add.bf16 [tilespmem:s20], [sflag:$0x2], $0x40, s23, s18, $0xb8;
	[tilespmem:$0x1A800] =	vst v63  }
0x21: {  	_ =	swait.ge [sflag:s15], $0x2000  }
0x22: {  	s4 =	sadd.s32 $0x1, s4;
	[sflag:s15] =	ssyncset.done $0x0  }
0x23: {  	p1 =	sne.s32 s4, s13;
	[sflag:s15] =	ssyncadd.s32 $0xFFFFE000  }
.Ltmp1:
0x24: {  	[bflag:$0x0] =	sbarrier.arrive $0xFFFF;
	(pc) =	sbr.rel @!p1 .LBB2_9-.Ltmp1, $4  }
0x25: {  	[hbm:s12], [sflag:s6] =	dma.local [spmem:s14], $0x1400  }
0x26: {  	_ =	swait.ge [sflag:s15], $0x1400  }
0x27: {  	[sflag:s15] =	ssyncset.done $0x0  }
0x28: {  	[sflag:s15] =	ssyncadd.s32 $0xFFFFEC00  }
.LBB2_1:
0x29: {  	[spmem:s14], [sflag:s6] =	dma.local [hbm:s5], $0x1400  }
0x2a: {  	_ =	swait.ge [sflag:s15], $0x1400  }
0x2b: {  	[sflag:s15] =	ssyncset.done $0x0  }
.Ltmp2:
0x2c: {  	[sflag:s15] =	ssyncadd.s32 $0xFFFFEC00;
	(pc) =	sbr.rel @!p0 .LBB2_2-.Ltmp2, $4  }
0x2d: {  	[spmem:s16], [sflag:s6] =	dma.local [hbm:s7], $0x1400  }
0x2e: {  	_ =	swait.ge [sflag:s15], $0x1400  }
0x2f: {  	[sflag:s15] =	ssyncset.done $0x0  }
0x30: {  	s24 =	simm.s32 $0x0;
	[sflag:s15] =	ssyncadd.s32 $0xFFFFEC00  }
0x31: {  	[tilespmem:s24], [sflag:$0x2] =	stream.linear.gather [hbm4b:s10+s24], $0x1400, $0x38;
	[tilespmem:$0x1A800] =	vst v63  }
0x32: {  	_ =	swait.ge [sflag:s15], $0x1400  }
0x33: {  	[sflag:s15] =	ssyncset.done $0x0  }
0x34: {  	[sflag:s15] =	ssyncadd.s32 $0xFFFFEC00  }
0x35: {  	[tilespmem:s17], [sflag:$0x2] =	stream.linear.gather [hbm4b:s11+s24], $0x1400, $0x38;
	[tilespmem:$0x1A800] =	vst v63  }
0x36: {  	_ =	swait.ge [sflag:s15], $0x1400  }
0x37: {  	[sflag:s15] =	ssyncset.done $0x0  }
0x38: {  	[sflag:s15] =	ssyncadd.s32 $0xFFFFEC00  }
0x39: {  	[bflag:$0x0] =	sbarrier.arrive $0xFFFF  }
0x3a: {  	[tilespmem:s19], [sflag:$0x1] =	stream.indirect.gather [spmem:s3], $0x40, s24, s18, $0xb8;
	[tilespmem:$0x1A800] =	vst v63  }
0x3b: {  	_ = 	snop  }
0x3c: {  	[tilespmem:s20], [sflag:$0x1] =	stream.indirect.gather [spmem:s3], $0x40, s18, s18, $0xb8;
	[tilespmem:$0x1A800] =	vst v63  }
0x3d: {  	_ =	swait.ge [sflag:s21], $0x2000  }
0x3e: {  	[sflag:s21] =	ssyncset.done $0x0  }
0x3f: {  	s29 =	simm.s32 $0x1400;
	[sflag:s21] =	ssyncadd.s32 $0xFFFFE000  }
0x40: {  	[spmem:s2] =	stream.indirect.scatter.add.bf16 [tilespmem:s19], [sflag:$0x2], $0x40, s29, s18, $0xb8;
	[tilespmem:$0x1A800] =	vst v63  }
0x41: {  	_ =	swait.ge [sflag:s15], $0x2000  }
0x42: {  	[sflag:s15] =	ssyncset.done $0x0  }
0x43: {  	s30 =	simm.s32 $0x100;
	[sflag:s15] =	ssyncadd.s32 $0xFFFFE000  }
0x44: {  	[tilespmem:s19], [sflag:$0x1] =	stream.indirect.gather [spmem:s3], $0x40, s30, s18, $0xb8;
	[tilespmem:$0x1A800] =	vst v63  }
0x45: {  	_ =	swait.ge [sflag:s21], $0x2000  }
0x46: {  	[sflag:s21] =	ssyncset.done $0x0  }
0x47: {  	s31 =	simm.s32 $0x1480;
	[sflag:s21] =	ssyncadd.s32 $0xFFFFE000  }
0x48: {  	[spmem:s2] =	stream.indirect.scatter.add.bf16 [tilespmem:s20], [sflag:$0x2], $0x40, s31, s18, $0xb8;
	[tilespmem:$0x1A800] =	vst v63  }
0x49: {  	_ =	swait.ge [sflag:s15], $0x2000  }
0x4a: {  	[sflag:s15] =	ssyncset.done $0x0  }
0x4b: {  	s25 =	simm.s32 $0x180;
	s24 =	simm.s32 $0x400;
	[sflag:s15] =	ssyncadd.s32 $0xFFFFE000  }
.LBB2_6:
0x4c: {  	[tilespmem:s20], [sflag:$0x1] =	stream.indirect.gather [spmem:s3], $0x40, s25, s18, $0xb8;
	[tilespmem:$0x1A800] =	vst v63  }
0x4d: {  	s25 =	smov.u32 s24  }
0x4e: {  	p1 =	sne.s32 s24, $0x4800;
	s24 =	sadd.s32 $0x400, s24;
	_ =	swait.ge [sflag:s21], $0x2000  }
0x4f: {  	s25 =	sshra.s32 s25, $0x2;
	[sflag:s21] =	ssyncset.done $0x0  }
0x50: {  	s26 =	sadd.s32 $0x1400, s25;
	[sflag:s21] =	ssyncadd.s32 $0xFFFFE000  }
0x51: {  	[spmem:s2] =	stream.indirect.scatter.add.bf16 [tilespmem:s19], [sflag:$0x2], $0x40, s26, s18, $0xb8;
	[tilespmem:$0x1A800] =	vst v63  }
0x52: {  	_ =	swait.ge [sflag:s15], $0x2000  }
0x53: {  	[sflag:s15] =	ssyncset.done $0x0  }
0x54: {  	s26 =	sadd.s32 $0x100, s25;
	[sflag:s15] =	ssyncadd.s32 $0xFFFFE000  }
0x55: {  	[tilespmem:s19], [sflag:$0x1] =	stream.indirect.gather [spmem:s3], $0x40, s26, s18, $0xb8;
	[tilespmem:$0x1A800] =	vst v63  }
0x56: {  	_ =	swait.ge [sflag:s21], $0x2000  }
0x57: {  	[sflag:s21] =	ssyncset.done $0x0  }
.Ltmp3:
0x58: {  	s26 =	sadd.s32 $0x1480, s25;
	[sflag:s21] =	ssyncadd.s32 $0xFFFFE000;
	(pc) =	sbr.rel @p1 .LBB2_6-.Ltmp3, $4  }
0x59: {  	[spmem:s2] =	stream.indirect.scatter.add.bf16 [tilespmem:s20], [sflag:$0x2], $0x40, s26, s18, $0xb8;
	[tilespmem:$0x1A800] =	vst v63  }
0x5a: {  	_ =	swait.ge [sflag:s15], $0x2000  }
0x5b: {  	[sflag:s15] =	ssyncset.done $0x0  }
0x5c: {  	s25 =	sadd.s32 $0x180, s25;
	[sflag:s15] =	ssyncadd.s32 $0xFFFFE000  }
.Ltmp4:
0x5d: {  	_ = 	snop;
	(pc) =	sbr.rel .LBB2_7-.Ltmp4, $1  }
0x5e: {  	_ =	sdelay $0x3  }
.LBB2_2:
0x5f: {  	[tilespmem:s24], [sflag:$0x2] =	stream.linear.gather [hbm4b:s8+s24], $0x1400, $0x38;
	[tilespmem:$0x1A800] =	vst v63  }
0x60: {  	_ =	swait.ge [sflag:s15], $0x1400  }
0x61: {  	[sflag:s15] =	ssyncset.done $0x0  }
0x62: {  	[sflag:s15] =	ssyncadd.s32 $0xFFFFEC00  }
0x63: {  	[tilespmem:s17], [sflag:$0x2] =	stream.linear.gather [hbm4b:s9+s24], $0x1400, $0x38;
	[tilespmem:$0x1A800] =	vst v63  }
0x64: {  	_ =	swait.ge [sflag:s15], $0x1400  }
0x65: {  	[sflag:s15] =	ssyncset.done $0x0  }
0x66: {  	[sflag:s15] =	ssyncadd.s32 $0xFFFFEC00  }
0x67: {  	[bflag:$0x0] =	sbarrier.arrive $0xFFFF  }
0x68: {  	[tilespmem:s19], [sflag:$0x1] =	stream.indirect.gather [spmem:s3], $0x40, s24, s18, $0xb8;
	[tilespmem:$0x1A800] =	vst v63  }
0x69: {  	_ = 	snop  }
0x6a: {  	[tilespmem:s20], [sflag:$0x1] =	stream.indirect.gather [spmem:s3], $0x40, s18, s18, $0xb8;
	[tilespmem:$0x1A800] =	vst v63  }
0x6b: {  	_ =	swait.ge [sflag:s21], $0x2000  }
0x6c: {  	[sflag:s21] =	ssyncset.done $0x0  }
0x6d: {  	s29 =	simm.s32 $0x1400;
	[sflag:s21] =	ssyncadd.s32 $0xFFFFE000  }
0x6e: {  	[spmem:s2] =	stream.indirect.scatter.add.bf16 [tilespmem:s19], [sflag:$0x2], $0x40, s29, s18, $0xb8;
	[tilespmem:$0x1A800] =	vst v63  }
0x6f: {  	_ =	swait.ge [sflag:s15], $0x2000  }
0x70: {  	[sflag:s15] =	ssyncset.done $0x0  }
0x71: {  	s30 =	simm.s32 $0x100;
	[sflag:s15] =	ssyncadd.s32 $0xFFFFE000  }
0x72: {  	[tilespmem:s19], [sflag:$0x1] =	stream.indirect.gather [spmem:s3], $0x40, s30, s18, $0xb8;
	[tilespmem:$0x1A800] =	vst v63  }
0x73: {  	_ =	swait.ge [sflag:s21], $0x2000  }
0x74: {  	[sflag:s21] =	ssyncset.done $0x0  }
0x75: {  	s31 =	simm.s32 $0x1480;
	[sflag:s21] =	ssyncadd.s32 $0xFFFFE000  }
0x76: {  	[spmem:s2] =	stream.indirect.scatter.add.bf16 [tilespmem:s20], [sflag:$0x2], $0x40, s31, s18, $0xb8;
	[tilespmem:$0x1A800] =	vst v63  }
0x77: {  	_ =	swait.ge [sflag:s15], $0x2000  }
0x78: {  	[sflag:s15] =	ssyncset.done $0x0  }
0x79: {  	s25 =	simm.s32 $0x180;
	s24 =	simm.s32 $0x400;
	[sflag:s15] =	ssyncadd.s32 $0xFFFFE000  }
.LBB2_3:
0x7a: {  	[tilespmem:s20], [sflag:$0x1] =	stream.indirect.gather [spmem:s3], $0x40, s25, s18, $0xb8;
	[tilespmem:$0x1A800] =	vst v63  }
0x7b: {  	s25 =	smov.u32 s24  }
0x7c: {  	p1 =	seq.s32 s24, $0x4800;
	s24 =	sadd.s32 $0x400, s24;
	_ =	swait.ge [sflag:s21], $0x2000  }
0x7d: {  	s25 =	sshra.s32 s25, $0x2;
	[sflag:s21] =	ssyncset.done $0x0  }
0x7e: {  	s26 =	sadd.s32 $0x1400, s25;
	[sflag:s21] =	ssyncadd.s32 $0xFFFFE000  }
0x7f: {  	[spmem:s2] =	stream.indirect.scatter.add.bf16 [tilespmem:s19], [sflag:$0x2], $0x40, s26, s18, $0xb8;
	[tilespmem:$0x1A800] =	vst v63  }
0x80: {  	_ =	swait.ge [sflag:s15], $0x2000  }
0x81: {  	[sflag:s15] =	ssyncset.done $0x0  }
0x82: {  	s26 =	sadd.s32 $0x100, s25;
	[sflag:s15] =	ssyncadd.s32 $0xFFFFE000  }
0x83: {  	[tilespmem:s19], [sflag:$0x1] =	stream.indirect.gather [spmem:s3], $0x40, s26, s18, $0xb8;
	[tilespmem:$0x1A800] =	vst v63  }
0x84: {  	_ =	swait.ge [sflag:s21], $0x2000  }
0x85: {  	[sflag:s21] =	ssyncset.done $0x0  }
.Ltmp5:
0x86: {  	s26 =	sadd.s32 $0x1480, s25;
	[sflag:s21] =	ssyncadd.s32 $0xFFFFE000;
	(pc) =	sbr.rel @!p1 .LBB2_3-.Ltmp5, $4  }
0x87: {  	[spmem:s2] =	stream.indirect.scatter.add.bf16 [tilespmem:s20], [sflag:$0x2], $0x40, s26, s18, $0xb8;
	[tilespmem:$0x1A800] =	vst v63  }
0x88: {  	_ =	swait.ge [sflag:s15], $0x2000  }
0x89: {  	[sflag:s15] =	ssyncset.done $0x0  }
0x8a: {  	s25 =	sadd.s32 $0x180, s25;
	[sflag:s15] =	ssyncadd.s32 $0xFFFFE000  }
.Ltmp6:
0x8b: {  	(pc) =	sbr.rel .LBB2_8-.Ltmp6, $2  }
0x8c: {  	_ =	sdelay $0x2  }
0x8d: {  	[tilespmem:s20], [sflag:$0x1] =	stream.indirect.gather [spmem:s3], $0x40, s25, s18, $0xb8;
	[tilespmem:$0x1A800] =	vst v63  }
.LBB2_9:
0x8e: {  	_ =	sfence.sel $0x180000  }
0x8f: {  	[bflag:$0x0] =	sbarrier.arrive $0xFFFF  }
0x90: {  	p0 =	sne.s32 s1, $0x0;
	_ =	strace $0x9000004A  }
0x91: {  	s0 =	sadd.s32 @!p0 $0x100000, s0;
	[bflag:$0x2] =	sbarrier.arrive $0xFFFF  }
0x92: {  	[sflag:s0] =	ssyncadd.tile.s32 @!p0 $0x1;
	_ =	shalt  }
.Lfunc_end2:
_tile_overlayer_lowered:
.L_overlay_start_2:
0x93: {  	(tag) =	ssettag $0x2  }
0x94: {  	s0 =	rddreg [dreg:$0x0];
	s2 =	stileid.u32  }
0x95: {  	s1 =	rddreg [dreg:$0x1];
	p0 =	sne.s32 s2, $0x0  }
0x96: {  	s3 =	rddreg [dreg:$0x2];
	[bflag:$0x3] =	sbarrier.arrive $0xFFFF;
	s2 =	simm.s32 @!p0 $0x1C02  }
0x97: {  	[timem:s3], [sflag:s2] =	dma.local @!p0 [hbm:s0], s1  }
0x98: {  	s0 =	simm.s32 @!p0 $0x2  }
0x99: {  	_ =	swait.ge @!p0 [sflag:s0], s1  }
0x9a: {  	s1 =	ssub.s32 @!p0 $0x0, s1;
	[sflag:s0] =	ssyncset.done @!p0 $0x0  }
0x9b: {  	[sflag:s0] =	ssyncadd.s32 @!p0 s1  }
0x9c: {  	[bflag:$0x3] =	sbarrier.arrive $0xFFFF  }
0x9d: {  	_ =	shalt  }

// kernel: kernel.9.cloned.1.call-start
scs
__scs_entry_jumppad:
0x0: {  	(pc) =	sbr.rel $0x88, $3  }
0x1: {  	(tag) =	ssettag $0x0;
	lr =	simm.s32 $0x1  }
0x2: {  	[smem:$0x3F97] =	sst lr;
	_ =	strace $0xD0000000  }
0x3: {  	_ = 	snop  }
0x4: {  	_ = 	snop  }
0x5: {  	_ = 	snop  }
0x6: {  	_ = 	snop  }
0x7: {  	_ = 	snop  }
__scs_overlays_trampoline_lowered:
0x8: {  	[smem:$0x3FA6] =	sst s0  }
0x9: {  	[smem:$0x3FA7] =	sst s1  }
0xa: {  	[smem:$0x3FA8] =	sst s2  }
0xb: {  	[smem:$0x3FA9] =	sst s3  }
0xc: {  	[smem:$0x3FAA] =	sst s4  }
0xd: {  	[smem:$0x3FAB] =	sst s5  }
0xe: {  	[smem:$0x3FAC] =	sst s6  }
0xf: {  	[smem:$0x3FAD] =	sst s7  }
0x10: {  	[smem:$0x3FAE] =	sst s8  }
0x11: {  	[smem:$0x3FAF] =	sst s9;
	s0 =	simm.s32 @!p0 $0x0  }
0x12: {  	s1 =	sld [smem:$0x3F95];
	s0 =	simm.s32 @p0 $0x1  }
0x13: {  	[smem:$0x3FB0] =	sst s0;
	s0 =	simm.s32 @!p1 $0x0  }
0x14: {  	s2 =	sld [smem:$0x3F94];
	s0 =	simm.s32 @p1 $0x1  }
0x15: {  	[smem:$0x3FB1] =	sst s0;
	s0 =	simm.s32 @!p2 $0x0  }
0x16: {  	s3 =	sld [smem:$0x3FDB];
	s0 =	simm.s32 @p2 $0x1  }
0x17: {  	s4 =	simm.s32 $0x1BF5;
	[smem:$0x3FB3] =	sst s0  }
0x18: {  	s0 =	sld [smem:$0x3F96];
	_ =	swait.ge [sflag:s4], $0x0  }
0x19: {  	s7 =	sld [smem:$0x3F97]  }
0x1a: {  	s8 =	sadd.s32 $0xFFFFE003, lr  }
0x1b: {  	s9 =	sadd.s32 $0xFFFFFEF7, lr;
	s5 =	simm.s32 $0xFFFFFFFF;
	p2 =	slt.u32 s8, $0xFFFFF086  }
0x1c: {  	p1 =	slt.u32 s9, $0xF7A;
	s5 =	simm.s32 @!p2 $0x0  }
0x1d: {  	s5 =	simm.s32 @p1 $0x1;
	p0 =	seq.s32 s7, s2  }
0x1e: {  	s7 =	smul.u32 @!p0 $0xF7A, s2;
	p2 =	seq.s32 @!p0 s5, $0x0  }
0x1f: {  	s9 =	smul.u32 $0xF7A, s1;
	s8 =	simm.s32 @!p0 $0x1BF5;
	p2 =	por !p2, p0  }
0x20: {  	[sflag:s8] =	ssyncset.s32 @!p0 $0xFFFFF086;
	s6 =	sadd.s32 @!p0 s3, s7;
	s7 =	simm.s32 @!p0 $0x108  }
0x21: {  	s3 =	sadd.s32 s3, s9;
	s6 =	sadd.s32 @!p0 $0x88, s6;
	s7 =	simm.s32 @p2 $0x1082  }
0x22: {  	[simem:s7], [sflag:s8] =	dma.local @!p0 [hbm:s6], $0xF7A  }
0x23: {  	s9 =	sor.u32 $0xD0000000, s2;
	s6 =	simm.s32 $0x108;
	_ =	swait.ge @!p0 [sflag:s8], $0x0  }
0x24: {  	s3 =	sadd.s32 $0x88, s3;
	s6 =	simm.s32 @!p1 $0x1082;
	[sflag:s4] =	ssyncset.s32 $0xFFFFF086  }
0x25: {  	[simem:s6], [sflag:s4] =	dma.local [hbm:s3], $0xF7A  }
0x26: {  	[smem:$0x3F97] =	sst s1;
	(tag) =	ssettag s2;
	_ =	strace s9  }
0x27: {  	s1 =	sld [smem:$0x3FA7]  }
0x28: {  	s2 =	sld [smem:$0x3FA8]  }
0x29: {  	s4 =	sld [smem:$0x3FAA]  }
0x2a: {  	p0 =	seq.s32 s5, $0x0;
	s5 =	sld [smem:$0x3FAB]  }
0x2b: {  	s6 =	sld [smem:$0x3FAC]  }
0x2c: {  	s7 =	sld [smem:$0x3FAD]  }
0x2d: {  	s3 =	simm.s32 $0x108;
	s8 =	sld [smem:$0x3FAE]  }
0x2e: {  	s3 =	simm.s32 @!p0 $0x1082;
	s9 =	sld [smem:$0x3FAF]  }
0x2f: {  	lr =	sadd.s32 s0, s3;
	s0 =	sld [smem:$0x3FA6]  }
0x30: {  	s3 =	sld [smem:$0x3FA9]  }
0x31: {  	[smem:$0x3FB2] =	sst s10  }
0x32: {  	s10 =	sld [smem:$0x3FB0];
	_ =	sdelay $0x3  }
0x33: {  	p0 =	seq.s32 s10, $0x1;
	s10 =	sld [smem:$0x3FB2];
	_ =	sdelay $0x3  }
0x34: {  	[smem:$0x3FB2] =	sst s10  }
0x35: {  	s10 =	sld [smem:$0x3FB1];
	_ =	sdelay $0x3  }
0x36: {  	p1 =	seq.s32 s10, $0x1;
	s10 =	sld [smem:$0x3FB2];
	_ =	sdelay $0x3  }
0x37: {  	[smem:$0x3FB2] =	sst s10  }
0x38: {  	s10 =	sld [smem:$0x3FB3]  }
0x39: {  	_ = 	snop;
	(pc) =	sbr.ind lr, $3  }
0x3a: {  	_ = 	snop  }
0x3b: {  	_ = 	snop  }
0x3c: {  	p2 =	seq.s32 s10, $0x1;
	s10 =	sld [smem:$0x3FB2]  }
0x3d: {  	_ =	shalt  }
0x3e: {  	_ =	shalt  }
0x3f: {  	_ =	shalt  }
0x40: {  	_ =	shalt  }
0x41: {  	_ =	shalt  }
0x42: {  	_ =	shalt  }
0x43: {  	_ =	shalt  }
0x44: {  	_ =	shalt  }
0x45: {  	_ =	shalt  }
0x46: {  	_ =	shalt  }
0x47: {  	_ =	shalt  }
0x48: {  	_ =	shalt  }
0x49: {  	_ =	shalt  }
0x4a: {  	_ =	shalt  }
0x4b: {  	_ =	shalt  }
0x4c: {  	_ =	shalt  }
0x4d: {  	_ =	shalt  }
0x4e: {  	_ =	shalt  }
0x4f: {  	_ =	shalt  }
0x50: {  	_ =	shalt  }
0x51: {  	_ =	shalt  }
0x52: {  	_ =	shalt  }
0x53: {  	_ =	shalt  }
0x54: {  	_ =	shalt  }
0x55: {  	_ =	shalt  }
0x56: {  	_ =	shalt  }
0x57: {  	_ =	shalt  }
0x58: {  	_ =	shalt  }
0x59: {  	_ =	shalt  }
0x5a: {  	_ =	shalt  }
0x5b: {  	_ =	shalt  }
0x5c: {  	_ =	shalt  }
0x5d: {  	_ =	shalt  }
0x5e: {  	_ =	shalt  }
0x5f: {  	_ =	shalt  }
0x60: {  	_ =	shalt  }
0x61: {  	_ =	shalt  }
0x62: {  	_ =	shalt  }
0x63: {  	_ =	shalt  }
0x64: {  	_ =	shalt  }
0x65: {  	_ =	shalt  }
0x66: {  	_ =	shalt  }
0x67: {  	_ =	shalt  }
0x68: {  	_ =	shalt  }
0x69: {  	_ =	shalt  }
0x6a: {  	_ =	shalt  }
0x6b: {  	_ =	shalt  }
0x6c: {  	_ =	shalt  }
0x6d: {  	_ =	shalt  }
0x6e: {  	_ =	shalt  }
0x6f: {  	_ =	shalt  }
0x70: {  	_ =	shalt  }
0x71: {  	_ =	shalt  }
0x72: {  	_ =	shalt  }
0x73: {  	_ =	shalt  }
0x74: {  	_ =	shalt  }
0x75: {  	_ =	shalt  }
0x76: {  	_ =	shalt  }
0x77: {  	_ =	shalt  }
0x78: {  	_ =	shalt  }
0x79: {  	_ =	shalt  }
0x7a: {  	_ =	shalt  }
0x7b: {  	_ =	shalt  }
0x7c: {  	_ =	shalt  }
0x7d: {  	_ =	shalt  }
0x7e: {  	_ =	shalt  }
0x7f: {  	_ =	shalt  }
0x80: {  	_ =	shalt  }
0x81: {  	_ =	shalt  }
0x82: {  	_ =	shalt  }
0x83: {  	_ =	shalt  }
0x84: {  	_ =	shalt  }
0x85: {  	_ =	shalt  }
0x86: {  	_ =	shalt  }
0x87: {  	_ =	shalt  }
.Lfunc_end0:
.L_simem_size_0:
called_computation.1_lowered:
.L_overlay_start_0:
0x88: {  	s2 =	sld [smem:$0x3FD9]  }
0x89: {  	s3 =	sld [smem:$0x3FFE];
	_ =	sdelay $0x1  }
0x8a: {  	s1 =	srdreg.scid  }
0x8b: {  	s0 =	sand.u32 $0x1, s1  }
0x8c: {  	s16 =	sshll.u32 s0, $0xA;
	s2 =	sadd.s32 s3, s2  }
0x8d: {  	s2 =	sadd.s32 s2, s16  }
0x8e: {  	[smem:$0x3FBE] =	sst s2  }
0x8f: {  	_ = 	snop  }
0x90: {  	(tm) =	ssettm $0x1  }
0x91: {  	s17 =	sld [smem:$0x3FFB];
	_ =	sdelay $0x3  }
0x92: {  	_ =	strace s17  }
0x93: {  	s2 =	sld [smem:$0x3FFC];
	_ =	sdelay $0x3  }
0x94: {  	_ =	strace s2  }
0x95: {  	s2 =	sld [smem:$0x3FFD];
	_ =	sdelay $0x3  }
0x96: {  	_ =	strace s2  }
0x97: {  	_ =	strace $0x8FFFFFFF  }
0x98: {  	s18 =	sld [smem:$0x3FDB];
	_ =	sdelay $0x1  }
0x99: {  	s19 =	simm.s32 $_scs_section_size  }
0x9a: {  	s4 =	simm.s32 $_size__tile_overlayer_lowered;
	s5 =	simm.s32 $_tile_overlayer_lowered  }
0x9b: {  	s22 =	simm.s32 $0x1BFF;
	s21 =	sshll.u32 s5, $0x1;
	s2 =	sadd.s32 s19, s18  }
0x9c: {  	s6 =	simm.s32 $0x0;
	s20 =	sshll.u32 s4, $0x1;
	s4 =	sadd.s32 s21, s2  }
0x9d: {  	[timem:s6], [sflag:s22] =	dma.local [hbm:s4], s20  }
0x9e: {  	_ =	swait.ge [sflag:s22], s20  }
0x9f: {  	s3 =	ssub.s32 $0x0, s20;
	[sflag:s22] =	ssyncset.done $0x0  }
0xa0: {  	[sflag:s22] =	ssyncadd.s32 s3;
	_ =	sdelay $0x1  }
0xa1: {  	s23 =	simm.s32 $0x1B8B  }
0xa2: {  	_ =	swait.ge [sflag:s23], $0x1  }
0xa3: {  	[sflag:s23] =	ssyncset.done $0x0  }
0xa4: {  	s25 =	simm.s32 $0x1B8E;
	s24 =	sld [smem:$0x3FFE];
	[sflag:s23] =	ssyncadd.s32 $0xFFFFFFFF  }
0xa5: {  	s26 =	simm.s32 $execute0_lowered;
	[smem:$0x3FD2] =	sst s25  }
0xa6: {  	s4 =	sshll.u32 s26, $0x1;
	_ =	strace $0x80000046;
	[dreg:$0x1] =	wrdreg $0xFFFFFFFF  }
0xa7: {  	s28 =	simm.s32 $_size_execute0_lowered;
	s2 =	sadd.s32 s2, s4;
	[dreg:$0x0] =	wrdreg $0x0  }
0xa8: {  	s4 =	sshll.u32 s28, $0x1;
	[dreg:$0x2] =	wrdreg s2  }
0xa9: {  	[dreg:$0x3] =	wrdreg s4  }
0xaa: {  	[dreg:$0x4] =	wrdreg $0xC0  }
0xab: {  	_ =	task [dreg:s6], $0x5FFFF  }
0xac: {  	[dreg:$0x1] =	wrdreg $0xFFFFFFFF  }
0xad: {  	[dreg:$0x0] =	wrdreg $0x60  }
0xae: {  	[dreg:$0x2] =	wrdreg s24  }
0xaf: {  	[dreg:$0x3] =	wrdreg $0x3E800  }
0xb0: {  	[dreg:$0x4] =	wrdreg $0xA  }
0xb1: {  	_ =	task.clear_ibuf [dreg:s6], $0x5FFFF;
	_ =	strace $0x90000046  }
0xb2: {  	s29 =	simm.s32 $0xA;
	_ =	strace $0x80000048  }
0xb3: {  	_ =	swait.ge [sflag:s29], $0x1  }
0xb4: {  	[sflag:s29] =	ssyncadd.s32 $0xFFFFFFFF  }
0xb5: {  	_ =	strace $0x90000048  }
0xb6: {  	_ =	sfence  }
0xb7: {  	s30 =	sld [smem:$0x0];
	_ =	sdelay $0x2  }
0xb8: {  	s31 =	sshll.u32 s1, $0xD;
	s1 =	sshrl.u32 s1, $0x2  }
0xb9: {  	s3 =	sand.u32 $0x4000, s31;
	s1 =	sadd.s32 s1, s30  }
0xba: {  	s0 =	sor.u32 s3, s0;
	s1 =	sshll.u32 s1, $0x11  }
0xbb: {  	s0 =	sor.u32 s1, s0  }
0xbc: {  	s0 =	sadd.s32 $0x8F2B, s0  }
0xbd: {  	[sflag:s0] =	ssyncadd.remote.s32 $0x1  }
0xbe: {  	_ =	sfence.sel $0xFFFF  }
0xbf: {  	[dreg:$0x0] =	wrdreg $0xFFFFFFFF;
	(pc) =	sbr.abs _section_cstart, $3  }
0xc0: {  	[dreg:$0x1] =	wrdreg $0xFFFFFFFF  }
0xc1: {  	_ =	task.clear_ibuf [dreg:s6], $0x2FFFF;
	_ =	strace $0x9FFFFFFF  }
0xc2: {  	(tm) =	ssettm $0x7FFFFFFF  }
0xc3: {  	_ =	shalt  }
tec
execute0_lowered:
.L_overlay_start_1:
0x0: {  	(tag) =	ssettag $0x1  }
0x1: {  	s0 =	srdreg.scid;
	s1 =	rddreg [dreg:$0x0]  }
0x2: {  	s10 =	stileid.u32;
	s5 =	rddreg [dreg:$0x1];
	s28 =	simm.s32 $0x400  }
0x3: {  	s29 =	simm.s32 $0x3C00;
	s30 =	simm.s32 $0x0;
	s6 =	smul.u32 $0x280, s10  }
0x4: {  	s0 =	sand.u32 $0x1, s0;
	s2 =	sshll.u32 s10, $0x1;
	s9 =	smul.u32 $0x5000, s10  }
0x5: {  	s8 =	sshrl.u32 s10, $0x3;
	s26 =	sshll.u32 s10, $0x7;
	s4 =	smul.u32 $0x2800, s0  }
0x6: {  	s3 =	sor.u32 s0, s2;
	s2 =	simm.s32 $0x0;
	s24 =	smul.u32 $0x50000, s8  }
0x7: {  	s0 =	ssub.s32 $0x2, s0;
	s3 =	smul.u32 $0x280, s3;
	[smem:$0x7FF] =	sst s2  }
0x8: {  	s25 =	sshrl.u32 s0, $0x1;
	s31 =	sshrl.u32 s9, $0x2;
	_ =	strace $0x80000047  }
0x9: {  	s4 =	sadd.s32 s6, s4;
	s0 =	ssub.s32 s0, s25;
	s6 =	sshrl.u32 s24, $0x2  }
0xa: {  	s24 =	simm.s32 $0x1400;
	s25 =	simm.s32 $0x1;
	s7 =	sadd.s32 s3, s1  }
0xb: {  	s3 =	sadd.s32 $0x6400, s1;
	s4 =	sshrl.u32 s4, $0x3;
	s6 =	sadd.s32 s6, s5  }
0xc: {  	s5 =	sadd.s32 s31, s5;
	s23 =	smax.u32 s0, $0x1;
	s0 =	simm.s32 $0x3980  }
0xd: {  	s1 =	sadd.s32 s4, s1;
	s4 =	sadd.s32 $0x1400, s7;
	s7 =	sand.u32 $0x380, s26  }
0xe: {  	s8 =	sadd.s32 $0x100, s5;
	s9 =	sadd.s32 $0x180, s5;
	s10 =	sadd.s32 $0x200, s5  }
0xf: {  	s11 =	sadd.s32 $0x280, s5;
	s12 =	sadd.s32 $0x300, s5;
	s13 =	sadd.s32 $0x380, s5  }
0x10: {  	s14 =	sadd.s32 $0x14000, s5;
	s15 =	sadd.s32 $0x14080, s5;
	s16 =	sadd.s32 $0x14100, s5  }
0x11: {  	s17 =	sadd.s32 $0x14180, s5;
	s18 =	sadd.s32 $0x14200, s5;
	s19 =	sadd.s32 $0x14280, s5  }
0x12: {  	s20 =	sadd.s32 $0x14300, s5;
	s21 =	sadd.s32 $0x14380, s5;
	s26 =	simm.s32 $0x80  }
0x13: {  	v0 =	vimm.f32 $1.000000000e+00;
	s6 =	sadd.s32 s7, s6;
	s7 =	sadd.s32 $0x80, s5;
	s22 =	sadd.s32 $0x6A00, s1  }
.LBB2_1:
0x14: {  	[tilespmem:s24], [sflag:$0x1] =	stream.linear.gather [hbm4b:s3+s2], $0x2800, $0x38;
	[tilespmem:$0x6680] =	vst v63  }
0x15: {  	_ =	swait.ge [sflag:s25], $0x2800  }
0x16: {  	[sflag:s25] =	ssyncset.done $0x0  }
0x17: {  	[sflag:s25] =	ssyncadd.s32 $0xFFFFD800  }
0x18: {  	[tilespmem:s2], [sflag:$0x1] =	stream.linear.gather [hbm4b:s4+s2], $0x1400, $0x38;
	[tilespmem:$0x6680] =	vst v63  }
0x19: {  	_ =	swait.ge [sflag:s25], $0x1400  }
0x1a: {  	[sflag:s25] =	ssyncset.done $0x0  }
0x1b: {  	s31 =	simm.s32 $0x0;
	[sflag:s25] =	ssyncadd.s32 $0xFFFFEC00  }
.LBB2_2:
0x1c: {  	s1 =	sshra.s32 s31, $0x2  }
0x1d: {  	v1 =	vld [tilespmem:s1+$0x0];
	_ =	sdelay $0x7  }
0x1e: {  	[tilespmem:v1+s24+$0x0] =	vst.idx.add.f32.msk $0xffff, v0  }
0x1f: {  	v1 =	vld [tilespmem:s1+$0x10];
	_ =	sdelay $0x7  }
0x20: {  	[tilespmem:v1+s24+$0x0] =	vst.idx.add.f32.msk $0xffff, v0  }
0x21: {  	v1 =	vld [tilespmem:s1+$0x20];
	_ =	sdelay $0x7  }
0x22: {  	[tilespmem:v1+s24+$0x0] =	vst.idx.add.f32.msk $0xffff, v0  }
0x23: {  	v1 =	vld [tilespmem:s1+$0x30];
	_ =	sdelay $0x7  }
0x24: {  	[tilespmem:v1+s24+$0x0] =	vst.idx.add.f32.msk $0xffff, v0  }
0x25: {  	v1 =	vld [tilespmem:s1+$0x40];
	_ =	sdelay $0x7  }
0x26: {  	[tilespmem:v1+s24+$0x0] =	vst.idx.add.f32.msk $0xffff, v0  }
0x27: {  	v1 =	vld [tilespmem:s1+$0x50];
	_ =	sdelay $0x7  }
0x28: {  	[tilespmem:v1+s24+$0x0] =	vst.idx.add.f32.msk $0xffff, v0  }
0x29: {  	v1 =	vld [tilespmem:s1+$0x60];
	_ =	sdelay $0x7  }
0x2a: {  	[tilespmem:v1+s24+$0x0] =	vst.idx.add.f32.msk $0xffff, v0  }
0x2b: {  	v1 =	vld [tilespmem:s1+$0x70];
	_ =	sdelay $0x2  }
0x2c: {  	p0 =	sne.s32 s31, $0x4E00  }
.Ltmp0:
0x2d: {  	_ = 	snop;
	(pc) =	sbr.rel @p0 .LBB2_2-.Ltmp0, $2  }
0x2e: {  	_ =	sdelay $0x2  }
0x2f: {  	s31 =	sadd.s32 $0x200, s31;
	[tilespmem:v1+s24+$0x0] =	vst.idx.add.f32.msk $0xffff, v0  }
0x30: {  	[spmem:s6] =	stream.strided.scatter [tilespmem:s24], [sflag:$0x1], $0x2800, s28, s26, $0x38;
	[tilespmem:$0x6680] =	vst v63  }
0x31: {  	_ =	swait.ge [sflag:s25], $0x2800  }
0x32: {  	[sflag:s25] =	ssyncset.done $0x0  }
0x33: {  	[sflag:s25] =	ssyncadd.s32 $0xFFFFD800  }
0x34: {  	[bflag:$0x0] =	sbarrier.arrive $0xFFFF  }
0x35: {  	[tilespmem:s24], [sflag:$0x1] =	stream.strided.gather [spmem:s5], $0x280, s28, s26, $0x38;
	[tilespmem:$0x6680] =	vst v63  }
0x36: {  	_ =	swait.ge [sflag:s25], $0x280  }
0x37: {  	[sflag:s25] =	ssyncset.done $0x0  }
0x38: {  	s1 =	simm.s32 $0x1680;
	[sflag:s25] =	ssyncadd.s32 $0xFFFFFD80  }
0x39: {  	[tilespmem:s1], [sflag:$0x1] =	stream.strided.gather [spmem:s7], $0x280, s28, s26, $0x38;
	[tilespmem:$0x6680] =	vst v63  }
0x3a: {  	_ =	swait.ge [sflag:s25], $0x280  }
0x3b: {  	[sflag:s25] =	ssyncset.done $0x0  }
0x3c: {  	s31 =	simm.s32 $0x1900;
	[sflag:s25] =	ssyncadd.s32 $0xFFFFFD80  }
0x3d: {  	[tilespmem:s31], [sflag:$0x1] =	stream.strided.gather [spmem:s8], $0x280, s28, s26, $0x38;
	[tilespmem:$0x6680] =	vst v63  }
0x3e: {  	_ =	swait.ge [sflag:s25], $0x280  }
0x3f: {  	[sflag:s25] =	ssyncset.done $0x0  }
0x40: {  	s31 =	simm.s32 $0x1B80;
	[sflag:s25] =	ssyncadd.s32 $0xFFFFFD80  }
0x41: {  	[tilespmem:s31], [sflag:$0x1] =	stream.strided.gather [spmem:s9], $0x280, s28, s26, $0x38;
	[tilespmem:$0x6680] =	vst v63  }
0x42: {  	_ =	swait.ge [sflag:s25], $0x280  }
0x43: {  	[sflag:s25] =	ssyncset.done $0x0  }
0x44: {  	s31 =	simm.s32 $0x1E00;
	[sflag:s25] =	ssyncadd.s32 $0xFFFFFD80  }
0x45: {  	[tilespmem:s31], [sflag:$0x1] =	stream.strided.gather [spmem:s10], $0x280, s28, s26, $0x38;
	[tilespmem:$0x6680] =	vst v63  }
0x46: {  	_ =	swait.ge [sflag:s25], $0x280  }
0x47: {  	[sflag:s25] =	ssyncset.done $0x0  }
0x48: {  	s31 =	simm.s32 $0x2080;
	[sflag:s25] =	ssyncadd.s32 $0xFFFFFD80  }
0x49: {  	[tilespmem:s31], [sflag:$0x1] =	stream.strided.gather [spmem:s11], $0x280, s28, s26, $0x38;
	[tilespmem:$0x6680] =	vst v63  }
0x4a: {  	_ =	swait.ge [sflag:s25], $0x280  }
0x4b: {  	[sflag:s25] =	ssyncset.done $0x0  }
0x4c: {  	s31 =	simm.s32 $0x2300;
	[sflag:s25] =	ssyncadd.s32 $0xFFFFFD80  }
0x4d: {  	[tilespmem:s31], [sflag:$0x1] =	stream.strided.gather [spmem:s12], $0x280, s28, s26, $0x38;
	[tilespmem:$0x6680] =	vst v63  }
0x4e: {  	_ =	swait.ge [sflag:s25], $0x280  }
0x4f: {  	[sflag:s25] =	ssyncset.done $0x0  }
0x50: {  	s31 =	simm.s32 $0x2580;
	[sflag:s25] =	ssyncadd.s32 $0xFFFFFD80  }
0x51: {  	[tilespmem:s31], [sflag:$0x1] =	stream.strided.gather [spmem:s13], $0x280, s28, s26, $0x38;
	[tilespmem:$0x6680] =	vst v63  }
0x52: {  	_ =	swait.ge [sflag:s25], $0x280  }
0x53: {  	[sflag:s25] =	ssyncset.done $0x0  }
0x54: {  	s31 =	simm.s32 $0x2800;
	[sflag:s25] =	ssyncadd.s32 $0xFFFFFD80  }
0x55: {  	[tilespmem:s31], [sflag:$0x1] =	stream.strided.gather [spmem:s14], $0x280, s28, s26, $0x38;
	[tilespmem:$0x6680] =	vst v63  }
0x56: {  	_ =	swait.ge [sflag:s25], $0x280  }
0x57: {  	[sflag:s25] =	ssyncset.done $0x0  }
0x58: {  	s31 =	simm.s32 $0x2A80;
	[sflag:s25] =	ssyncadd.s32 $0xFFFFFD80  }
0x59: {  	[tilespmem:s31], [sflag:$0x1] =	stream.strided.gather [spmem:s15], $0x280, s28, s26, $0x38;
	[tilespmem:$0x6680] =	vst v63  }
0x5a: {  	_ =	swait.ge [sflag:s25], $0x280  }
0x5b: {  	[sflag:s25] =	ssyncset.done $0x0  }
0x5c: {  	s31 =	simm.s32 $0x2D00;
	[sflag:s25] =	ssyncadd.s32 $0xFFFFFD80  }
0x5d: {  	[tilespmem:s31], [sflag:$0x1] =	stream.strided.gather [spmem:s16], $0x280, s28, s26, $0x38;
	[tilespmem:$0x6680] =	vst v63  }
0x5e: {  	_ =	swait.ge [sflag:s25], $0x280  }
0x5f: {  	[sflag:s25] =	ssyncset.done $0x0  }
0x60: {  	s31 =	simm.s32 $0x2F80;
	[sflag:s25] =	ssyncadd.s32 $0xFFFFFD80  }
0x61: {  	[tilespmem:s31], [sflag:$0x1] =	stream.strided.gather [spmem:s17], $0x280, s28, s26, $0x38;
	[tilespmem:$0x6680] =	vst v63  }
0x62: {  	_ =	swait.ge [sflag:s25], $0x280  }
0x63: {  	[sflag:s25] =	ssyncset.done $0x0  }
0x64: {  	s31 =	simm.s32 $0x3200;
	[sflag:s25] =	ssyncadd.s32 $0xFFFFFD80  }
0x65: {  	[tilespmem:s31], [sflag:$0x1] =	stream.strided.gather [spmem:s18], $0x280, s28, s26, $0x38;
	[tilespmem:$0x6680] =	vst v63  }
0x66: {  	_ =	swait.ge [sflag:s25], $0x280  }
0x67: {  	[sflag:s25] =	ssyncset.done $0x0  }
0x68: {  	s31 =	simm.s32 $0x3480;
	[sflag:s25] =	ssyncadd.s32 $0xFFFFFD80  }
0x69: {  	[tilespmem:s31], [sflag:$0x1] =	stream.strided.gather [spmem:s19], $0x280, s28, s26, $0x38;
	[tilespmem:$0x6680] =	vst v63  }
0x6a: {  	_ =	swait.ge [sflag:s25], $0x280  }
0x6b: {  	[sflag:s25] =	ssyncset.done $0x0  }
0x6c: {  	s31 =	simm.s32 $0x3700;
	[sflag:s25] =	ssyncadd.s32 $0xFFFFFD80  }
0x6d: {  	[tilespmem:s31], [sflag:$0x1] =	stream.strided.gather [spmem:s20], $0x280, s28, s26, $0x38;
	[tilespmem:$0x6680] =	vst v63  }
0x6e: {  	_ =	swait.ge [sflag:s25], $0x280  }
0x6f: {  	[sflag:s25] =	ssyncset.done $0x0  }
0x70: {  	[sflag:s25] =	ssyncadd.s32 $0xFFFFFD80  }
0x71: {  	[tilespmem:s0], [sflag:$0x1] =	stream.strided.gather [spmem:s21], $0x280, s28, s26, $0x38;
	[tilespmem:$0x6680] =	vst v63  }
0x72: {  	_ =	swait.ge [sflag:s25], $0x280  }
0x73: {  	[sflag:s25] =	ssyncset.done $0x0  }
0x74: {  	[sflag:s25] =	ssyncadd.s32 $0xFFFFFD80  }
0x75: {  	v5 =	vld [tilespmem:$0x1400]  }
0x76: {  	v4 =	vld [tilespmem:$0x1680]  }
0x77: {  	v1 =	vld [tilespmem:$0x25A0]  }
0x78: {  	v6 =	vld [tilespmem:$0x1900]  }
0x79: {  	v8 =	vld [tilespmem:$0x1B80]  }
0x7a: {  	v9 =	vld [tilespmem:$0x1E00]  }
0x7b: {  	v11 =	vld [tilespmem:$0x2080]  }
0x7c: {  	[tilespmem:$0x1ED80] =	vst v1;
	v1 =	vld [tilespmem:$0x2820]  }
0x7d: {  	v14 =	vld [tilespmem:$0x2300]  }
0x7e: {  	v17 =	vld [tilespmem:$0x2580]  }
0x7f: {  	v20 =	vld [tilespmem:$0x2800]  }
0x80: {  	v24 =	vld [tilespmem:$0x2A80]  }
0x81: {  	[tilespmem:$0x1ED90] =	vst v1;
	v1 =	vld [tilespmem:$0x2AA0]  }
0x82: {  	v27 =	vld [tilespmem:$0x2D00]  }
0x83: {  	v31 =	vld [tilespmem:$0x2F80]  }
0x84: {  	v36 =	vld [tilespmem:$0x3200]  }
0x85: {  	v37 =	vld [tilespmem:$0x3480]  }
0x86: {  	[tilespmem:$0x1EDA0] =	vst v1;
	v1 =	vld [tilespmem:$0x2D20]  }
0x87: {  	v38 =	vld [tilespmem:$0x3700]  }
0x88: {  	v39 =	vld [tilespmem:$0x3980]  }
0x89: {  	v35 =	vld [tilespmem:$0x1410]  }
0x8a: {  	v40 =	vld [tilespmem:$0x1690]  }
0x8b: {  	[tilespmem:$0x1EDC0] =	vst v1;
	v1 =	vld [tilespmem:$0x2FA0]  }
0x8c: {  	v41 =	vld [tilespmem:$0x1910]  }
0x8d: {  	v42 =	vld [tilespmem:$0x1B90]  }
0x8e: {  	v43 =	vld [tilespmem:$0x1E10]  }
0x8f: {  	v44 =	vld [tilespmem:$0x2090]  }
0x90: {  	[tilespmem:$0x1EDE0] =	vst v1;
	v1 =	vld [tilespmem:$0x3220]  }
0x91: {  	v45 =	vld [tilespmem:$0x2310]  }
0x92: {  	v46 =	vld [tilespmem:$0x2590]  }
0x93: {  	v47 =	vld [tilespmem:$0x2810]  }
0x94: {  	v48 =	vld [tilespmem:$0x2A90]  }
0x95: {  	[tilespmem:$0x1EE00] =	vst v1;
	v1 =	vld [tilespmem:$0x34A0]  }
0x96: {  	v49 =	vld [tilespmem:$0x2D10]  }
0x97: {  	v50 =	vld [tilespmem:$0x2F90]  }
0x98: {  	v51 =	vld [tilespmem:$0x3210]  }
0x99: {  	v52 =	vld [tilespmem:$0x3490]  }
0x9a: {  	[tilespmem:$0x1EE20] =	vst v1;
	v1 =	vld [tilespmem:$0x3720]  }
0x9b: {  	v53 =	vld [tilespmem:$0x3710]  }
0x9c: {  	v54 =	vld [tilespmem:$0x3990]  }
0x9d: {  	v55 =	vld [tilespmem:$0x1420]  }
0x9e: {  	v56 =	vld [tilespmem:$0x16A0]  }
0x9f: {  	[tilespmem:$0x1EE50] =	vst v1;
	v1 =	vld [tilespmem:$0x39A0]  }
0xa0: {  	v57 =	vld [tilespmem:$0x1920]  }
0xa1: {  	v58 =	vld [tilespmem:$0x1BA0]  }
0xa2: {  	v59 =	vld [tilespmem:$0x1E20]  }
0xa3: {  	v60 =	vld [tilespmem:$0x20A0]  }
0xa4: {  	[tilespmem:$0x1EE80] =	vst v1;
	v1 =	vld [tilespmem:$0x2AB0]  }
0xa5: {  	v33 =	vld [tilespmem:$0x2320]  }
0xa6: {  	v61 =	vld [tilespmem:$0x1430]  }
0xa7: {  	v62 =	vld [tilespmem:$0x16B0]  }
0xa8: {  	v63 =	vld [tilespmem:$0x1930]  }
0xa9: {  	[tilespmem:$0x1EDB0] =	vst v1;
	v1 =	vld [tilespmem:$0x2D30]  }
0xaa: {  	v15 =	vld [tilespmem:$0x1BB0]  }
0xab: {  	v18 =	vld [tilespmem:$0x1E30]  }
0xac: {  	v21 =	vld [tilespmem:$0x20B0]  }
0xad: {  	v23 =	vld [tilespmem:$0x2330]  }
0xae: {  	[tilespmem:$0x1EDD0] =	vst v1;
	v1 =	vld [tilespmem:$0x2FB0]  }
0xaf: {  	v28 =	vld [tilespmem:$0x25B0]  }
0xb0: {  	v32 =	vld [tilespmem:$0x2830]  }
0xb1: {  	v3 =	vld [tilespmem:$0x1440]  }
0xb2: {  	v2 =	vld [tilespmem:$0x16C0]  }
0xb3: {  	[tilespmem:$0x1EDF0] =	vst v1;
	v1 =	vld [tilespmem:$0x3230]  }
0xb4: {  	v7 =	vld [tilespmem:$0x1940]  }
0xb5: {  	v10 =	vld [tilespmem:$0x1BC0]  }
0xb6: {  	v12 =	vld [tilespmem:$0x1E40]  }
0xb7: {  	v13 =	vld [tilespmem:$0x20C0]  }
0xb8: {  	[tilespmem:$0x1EE10] =	vst v1;
	v1 =	vld [tilespmem:$0x34B0]  }
0xb9: {  	v16 =	vld [tilespmem:$0x2340]  }
0xba: {  	v19 =	vld [tilespmem:$0x25C0]  }
0xbb: {  	v22 =	vld [tilespmem:$0x2840]  }
0xbc: {  	v25 =	vld [tilespmem:$0x2AC0]  }
0xbd: {  	[tilespmem:$0x1EE40] =	vst v1;
	v1 =	vld [tilespmem:$0x3730]  }
0xbe: {  	v29 =	vld [tilespmem:$0x2D40]  }
0xbf: {  	v34 =	vld [tilespmem:$0x2FC0]  }
0xc0: {  	v30 =	vld [tilespmem:$0x1E60]  }
0xc1: {  	v4 =	vadd.f32 v4, v5;
	v5 =	vld [tilespmem:$0x16D0]  }
0xc2: {  	v35 =	vadd.f32 v40, v35;
	[tilespmem:$0x1EE70] =	vst v1;
	v1 =	vld [tilespmem:$0x39B0]  }
0xc3: {  	v40 =	vld [tilespmem:$0x1950];
	v4 =	vadd.f32 v6, v4  }
0xc4: {  	v3 =	vadd.f32 v2, v3;
	v6 =	vld [tilespmem:$0x1BD0];
	v35 =	vadd.f32 v41, v35  }
0xc5: {  	v41 =	vld [tilespmem:$0x1E50];
	v4 =	vadd.f32 v8, v4  }
0xc6: {  	v3 =	vadd.f32 v7, v3;
	v7 =	vld [tilespmem:$0x16F0];
	v35 =	vadd.f32 v42, v35  }
0xc7: {  	v4 =	vadd.f32 v9, v4;
	[tilespmem:$0x1EEA0] =	vst v1;
	v1 =	vld [tilespmem:$0x3240]  }
0xc8: {  	v8 =	vld [tilespmem:$0x20D0];
	v35 =	vadd.f32 v43, v35  }
0xc9: {  	v42 =	vld [tilespmem:$0x2350];
	v4 =	vadd.f32 v11, v4  }
0xca: {  	v3 =	vadd.f32 v10, v3;
	v10 =	vld [tilespmem:$0x1BF0];
	v35 =	vadd.f32 v44, v35  }
0xcb: {  	v9 =	vld [tilespmem:$0x25D0];
	v4 =	vadd.f32 v14, v4  }
0xcc: {  	v35 =	vadd.f32 v45, v35;
	[tilespmem:$0x1EE30] =	vst v1;
	v1 =	vld [tilespmem:$0x34C0]  }
0xcd: {  	v43 =	vld [tilespmem:$0x2850];
	v4 =	vadd.f32 v17, v4  }
0xce: {  	v3 =	vadd.f32 v12, v3;
	v11 =	vld [tilespmem:$0x2AD0];
	v35 =	vadd.f32 v46, v35  }
0xcf: {  	v44 =	vld [tilespmem:$0x2D50];
	v4 =	vadd.f32 v20, v4  }
0xd0: {  	v3 =	vadd.f32 v13, v3;
	v14 =	vld [tilespmem:$0x2FD0];
	v35 =	vadd.f32 v47, v35  }
0xd1: {  	v4 =	vadd.f32 v24, v4;
	[tilespmem:$0x1EE60] =	vst v1;
	v1 =	vld [tilespmem:$0x3740]  }
0xd2: {  	v45 =	vld [tilespmem:$0x3250];
	v3 =	vadd.f32 v16, v3;
	v35 =	vadd.f32 v48, v35  }
0xd3: {  	v17 =	vld [tilespmem:$0x34D0];
	v4 =	vadd.f32 v27, v4  }
0xd4: {  	v3 =	vadd.f32 v19, v3;
	v47 =	vld [tilespmem:$0x1460];
	v24 =	vadd.f32 v49, v35  }
0xd5: {  	v20 =	vld [tilespmem:$0x16E0];
	v4 =	vadd.f32 v31, v4  }
0xd6: {  	v3 =	vadd.f32 v22, v3;
	v24 =	vadd.f32 v50, v24;
	[tilespmem:$0x1EE90] =	vst v1;
	v1 =	vld [tilespmem:$0x39C0]  }
0xd7: {  	v48 =	vld [tilespmem:$0x1960];
	v36 =	vadd.f32 v36, v4  }
0xd8: {  	v3 =	vadd.f32 v25, v3;
	v27 =	vld [tilespmem:$0x1BE0];
	v49 =	vadd.f32 v51, v24  }
0xd9: {  	v35 =	vld [tilespmem:$0x20E0];
	v36 =	vadd.f32 v37, v36  }
0xda: {  	v3 =	vadd.f32 v29, v3;
	v29 =	vld [tilespmem:$0x1700];
	v37 =	vadd.f32 v52, v49  }
0xdb: {  	v62 =	vadd.f32 v62, v61;
	v36 =	vadd.f32 v38, v36;
	[tilespmem:$0x1EEB0] =	vst v1;
	v1 =	vld [tilespmem:$0x1450]  }
0xdc: {  	v20 =	vadd.f32 v20, v47;
	v47 =	vld [tilespmem:$0x3000];
	v53 =	vadd.f32 v53, v37  }
0xdd: {  	v31 =	vld [tilespmem:$0x2360];
	v37 =	vadd.f32 v39, v36  }
0xde: {  	v50 =	vld [tilespmem:$0x2AE0];
	v36 =	vadd.f32 v54, v53;
	v53 =	vadd.f32 v63, v62  }
0xdf: {  	v55 =	vadd.f32 v56, v55;
	v3 =	vadd.f32 v34, v3;
	v34 =	vld [tilespmem:$0x2100]  }
0xe0: {  	v4 =	vld [tilespmem:$0x25E0];
	v15 =	vadd.f32 v15, v53;
	v1 =	vadd.f32 v5, v1  }
0xe1: {  	v57 =	vadd.f32 v57, v55;
	v24 =	vld [tilespmem:$0x2860]  }
0xe2: {  	v51 =	vld [tilespmem:$0x3260];
	v15 =	vadd.f32 v18, v15;
	v1 =	vadd.f32 v40, v1  }
0xe3: {  	v52 =	vld [tilespmem:$0x2D60];
	v54 =	vadd.f32 v58, v57  }
0xe4: {  	v49 =	vld [tilespmem:$0x2FE0];
	v15 =	vadd.f32 v21, v15;
	v1 =	vadd.f32 v6, v1  }
0xe5: {  	v38 =	vld [tilespmem:$0x34E0];
	v59 =	vadd.f32 v59, v54  }
0xe6: {  	v62 =	vld [tilespmem:$0x1ED80];
	v15 =	vadd.f32 v23, v15;
	v1 =	vadd.f32 v41, v1  }
0xe7: {  	v39 =	vld [tilespmem:$0x3760];
	v61 =	vadd.f32 v60, v59  }
0xe8: {  	v63 =	vld [tilespmem:$0x1ED90];
	v15 =	vadd.f32 v28, v15;
	v1 =	vadd.f32 v8, v1  }
0xe9: {  	v54 =	vld [tilespmem:$0x1EE00];
	v18 =	vadd.f32 v33, v61  }
0xea: {  	v15 =	vadd.f32 v32, v15;
	v32 =	vld [tilespmem:$0x1EDA0];
	v1 =	vadd.f32 v42, v1  }
0xeb: {  	v56 =	vld [tilespmem:$0x1EE20];
	v18 =	vadd.f32 v62, v18  }
0xec: {  	v33 =	vld [tilespmem:$0x1EDB0];
	v1 =	vadd.f32 v9, v1  }
0xed: {  	v59 =	vld [tilespmem:$0x1EE50];
	v18 =	vadd.f32 v63, v18  }
0xee: {  	v20 =	vadd.f32 v48, v20;
	v62 =	vld [tilespmem:$0x1490];
	v1 =	vadd.f32 v43, v1  }
0xef: {  	v18 =	vadd.f32 v32, v18;
	v32 =	vld [tilespmem:$0x1980]  }
0xf0: {  	v20 =	vadd.f32 v27, v20;
	v1 =	vadd.f32 v11, v1;
	v11 =	vld [tilespmem:$0x1480]  }
0xf1: {  	v15 =	vadd.f32 v33, v15;
	v33 =	vld [tilespmem:$0x1C00]  }
0xf2: {  	v20 =	vadd.f32 v30, v20;
	v53 =	vld [tilespmem:$0x1EDF0]  }
0xf3: {  	v57 =	vld [tilespmem:$0x1EE30]  }
0xf4: {  	v20 =	vadd.f32 v35, v20;
	v41 =	vld [tilespmem:$0x1EDC0];
	v1 =	vadd.f32 v44, v1  }
0xf5: {  	v42 =	vld [tilespmem:$0x1EDD0];
	v11 =	vadd.f32 v29, v11  }
0xf6: {  	v20 =	vadd.f32 v31, v20;
	v1 =	vadd.f32 v14, v1;
	v14 =	vld [tilespmem:$0x1E80]  }
0xf7: {  	v43 =	vld [tilespmem:$0x1EDE0];
	v11 =	vadd.f32 v32, v11  }
0xf8: {  	v4 =	vadd.f32 v4, v20;
	v55 =	vld [tilespmem:$0x1EE10]  }
0xf9: {  	v60 =	vld [tilespmem:$0x1EE60];
	v11 =	vadd.f32 v33, v11  }
0xfa: {  	v4 =	vadd.f32 v24, v4;
	v18 =	vadd.f32 v41, v18;
	v41 =	vld [tilespmem:$0x2380]  }
0xfb: {  	v3 =	vadd.f32 v57, v3;
	v57 =	vld [tilespmem:$0x2B00];
	v11 =	vadd.f32 v14, v11  }
0xfc: {  	v15 =	vadd.f32 v42, v15;
	v42 =	vld [tilespmem:$0x2600];
	v18 =	vadd.f32 v43, v18  }
0xfd: {  	v4 =	vadd.f32 v50, v4;
	v5 =	vld [tilespmem:$0x1470];
	v11 =	vadd.f32 v34, v11  }
0xfe: {  	v44 =	vld [tilespmem:$0x2880];
	v18 =	vadd.f32 v54, v18  }
0xff: {  	v4 =	vadd.f32 v52, v4;
	v40 =	vld [tilespmem:$0x1970];
	v11 =	vadd.f32 v41, v11  }
0x100: {  	v15 =	vadd.f32 v53, v15;
	v53 =	vld [tilespmem:$0x1710];
	v18 =	vadd.f32 v56, v18  }
0x101: {  	v1 =	vadd.f32 v45, v1;
	v45 =	vld [tilespmem:$0x1EE90];
	v11 =	vadd.f32 v42, v11  }
0x102: {  	v4 =	vadd.f32 v49, v4;
	v18 =	vadd.f32 v59, v18;
	v59 =	vld [tilespmem:$0x2D80]  }
0x103: {  	v15 =	vadd.f32 v55, v15;
	v55 =	vld [tilespmem:$0x1EEB0];
	v11 =	vadd.f32 v44, v11  }
0x104: {  	v58 =	vld [tilespmem:$0x1EE40];
	v3 =	vadd.f32 v60, v3;
	v5 =	vadd.f32 v7, v5  }
0x105: {  	v6 =	vld [tilespmem:$0x1E70];
	v1 =	vadd.f32 v17, v1;
	v7 =	vadd.f32 v57, v11  }
0x106: {  	v17 =	vadd.f32 v53, v62;
	v53 =	vld [tilespmem:$0x3280];
	v3 =	vadd.f32 v45, v3  }
0x107: {  	v61 =	vld [tilespmem:$0x1EE70];
	v5 =	vadd.f32 v40, v5;
	v7 =	vadd.f32 v59, v7  }
0x108: {  	v4 =	vadd.f32 v51, v4;
	v3 =	vadd.f32 v55, v3;
	v55 =	vld [tilespmem:$0x3500]  }
0x109: {  	v2 =	vld [tilespmem:$0x39E0];
	v5 =	vadd.f32 v10, v5;
	v7 =	vadd.f32 v47, v7  }
0x10a: {  	v4 =	vadd.f32 v38, v4;
	v43 =	vld [tilespmem:$0x3780];
	v15 =	vadd.f32 v58, v15  }
0x10b: {  	v5 =	vadd.f32 v6, v5;
	v6 =	vadd.f32 v53, v7  }
0x10c: {  	v15 =	vadd.f32 v61, v15;
	v61 =	vld [tilespmem:$0x3A00]  }
0x10d: {  	v26 =	vld [tilespmem:$0x39D0];
	v4 =	vadd.f32 v39, v4;
	v6 =	vadd.f32 v55, v6  }
0x10e: {  	v12 =	vld [tilespmem:$0x20F0]  }
0x10f: {  	v13 =	vld [tilespmem:$0x25F0];
	v2 =	vadd.f32 v2, v4;
	[tilespmem:$0x3C40] =	vst v3;
	v3 =	vadd.f32 v43, v6  }
0x110: {  	v16 =	vld [tilespmem:$0x2AF0]  }
0x111: {  	v46 =	vld [tilespmem:$0x3750];
	[tilespmem:$0x3C60] =	vst v2;
	v2 =	vadd.f32 v61, v3  }
0x112: {  	v19 =	vld [tilespmem:$0x2FF0]  }
0x113: {  	[tilespmem:$0x3C80] =	vst v2;
	v2 =	vld [tilespmem:$0x3020]  }
0x114: {  	v22 =	vld [tilespmem:$0x34F0]  }
0x115: {  	v25 =	vld [tilespmem:$0x39F0]  }
0x116: {  	v48 =	vld [tilespmem:$0x2110]  }
0x117: {  	v30 =	vld [tilespmem:$0x2D90]  }
0x118: {  	[tilespmem:$0x1EEC0] =	vst v2;
	v2 =	vld [tilespmem:$0x1C40]  }
0x119: {  	v35 =	vld [tilespmem:$0x3A10]  }
0x11a: {  	v31 =	vld [tilespmem:$0x3010]  }
0x11b: {  	[tilespmem:$0x3C00] =	vst v37;
	v37 =	vld [tilespmem:$0x3530]  }
0x11c: {  	v20 =	vld [tilespmem:$0x2B30]  }
0x11d: {  	[tilespmem:$0x1EF10] =	vst v2;
	v2 =	vld [tilespmem:$0x1EC0]  }
0x11e: {  	v21 =	vld [tilespmem:$0x2370]  }
0x11f: {  	v50 =	vld [tilespmem:$0x1C20]  }
0x120: {  	v23 =	vld [tilespmem:$0x2D70]  }
0x121: {  	v52 =	vld [tilespmem:$0x2120]  }
0x122: {  	[tilespmem:$0x1EF20] =	vst v2;
	v2 =	vld [tilespmem:$0x2140]  }
0x123: {  	v56 =	vld [tilespmem:$0x1990]  }
0x124: {  	v54 =	vld [tilespmem:$0x1EEA0]  }
0x125: {  	v58 =	vld [tilespmem:$0x1C10]  }
0x126: {  	v1 =	vadd.f32 v46, v1;
	v46 =	vld [tilespmem:$0x1E90]  }
0x127: {  	[tilespmem:$0x1EF30] =	vst v2;
	v2 =	vld [tilespmem:$0x23C0]  }
0x128: {  	v28 =	vld [tilespmem:$0x3770];
	v17 =	vadd.f32 v56, v17  }
0x129: {  	v63 =	vld [tilespmem:$0x1EE80]  }
0x12a: {  	v8 =	vld [tilespmem:$0x2870];
	v17 =	vadd.f32 v58, v17  }
0x12b: {  	v5 =	vadd.f32 v12, v5;
	v15 =	vadd.f32 v54, v15;
	v54 =	vld [tilespmem:$0x2390]  }
0x12c: {  	v17 =	vadd.f32 v46, v17;
	[tilespmem:$0x1EF40] =	vst v2;
	v2 =	vld [tilespmem:$0x2640]  }
0x12d: {  	v40 =	vld [tilespmem:$0x2610];
	v5 =	vadd.f32 v21, v5  }
0x12e: {  	v51 =	vld [tilespmem:$0x1EA0];
	v17 =	vadd.f32 v48, v17  }
0x12f: {  	v60 =	vld [tilespmem:$0x2890];
	v5 =	vadd.f32 v13, v5  }
0x130: {  	v62 =	vld [tilespmem:$0x2B10];
	v14 =	vadd.f32 v54, v17  }
0x131: {  	v5 =	vadd.f32 v8, v5;
	[tilespmem:$0x1EF60] =	vst v2;
	v2 =	vld [tilespmem:$0x28C0]  }
0x132: {  	v10 =	vld [tilespmem:$0x2130];
	v18 =	vadd.f32 v63, v18;
	v63 =	vadd.f32 v40, v14  }
0x133: {  	v9 =	vld [tilespmem:$0x3270];
	v5 =	vadd.f32 v16, v5  }
0x134: {  	v13 =	vld [tilespmem:$0x23B0];
	v8 =	vadd.f32 v60, v63  }
0x135: {  	v32 =	vld [tilespmem:$0x3290];
	v5 =	vadd.f32 v23, v5  }
0x136: {  	v8 =	vadd.f32 v62, v8;
	[tilespmem:$0x1EF80] =	vst v2;
	v2 =	vld [tilespmem:$0x2B40]  }
0x137: {  	v33 =	vld [tilespmem:$0x3510];
	v5 =	vadd.f32 v19, v5  }
0x138: {  	[tilespmem:$0x3C30] =	vst v15;
	v15 =	vld [tilespmem:$0x2630];
	v8 =	vadd.f32 v30, v8  }
0x139: {  	v5 =	vadd.f32 v9, v5;
	v56 =	vld [tilespmem:$0x19C0]  }
0x13a: {  	v34 =	vld [tilespmem:$0x3790];
	v8 =	vadd.f32 v31, v8  }
0x13b: {  	v5 =	vadd.f32 v22, v5;
	[tilespmem:$0x1EFA0] =	vst v2;
	v2 =	vld [tilespmem:$0x2DC0]  }
0x13c: {  	[tilespmem:$0x3C20] =	vst v18;
	v18 =	vld [tilespmem:$0x28B0];
	v38 =	vadd.f32 v32, v8  }
0x13d: {  	v1 =	vadd.f32 v26, v1;
	v5 =	vadd.f32 v28, v5;
	v28 =	vld [tilespmem:$0x3030]  }
0x13e: {  	v41 =	vld [tilespmem:$0x1740];
	v7 =	vadd.f32 v33, v38  }
0x13f: {  	[tilespmem:$0x3C50] =	vst v1;
	v46 =	vld [tilespmem:$0x1720]  }
0x140: {  	v1 =	vadd.f32 v25, v5;
	v39 =	vadd.f32 v34, v7;
	[tilespmem:$0x1EFD0] =	vst v2;
	v2 =	vld [tilespmem:$0x3040]  }
0x141: {  	v5 =	vld [tilespmem:$0x19B0]  }
0x142: {  	v25 =	vld [tilespmem:$0x2DB0];
	[tilespmem:$0x3C70] =	vst v1;
	v1 =	vadd.f32 v35, v39  }
0x143: {  	v42 =	vld [tilespmem:$0x14C0]  }
0x144: {  	[tilespmem:$0x3C90] =	vst v1;
	v1 =	vld [tilespmem:$0x32A0]  }
0x145: {  	[tilespmem:$0x1F000] =	vst v2;
	v2 =	vld [tilespmem:$0x32C0]  }
0x146: {  	v48 =	vld [tilespmem:$0x19A0]  }
0x147: {  	v54 =	vld [tilespmem:$0x28A0]  }
0x148: {  	v57 =	vld [tilespmem:$0x14A0]  }
0x149: {  	[tilespmem:$0x1EED0] =	vst v1;
	v1 =	vld [tilespmem:$0x3520]  }
0x14a: {  	[tilespmem:$0x1F040] =	vst v2;
	v2 =	vld [tilespmem:$0x3540]  }
0x14b: {  	v59 =	vld [tilespmem:$0x2DA0]  }
0x14c: {  	v60 =	vld [tilespmem:$0x3A30]  }
0x14d: {  	v47 =	vld [tilespmem:$0x2620]  }
0x14e: {  	[tilespmem:$0x1EEE0] =	vst v1;
	v1 =	vld [tilespmem:$0x37A0]  }
0x14f: {  	[tilespmem:$0x1F080] =	vst v2;
	v2 =	vld [tilespmem:$0x37C0]  }
0x150: {  	v53 =	vld [tilespmem:$0x23A0]  }
0x151: {  	v55 =	vld [tilespmem:$0x2B20]  }
0x152: {  	v8 =	vld [tilespmem:$0x1EB0]  }
0x153: {  	[tilespmem:$0x1EEF0] =	vst v1;
	v1 =	vld [tilespmem:$0x3A20]  }
0x154: {  	[tilespmem:$0x1F0C0] =	vst v2;
	v2 =	vld [tilespmem:$0x3A40]  }
0x155: {  	v3 =	vld [tilespmem:$0x14B0]  }
0x156: {  	v33 =	vld [tilespmem:$0x32B0]  }
0x157: {  	[tilespmem:$0x3C10] =	vst v36;
	v7 =	vld [tilespmem:$0x1C30]  }
0x158: {  	v39 =	vld [tilespmem:$0x37B0];
	[tilespmem:$0x1EF00] =	vst v1  }
0x159: {  	v1 =	vld [tilespmem:$0x1730];
	[tilespmem:$0x1F100] =	vst v2  }
0x15a: {  	v62 =	vld [tilespmem:$0x37F0];
	_ =	sdelay $0x4  }
0x15b: {  	[tilespmem:$0x1F130] =	vst v62;
	v62 =	vld [tilespmem:$0x2400];
	_ =	sdelay $0x4  }
0x15c: {  	[tilespmem:$0x1F240] =	vst v62;
	v62 =	vld [tilespmem:$0x3800];
	_ =	sdelay $0x4  }
0x15d: {  	[tilespmem:$0x1F440] =	vst v62;
	v62 =	vld [tilespmem:$0x2410];
	_ =	sdelay $0x4  }
0x15e: {  	[tilespmem:$0x1F260] =	vst v62;
	v62 =	vld [tilespmem:$0x3810];
	_ =	sdelay $0x4  }
0x15f: {  	[tilespmem:$0x1F460] =	vst v62;
	v62 =	vld [tilespmem:$0x2420];
	_ =	sdelay $0x4  }
0x160: {  	[tilespmem:$0x1F290] =	vst v62;
	v62 =	vld [tilespmem:$0x30A0];
	_ =	sdelay $0x4  }
0x161: {  	[tilespmem:$0x1F3D0] =	vst v62;
	v62 =	vld [tilespmem:$0x21B0];
	_ =	sdelay $0x4  }
0x162: {  	[tilespmem:$0x1F270] =	vst v62;
	v62 =	vld [tilespmem:$0x2430];
	_ =	sdelay $0x4  }
0x163: {  	[tilespmem:$0x1F2B0] =	vst v62;
	v62 =	vld [tilespmem:$0x26B0];
	_ =	sdelay $0x4  }
0x164: {  	[tilespmem:$0x1F2F0] =	vst v62;
	v62 =	vld [tilespmem:$0x2930];
	_ =	sdelay $0x4  }
0x165: {  	[tilespmem:$0x1F330] =	vst v62;
	v62 =	vld [tilespmem:$0x2BB0];
	_ =	sdelay $0x4  }
0x166: {  	[tilespmem:$0x1F370] =	vst v62;
	v62 =	vld [tilespmem:$0x2E30];
	_ =	sdelay $0x4  }
0x167: {  	[tilespmem:$0x1F3B0] =	vst v62;
	v62 =	vld [tilespmem:$0x30B0];
	_ =	sdelay $0x4  }
0x168: {  	[tilespmem:$0x1F3F0] =	vst v62;
	v62 =	vld [tilespmem:$0x3330];
	_ =	sdelay $0x4  }
0x169: {  	[tilespmem:$0x1F430] =	vst v62;
	v62 =	vld [tilespmem:$0x35B0];
	_ =	sdelay $0x4  }
0x16a: {  	[tilespmem:$0x1F470] =	vst v62;
	v62 =	vld [tilespmem:$0x3830];
	_ =	sdelay $0x4  }
0x16b: {  	[tilespmem:$0x1F4B0] =	vst v62;
	v62 =	vld [tilespmem:$0x3AB0];
	_ =	sdelay $0x4  }
0x16c: {  	[tilespmem:$0x1F4F0] =	vst v62;
	v62 =	vld [tilespmem:$0x1540];
	_ =	sdelay $0x4  }
0x16d: {  	[tilespmem:$0x1F4D0] =	vst v62;
	v62 =	vld [tilespmem:$0x17C0];
	_ =	sdelay $0x4  }
0x16e: {  	[tilespmem:$0x1F4E0] =	vst v62;
	v62 =	vld [tilespmem:$0x1A40];
	_ =	sdelay $0x4  }
0x16f: {  	[tilespmem:$0x1F520] =	vst v62;
	v62 =	vld [tilespmem:$0x1CC0];
	_ =	sdelay $0x4  }
0x170: {  	[tilespmem:$0x1F580] =	vst v62;
	v62 =	vld [tilespmem:$0x1F40];
	_ =	sdelay $0x4  }
0x171: {  	[tilespmem:$0x1F5C0] =	vst v62;
	v62 =	vld [tilespmem:$0x21C0];
	_ =	sdelay $0x4  }
0x172: {  	[tilespmem:$0x1F600] =	vst v62;
	v62 =	vld [tilespmem:$0x2440];
	_ =	sdelay $0x4  }
0x173: {  	[tilespmem:$0x1F640] =	vst v62;
	v62 =	vld [tilespmem:$0x26C0];
	_ =	sdelay $0x4  }
0x174: {  	[tilespmem:$0x1F680] =	vst v62;
	v62 =	vld [tilespmem:$0x2940];
	_ =	sdelay $0x4  }
0x175: {  	[tilespmem:$0x1F6C0] =	vst v62;
	v62 =	vld [tilespmem:$0x2BC0];
	_ =	sdelay $0x4  }
0x176: {  	[tilespmem:$0x1F700] =	vst v62;
	v62 =	vld [tilespmem:$0x2E40];
	_ =	sdelay $0x4  }
0x177: {  	[tilespmem:$0x1F740] =	vst v62;
	v62 =	vld [tilespmem:$0x30C0];
	_ =	sdelay $0x4  }
0x178: {  	[tilespmem:$0x1F780] =	vst v62;
	v62 =	vld [tilespmem:$0x3340];
	_ =	sdelay $0x4  }
0x179: {  	[tilespmem:$0x1F7C0] =	vst v62;
	v62 =	vld [tilespmem:$0x35C0];
	_ =	sdelay $0x4  }
0x17a: {  	[tilespmem:$0x1F800] =	vst v62;
	v62 =	vld [tilespmem:$0x3840];
	_ =	sdelay $0x4  }
0x17b: {  	[tilespmem:$0x1F840] =	vst v62;
	v62 =	vld [tilespmem:$0x3AC0];
	_ =	sdelay $0x4  }
0x17c: {  	[tilespmem:$0x1F880] =	vst v62;
	v62 =	vld [tilespmem:$0x1550];
	_ =	sdelay $0x4  }
0x17d: {  	[tilespmem:$0x1F500] =	vst v62;
	v62 =	vld [tilespmem:$0x17D0];
	_ =	sdelay $0x4  }
0x17e: {  	[tilespmem:$0x1F510] =	vst v62;
	v62 =	vld [tilespmem:$0x1A50];
	_ =	sdelay $0x4  }
0x17f: {  	[tilespmem:$0x1F550] =	vst v62;
	v62 =	vld [tilespmem:$0x1CD0];
	_ =	sdelay $0x4  }
0x180: {  	[tilespmem:$0x1F5A0] =	vst v62;
	v62 =	vld [tilespmem:$0x1F50];
	_ =	sdelay $0x4  }
0x181: {  	[tilespmem:$0x1F5E0] =	vst v62;
	v62 =	vld [tilespmem:$0x21D0];
	_ =	sdelay $0x4  }
0x182: {  	[tilespmem:$0x1F620] =	vst v62;
	v62 =	vld [tilespmem:$0x2450];
	_ =	sdelay $0x4  }
0x183: {  	[tilespmem:$0x1F660] =	vst v62;
	v62 =	vld [tilespmem:$0x26D0];
	_ =	sdelay $0x4  }
0x184: {  	[tilespmem:$0x1F6A0] =	vst v62;
	v62 =	vld [tilespmem:$0x2950];
	_ =	sdelay $0x4  }
0x185: {  	[tilespmem:$0x1F6E0] =	vst v62;
	v62 =	vld [tilespmem:$0x2BD0];
	_ =	sdelay $0x4  }
0x186: {  	[tilespmem:$0x1F720] =	vst v62;
	v62 =	vld [tilespmem:$0x2E50];
	_ =	sdelay $0x4  }
0x187: {  	[tilespmem:$0x1F760] =	vst v62;
	v62 =	vld [tilespmem:$0x30D0];
	_ =	sdelay $0x4  }
0x188: {  	[tilespmem:$0x1F7A0] =	vst v62;
	v62 =	vld [tilespmem:$0x3350];
	_ =	sdelay $0x4  }
0x189: {  	[tilespmem:$0x1F7E0] =	vst v62;
	v62 =	vld [tilespmem:$0x35D0];
	_ =	sdelay $0x4  }
0x18a: {  	[tilespmem:$0x1F820] =	vst v62;
	v62 =	vld [tilespmem:$0x3850];
	_ =	sdelay $0x4  }
0x18b: {  	[tilespmem:$0x1F860] =	vst v62;
	v62 =	vld [tilespmem:$0x3AD0];
	_ =	sdelay $0x4  }
0x18c: {  	[tilespmem:$0x1F8A0] =	vst v62;
	v62 =	vld [tilespmem:$0x1560];
	_ =	sdelay $0x4  }
0x18d: {  	[tilespmem:$0x1F530] =	vst v62;
	v62 =	vld [tilespmem:$0x17E0];
	_ =	sdelay $0x4  }
0x18e: {  	[tilespmem:$0x1F540] =	vst v62;
	v62 =	vld [tilespmem:$0x1A60];
	_ =	sdelay $0x4  }
0x18f: {  	[tilespmem:$0x1F590] =	vst v62;
	v62 =	vld [tilespmem:$0x1CE0];
	_ =	sdelay $0x4  }
0x190: {  	[tilespmem:$0x1F5D0] =	vst v62;
	v62 =	vld [tilespmem:$0x1F60];
	_ =	sdelay $0x4  }
0x191: {  	[tilespmem:$0x1F610] =	vst v62;
	v62 =	vld [tilespmem:$0x21E0];
	_ =	sdelay $0x4  }
0x192: {  	[tilespmem:$0x1F650] =	vst v62;
	v62 =	vld [tilespmem:$0x2460];
	_ =	sdelay $0x4  }
0x193: {  	[tilespmem:$0x1F690] =	vst v62;
	v62 =	vld [tilespmem:$0x26E0];
	_ =	sdelay $0x2  }
0x194: {  	v26 =	vld [tilespmem:$0x14D0]  }
0x195: {  	v23 =	vld [tilespmem:$0x1750]  }
0x196: {  	[tilespmem:$0x1F6D0] =	vst v62;
	v62 =	vld [tilespmem:$0x2960]  }
0x197: {  	v29 =	vld [tilespmem:$0x19D0]  }
0x198: {  	v35 =	vld [tilespmem:$0x1C50]  }
0x199: {  	v43 =	vld [tilespmem:$0x1ED0]  }
0x19a: {  	v63 =	vld [tilespmem:$0x2150]  }
0x19b: {  	[tilespmem:$0x1F710] =	vst v62;
	v62 =	vld [tilespmem:$0x2BE0]  }
0x19c: {  	v2 =	vld [tilespmem:$0x23D0]  }
0x19d: {  	v12 =	vld [tilespmem:$0x14E0]  }
0x19e: {  	v11 =	vld [tilespmem:$0x1760]  }
0x19f: {  	v16 =	vld [tilespmem:$0x19E0]  }
0x1a0: {  	[tilespmem:$0x1F750] =	vst v62;
	v62 =	vld [tilespmem:$0x2E60]  }
0x1a1: {  	v19 =	vld [tilespmem:$0x1C60]  }
0x1a2: {  	v27 =	vld [tilespmem:$0x1EE0]  }
0x1a3: {  	v32 =	vld [tilespmem:$0x2160]  }
0x1a4: {  	v38 =	vld [tilespmem:$0x23E0]  }
0x1a5: {  	[tilespmem:$0x1F790] =	vst v62;
	v62 =	vld [tilespmem:$0x30E0]  }
0x1a6: {  	v58 =	vld [tilespmem:$0x2660]  }
0x1a7: {  	v4 =	vld [tilespmem:$0x14F0]  }
0x1a8: {  	v6 =	vld [tilespmem:$0x19F0]  }
0x1a9: {  	v9 =	vld [tilespmem:$0x1C70]  }
0x1aa: {  	v1 =	vadd.f32 v1, v3;
	[tilespmem:$0x1F7D0] =	vst v62;
	v62 =	vld [tilespmem:$0x3360]  }
0x1ab: {  	v14 =	vld [tilespmem:$0x1EF0]  }
0x1ac: {  	v1 =	vadd.f32 v5, v1;
	v17 =	vld [tilespmem:$0x2170]  }
0x1ad: {  	v21 =	vld [tilespmem:$0x23F0]  }
0x1ae: {  	v1 =	vadd.f32 v7, v1;
	v30 =	vld [tilespmem:$0x2670]  }
0x1af: {  	[tilespmem:$0x1F810] =	vst v62;
	v62 =	vld [tilespmem:$0x35E0]  }
0x1b0: {  	v1 =	vadd.f32 v8, v1;
	v34 =	vld [tilespmem:$0x28F0]  }
0x1b1: {  	v44 =	vld [tilespmem:$0x2B70]  }
0x1b2: {  	v1 =	vadd.f32 v10, v1;
	v40 =	vld [tilespmem:$0x2DF0]  }
0x1b3: {  	v45 =	vld [tilespmem:$0x3070]  }
0x1b4: {  	v1 =	vadd.f32 v13, v1;
	[tilespmem:$0x1F850] =	vst v62;
	v62 =	vld [tilespmem:$0x3860]  }
0x1b5: {  	v49 =	vld [tilespmem:$0x32F0]  }
0x1b6: {  	v1 =	vadd.f32 v15, v1;
	v61 =	vld [tilespmem:$0x3570]  }
0x1b7: {  	v24 =	vld [tilespmem:$0x3A70]  }
0x1b8: {  	v1 =	vadd.f32 v18, v1;
	v31 =	vld [tilespmem:$0x1500]  }
0x1b9: {  	[tilespmem:$0x1F890] =	vst v62;
	v62 =	vld [tilespmem:$0x3AE0]  }
0x1ba: {  	v1 =	vadd.f32 v20, v1;
	v36 =	vld [tilespmem:$0x1780]  }
0x1bb: {  	v22 =	vld [tilespmem:$0x17B0]  }
0x1bc: {  	v1 =	vadd.f32 v25, v1;
	v3 =	vld [tilespmem:$0x2490]  }
0x1bd: {  	v46 =	vadd.f32 v46, v57;
	v57 =	vld [tilespmem:$0x3890]  }
0x1be: {  	v1 =	vadd.f32 v28, v1;
	[tilespmem:$0x1F8C0] =	vst v62;
	v62 =	vld [tilespmem:$0x1570]  }
0x1bf: {  	v8 =	vld [tilespmem:$0x15A0]  }
0x1c0: {  	v1 =	vadd.f32 v33, v1;
	v10 =	vld [tilespmem:$0x1820]  }
0x1c1: {  	v13 =	vld [tilespmem:$0x1AA0]  }
0x1c2: {  	v1 =	vadd.f32 v37, v1;
	v15 =	vld [tilespmem:$0x1D20]  }
0x1c3: {  	[tilespmem:$0x1F560] =	vst v62;
	v62 =	vld [tilespmem:$0x17F0]  }
0x1c4: {  	v1 =	vadd.f32 v39, v1;
	v18 =	vld [tilespmem:$0x3620]  }
0x1c5: {  	v28 =	vld [tilespmem:$0x1EF10]  }
0x1c6: {  	v1 =	vadd.f32 v60, v1;
	v60 =	vld [tilespmem:$0x29B0]  }
0x1c7: {  	v37 =	vld [tilespmem:$0x1EF40]  }
0x1c8: {  	[tilespmem:$0x1F570] =	vst v62;
	v62 =	vld [tilespmem:$0x1A70]  }
0x1c9: {  	v20 =	vadd.f32 v41, v42;
	v41 =	vld [tilespmem:$0x1EF60]  }
0x1ca: {  	[tilespmem:$0x1EF50] =	vst v2;
	v2 =	vld [tilespmem:$0x2650]  }
0x1cb: {  	[tilespmem:$0x1F030] =	vst v40;
	v40 =	vld [tilespmem:$0x1A00]  }
0x1cc: {  	[tilespmem:$0x1F070] =	vst v45;
	v45 =	vld [tilespmem:$0x1C80]  }
0x1cd: {  	[tilespmem:$0x1F5B0] =	vst v62;
	v62 =	vld [tilespmem:$0x1CF0]  }
0x1ce: {  	[tilespmem:$0x1F0B0] =	vst v49;
	v49 =	vld [tilespmem:$0x1F00]  }
0x1cf: {  	[tilespmem:$0x1F0F0] =	vst v61;
	v61 =	vld [tilespmem:$0x2180]  }
0x1d0: {  	[tilespmem:$0x1F170] =	vst v24;
	v24 =	vld [tilespmem:$0x2680]  }
0x1d1: {  	[tilespmem:$0x1F150] =	vst v31;
	v31 =	vld [tilespmem:$0x2900]  }
0x1d2: {  	[tilespmem:$0x1F5F0] =	vst v62;
	v62 =	vld [tilespmem:$0x1F70]  }
0x1d3: {  	[tilespmem:$0x1F160] =	vst v36;
	v36 =	vld [tilespmem:$0x2B80]  }
0x1d4: {  	[tilespmem:$0x1FA10] =	vst v3;
	v3 =	vadd.f32 v48, v46;
	v46 =	vld [tilespmem:$0x2990]  }
0x1d5: {  	v48 =	vld [tilespmem:$0x2C10]  }
0x1d6: {  	[tilespmem:$0x1F970] =	vst v13;
	v13 =	vld [tilespmem:$0x2EA0]  }
0x1d7: {  	[tilespmem:$0x1F630] =	vst v62;
	v62 =	vld [tilespmem:$0x21F0]  }
0x1d8: {  	[tilespmem:$0x1F940] =	vst v10;
	v10 =	vld [tilespmem:$0x33A0]  }
0x1d9: {  	[tilespmem:$0x1FB20] =	vst v57;
	v57 =	vld [tilespmem:$0x1EEE0]  }
0x1da: {  	[tilespmem:$0x1F930] =	vst v8;
	v8 =	vld [tilespmem:$0x1EEF0]  }
0x1db: {  	[tilespmem:$0x1F9A0] =	vst v15;
	v15 =	vld [tilespmem:$0x1EF00]  }
0x1dc: {  	[tilespmem:$0x1F670] =	vst v62;
	v62 =	vld [tilespmem:$0x2470]  }
0x1dd: {  	v25 =	vadd.f32 v11, v12;
	v12 =	vld [tilespmem:$0x2EB0]  }
0x1de: {  	v11 =	vld [tilespmem:$0x33B0]  }
0x1df: {  	[tilespmem:$0x1FEF0] =	vst v1;
	v1 =	vadd.f32 v23, v26;
	v23 =	vld [tilespmem:$0x15C0]  }
0x1e0: {  	v39 =	vld [tilespmem:$0x1EF50]  }
0x1e1: {  	[tilespmem:$0x1F6B0] =	vst v62;
	v62 =	vld [tilespmem:$0x26F0]  }
0x1e2: {  	v3 =	vadd.f32 v50, v3;
	v50 =	vld [tilespmem:$0x3110]  }
0x1e3: {  	v26 =	vadd.f32 v29, v1;
	v1 =	vld [tilespmem:$0x1FB0]  }
0x1e4: {  	v29 =	vadd.f32 v16, v25;
	v16 =	vld [tilespmem:$0x2C30]  }
0x1e5: {  	v25 =	vld [tilespmem:$0x1D40]  }
0x1e6: {  	[tilespmem:$0x1F6F0] =	vst v62;
	v62 =	vld [tilespmem:$0x2970]  }
0x1e7: {  	v3 =	vadd.f32 v51, v3;
	v51 =	vld [tilespmem:$0x3390]  }
0x1e8: {  	v33 =	vadd.f32 v35, v26;
	v35 =	vld [tilespmem:$0x1EF30]  }
0x1e9: {  	v26 =	vld [tilespmem:$0x3B30]  }
0x1ea: {  	[tilespmem:$0x1EF70] =	vst v2;
	v2 =	vld [tilespmem:$0x28D0]  }
0x1eb: {  	[tilespmem:$0x1F730] =	vst v62;
	v62 =	vld [tilespmem:$0x2BF0]  }
0x1ec: {  	[tilespmem:$0x1F1A0] =	vst v40;
	v40 =	vld [tilespmem:$0x2E00]  }
0x1ed: {  	[tilespmem:$0x1F1C0] =	vst v45;
	v45 =	vld [tilespmem:$0x3080]  }
0x1ee: {  	[tilespmem:$0x1F1E0] =	vst v49;
	v49 =	vld [tilespmem:$0x3300]  }
0x1ef: {  	[tilespmem:$0x1F210] =	vst v61;
	v61 =	vld [tilespmem:$0x3580]  }
0x1f0: {  	[tilespmem:$0x1F770] =	vst v62;
	v62 =	vld [tilespmem:$0x2E70]  }
0x1f1: {  	[tilespmem:$0x1F280] =	vst v24;
	v24 =	vld [tilespmem:$0x3A80]  }
0x1f2: {  	[tilespmem:$0x1F2C0] =	vst v31;
	v31 =	vld [tilespmem:$0x1510]  }
0x1f3: {  	[tilespmem:$0x1F300] =	vst v36;
	v36 =	vld [tilespmem:$0x1790]  }
0x1f4: {  	[tilespmem:$0x1FA70] =	vst v48;
	v48 =	vld [tilespmem:$0x3B10]  }
0x1f5: {  	[tilespmem:$0x1F7B0] =	vst v62;
	v62 =	vld [tilespmem:$0x30F0]  }
0x1f6: {  	[tilespmem:$0x1FA50] =	vst v46;
	v46 =	vld [tilespmem:$0x1FA0]  }
0x1f7: {  	v3 =	vadd.f32 v52, v3;
	v52 =	vld [tilespmem:$0x3610]  }
0x1f8: {  	v42 =	vld [tilespmem:$0x1EF70]  }
0x1f9: {  	v7 =	vadd.f32 v43, v33;
	v43 =	vld [tilespmem:$0x1EF80]  }
0x1fa: {  	[tilespmem:$0x1F7F0] =	vst v62;
	v62 =	vld [tilespmem:$0x3370]  }
0x1fb: {  	[tilespmem:$0x1FAB0] =	vst v50;
	v50 =	vld [tilespmem:$0x1EEC0]  }
0x1fc: {  	v3 =	vadd.f32 v53, v3;
	v53 =	vld [tilespmem:$0x3120]  }
0x1fd: {  	v7 =	vadd.f32 v63, v7;
	v63 =	vld [tilespmem:$0x1AC0]  }
0x1fe: {  	[tilespmem:$0x1FAE0] =	vst v51;
	v51 =	vld [tilespmem:$0x2C20]  }
0x1ff: {  	[tilespmem:$0x1F830] =	vst v62;
	v62 =	vld [tilespmem:$0x35F0]  }
0x200: {  	[tilespmem:$0x1EF90] =	vst v2;
	v2 =	vld [tilespmem:$0x2B50]  }
0x201: {  	[tilespmem:$0x1F340] =	vst v40;
	v40 =	vld [tilespmem:$0x1A10]  }
0x202: {  	[tilespmem:$0x1F380] =	vst v45;
	v45 =	vld [tilespmem:$0x1C90]  }
0x203: {  	[tilespmem:$0x1F3C0] =	vst v49;
	v49 =	vld [tilespmem:$0x1F10]  }
0x204: {  	[tilespmem:$0x1F870] =	vst v62;
	v62 =	vld [tilespmem:$0x3870]  }
0x205: {  	[tilespmem:$0x1F400] =	vst v61;
	v61 =	vld [tilespmem:$0x2190]  }
0x206: {  	[tilespmem:$0x1F480] =	vst v24;
	v24 =	vld [tilespmem:$0x2690]  }
0x207: {  	[tilespmem:$0x1F180] =	vst v31;
	v31 =	vld [tilespmem:$0x2910]  }
0x208: {  	[tilespmem:$0x1F190] =	vst v36;
	v36 =	vld [tilespmem:$0x2B90]  }
0x209: {  	[tilespmem:$0x1F8B0] =	vst v62;
	v62 =	vld [tilespmem:$0x3AF0]  }
0x20a: {  	v3 =	vadd.f32 v47, v3;
	v47 =	vld [tilespmem:$0x2220]  }
0x20b: {  	[tilespmem:$0x1F9D0] =	vst v46;
	v46 =	vld [tilespmem:$0x24A0]  }
0x20c: {  	[tilespmem:$0x1EFC0] =	vst v2;
	v2 =	vld [tilespmem:$0x2DD0]  }
0x20d: {  	v7 =	vadd.f32 v39, v7;
	v39 =	vld [tilespmem:$0x2740]  }
0x20e: {  	[tilespmem:$0x1F8F0] =	vst v62;
	v62 =	vld [tilespmem:$0x1580]  }
0x20f: {  	[tilespmem:$0x1FB00] =	vst v52;
	v52 =	vld [tilespmem:$0x1EED0]  }
0x210: {  	v3 =	vadd.f32 v54, v3;
	v54 =	vld [tilespmem:$0x29A0]  }
0x211: {  	[tilespmem:$0x1EFF0] =	vst v2;
	v2 =	vld [tilespmem:$0x3050]  }
0x212: {  	v7 =	vadd.f32 v42, v7;
	v42 =	vld [tilespmem:$0x1F070]  }
0x213: {  	[tilespmem:$0x1F8D0] =	vst v62;
	v62 =	vld [tilespmem:$0x1800]  }
0x214: {  	[tilespmem:$0x1FAD0] =	vst v53;
	v53 =	vld [tilespmem:$0x1EF90]  }
0x215: {  	[tilespmem:$0x1FB90] =	vst v63;
	v63 =	vld [tilespmem:$0x1F0C0]  }
0x216: {  	[tilespmem:$0x1F020] =	vst v2;
	v2 =	vld [tilespmem:$0x32D0]  }
0x217: {  	v3 =	vadd.f32 v55, v3;
	v55 =	vld [tilespmem:$0x2720]  }
0x218: {  	[tilespmem:$0x1F8E0] =	vst v62;
	v62 =	vld [tilespmem:$0x1A80]  }
0x219: {  	[tilespmem:$0x1FA90] =	vst v51;
	v51 =	vld [tilespmem:$0x1D30]  }
0x21a: {  	[tilespmem:$0x1F1B0] =	vst v40;
	v40 =	vld [tilespmem:$0x2E10]  }
0x21b: {  	[tilespmem:$0x1F060] =	vst v2;
	v2 =	vld [tilespmem:$0x3550]  }
0x21c: {  	[tilespmem:$0x1F1D0] =	vst v45;
	v45 =	vld [tilespmem:$0x3090]  }
0x21d: {  	[tilespmem:$0x1F920] =	vst v62;
	v62 =	vld [tilespmem:$0x1D00]  }
0x21e: {  	[tilespmem:$0x1F200] =	vst v49;
	v49 =	vld [tilespmem:$0x3310]  }
0x21f: {  	[tilespmem:$0x1F230] =	vst v61;
	v61 =	vld [tilespmem:$0x3590]  }
0x220: {  	[tilespmem:$0x1F0A0] =	vst v2;
	v2 =	vld [tilespmem:$0x37D0]  }
0x221: {  	[tilespmem:$0x1F2A0] =	vst v24;
	v24 =	vld [tilespmem:$0x3A90]  }
0x222: {  	[tilespmem:$0x1F960] =	vst v62;
	v62 =	vld [tilespmem:$0x1F80]  }
0x223: {  	[tilespmem:$0x1F2E0] =	vst v31;
	v31 =	vld [tilespmem:$0x1CA0]  }
0x224: {  	[tilespmem:$0x1F320] =	vst v36;
	v36 =	vld [tilespmem:$0x1F20]  }
0x225: {  	[tilespmem:$0x1F0E0] =	vst v2;
	v2 =	vld [tilespmem:$0x3A50]  }
0x226: {  	[tilespmem:$0x1FA00] =	vst v47;
	v47 =	vld [tilespmem:$0x2230]  }
0x227: {  	v3 =	vadd.f32 v59, v3;
	[tilespmem:$0x1F990] =	vst v62;
	v62 =	vld [tilespmem:$0x2200]  }
0x228: {  	v59 =	vld [tilespmem:$0x38A0]  }
0x229: {  	v3 =	vadd.f32 v50, v3;
	v50 =	vld [tilespmem:$0x1AB0]  }
0x22a: {  	[tilespmem:$0x1F120] =	vst v2;
	v2 =	vld [tilespmem:$0x28E0]  }
0x22b: {  	[tilespmem:$0x1F3A0] =	vst v45;
	v45 =	vld [tilespmem:$0x1520]  }
0x22c: {  	[tilespmem:$0x1F9C0] =	vst v62;
	v62 =	vld [tilespmem:$0x2480]  }
0x22d: {  	[tilespmem:$0x1F360] =	vst v40;
	v40 =	vld [tilespmem:$0x17A0]  }
0x22e: {  	[tilespmem:$0x1F420] =	vst v61;
	v61 =	vld [tilespmem:$0x1A20]  }
0x22f: {  	[tilespmem:$0x1EFB0] =	vst v2;
	v2 =	vld [tilespmem:$0x2B60]  }
0x230: {  	[tilespmem:$0x1F3E0] =	vst v49;
	v49 =	vld [tilespmem:$0x21A0]  }
0x231: {  	[tilespmem:$0x1F9F0] =	vst v62;
	v62 =	vld [tilespmem:$0x2700]  }
0x232: {  	[tilespmem:$0x1F4A0] =	vst v24;
	v24 =	vld [tilespmem:$0x26A0]  }
0x233: {  	[tilespmem:$0x1F1F0] =	vst v31;
	v31 =	vld [tilespmem:$0x2920]  }
0x234: {  	[tilespmem:$0x1EFE0] =	vst v2;
	v2 =	vld [tilespmem:$0x2DE0]  }
0x235: {  	[tilespmem:$0x1F220] =	vst v36;
	v36 =	vld [tilespmem:$0x2BA0]  }
0x236: {  	v3 =	vadd.f32 v52, v3;
	[tilespmem:$0x1FA20] =	vst v62;
	v62 =	vld [tilespmem:$0x2980]  }
0x237: {  	v52 =	vld [tilespmem:$0x24B0]  }
0x238: {  	[tilespmem:$0x1FB40] =	vst v59;
	v59 =	vld [tilespmem:$0x1EFC0];
	v3 =	vadd.f32 v57, v3  }
0x239: {  	[tilespmem:$0x1F010] =	vst v2;
	v2 =	vld [tilespmem:$0x3060]  }
0x23a: {  	v5 =	vadd.f32 v8, v3;
	v3 =	vld [tilespmem:$0x3B20]  }
0x23b: {  	[tilespmem:$0x1FA40] =	vst v62;
	v62 =	vld [tilespmem:$0x2C00]  }
0x23c: {  	[tilespmem:$0x1F250] =	vst v49;
	v49 =	vld [tilespmem:$0x2E20]  }
0x23d: {  	[tilespmem:$0x1F2D0] =	vst v24;
	v24 =	vld [tilespmem:$0x3320]  }
0x23e: {  	[tilespmem:$0x1F050] =	vst v2;
	v2 =	vld [tilespmem:$0x32E0]  }
0x23f: {  	[tilespmem:$0x1F310] =	vst v31;
	v31 =	vld [tilespmem:$0x35A0]  }
0x240: {  	[tilespmem:$0x1FA60] =	vst v62;
	v62 =	vld [tilespmem:$0x2E80]  }
0x241: {  	[tilespmem:$0x1F350] =	vst v36;
	v36 =	vld [tilespmem:$0x3820]  }
0x242: {  	v5 =	vadd.f32 v15, v5;
	v15 =	vld [tilespmem:$0x1830]  }
0x243: {  	[tilespmem:$0x1F090] =	vst v2;
	v2 =	vld [tilespmem:$0x3560]  }
0x244: {  	v7 =	vadd.f32 v53, v7;
	v33 =	vld [tilespmem:$0x1F020]  }
0x245: {  	[tilespmem:$0x1FA80] =	vst v62;
	v62 =	vld [tilespmem:$0x3100]  }
0x246: {  	v7 =	vadd.f32 v59, v7;
	v59 =	vld [tilespmem:$0x2EC0]  }
0x247: {  	[tilespmem:$0x1FEE0] =	vst v5;
	v5 =	vadd.f32 v56, v20;
	v56 =	vld [tilespmem:$0x1EFA0]  }
0x248: {  	[tilespmem:$0x1F0D0] =	vst v2;
	v2 =	vld [tilespmem:$0x37E0]  }
0x249: {  	[tilespmem:$0x1FB50] =	vst v3;
	v3 =	vld [tilespmem:$0x15B0]  }
0x24a: {  	[tilespmem:$0x1FAA0] =	vst v62;
	v62 =	vld [tilespmem:$0x3380]  }
0x24b: {  	[tilespmem:$0x1F390] =	vst v49;
	v49 =	vld [tilespmem:$0x3AA0]  }
0x24c: {  	[tilespmem:$0x1F410] =	vst v24;
	v24 =	vld [tilespmem:$0x1530]  }
0x24d: {  	[tilespmem:$0x1F110] =	vst v2;
	v2 =	vld [tilespmem:$0x3A60]  }
0x24e: {  	[tilespmem:$0x1F450] =	vst v31;
	v31 =	vld [tilespmem:$0x1A30]  }
0x24f: {  	[tilespmem:$0x1FAC0] =	vst v62;
	v62 =	vld [tilespmem:$0x3600]  }
0x250: {  	[tilespmem:$0x1F490] =	vst v36;
	v36 =	vld [tilespmem:$0x1CB0]  }
0x251: {  	[tilespmem:$0x1F4C0] =	vst v49;
	v49 =	vld [tilespmem:$0x1F30]  }
0x252: {  	[tilespmem:$0x1F140] =	vst v2;
	v2 =	vld [tilespmem:$0x1770]  }
0x253: {  	[tilespmem:$0x1FBB0] =	vst v25;
	v25 =	vld [tilespmem:$0x1F0E0]  }
0x254: {  	[tilespmem:$0x1FAF0] =	vst v62;
	v62 =	vld [tilespmem:$0x3880]  }
0x255: {  	v57 =	vld [tilespmem:$0x1EFB0]  }
0x256: {  	v20 =	vld [tilespmem:$0x1EFE0]  }
0x257: {  	v53 =	vld [tilespmem:$0x1F090];
	v2 =	vadd.f32 v2, v4  }
0x258: {  	v4 =	vadd.f32 v28, v5;
	v5 =	vadd.f32 v19, v29;
	v19 =	vld [tilespmem:$0x3630]  }
0x259: {  	[tilespmem:$0x1FB10] =	vst v62;
	v62 =	vld [tilespmem:$0x3B00]  }
0x25a: {  	v28 =	vld [tilespmem:$0x1FC0]  }
0x25b: {  	v29 =	vld [tilespmem:$0x1F000]  }
0x25c: {  	v6 =	vadd.f32 v6, v2;
	v2 =	vld [tilespmem:$0x1EF20]  }
0x25d: {  	v5 =	vadd.f32 v27, v5;
	v27 =	vld [tilespmem:$0x1EFF0]  }
0x25e: {  	[tilespmem:$0x1FB30] =	vst v62;
	v62 =	vld [tilespmem:$0x1590]  }
0x25f: {  	v6 =	vadd.f32 v9, v6;
	v5 =	vadd.f32 v32, v5;
	v32 =	vld [tilespmem:$0x2240]  }
0x260: {  	[tilespmem:$0x1FBD0] =	vst v28;
	v28 =	vld [tilespmem:$0x33C0]  }
0x261: {  	v6 =	vadd.f32 v14, v6;
	v14 =	vld [tilespmem:$0x3130]  }
0x262: {  	v5 =	vadd.f32 v38, v5;
	v38 =	vld [tilespmem:$0x1F050]  }
0x263: {  	v4 =	vadd.f32 v2, v4;
	[tilespmem:$0x1F900] =	vst v62;
	v62 =	vld [tilespmem:$0x1810]  }
0x264: {  	v5 =	vadd.f32 v58, v5;
	v58 =	vld [tilespmem:$0x1840]  }
0x265: {  	v6 =	vadd.f32 v17, v6;
	v17 =	vld [tilespmem:$0x1EFD0];
	v4 =	vadd.f32 v35, v4  }
0x266: {  	v35 =	vld [tilespmem:$0x24C0]  }
0x267: {  	v7 =	vadd.f32 v27, v7;
	[tilespmem:$0x1FBF0] =	vst v32;
	v32 =	vld [tilespmem:$0x3640];
	v4 =	vadd.f32 v37, v4  }
0x268: {  	[tilespmem:$0x1F910] =	vst v62;
	v62 =	vld [tilespmem:$0x1A90]  }
0x269: {  	v7 =	vadd.f32 v33, v7;
	v33 =	vld [tilespmem:$0x1F120];
	v4 =	vadd.f32 v41, v4  }
0x26a: {  	v6 =	vadd.f32 v21, v6;
	v5 =	vadd.f32 v57, v5;
	v57 =	vld [tilespmem:$0x1F0A0]  }
0x26b: {  	v37 =	vld [tilespmem:$0x1F040];
	v4 =	vadd.f32 v43, v4  }
0x26c: {  	v6 =	vadd.f32 v30, v6;
	v30 =	vld [tilespmem:$0x1F010]  }
0x26d: {  	v4 =	vadd.f32 v56, v4;
	[tilespmem:$0x1F950] =	vst v62;
	v62 =	vld [tilespmem:$0x1D10]  }
0x26e: {  	v5 =	vadd.f32 v20, v5;
	v20 =	vld [tilespmem:$0x3140];
	v6 =	vadd.f32 v34, v6  }
0x26f: {  	v41 =	vld [tilespmem:$0x1F060];
	v4 =	vadd.f32 v17, v4  }
0x270: {  	v6 =	vadd.f32 v44, v6;
	v44 =	vld [tilespmem:$0x1F080]  }
0x271: {  	[tilespmem:$0x1FC10] =	vst v35;
	v35 =	vld [tilespmem:$0x38C0];
	v4 =	vadd.f32 v29, v4  }
0x272: {  	[tilespmem:$0x1F980] =	vst v62;
	v62 =	vld [tilespmem:$0x1F90]  }
0x273: {  	[tilespmem:$0x1FC30] =	vst v39;
	v43 =	vld [tilespmem:$0x29C0];
	v4 =	vadd.f32 v37, v4  }
0x274: {  	[tilespmem:$0x1FCC0] =	vst v59;
	v5 =	vadd.f32 v30, v5;
	v29 =	vld [tilespmem:$0x1F100]  }
0x275: {  	[tilespmem:$0x1FD20] =	vst v28;
	v17 =	vld [tilespmem:$0x1F0D0];
	v4 =	vadd.f32 v44, v4  }
0x276: {  	[tilespmem:$0x1FB60] =	vst v58;
	v30 =	vld [tilespmem:$0x1F110];
	v5 =	vadd.f32 v38, v5  }
0x277: {  	v7 =	vadd.f32 v41, v7;
	v4 =	vadd.f32 v63, v4;
	[tilespmem:$0x1F9B0] =	vst v62;
	v62 =	vld [tilespmem:$0x2210]  }
0x278: {  	[tilespmem:$0x1FD50] =	vst v32;
	v56 =	vld [tilespmem:$0x2C40];
	v5 =	vadd.f32 v53, v5  }
0x279: {  	[tilespmem:$0x1FCF0] =	vst v20;
	v7 =	vadd.f32 v57, v7;
	v37 =	vld [tilespmem:$0x1F140];
	v4 =	vadd.f32 v29, v4  }
0x27a: {  	v2 =	vld [tilespmem:$0x2730];
	[tilespmem:$0x1FD80] =	vst v35;
	v5 =	vadd.f32 v17, v5  }
0x27b: {  	v34 =	vld [tilespmem:$0x1F030];
	v7 =	vadd.f32 v25, v7;
	[tilespmem:$0x1FF00] =	vst v4  }
0x27c: {  	v4 =	vadd.f32 v30, v5;
	[tilespmem:$0x1F9E0] =	vst v62;
	v62 =	vld [tilespmem:$0x2710]  }
0x27d: {  	v27 =	vld [tilespmem:$0x1F0F0];
	[tilespmem:$0x1FC60] =	vst v43;
	v5 =	vadd.f32 v33, v7  }
0x27e: {  	v21 =	vld [tilespmem:$0x38B0];
	[tilespmem:$0x1FC90] =	vst v56;
	v4 =	vadd.f32 v37, v4  }
0x27f: {  	v58 =	vld [tilespmem:$0x1F0B0];
	[tilespmem:$0x1FF10] =	vst v5  }
0x280: {  	v6 =	vadd.f32 v34, v6;
	v34 =	vld [tilespmem:$0x1F130];
	[tilespmem:$0x1FF20] =	vst v4  }
0x281: {  	[tilespmem:$0x1FA30] =	vst v62;
	v62 =	vld [tilespmem:$0x2E90]  }
0x282: {  	v4 =	vld [tilespmem:$0x1F150]  }
0x283: {  	v38 =	vld [tilespmem:$0x1F160]  }
0x284: {  	v39 =	vld [tilespmem:$0x3B40]  }
0x285: {  	v41 =	vld [tilespmem:$0x1F170]  }
0x286: {  	v6 =	vadd.f32 v42, v6;
	v42 =	vld [tilespmem:$0x1F180]  }
0x287: {  	v43 =	vld [tilespmem:$0x1F190]  }
0x288: {  	v44 =	vld [tilespmem:$0x15D0]  }
0x289: {  	v53 =	vld [tilespmem:$0x1F1A0]  }
0x28a: {  	v57 =	vld [tilespmem:$0x1850]  }
0x28b: {  	v6 =	vadd.f32 v58, v6;
	v58 =	vld [tilespmem:$0x1F1B0]  }
0x28c: {  	v63 =	vld [tilespmem:$0x1AD0]  }
0x28d: {  	v17 =	vld [tilespmem:$0x1F1C0]  }
0x28e: {  	v20 =	vld [tilespmem:$0x1D50]  }
0x28f: {  	v59 =	vadd.f32 v22, v24;
	v22 =	vld [tilespmem:$0x1F1D0]  }
0x290: {  	v24 =	vld [tilespmem:$0x1FD0]  }
0x291: {  	v25 =	vld [tilespmem:$0x1F1E0]  }
0x292: {  	v6 =	vadd.f32 v27, v6;
	v27 =	vld [tilespmem:$0x1F1F0]  }
0x293: {  	v28 =	vld [tilespmem:$0x2250]  }
0x294: {  	v29 =	vld [tilespmem:$0x1F200]  }
0x295: {  	v30 =	vld [tilespmem:$0x24D0]  }
0x296: {  	v7 =	vadd.f32 v31, v59;
	v31 =	vld [tilespmem:$0x1F210]  }
0x297: {  	v32 =	vld [tilespmem:$0x1F220]  }
0x298: {  	v33 =	vld [tilespmem:$0x2750]  }
0x299: {  	v5 =	vadd.f32 v34, v6;
	v34 =	vld [tilespmem:$0x1F230]  }
0x29a: {  	v35 =	vld [tilespmem:$0x29D0]  }
0x29b: {  	v3 =	vadd.f32 v15, v3;
	v7 =	vadd.f32 v36, v7;
	v36 =	vld [tilespmem:$0x1F240]  }
0x29c: {  	v37 =	vld [tilespmem:$0x1F250]  }
0x29d: {  	v3 =	vadd.f32 v50, v3;
	v56 =	vadd.f32 v40, v45;
	v40 =	vld [tilespmem:$0x1F270]  }
0x29e: {  	v45 =	vld [tilespmem:$0x1F2A0]  }
0x29f: {  	v3 =	vadd.f32 v51, v3;
	v7 =	vadd.f32 v49, v7;
	v49 =	vld [tilespmem:$0x1F2B0]  }
0x2a0: {  	v6 =	vadd.f32 v61, v56;
	v56 =	vld [tilespmem:$0x1F2C0]  }
0x2a1: {  	v1 =	vadd.f32 v1, v3;
	v59 =	vld [tilespmem:$0x1F2E0]  }
0x2a2: {  	v61 =	vld [tilespmem:$0x1F2F0]  }
0x2a3: {  	v1 =	vadd.f32 v47, v1;
	v8 =	vld [tilespmem:$0x15F0]  }
0x2a4: {  	v9 =	vld [tilespmem:$0x2C80]  }
0x2a5: {  	v1 =	vadd.f32 v52, v1;
	v15 =	vld [tilespmem:$0x1F9A0]  }
0x2a6: {  	v3 =	vld [tilespmem:$0x1F9F0]  }
0x2a7: {  	v1 =	vadd.f32 v2, v1;
	v47 =	vld [tilespmem:$0x1FA20]  }
0x2a8: {  	v50 =	vld [tilespmem:$0x1FA30]  }
0x2a9: {  	v1 =	vadd.f32 v60, v1;
	v51 =	vld [tilespmem:$0x1FA40]  }
0x2aa: {  	v52 =	vld [tilespmem:$0x1FA50]  }
0x2ab: {  	v1 =	vadd.f32 v16, v1;
	v2 =	vld [tilespmem:$0x1FA60]  }
0x2ac: {  	v60 =	vld [tilespmem:$0x1FA90]  }
0x2ad: {  	v1 =	vadd.f32 v12, v1;
	v16 =	vld [tilespmem:$0x1FAD0]  }
0x2ae: {  	v12 =	vld [tilespmem:$0x18A0]  }
0x2af: {  	v1 =	vadd.f32 v14, v1;
	v14 =	vld [tilespmem:$0x1B20]  }
0x2b0: {  	v4 =	vadd.f32 v38, v4;
	v38 =	vld [tilespmem:$0x2C50]  }
0x2b1: {  	[tilespmem:$0x1FDB0] =	vst v39;
	v39 =	vld [tilespmem:$0x1F260]  }
0x2b2: {  	v5 =	vadd.f32 v41, v5;
	v41 =	vld [tilespmem:$0x2ED0]  }
0x2b3: {  	[tilespmem:$0x1FB70] =	vst v44;
	v44 =	vld [tilespmem:$0x3150]  }
0x2b4: {  	[tilespmem:$0x1FB80] =	vst v57;
	v57 =	vld [tilespmem:$0x1F2D0]  }
0x2b5: {  	[tilespmem:$0x1FBA0] =	vst v63;
	v63 =	vld [tilespmem:$0x38D0]  }
0x2b6: {  	[tilespmem:$0x1FBC0] =	vst v20;
	v20 =	vld [tilespmem:$0x1F310]  }
0x2b7: {  	[tilespmem:$0x1FBE0] =	vst v24;
	v24 =	vld [tilespmem:$0x1F320]  }
0x2b8: {  	v6 =	vadd.f32 v27, v6;
	v27 =	vld [tilespmem:$0x1F340]  }
0x2b9: {  	[tilespmem:$0x1FC00] =	vst v28;
	v28 =	vld [tilespmem:$0x1F350]  }
0x2ba: {  	[tilespmem:$0x1FC20] =	vst v30;
	v30 =	vld [tilespmem:$0x1F370]  }
0x2bb: {  	[tilespmem:$0x1FC50] =	vst v33;
	v33 =	vld [tilespmem:$0x1F3A0]  }
0x2bc: {  	[tilespmem:$0x1FC80] =	vst v35;
	v35 =	vld [tilespmem:$0x1F3B0]  }
0x2bd: {  	v7 =	vadd.f32 v40, v7;
	v40 =	vld [tilespmem:$0x1F3E0]  }
0x2be: {  	[tilespmem:$0x1FE70] =	vst v9;
	v9 =	vld [tilespmem:$0x3400]  }
0x2bf: {  	[tilespmem:$0x1FF30] =	vst v5;
	v5 =	vadd.f32 v43, v42;
	v42 =	vld [tilespmem:$0x1F280]  }
0x2c0: {  	v43 =	vld [tilespmem:$0x1F290]  }
0x2c1: {  	v4 =	vadd.f32 v53, v4;
	v53 =	vld [tilespmem:$0x33D0]  }
0x2c2: {  	v6 =	vadd.f32 v32, v6;
	v32 =	vld [tilespmem:$0x1F390]  }
0x2c3: {  	v7 =	vadd.f32 v49, v7;
	v49 =	vld [tilespmem:$0x1F420]  }
0x2c4: {  	v5 =	vadd.f32 v58, v5;
	v58 =	vld [tilespmem:$0x3650]  }
0x2c5: {  	v4 =	vadd.f32 v17, v4;
	v17 =	vld [tilespmem:$0x1F300]  }
0x2c6: {  	v7 =	vadd.f32 v61, v7;
	v61 =	vld [tilespmem:$0x1D60]  }
0x2c7: {  	v6 =	vadd.f32 v37, v6;
	v37 =	vld [tilespmem:$0x1F3C0]  }
0x2c8: {  	[tilespmem:$0x1FCB0] =	vst v38;
	v38 =	vld [tilespmem:$0x1F3D0]  }
0x2c9: {  	[tilespmem:$0x1FCE0] =	vst v41;
	v41 =	vld [tilespmem:$0x1F3F0]  }
0x2ca: {  	[tilespmem:$0x1FD10] =	vst v44;
	v44 =	vld [tilespmem:$0x1F410]  }
0x2cb: {  	[tilespmem:$0x1FDA0] =	vst v63;
	v63 =	vld [tilespmem:$0x1F450]  }
0x2cc: {  	[tilespmem:$0x1FEA0] =	vst v9;
	v9 =	vld [tilespmem:$0x1F990]  }
0x2cd: {  	v5 =	vadd.f32 v22, v5;
	v22 =	vld [tilespmem:$0x3B50]  }
0x2ce: {  	v4 =	vadd.f32 v25, v4;
	v25 =	vld [tilespmem:$0x1F330]  }
0x2cf: {  	v6 =	vadd.f32 v43, v6;
	v43 =	vld [tilespmem:$0x1F400]  }
0x2d0: {  	[tilespmem:$0x1FD40] =	vst v53;
	v53 =	vld [tilespmem:$0x1F430]  }
0x2d1: {  	v5 =	vadd.f32 v29, v5;
	v29 =	vld [tilespmem:$0x1F360]  }
0x2d2: {  	v4 =	vadd.f32 v31, v4;
	v31 =	vld [tilespmem:$0x1F380]  }
0x2d3: {  	v6 =	vadd.f32 v57, v6;
	v57 =	vld [tilespmem:$0x1FE0]  }
0x2d4: {  	[tilespmem:$0x1FD70] =	vst v58;
	v58 =	vld [tilespmem:$0x1F440]  }
0x2d5: {  	v5 =	vadd.f32 v34, v5;
	v34 =	vld [tilespmem:$0x1860]  }
0x2d6: {  	v4 =	vadd.f32 v36, v4;
	v36 =	vld [tilespmem:$0x1AE0]  }
0x2d7: {  	v6 =	vadd.f32 v20, v6;
	v20 =	vld [tilespmem:$0x1F460]  }
0x2d8: {  	[tilespmem:$0x1FDD0] =	vst v22;
	v22 =	vld [tilespmem:$0x1F470]  }
0x2d9: {  	v7 =	vadd.f32 v25, v7;
	v25 =	vld [tilespmem:$0x1F480]  }
0x2da: {  	v5 =	vadd.f32 v39, v5;
	v39 =	vld [tilespmem:$0x15E0]  }
0x2db: {  	v4 =	vadd.f32 v42, v4;
	v42 =	vld [tilespmem:$0x24E0]  }
0x2dc: {  	v6 =	vadd.f32 v28, v6;
	v28 =	vld [tilespmem:$0x3160]  }
0x2dd: {  	v7 =	vadd.f32 v30, v7;
	v30 =	vld [tilespmem:$0x1F4B0]  }
0x2de: {  	v5 =	vadd.f32 v45, v5;
	v45 =	vld [tilespmem:$0x2760]  }
0x2df: {  	v4 =	vadd.f32 v56, v4;
	v56 =	vld [tilespmem:$0x29E0]  }
0x2e0: {  	v6 =	vadd.f32 v32, v6;
	v32 =	vld [tilespmem:$0x1F4C0]  }
0x2e1: {  	v7 =	vadd.f32 v35, v7;
	v35 =	vld [tilespmem:$0x1F4E0]  }
0x2e2: {  	v5 =	vadd.f32 v59, v5;
	v59 =	vld [tilespmem:$0x2260]  }
0x2e3: {  	v4 =	vadd.f32 v17, v4;
	v17 =	vld [tilespmem:$0x2C60]  }
0x2e4: {  	v6 =	vadd.f32 v38, v6;
	v38 =	vld [tilespmem:$0x1F4F0]  }
0x2e5: {  	v7 =	vadd.f32 v41, v7;
	v41 =	vld [tilespmem:$0x1F510]  }
0x2e6: {  	[tilespmem:$0x1FC40] =	vst v42;
	v42 =	vld [tilespmem:$0x38E0]  }
0x2e7: {  	v34 =	vadd.f32 v34, v39;
	v39 =	vld [tilespmem:$0x31A0]  }
0x2e8: {  	v5 =	vadd.f32 v24, v5;
	v24 =	vld [tilespmem:$0x2EE0]  }
0x2e9: {  	v4 =	vadd.f32 v27, v4;
	v27 =	vld [tilespmem:$0x1F490]  }
0x2ea: {  	[tilespmem:$0x1FD30] =	vst v28;
	v28 =	vld [tilespmem:$0x1F5F0]  }
0x2eb: {  	v6 =	vadd.f32 v44, v6;
	v44 =	vld [tilespmem:$0x1F530]  }
0x2ec: {  	[tilespmem:$0x1FC70] =	vst v45;
	v45 =	vld [tilespmem:$0x1F540]  }
0x2ed: {  	v7 =	vadd.f32 v53, v7;
	v53 =	vld [tilespmem:$0x1F550]  }
0x2ee: {  	[tilespmem:$0x1FCA0] =	vst v56;
	v56 =	vld [tilespmem:$0x1F560]  }
0x2ef: {  	v34 =	vadd.f32 v36, v34;
	v36 =	vld [tilespmem:$0x3920]  }
0x2f0: {  	v5 =	vadd.f32 v29, v5;
	v29 =	vld [tilespmem:$0x1F4A0]  }
0x2f1: {  	v4 =	vadd.f32 v31, v4;
	v31 =	vld [tilespmem:$0x33E0]  }
0x2f2: {  	v6 =	vadd.f32 v63, v6;
	v63 =	vld [tilespmem:$0x1F580]  }
0x2f3: {  	[tilespmem:$0x1FCD0] =	vst v17;
	v17 =	vld [tilespmem:$0x1F590]  }
0x2f4: {  	v7 =	vadd.f32 v22, v7;
	v22 =	vld [tilespmem:$0x1F5B0]  }
0x2f5: {  	v5 =	vadd.f32 v33, v5;
	v33 =	vld [tilespmem:$0x1F4D0]  }
0x2f6: {  	v4 =	vadd.f32 v37, v4;
	v37 =	vld [tilespmem:$0x3660]  }
0x2f7: {  	[tilespmem:$0x1FDC0] =	vst v42;
	v42 =	vld [tilespmem:$0x1F690]  }
0x2f8: {  	[tilespmem:$0x1FD00] =	vst v24;
	v24 =	vld [tilespmem:$0x1F5C0]  }
0x2f9: {  	v5 =	vadd.f32 v40, v5;
	v40 =	vld [tilespmem:$0x1F500]  }
0x2fa: {  	v4 =	vadd.f32 v43, v4;
	v43 =	vld [tilespmem:$0x1F520]  }
0x2fb: {  	[tilespmem:$0x1FD60] =	vst v31;
	v31 =	vld [tilespmem:$0x1F620]  }
0x2fc: {  	v5 =	vadd.f32 v49, v5;
	v49 =	vld [tilespmem:$0x3B60]  }
0x2fd: {  	v4 =	vadd.f32 v58, v4;
	v58 =	vld [tilespmem:$0x1F570]  }
0x2fe: {  	[tilespmem:$0x1FD90] =	vst v37;
	v37 =	vld [tilespmem:$0x1870]  }
0x2ff: {  	v5 =	vadd.f32 v20, v5;
	v4 =	vadd.f32 v25, v4;
	v20 =	vld [tilespmem:$0x1F5A0]  }
0x300: {  	v25 =	vld [tilespmem:$0x1F5D0]  }
0x301: {  	[tilespmem:$0x1FF40] =	vst v4;
	v4 =	vadd.f32 v27, v6;
	v27 =	vld [tilespmem:$0x1F5E0]  }
0x302: {  	v5 =	vadd.f32 v29, v5;
	v29 =	vld [tilespmem:$0x1F600]  }
0x303: {  	v6 =	vadd.f32 v45, v44;
	v44 =	vld [tilespmem:$0x1F6B0]  }
0x304: {  	v45 =	vld [tilespmem:$0x1F6C0]  }
0x305: {  	[tilespmem:$0x1FDF0] =	vst v49;
	v49 =	vld [tilespmem:$0x1F6D0]  }
0x306: {  	[tilespmem:$0x1FF50] =	vst v5;
	v5 =	vadd.f32 v30, v7;
	v30 =	vld [tilespmem:$0x1F610]  }
0x307: {  	v4 =	vadd.f32 v32, v4;
	v32 =	vld [tilespmem:$0x1F630]  }
0x308: {  	v7 =	vadd.f32 v58, v56;
	v56 =	vld [tilespmem:$0x1F6F0]  }
0x309: {  	v58 =	vld [tilespmem:$0x1F700]  }
0x30a: {  	v6 =	vadd.f32 v17, v6;
	v17 =	vld [tilespmem:$0x1F720]  }
0x30b: {  	v7 =	vadd.f32 v22, v7;
	v22 =	vld [tilespmem:$0x1AF0]  }
0x30c: {  	v6 =	vadd.f32 v25, v6;
	v25 =	vld [tilespmem:$0x1D70]  }
0x30d: {  	[tilespmem:$0x1FF60] =	vst v4;
	v4 =	vadd.f32 v35, v33;
	v33 =	vld [tilespmem:$0x1F640]  }
0x30e: {  	v5 =	vadd.f32 v38, v5;
	v35 =	vld [tilespmem:$0x1F650]  }
0x30f: {  	v38 =	vld [tilespmem:$0x1F660]  }
0x310: {  	[tilespmem:$0x1FF70] =	vst v5;
	v5 =	vadd.f32 v41, v40;
	v40 =	vld [tilespmem:$0x1F670]  }
0x311: {  	v41 =	vld [tilespmem:$0x1F680]  }
0x312: {  	v4 =	vadd.f32 v43, v4;
	v43 =	vld [tilespmem:$0x1F6A0]  }
0x313: {  	v7 =	vadd.f32 v28, v7;
	v28 =	vld [tilespmem:$0x1F740]  }
0x314: {  	v6 =	vadd.f32 v30, v6;
	v30 =	vld [tilespmem:$0x1F750]  }
0x315: {  	v5 =	vadd.f32 v53, v5;
	v53 =	vld [tilespmem:$0x1F6E0]  }
0x316: {  	v4 =	vadd.f32 v63, v4;
	v63 =	vld [tilespmem:$0x1F710]  }
0x317: {  	v7 =	vadd.f32 v32, v7;
	v32 =	vld [tilespmem:$0x3B70]  }
0x318: {  	v6 =	vadd.f32 v35, v6;
	v35 =	vld [tilespmem:$0x1F760]  }
0x319: {  	v5 =	vadd.f32 v20, v5;
	v20 =	vld [tilespmem:$0x1F730]  }
0x31a: {  	v4 =	vadd.f32 v24, v4;
	v24 =	vld [tilespmem:$0x38F0]  }
0x31b: {  	v7 =	vadd.f32 v40, v7;
	v40 =	vld [tilespmem:$0x2C70]  }
0x31c: {  	v6 =	vadd.f32 v42, v6;
	v42 =	vld [tilespmem:$0x1F770]  }
0x31d: {  	v5 =	vadd.f32 v27, v5;
	v27 =	vld [tilespmem:$0x1FF0]  }
0x31e: {  	v4 =	vadd.f32 v29, v4;
	v29 =	vld [tilespmem:$0x2270]  }
0x31f: {  	v7 =	vadd.f32 v44, v7;
	v44 =	vld [tilespmem:$0x1F780]  }
0x320: {  	v6 =	vadd.f32 v49, v6;
	v49 =	vld [tilespmem:$0x1F790]  }
0x321: {  	[tilespmem:$0x1FE00] =	vst v32;
	v32 =	vld [tilespmem:$0x2000]  }
0x322: {  	v5 =	vadd.f32 v31, v5;
	v31 =	vld [tilespmem:$0x24F0]  }
0x323: {  	v4 =	vadd.f32 v33, v4;
	v33 =	vld [tilespmem:$0x2770]  }
0x324: {  	v7 =	vadd.f32 v56, v7;
	v56 =	vld [tilespmem:$0x1600]  }
0x325: {  	v6 =	vadd.f32 v63, v6;
	v63 =	vld [tilespmem:$0x1F7B0]  }
0x326: {  	[tilespmem:$0x1FDE0] =	vst v24;
	v24 =	vld [tilespmem:$0x1D80]  }
0x327: {  	v5 =	vadd.f32 v38, v5;
	v38 =	vld [tilespmem:$0x29F0]  }
0x328: {  	v4 =	vadd.f32 v41, v4;
	v41 =	vld [tilespmem:$0x2EF0]  }
0x329: {  	v7 =	vadd.f32 v20, v7;
	v20 =	vld [tilespmem:$0x1F7D0]  }
0x32a: {  	v6 =	vadd.f32 v30, v6;
	v30 =	vld [tilespmem:$0x1F7F0]  }
0x32b: {  	v5 =	vadd.f32 v43, v5;
	v43 =	vld [tilespmem:$0x3170]  }
0x32c: {  	v4 =	vadd.f32 v45, v4;
	v45 =	vld [tilespmem:$0x33F0]  }
0x32d: {  	[tilespmem:$0x1FE20] =	vst v32;
	v32 =	vld [tilespmem:$0x1F860]  }
0x32e: {  	v6 =	vadd.f32 v49, v6;
	v49 =	vld [tilespmem:$0x1880]  }
0x32f: {  	v7 =	vadd.f32 v42, v7;
	v42 =	vld [tilespmem:$0x1F810]  }
0x330: {  	v5 =	vadd.f32 v53, v5;
	v53 =	vld [tilespmem:$0x3670]  }
0x331: {  	v4 =	vadd.f32 v58, v4;
	v58 =	vld [tilespmem:$0x1F7A0]  }
0x332: {  	[tilespmem:$0x1FE10] =	vst v24;
	v24 =	vld [tilespmem:$0x1F840]  }
0x333: {  	v7 =	vadd.f32 v63, v7;
	v63 =	vld [tilespmem:$0x1B00]  }
0x334: {  	v5 =	vadd.f32 v17, v5;
	v17 =	vld [tilespmem:$0x1F7C0]  }
0x335: {  	v4 =	vadd.f32 v28, v4;
	v28 =	vld [tilespmem:$0x1F7E0]  }
0x336: {  	v6 =	vadd.f32 v20, v6;
	v20 =	vld [tilespmem:$0x2500]  }
0x337: {  	v7 =	vadd.f32 v30, v7;
	v30 =	vld [tilespmem:$0x2780]  }
0x338: {  	v5 =	vadd.f32 v35, v5;
	v35 =	vld [tilespmem:$0x1F800]  }
0x339: {  	v4 =	vadd.f32 v44, v4;
	v44 =	vld [tilespmem:$0x2280]  }
0x33a: {  	v6 =	vadd.f32 v42, v6;
	v42 =	vld [tilespmem:$0x2A00]  }
0x33b: {  	v5 =	vadd.f32 v58, v5;
	v58 =	vld [tilespmem:$0x1F820]  }
0x33c: {  	v4 =	vadd.f32 v17, v4;
	v17 =	vld [tilespmem:$0x1F830]  }
0x33d: {  	[tilespmem:$0x1FE40] =	vst v20;
	v20 =	vld [tilespmem:$0x1F8B0]  }
0x33e: {  	v5 =	vadd.f32 v28, v5;
	v28 =	vld [tilespmem:$0x1F850]  }
0x33f: {  	[tilespmem:$0x1FE50] =	vst v30;
	v30 =	vld [tilespmem:$0x1F8D0]  }
0x340: {  	v4 =	vadd.f32 v35, v4;
	v35 =	vld [tilespmem:$0x1F870]  }
0x341: {  	[tilespmem:$0x1FE30] =	vst v44;
	v44 =	vld [tilespmem:$0x1F880]  }
0x342: {  	[tilespmem:$0x1FE60] =	vst v42;
	v42 =	vld [tilespmem:$0x1F8F0]  }
0x343: {  	v5 =	vadd.f32 v58, v5;
	v58 =	vld [tilespmem:$0x1F890]  }
0x344: {  	v4 =	vadd.f32 v24, v4;
	v24 =	vld [tilespmem:$0x2F00]  }
0x345: {  	v7 =	vadd.f32 v17, v7;
	v17 =	vld [tilespmem:$0x1F8A0]  }
0x346: {  	v6 =	vadd.f32 v28, v6;
	v28 =	vld [tilespmem:$0x1F8C0]  }
0x347: {  	v5 =	vadd.f32 v32, v5;
	v32 =	vld [tilespmem:$0x1F8E0]  }
0x348: {  	v7 =	vadd.f32 v35, v7;
	v4 =	vadd.f32 v44, v4;
	v35 =	vld [tilespmem:$0x3180]  }
0x349: {  	v44 =	vld [tilespmem:$0x1F900]  }
0x34a: {  	[tilespmem:$0x1FF80] =	vst v4;
	v4 =	vadd.f32 v58, v6;
	v58 =	vld [tilespmem:$0x1F910]  }
0x34b: {  	[tilespmem:$0x1FE80] =	vst v24;
	v24 =	vld [tilespmem:$0x1F940]  }
0x34c: {  	v5 =	vadd.f32 v17, v5;
	v17 =	vld [tilespmem:$0x1F920]  }
0x34d: {  	v4 =	vadd.f32 v28, v4;
	v28 =	vld [tilespmem:$0x3680]  }
0x34e: {  	[tilespmem:$0x1FF90] =	vst v5;
	v5 =	vadd.f32 v20, v7;
	v20 =	vld [tilespmem:$0x1F930]  }
0x34f: {  	[tilespmem:$0x1FE90] =	vst v35;
	v35 =	vld [tilespmem:$0x1F960]  }
0x350: {  	[tilespmem:$0x1FFA0] =	vst v4;
	v4 =	vadd.f32 v32, v30;
	v30 =	vld [tilespmem:$0x1F950]  }
0x351: {  	v32 =	vld [tilespmem:$0x3900]  }
0x352: {  	v5 =	vadd.f32 v42, v5;
	v42 =	vld [tilespmem:$0x1F970]  }
0x353: {  	v4 =	vadd.f32 v17, v4;
	v17 =	vld [tilespmem:$0x1F9B0]  }
0x354: {  	[tilespmem:$0x1FFB0] =	vst v5;
	v5 =	vadd.f32 v58, v44;
	v44 =	vld [tilespmem:$0x3B80]  }
0x355: {  	v58 =	vld [tilespmem:$0x1F980]  }
0x356: {  	[tilespmem:$0x1FEB0] =	vst v28;
	v28 =	vld [tilespmem:$0x1B10]  }
0x357: {  	v6 =	vadd.f32 v24, v20;
	v20 =	vld [tilespmem:$0x1890]  }
0x358: {  	v24 =	vld [tilespmem:$0x1F9C0]  }
0x359: {  	v4 =	vadd.f32 v35, v4;
	v35 =	vld [tilespmem:$0x1F9E0]  }
0x35a: {  	v5 =	vadd.f32 v30, v5;
	v30 =	vld [tilespmem:$0x1610]  }
0x35b: {  	[tilespmem:$0x1FEC0] =	vst v32;
	v32 =	vld [tilespmem:$0x1F9D0]  }
0x35c: {  	v6 =	vadd.f32 v42, v6;
	v42 =	vld [tilespmem:$0x1FA00]  }
0x35d: {  	v4 =	vadd.f32 v9, v4;
	v9 =	vld [tilespmem:$0x1FAA0]  }
0x35e: {  	[tilespmem:$0x1FED0] =	vst v44;
	v44 =	vld [tilespmem:$0x1FA10]  }
0x35f: {  	v5 =	vadd.f32 v58, v5;
	v58 =	vld [tilespmem:$0x1FA80]  }
0x360: {  	v6 =	vadd.f32 v15, v6;
	v15 =	vld [tilespmem:$0x1FAC0]  }
0x361: {  	v4 =	vadd.f32 v24, v4;
	v24 =	vld [tilespmem:$0x1FAF0]  }
0x362: {  	v5 =	vadd.f32 v17, v5;
	v6 =	vadd.f32 v32, v6;
	v32 =	vld [tilespmem:$0x1D90]  }
0x363: {  	v17 =	vld [tilespmem:$0x1FAE0]  }
0x364: {  	v3 =	vadd.f32 v3, v4;
	v5 =	vadd.f32 v35, v5;
	v35 =	vld [tilespmem:$0x2010]  }
0x365: {  	v4 =	vadd.f32 v42, v6;
	v42 =	vld [tilespmem:$0x2290]  }
0x366: {  	v3 =	vadd.f32 v47, v3;
	v47 =	vld [tilespmem:$0x1FB00]  }
0x367: {  	v5 =	vadd.f32 v44, v5;
	v44 =	vld [tilespmem:$0x2510]  }
0x368: {  	v4 =	vadd.f32 v46, v4;
	v46 =	vld [tilespmem:$0x2790];
	v3 =	vadd.f32 v51, v3  }
0x369: {  	v51 =	vld [tilespmem:$0x2C90];
	v5 =	vadd.f32 v50, v5  }
0x36a: {  	v4 =	vadd.f32 v55, v4;
	v55 =	vld [tilespmem:$0x1FA70];
	v2 =	vadd.f32 v2, v3  }
0x36b: {  	v50 =	vld [tilespmem:$0x2A10];
	v5 =	vadd.f32 v52, v5  }
0x36c: {  	v52 =	vld [tilespmem:$0x2F10];
	v3 =	vadd.f32 v54, v4;
	v2 =	vadd.f32 v58, v2  }
0x36d: {  	v54 =	vld [tilespmem:$0x3190]  }
0x36e: {  	v58 =	vld [tilespmem:$0x3690];
	v3 =	vadd.f32 v60, v3;
	v2 =	vadd.f32 v9, v2  }
0x36f: {  	v4 =	vadd.f32 v55, v5;
	v5 =	vadd.f32 v11, v1;
	v1 =	vld [tilespmem:$0x1FB10]  }
0x370: {  	v60 =	vld [tilespmem:$0x3910];
	v2 =	vadd.f32 v15, v2  }
0x371: {  	v3 =	vadd.f32 v13, v3;
	v13 =	vld [tilespmem:$0x1FAB0]  }
0x372: {  	v55 =	vld [tilespmem:$0x3410];
	v2 =	vadd.f32 v24, v2  }
0x373: {  	v11 =	vld [tilespmem:$0x1FBF0]  }
0x374: {  	v4 =	vadd.f32 v62, v4;
	v6 =	vadd.f32 v1, v2;
	v2 =	vld [tilespmem:$0x1FB30]  }
0x375: {  	v62 =	vld [tilespmem:$0x3B90]  }
0x376: {  	v15 =	vld [tilespmem:$0x1DA0];
	v4 =	vadd.f32 v13, v4  }
0x377: {  	v1 =	vld [tilespmem:$0x1FB20]  }
0x378: {  	v9 =	vadd.f32 v19, v5;
	v19 =	vld [tilespmem:$0x27A0];
	v4 =	vadd.f32 v17, v4  }
0x379: {  	v5 =	vld [tilespmem:$0x2CB0];
	v2 =	vadd.f32 v2, v6  }
0x37a: {  	v3 =	vadd.f32 v16, v3;
	v16 =	vld [tilespmem:$0x2020];
	v4 =	vadd.f32 v47, v4  }
0x37b: {  	[tilespmem:$0x1FFC0] =	vst v2;
	v2 =	vld [tilespmem:$0x1FB40]  }
0x37c: {  	v3 =	vadd.f32 v10, v3;
	v10 =	vld [tilespmem:$0x1FBE0];
	v1 =	vadd.f32 v1, v4  }
0x37d: {  	v13 =	vld [tilespmem:$0x1620]  }
0x37e: {  	v7 =	vadd.f32 v18, v3;
	v18 =	vld [tilespmem:$0x2520];
	v1 =	vadd.f32 v48, v1  }
0x37f: {  	v3 =	vld [tilespmem:$0x1FB80]  }
0x380: {  	[tilespmem:$0x1FFD0] =	vst v1;
	v1 =	vadd.f32 v21, v9;
	v24 =	vadd.f32 v2, v7;
	v2 =	vld [tilespmem:$0x1FB50]  }
0x381: {  	v17 =	vld [tilespmem:$0x22A0]  }
0x382: {  	v47 =	vld [tilespmem:$0x1FBB0];
	v1 =	vadd.f32 v26, v1  }
0x383: {  	v6 =	vld [tilespmem:$0x31B0]  }
0x384: {  	v12 =	vadd.f32 v12, v13;
	[tilespmem:$0x1FFF0] =	vst v1;
	v1 =	vld [tilespmem:$0x1FB70]  }
0x385: {  	v4 =	vld [tilespmem:$0x22B0];
	v2 =	vadd.f32 v2, v24  }
0x386: {  	v14 =	vadd.f32 v14, v12;
	v12 =	vld [tilespmem:$0x31C0]  }
0x387: {  	[tilespmem:$0x1FFE0] =	vst v2;
	v2 =	vld [tilespmem:$0x1FB60]  }
0x388: {  	v48 =	vld [tilespmem:$0x1FBC0]  }
0x389: {  	v1 =	vadd.f32 v3, v1;
	v3 =	vld [tilespmem:$0x1FB90]  }
0x38a: {  	v21 =	vld [tilespmem:$0x2A20]  }
0x38b: {  	v9 =	vadd.f32 v61, v34;
	v34 =	vld [tilespmem:$0x3BA0]  }
0x38c: {  	v61 =	vld [tilespmem:$0x1630];
	v2 =	vadd.f32 v2, v23  }
0x38d: {  	v26 =	vld [tilespmem:$0x3420]  }
0x38e: {  	v2 =	vadd.f32 v3, v2;
	v3 =	vld [tilespmem:$0x1FBA0]  }
0x38f: {  	v7 =	vld [tilespmem:$0x18C0]  }
0x390: {  	v24 =	vld [tilespmem:$0x2F20]  }
0x391: {  	v23 =	vld [tilespmem:$0x2CA0]  }
0x392: {  	v2 =	vadd.f32 v47, v2;
	v47 =	vld [tilespmem:$0x1FC10]  }
0x393: {  	v1 =	vadd.f32 v3, v1;
	v3 =	vadd.f32 v37, v8;
	v37 =	vld [tilespmem:$0x36A0]  }
0x394: {  	v8 =	vld [tilespmem:$0x1FBD0]  }
0x395: {  	v3 =	vadd.f32 v22, v3;
	v22 =	vadd.f32 v57, v9;
	v57 =	vld [tilespmem:$0x18B0]  }
0x396: {  	v1 =	vadd.f32 v48, v1;
	v48 =	vld [tilespmem:$0x1FC20]  }
0x397: {  	v9 =	vld [tilespmem:$0x1FC40]  }
0x398: {  	v3 =	vadd.f32 v25, v3;
	v25 =	vld [tilespmem:$0x1FC00]  }
0x399: {  	v22 =	vadd.f32 v59, v22;
	v59 =	vld [tilespmem:$0x1DB0]  }
0x39a: {  	v1 =	vadd.f32 v10, v1;
	v10 =	vld [tilespmem:$0x1FC50]  }
0x39b: {  	v2 =	vadd.f32 v8, v2;
	v8 =	vld [tilespmem:$0x1FC30]  }
0x39c: {  	v3 =	vadd.f32 v27, v3;
	v27 =	vld [tilespmem:$0x1FC70]  }
0x39d: {  	v2 =	vadd.f32 v11, v2;
	v11 =	vld [tilespmem:$0x1FC60]  }
0x39e: {  	v22 =	vadd.f32 v9, v22;
	v9 =	vld [tilespmem:$0x1FCB0]  }
0x39f: {  	v61 =	vadd.f32 v57, v61;
	v57 =	vld [tilespmem:$0x1FE20]  }
0x3a0: {  	v3 =	vadd.f32 v29, v3;
	v29 =	vld [tilespmem:$0x2030]  }
0x3a1: {  	v1 =	vadd.f32 v25, v1;
	v25 =	vld [tilespmem:$0x1B30]  }
0x3a2: {  	v2 =	vadd.f32 v47, v2;
	v47 =	vld [tilespmem:$0x1FC80]  }
0x3a3: {  	v3 =	vadd.f32 v31, v3;
	v31 =	vld [tilespmem:$0x2530]  }
0x3a4: {  	v1 =	vadd.f32 v48, v1;
	v48 =	vld [tilespmem:$0x1FC90]  }
0x3a5: {  	v2 =	vadd.f32 v8, v2;
	v22 =	vadd.f32 v27, v22;
	v27 =	vld [tilespmem:$0x27B0]  }
0x3a6: {  	v8 =	vld [tilespmem:$0x1FCA0]  }
0x3a7: {  	v1 =	vadd.f32 v10, v1;
	v2 =	vadd.f32 v11, v2;
	v10 =	vld [tilespmem:$0x1FCC0]  }
0x3a8: {  	v11 =	vld [tilespmem:$0x1FCD0]  }
0x3a9: {  	v1 =	vadd.f32 v47, v1;
	v2 =	vadd.f32 v48, v2;
	v48 =	vld [tilespmem:$0x1FCF0]  }
0x3aa: {  	v47 =	vld [tilespmem:$0x1FCE0]  }
0x3ab: {  	v1 =	vadd.f32 v9, v1;
	v9 =	vld [tilespmem:$0x1FD00]  }
0x3ac: {  	v2 =	vadd.f32 v10, v2;
	v10 =	vld [tilespmem:$0x1FD10]  }
0x3ad: {  	v3 =	vadd.f32 v33, v3;
	v33 =	vld [tilespmem:$0x2A30];
	v22 =	vadd.f32 v8, v22  }
0x3ae: {  	v2 =	vadd.f32 v48, v2;
	v48 =	vld [tilespmem:$0x1FD40]  }
0x3af: {  	v22 =	vadd.f32 v11, v22;
	v11 =	vld [tilespmem:$0x1FD20];
	v1 =	vadd.f32 v47, v1  }
0x3b0: {  	v3 =	vadd.f32 v38, v3;
	v47 =	vld [tilespmem:$0x1FD30]  }
0x3b1: {  	v22 =	vadd.f32 v9, v22;
	v9 =	vld [tilespmem:$0x1FD50];
	v1 =	vadd.f32 v10, v1  }
0x3b2: {  	v38 =	vld [tilespmem:$0x2F30]  }
0x3b3: {  	v3 =	vadd.f32 v40, v3;
	v1 =	vadd.f32 v48, v1;
	v48 =	vld [tilespmem:$0x1FD80]  }
0x3b4: {  	v40 =	vld [tilespmem:$0x3430];
	v2 =	vadd.f32 v11, v2  }
0x3b5: {  	v8 =	vld [tilespmem:$0x36B0];
	v3 =	vadd.f32 v41, v3  }
0x3b6: {  	v22 =	vadd.f32 v47, v22;
	v47 =	vld [tilespmem:$0x1FD70];
	v2 =	vadd.f32 v9, v2  }
0x3b7: {  	v41 =	vld [tilespmem:$0x3930];
	v3 =	vadd.f32 v43, v3  }
0x3b8: {  	v2 =	vadd.f32 v48, v2;
	v48 =	vld [tilespmem:$0x1FDA0]  }
0x3b9: {  	v43 =	vld [tilespmem:$0x1640];
	v3 =	vadd.f32 v45, v3  }
0x3ba: {  	v11 =	vld [tilespmem:$0x1FD60]  }
0x3bb: {  	v3 =	vadd.f32 v53, v3;
	v53 =	vld [tilespmem:$0x1FDB0];
	v1 =	vadd.f32 v47, v1  }
0x3bc: {  	v47 =	vld [tilespmem:$0x1FD90]  }
0x3bd: {  	v1 =	vadd.f32 v48, v1;
	v48 =	vld [tilespmem:$0x1FDD0]  }
0x3be: {  	v45 =	vld [tilespmem:$0x1B40]  }
0x3bf: {  	v10 =	vld [tilespmem:$0x3BB0]  }
0x3c0: {  	v22 =	vadd.f32 v11, v22;
	v53 =	vadd.f32 v53, v2;
	v2 =	vld [tilespmem:$0x1FDC0]  }
0x3c1: {  	v7 =	vadd.f32 v7, v43;
	v43 =	vld [tilespmem:$0x1FEE0]  }
0x3c2: {  	v22 =	vadd.f32 v47, v22;
	v47 =	vadd.f32 v48, v1;
	v48 =	vld [tilespmem:$0x1FDF0]  }
0x3c3: {  	v9 =	vld [tilespmem:$0x1DC0]  }
0x3c4: {  	v7 =	vadd.f32 v45, v7;
	v45 =	vld [tilespmem:$0x2070]  }
0x3c5: {  	v22 =	vadd.f32 v2, v22;
	v1 =	vld [tilespmem:$0x1FDE0]  }
0x3c6: {  	v11 =	vld [tilespmem:$0x2040]  }
0x3c7: {  	v48 =	vadd.f32 v48, v22;
	v22 =	vadd.f32 v49, v56;
	v49 =	vld [tilespmem:$0x1FE00]  }
0x3c8: {  	[tilespmem:$0x3CA0] =	vst v43;
	v43 =	vld [tilespmem:$0x1FFA0]  }
0x3c9: {  	v2 =	vld [tilespmem:$0x22C0]  }
0x3ca: {  	v1 =	vadd.f32 v1, v3;
	v3 =	vld [tilespmem:$0x2540]  }
0x3cb: {  	v7 =	vadd.f32 v9, v7;
	v56 =	vld [tilespmem:$0x27C0]  }
0x3cc: {  	v49 =	vadd.f32 v49, v1;
	v1 =	vadd.f32 v20, v30;
	v20 =	vld [tilespmem:$0x2A40]  }
0x3cd: {  	v7 =	vadd.f32 v11, v7;
	v30 =	vadd.f32 v63, v22;
	v22 =	vld [tilespmem:$0x2CC0]  }
0x3ce: {  	v63 =	vld [tilespmem:$0x1FE10]  }
0x3cf: {  	v2 =	vadd.f32 v2, v7;
	v13 =	vadd.f32 v28, v1;
	v1 =	vld [tilespmem:$0x2F40]  }
0x3d0: {  	v28 =	vadd.f32 v25, v61;
	v25 =	vld [tilespmem:$0x3440]  }
0x3d1: {  	v2 =	vadd.f32 v3, v2;
	v61 =	vadd.f32 v15, v14;
	v14 =	vld [tilespmem:$0x36C0]  }
0x3d2: {  	v15 =	vld [tilespmem:$0x3940]  }
0x3d3: {  	v2 =	vadd.f32 v56, v2;
	v56 =	vld [tilespmem:$0x1FFF0]  }
0x3d4: {  	v28 =	vadd.f32 v59, v28;
	v59 =	vld [tilespmem:$0x1FE50]  }
0x3d5: {  	v13 =	vadd.f32 v32, v13;
	v16 =	vadd.f32 v16, v61;
	v61 =	vld [tilespmem:$0x1FE60]  }
0x3d6: {  	v30 =	vadd.f32 v63, v30;
	v63 =	vld [tilespmem:$0x1FE30]  }
0x3d7: {  	v35 =	vadd.f32 v35, v13;
	v13 =	vld [tilespmem:$0x3BC0]  }
0x3d8: {  	v28 =	vadd.f32 v29, v28;
	v29 =	vld [tilespmem:$0x1650]  }
0x3d9: {  	v16 =	vadd.f32 v17, v16;
	v17 =	vld [tilespmem:$0x18D0]  }
0x3da: {  	v30 =	vadd.f32 v57, v30;
	v57 =	vld [tilespmem:$0x1FE40]  }
0x3db: {  	v4 =	vadd.f32 v4, v28;
	v28 =	vld [tilespmem:$0x1B50]  }
0x3dc: {  	v16 =	vadd.f32 v18, v16;
	v18 =	vld [tilespmem:$0x1DD0]  }
0x3dd: {  	v42 =	vadd.f32 v42, v35;
	v35 =	vld [tilespmem:$0x3450]  }
0x3de: {  	v4 =	vadd.f32 v31, v4;
	v31 =	vld [tilespmem:$0x2050]  }
0x3df: {  	v16 =	vadd.f32 v19, v16;
	v19 =	vld [tilespmem:$0x22D0]  }
0x3e0: {  	v30 =	vadd.f32 v63, v30;
	v63 =	vld [tilespmem:$0x1FE70]  }
0x3e1: {  	v32 =	vadd.f32 v44, v42;
	v42 =	vld [tilespmem:$0x1FE80]  }
0x3e2: {  	v44 =	vld [tilespmem:$0x1FE90]  }
0x3e3: {  	v4 =	vadd.f32 v27, v4;
	v27 =	vld [tilespmem:$0x2550]  }
0x3e4: {  	v16 =	vadd.f32 v21, v16;
	v21 =	vld [tilespmem:$0x27D0]  }
0x3e5: {  	v32 =	vadd.f32 v46, v32;
	v46 =	vld [tilespmem:$0x1FEA0]  }
0x3e6: {  	v30 =	vadd.f32 v57, v30;
	v57 =	vld [tilespmem:$0x1FED0]  }
0x3e7: {  	v4 =	vadd.f32 v33, v4;
	v33 =	vld [tilespmem:$0x2A50]  }
0x3e8: {  	v16 =	vadd.f32 v23, v16;
	v23 =	vld [tilespmem:$0x2CD0]  }
0x3e9: {  	v32 =	vadd.f32 v50, v32;
	v50 =	vld [tilespmem:$0x1FEB0]  }
0x3ea: {  	v30 =	vadd.f32 v59, v30;
	v59 =	vld [tilespmem:$0x1B60]  }
0x3eb: {  	v4 =	vadd.f32 v5, v4;
	v5 =	vld [tilespmem:$0x2F50]  }
0x3ec: {  	v16 =	vadd.f32 v24, v16;
	v24 =	vld [tilespmem:$0x31D0]  }
0x3ed: {  	v32 =	vadd.f32 v51, v32;
	v51 =	vld [tilespmem:$0x1660]  }
0x3ee: {  	v30 =	vadd.f32 v61, v30;
	v61 =	vadd.f32 v17, v29;
	v29 =	vld [tilespmem:$0x2A60]  }
0x3ef: {  	v4 =	vadd.f32 v38, v4;
	v38 =	vld [tilespmem:$0x36D0]  }
0x3f0: {  	v32 =	vadd.f32 v52, v32;
	v52 =	vld [tilespmem:$0x1FEC0]  }
0x3f1: {  	v16 =	vadd.f32 v39, v16;
	v39 =	vld [tilespmem:$0x1FF80]  }
0x3f2: {  	v4 =	vadd.f32 v6, v4;
	v6 =	vld [tilespmem:$0x3950]  }
0x3f3: {  	v30 =	vadd.f32 v63, v30;
	v16 =	vadd.f32 v26, v16;
	v26 =	vld [tilespmem:$0x3BD0]  }
0x3f4: {  	v32 =	vadd.f32 v54, v32;
	v54 =	vld [tilespmem:$0x18E0]  }
0x3f5: {  	v30 =	vadd.f32 v42, v30;
	v42 =	vld [tilespmem:$0x2060]  }
0x3f6: {  	v32 =	vadd.f32 v55, v32;
	v55 =	vld [tilespmem:$0x1670]  }
0x3f7: {  	v16 =	vadd.f32 v37, v16;
	v37 =	vld [tilespmem:$0x2CE0]  }
0x3f8: {  	v30 =	vadd.f32 v44, v30;
	v4 =	vadd.f32 v40, v4;
	v40 =	vld [tilespmem:$0x2CF0]  }
0x3f9: {  	v32 =	vadd.f32 v58, v32;
	v58 =	vld [tilespmem:$0x18F0]  }
0x3fa: {  	v30 =	vadd.f32 v46, v30;
	v46 =	vld [tilespmem:$0x1FEF0]  }
0x3fb: {  	v16 =	vadd.f32 v36, v16;
	v36 =	vld [tilespmem:$0x1FF70]  }
0x3fc: {  	v63 =	vadd.f32 v54, v51;
	v51 =	vld [tilespmem:$0x1FF00]  }
0x3fd: {  	v4 =	vadd.f32 v8, v4;
	v54 =	vld [tilespmem:$0x1FF10]  }
0x3fe: {  	v2 =	vadd.f32 v20, v2;
	v32 =	vadd.f32 v60, v32;
	v60 =	vld [tilespmem:$0x1B70]  }
0x3ff: {  	v4 =	vadd.f32 v41, v4;
	v41 =	vld [tilespmem:$0x1DF0]  }
0x400: {  	v2 =	vadd.f32 v22, v2;
	v30 =	vadd.f32 v50, v30;
	v50 =	vld [tilespmem:$0x22E0]  }
0x401: {  	v16 =	vadd.f32 v34, v16;
	v34 =	vld [tilespmem:$0x2A70]  }
0x402: {  	v1 =	vadd.f32 v1, v2;
	v44 =	vadd.f32 v59, v63;
	v59 =	vld [tilespmem:$0x2570]  }
0x403: {  	v63 =	vld [tilespmem:$0x27F0]  }
0x404: {  	v1 =	vadd.f32 v12, v1;
	v32 =	vadd.f32 v62, v32;
	v62 =	vld [tilespmem:$0x1DE0]  }
0x405: {  	v30 =	vadd.f32 v52, v30;
	v4 =	vadd.f32 v10, v4;
	v52 =	vld [tilespmem:$0x22F0]  }
0x406: {  	v10 =	vadd.f32 v28, v61;
	v61 =	vld [tilespmem:$0x27E0];
	v8 =	vadd.f32 v58, v55  }
0x407: {  	v1 =	vadd.f32 v25, v1;
	v28 =	vld [tilespmem:$0x1FF50]  }
0x408: {  	[tilespmem:$0x3D60] =	vst v43;
	v55 =	vld [tilespmem:$0x2560];
	v10 =	vadd.f32 v18, v10;
	v8 =	vadd.f32 v60, v8  }
0x409: {  	[tilespmem:$0x3CB0] =	vst v46;
	v46 =	vld [tilespmem:$0x31E0];
	v30 =	vadd.f32 v57, v30;
	v9 =	vadd.f32 v62, v44  }
0x40a: {  	[tilespmem:$0x3DC0] =	vst v53;
	v57 =	vld [tilespmem:$0x1FF20];
	v10 =	vadd.f32 v31, v10;
	v8 =	vadd.f32 v41, v8  }
0x40b: {  	v1 =	vadd.f32 v14, v1;
	[tilespmem:$0x3CC0] =	vst v51;
	v51 =	vld [tilespmem:$0x1FFD0];
	v58 =	vadd.f32 v42, v9  }
0x40c: {  	[tilespmem:$0x3CD0] =	vst v54;
	v54 =	vld [tilespmem:$0x1FFE0];
	v10 =	vadd.f32 v19, v10;
	v8 =	vadd.f32 v45, v8  }
0x40d: {  	[tilespmem:$0x3DD0] =	vst v47;
	v1 =	vadd.f32 v15, v1;
	v60 =	vld [tilespmem:$0x1FF30];
	v3 =	vadd.f32 v50, v58  }
0x40e: {  	[tilespmem:$0x3DE0] =	vst v48;
	v31 =	vld [tilespmem:$0x1FF60];
	v10 =	vadd.f32 v27, v10;
	v8 =	vadd.f32 v52, v8  }
0x40f: {  	[tilespmem:$0x3DF0] =	vst v49;
	v1 =	vadd.f32 v13, v1;
	v62 =	vld [tilespmem:$0x1FF40];
	v3 =	vadd.f32 v55, v3  }
0x410: {  	[tilespmem:$0x3DB0] =	vst v56;
	v41 =	vld [tilespmem:$0x1FF90];
	v10 =	vadd.f32 v21, v10;
	v8 =	vadd.f32 v59, v8  }
0x411: {  	[tilespmem:$0x3E40] =	vst v1;
	v44 =	vld [tilespmem:$0x2F70];
	v3 =	vadd.f32 v61, v3  }
0x412: {  	[tilespmem:$0x3D40] =	vst v39;
	v42 =	vld [tilespmem:$0x2F60];
	v10 =	vadd.f32 v33, v10;
	v7 =	vadd.f32 v63, v8  }
0x413: {  	[tilespmem:$0x3E20] =	vst v16;
	v45 =	vld [tilespmem:$0x1FFB0];
	v3 =	vadd.f32 v29, v3  }
0x414: {  	[tilespmem:$0x3CE0] =	vst v57;
	v57 =	vld [tilespmem:$0x36E0];
	v10 =	vadd.f32 v23, v10;
	v7 =	vadd.f32 v34, v7  }
0x415: {  	[tilespmem:$0x3D30] =	vst v36;
	v2 =	vadd.f32 v37, v3;
	v3 =	vld [tilespmem:$0x31F0]  }
0x416: {  	[tilespmem:$0x3E10] =	vst v32;
	v52 =	vld [tilespmem:$0x3460];
	v5 =	vadd.f32 v5, v10;
	v7 =	vadd.f32 v40, v7  }
0x417: {  	[tilespmem:$0x3E30] =	vst v4;
	v55 =	vld [tilespmem:$0x3470];
	v2 =	vadd.f32 v42, v2  }
0x418: {  	[tilespmem:$0x3CF0] =	vst v60;
	v60 =	vld [tilespmem:$0x3970];
	v5 =	vadd.f32 v24, v5;
	v7 =	vadd.f32 v44, v7  }
0x419: {  	[tilespmem:$0x3E00] =	vst v30;
	v58 =	vld [tilespmem:$0x36F0];
	v2 =	vadd.f32 v46, v2  }
0x41a: {  	[tilespmem:$0x3D10] =	vst v28;
	v59 =	vld [tilespmem:$0x3960];
	v5 =	vadd.f32 v35, v5;
	v3 =	vadd.f32 v3, v7  }
0x41b: {  	[tilespmem:$0x3D90] =	vst v51;
	v50 =	vld [tilespmem:$0x1FFC0];
	v2 =	vadd.f32 v52, v2  }
0x41c: {  	[tilespmem:$0x3DA0] =	vst v54;
	v61 =	vld [tilespmem:$0x3BE0];
	v5 =	vadd.f32 v38, v5;
	v3 =	vadd.f32 v55, v3  }
0x41d: {  	[tilespmem:$0x3D00] =	vst v62;
	v62 =	vld [tilespmem:$0x3BF0];
	v2 =	vadd.f32 v57, v2  }
0x41e: {  	[tilespmem:$0x3D20] =	vst v31;
	v5 =	vadd.f32 v6, v5;
	v3 =	vadd.f32 v58, v3  }
0x41f: {  	[tilespmem:$0x3D50] =	vst v41;
	v2 =	vadd.f32 v59, v2  }
0x420: {  	[tilespmem:$0x3D70] =	vst v45;
	v63 =	vadd.f32 v26, v5;
	v3 =	vadd.f32 v60, v3  }
0x421: {  	[tilespmem:$0x3D80] =	vst v50;
	v1 =	vadd.f32 v61, v2  }
0x422: {  	s30 =	sadd.s32 $0x1, s30;
	[tilespmem:$0x3E50] =	vst v63;
	v2 =	vadd.f32 v62, v3  }
0x423: {  	p0 =	sne.s32 s30, s23;
	[tilespmem:$0x3E60] =	vst v1  }
.Ltmp1:
0x424: {  	[tilespmem:$0x3E70] =	vst v2;
	(pc) =	sbr.rel @p0 .LBB2_1-.Ltmp1, $4  }
0x425: {  	[hbm4b:s22+s2] =	stream.linear.scatter [tilespmem:s29], [sflag:$0x1], $0x280, $0x38;
	[tilespmem:$0x6680] =	vst v63  }
0x426: {  	_ =	swait.ge [sflag:s25], $0x280  }
0x427: {  	[sflag:s25] =	ssyncset.done $0x0  }
0x428: {  	[sflag:s25] =	ssyncadd.s32 $0xFFFFFD80  }
0x429: {  	_ =	sfence.sel $0x180000  }
0x42a: {  	[bflag:$0x0] =	sbarrier.arrive $0xFFFF  }
0x42b: {  	_ =	strace $0x90000047  }
0x42c: {  	s0 =	stileid.u32;
	[bflag:$0x2] =	sbarrier.arrive $0xFFFF  }
0x42d: {  	p0 =	sne.s32 s0, $0x0;
	s0 =	rddreg [dreg:$0x2]  }
0x42e: {  	s0 =	sadd.s32 @!p0 $0x100000, s0  }
0x42f: {  	[sflag:s0] =	ssyncadd.tile.s32 @!p0 $0x1;
	_ =	shalt  }
.Lfunc_end2:
_tile_overlayer_lowered:
.L_overlay_start_2:
0x430: {  	(tag) =	ssettag $0x2  }
0x431: {  	s0 =	rddreg [dreg:$0x0];
	s2 =	stileid.u32  }
0x432: {  	s1 =	rddreg [dreg:$0x1];
	p0 =	sne.s32 s2, $0x0  }
0x433: {  	s3 =	rddreg [dreg:$0x2];
	[bflag:$0x3] =	sbarrier.arrive $0xFFFF;
	s2 =	simm.s32 @!p0 $0x1C01  }
0x434: {  	[timem:s3], [sflag:s2] =	dma.local @!p0 [hbm:s0], s1  }
0x435: {  	s0 =	simm.s32 @!p0 $0x1  }
0x436: {  	_ =	swait.ge @!p0 [sflag:s0], s1  }
0x437: {  	s1 =	ssub.s32 @!p0 $0x0, s1;
	[sflag:s0] =	ssyncset.done @!p0 $0x0  }
0x438: {  	[sflag:s0] =	ssyncadd.s32 @!p0 s1  }
0x439: {  	[bflag:$0x3] =	sbarrier.arrive $0xFFFF  }
0x43a: {  	_ =	shalt  }

</sc_bundles>
